<compile_context>
chip_gen: v7x
topology: tpu7x:2x2x1
jax: 0.10.2.dev20260603
libtpu: 0.0.44.dev20260713+nightly
codegen_flags: <defaults>
</compile_context>

<pallas_src>
import dataclasses

import jax
import jax.numpy as jnp
from jax import lax
from jax.experimental import pallas as pl
from jax.experimental.pallas import tpu as pltpu
from jax.experimental.pallas import tpu_sc as plsc

N = 10000
E = 160000
D = 256

NC = 2
NS = 16
NW = NC * NS
OWN = 320
ACC_R = 328
TRASH = OWN
SCE = 1600
NSUP = E // SCE
FIRE = 64
SBUF = 176
BTRASH = 160


def _agg_body(h_hbm, src_hbm, dst_hbm, z_hbm, agg_hbm,
              acc, srcstA, dststA, srcstB, dststB, srcbuf, locbuf, rows_v,
              spst, smem64, sem, semA, semB, sem0, sem1):
    c = lax.axis_index("c")
    s = lax.axis_index("s")
    wid = s * NC + c
    base = wid * OWN

    pltpu.sync_copy(z_hbm, acc)

    def _bounce_locs(bo, cnt, reg):
        so = s * 2 * FIRE + reg * FIRE
        pltpu.sync_copy(locbuf.at[pl.ds(bo, cnt)],
                        spst.at[pl.ds(so, cnt)])
        pltpu.sync_copy(spst.at[pl.ds(so, cnt)],
                        smem64.at[pl.ds(reg * FIRE, cnt)])

    def _accum_rows(nrows, reg):
        @pl.loop(0, nrows)
        def _row(r):
            rowoff = smem64[reg * FIRE + r] * D
            for j in range(0, D, 16):
                plsc.addupdate(acc.at[pl.ds(rowoff + j, 16)],
                               rows_v[reg * FIRE + r, pl.ds(j, 16)])

    def _scan_step(i, carry, srcst, dstst):
        fv, pend = carry
        for u in range(4):
            o = i * 64 + u * 16
            d = dstst[pl.ds(o, 16)]
            sv = srcst[pl.ds(o, 16)]
            m = (d >= base) & (d < base + OWN)
            pos = plsc.cumsum(m.astype(jnp.int32))
            idx = jnp.where(m, fv + pos - 1, BTRASH)
            plsc.store_scatter(srcbuf, [idx], sv)
            plsc.store_scatter(locbuf, [idx], d - base)
            fv = fv + plsc.all_reduce_population_count(m)

        def _move_left():
            for u in range(4):
                st = srcbuf[pl.ds(FIRE + u * 16, 16)]
                lt = locbuf[pl.ds(FIRE + u * 16, 16)]
                srcbuf[pl.ds(u * 16, 16)] = st
                locbuf[pl.ds(u * 16, 16)] = lt

        def _fire_into(reg, gsem, carry):
            f, pend = carry
            _bounce_locs(0, FIRE, reg)
            pltpu.make_async_copy(
                h_hbm.at[srcbuf.at[pl.ds(0, FIRE)]],
                rows_v.at[pl.ds(reg * FIRE, FIRE)], gsem).start()
            _move_left()
            return f - FIRE, pend

        def _fire_r0(carry):
            f, pend = _fire_into(0, sem0, carry)

            @pl.when(pend == 2)
            def _drain_r1():
                pltpu.make_async_copy(
                    h_hbm.at[srcbuf.at[pl.ds(0, FIRE)]],
                    rows_v.at[pl.ds(FIRE, FIRE)], sem1).wait()
                _accum_rows(FIRE, 1)

            return f, jnp.int32(1)

        def _fire_r1(carry):
            f, pend = _fire_into(1, sem1, carry)
            pltpu.make_async_copy(
                h_hbm.at[srcbuf.at[pl.ds(0, FIRE)]],
                rows_v.at[pl.ds(0, FIRE)], sem0).wait()
            _accum_rows(FIRE, 0)
            return f, jnp.int32(2)

        def _fire(carry):
            f, pend = carry
            return lax.cond(pend == 1, _fire_r1, _fire_r0, carry)

        return lax.cond(jnp.any(fv >= FIRE), _fire, lambda cr: cr,
                        (fv, pend))

    def _stage_start(sp, sbuf, dbuf, ssem):
        off = sp * SCE
        pltpu.make_async_copy(src_hbm.at[pl.ds(off, SCE)], sbuf, ssem).start()
        pltpu.make_async_copy(dst_hbm.at[pl.ds(off, SCE)], dbuf, ssem).start()

    def _stage_wait(sbuf, dbuf, ssem):
        pltpu.make_async_copy(src_hbm.at[pl.ds(0, SCE)], sbuf, ssem).wait()
        pltpu.make_async_copy(dst_hbm.at[pl.ds(0, SCE)], dbuf, ssem).wait()

    def _scan_chunk(carry, sbuf, dbuf):
        def _step(i, cr):
            return _scan_step(i, cr, sbuf, dbuf)
        return lax.fori_loop(0, SCE // 64, _step, carry)

    _stage_start(0, srcstA, dststA, semA)

    def _super2(k, carry):
        _stage_start(2 * k + 1, srcstB, dststB, semB)
        _stage_wait(srcstA, dststA, semA)
        carry = _scan_chunk(carry, srcstA, dststA)

        @pl.when(k < NSUP // 2 - 1)
        def _prefetch_next():
            _stage_start(2 * k + 2, srcstA, dststA, semA)

        _stage_wait(srcstB, dststB, semB)
        return _scan_chunk(carry, srcstB, dststB)

    fill_v, pend = lax.fori_loop(
        0, NSUP // 2, _super2,
        (jnp.zeros((16,), jnp.int32), jnp.int32(0)))
    fill = jnp.max(fill_v)

    @pl.when(pend == 1)
    def _drain0():
        pltpu.make_async_copy(h_hbm.at[srcbuf.at[pl.ds(0, FIRE)]],
                              rows_v.at[pl.ds(0, FIRE)], sem0).wait()
        _accum_rows(FIRE, 0)

    @pl.when(pend == 2)
    def _drain1():
        pltpu.make_async_copy(h_hbm.at[srcbuf.at[pl.ds(0, FIRE)]],
                              rows_v.at[pl.ds(FIRE, FIRE)], sem1).wait()
        _accum_rows(FIRE, 1)

    pad_idx = fill + lax.iota(jnp.int32, 16)
    plsc.store_scatter(srcbuf, [pad_idx], lax.iota(jnp.int32, 16) * 8)
    plsc.store_scatter(locbuf, [pad_idx], jnp.full((16,), TRASH, jnp.int32))
    nbat = (fill + 15) // 16

    @pl.loop(0, nbat)
    def _tail(b):
        pltpu.async_copy(h_hbm.at[srcbuf.at[pl.ds(b * 16, 16)]],
                         rows_v.at[pl.ds(0, 16)], sem).wait()
        _bounce_locs(b * 16, 16, 0)
        _accum_rows(16, 0)

    @pl.when(wid < NW - 1)
    def _wb():
        pltpu.sync_copy(acc.at[pl.ds(0, OWN * D)],
                        agg_hbm.at[pl.ds(base * D, OWN * D)])

    @pl.when(wid == NW - 1)
    def _wb_last():
        pltpu.sync_copy(acc.at[pl.ds(0, (N - (NW - 1) * OWN) * D)],
                        agg_hbm.at[pl.ds(base * D, (N - (NW - 1) * OWN) * D)])


def _transpose_body(f_ref, h_ref):
    x = f_ref[...]
    x_hi = x.astype(jnp.bfloat16).astype(jnp.float32)
    x_lo = x - x_hi
    h_ref[...] = x_hi.T + x_lo.T


def _linear_body(a_ref, w_ref, b_ref, o_ref):
    dn = (((1,), (1,)), ((), ()))
    a = a_ref[...]
    w = w_ref[...]
    a_hi = a.astype(jnp.bfloat16).astype(jnp.float32)
    w_hi = w.astype(jnp.bfloat16).astype(jnp.float32)
    a_lo = a - a_hi
    w_lo = w - w_hi
    yt = (lax.dot_general(w_hi, a_hi, dn, preferred_element_type=jnp.float32)
          + lax.dot_general(w_hi, a_lo, dn, preferred_element_type=jnp.float32)
          + lax.dot_general(w_lo, a_hi, dn, preferred_element_type=jnp.float32))
    o_ref[...] = jnp.maximum(yt + b_ref[...], 0.0)


def kernel(feature, edge_index, W, b):
    src = edge_index[0]
    dst = edge_index[1]
    zeros = jnp.zeros((ACC_R * D,), jnp.float32)

    BT = 512
    h = pl.pallas_call(
        _transpose_body,
        grid=(pl.cdiv(N, BT),),
        in_specs=[pl.BlockSpec((D, BT), lambda i: (0, i))],
        out_specs=pl.BlockSpec((BT, D), lambda i: (i, 0)),
        out_shape=jax.ShapeDtypeStruct((N, D), jnp.float32),
    )(feature)

    cp = pltpu.CompilerParams()
    if "needs_layout_passes" in pltpu.CompilerParams.__dataclass_fields__:
        cp = dataclasses.replace(cp, needs_layout_passes=False)
    agg1d = pl.kernel(
        _agg_body,
        out_type=jax.ShapeDtypeStruct((N * D,), jnp.float32),
        compiler_params=cp,
        mesh=plsc.VectorSubcoreMesh(core_axis_name="c", subcore_axis_name="s"),
        scratch_types=[
            pltpu.VMEM((ACC_R * D,), jnp.float32),
            pltpu.VMEM((SCE,), jnp.int32),
            pltpu.VMEM((SCE,), jnp.int32),
            pltpu.VMEM((SCE,), jnp.int32),
            pltpu.VMEM((SCE,), jnp.int32),
            pltpu.VMEM((SBUF,), jnp.int32),
            pltpu.VMEM((SBUF,), jnp.int32),
            pltpu.VMEM((2 * FIRE, D), jnp.float32),
            pltpu.VMEM_SHARED((NS * 2 * FIRE,), jnp.int32),
            pltpu.SMEM((2 * FIRE,), jnp.int32),
            pltpu.SemaphoreType.DMA,
            pltpu.SemaphoreType.DMA,
            pltpu.SemaphoreType.DMA,
            pltpu.SemaphoreType.DMA,
            pltpu.SemaphoreType.DMA,
        ],
    )(h, src, dst, zeros)
    agg = agg1d.reshape(N, D)

    BN = 512
    out = pl.pallas_call(
        _linear_body,
        grid=(pl.cdiv(N, BN),),
        in_specs=[pl.BlockSpec((BN, D), lambda i: (i, 0)),
                  pl.BlockSpec((D, D), lambda i: (0, 0)),
                  pl.BlockSpec((D, 1), lambda i: (0, 0))],
        out_specs=pl.BlockSpec((D, BN), lambda i: (0, i)),
        out_shape=jax.ShapeDtypeStruct((D, N), jnp.float32),
    )(agg, W, b.reshape(D, 1))

    return out

# --- scband reference (transcript-rebuilt; emitter-appended) ---
"""Pipeline reference for scband-lfar-44805098832262 (READ-ONLY COPY).

The authoritative reference and input builder live on the scoring server;
editing this copy changes nothing except your own understanding.
"""

import jax, jax.numpy as jnp
import numpy as np

N_NODES = 10000
N_EDGES = 160000
D_IN = 256
D_OUT = 256


def setup_inputs(seed: int = 0) -> dict:
    key = jax.random.key(seed)
    k1, k2, k3, k4 = jax.random.split(key, 4)
    # DGL-style: code stores feature.t() into ndata, so feature arrives as [d_feat, N]
    feature = jax.random.normal(k1, (D_IN, N_NODES), dtype=jnp.float32)
    edge_index = jax.random.randint(k2, (2, N_EDGES), 0, N_NODES, dtype=jnp.int32)
    # nn.Linear(in_feats, out_feats) parameters
    bound = 1.0 / np.sqrt(D_IN)
    W = jax.random.uniform(k3, (D_OUT, D_IN), minval=-bound, maxval=bound, dtype=jnp.float32)
    b = jax.random.uniform(k4, (D_OUT,), minval=-bound, maxval=bound, dtype=jnp.float32)
    return {"feature": feature, "edge_index": edge_index, "W": W, "b": b}


def reference(feature, edge_index, W, b):
    # g.ndata['h'] = feature.t()  -> node-major features [N, d_in]
    N = feature.shape[1]
    h = feature.T
    src = edge_index[0]
    dst = edge_index[1]
    # gcn_message_func: copy src 'h'; gcn_reduce_func: sum mailbox -> scatter-add by dst
    msg = jnp.take(h, src, axis=0)                       # [E, d_in] gather
    agg = jax.ops.segment_sum(msg, dst, num_segments=N)  # [N, d_in] scatter-add
    # F.relu(self.linear(h)) applied over the feature axis, then stored/returned transposed
    out = jax.nn.relu(agg @ W.T + b)                     # [N, d_out]
    return out.T                                         # [d_out, N], matching ndata.pop('h') with trailing .t()

if __name__ == "__main__":
    import jax
    _d = setup_inputs()
    print(jax.jit(kernel)(*tuple(_d.values())))

</pallas_src>

<mosaic_0001>
#map = affine_map<(d0, d1) -> (0, 0)>
#map1 = affine_map<(d0, d1) -> (0)>
module attributes {stable_mosaic.version = 14 : i64} {
  func.func @_agg_body(%arg0: i32, %arg1: i32, %arg2: memref<10000x256xf32, #tpu.memory_space<hbm>>, %arg3: memref<160000xi32, #tpu.memory_space<hbm>>, %arg4: memref<160000xi32, #tpu.memory_space<hbm>>, %arg5: memref<83968xf32, #tpu.memory_space<hbm>>, %arg6: memref<2560000xf32, #tpu.memory_space<hbm>>, %arg7: memref<83968xf32, #tpu.memory_space<vmem>>, %arg8: memref<1600xi32, #tpu.memory_space<vmem>>, %arg9: memref<1600xi32, #tpu.memory_space<vmem>>, %arg10: memref<1600xi32, #tpu.memory_space<vmem>>, %arg11: memref<1600xi32, #tpu.memory_space<vmem>>, %arg12: memref<176xi32, #tpu.memory_space<vmem>>, %arg13: memref<176xi32, #tpu.memory_space<vmem>>, %arg14: memref<128x256xf32, #tpu.memory_space<vmem>>, %arg15: memref<2048xi32, #tpu.memory_space<vmem_shared>>, %arg16: memref<128xi32, #tpu.memory_space<smem>>, %arg17: memref<!tpu.dma_semaphore, #tpu.memory_space<semaphore_mem>>, %arg18: memref<!tpu.dma_semaphore, #tpu.memory_space<semaphore_mem>>, %arg19: memref<!tpu.dma_semaphore, #tpu.memory_space<semaphore_mem>>, %arg20: memref<!tpu.dma_semaphore, #tpu.memory_space<semaphore_mem>>, %arg21: memref<!tpu.dma_semaphore, #tpu.memory_space<semaphore_mem>>) attributes {dimension_semantics = [#tpu.dimension_semantics<core_parallel>, #tpu.dimension_semantics<subcore_parallel>], iteration_bounds = array<i64: 2, 16>, scalar_prefetch = 0 : i64, scratch_operands = 15 : i64, tpu.core_type = #tpu.core_type<sc_vector_subcore>, window_params = [{transform_indices = #map}, {transform_indices = #map1}, {transform_indices = #map1}, {transform_indices = #map1}, {transform_indices = #map1}]} {
    %mul3A = arith.constant 2 : i32
    %mul3A_0 = arith.muli %arg1, %mul3A : i32
    %add3A = arith.addi %mul3A_0, %arg0 : i32
    %mul3A_1 = arith.constant 320 : i32
    %mul3A_2 = arith.muli %add3A, %mul3A_1 : i32
    "tpu.region"() ({
      %run_scoped3A = tpu.sem_alloc : memref<!tpu.dma_semaphore, #tpu.memory_space<semaphore_mem>>
      tpu.enqueue_dma source(%arg5 : memref<83968xf32, #tpu.memory_space<hbm>>) target(%arg7 : memref<83968xf32, #tpu.memory_space<vmem>>) target_semaphore(%run_scoped3A : memref<!tpu.dma_semaphore, #tpu.memory_space<semaphore_mem>>)
      tpu.wait_dma2 semaphore(%run_scoped3A : memref<!tpu.dma_semaphore, #tpu.memory_space<semaphore_mem>>) src(%arg5 : memref<83968xf32, #tpu.memory_space<hbm>>) dst(%arg7 : memref<83968xf32, #tpu.memory_space<vmem>>)
      tpu.yield
    }) : () -> ()
    %dma_start3A = arith.constant 0 : i32
    %dma_start3A_3 = tpu.memref_slice %arg3[%dma_start3A] : memref<160000xi32, #tpu.memory_space<hbm>> -> memref<1600xi32, #tpu.memory_space<hbm>>
    %dma_start3A_4 = arith.constant 0 : i32
    %dma_start3A_5 = tpu.memref_slice %arg3[%dma_start3A_4] : memref<160000xi32, #tpu.memory_space<hbm>> -> memref<1600xi32, #tpu.memory_space<hbm>>
    tpu.enqueue_dma source(%dma_start3A_5 : memref<1600xi32, #tpu.memory_space<hbm>>) target(%arg8 : memref<1600xi32, #tpu.memory_space<vmem>>) target_semaphore(%arg18 : memref<!tpu.dma_semaphore, #tpu.memory_space<semaphore_mem>>)
    %dma_start3A_6 = arith.constant 0 : i32
    %dma_start3A_7 = tpu.memref_slice %arg4[%dma_start3A_6] : memref<160000xi32, #tpu.memory_space<hbm>> -> memref<1600xi32, #tpu.memory_space<hbm>>
    %dma_start3A_8 = arith.constant 0 : i32
    %dma_start3A_9 = tpu.memref_slice %arg4[%dma_start3A_8] : memref<160000xi32, #tpu.memory_space<hbm>> -> memref<1600xi32, #tpu.memory_space<hbm>>
    tpu.enqueue_dma source(%dma_start3A_9 : memref<1600xi32, #tpu.memory_space<hbm>>) target(%arg9 : memref<1600xi32, #tpu.memory_space<vmem>>) target_semaphore(%arg18 : memref<!tpu.dma_semaphore, #tpu.memory_space<semaphore_mem>>)
    %broadcast_in_dim3A = arith.constant 0 : i32
    %broadcast_in_dim3A_10 = vector.broadcast %broadcast_in_dim3A : i32 to vector<16xi32>
    %scan3A = arith.constant 0 : i32
    %scan3A_11 = arith.constant 0 : i32
    %scan3A_12 = arith.constant 50 : i32
    %scan3A_13 = arith.addi %scan3A_11, %scan3A_12 : i32
    %scan3A_14 = arith.constant 1 : i32
    %scan3A_15:2 = scf.for %scan3A_84 = %scan3A_11 to %scan3A_13 step %scan3A_14 iter_args(%scan3A_85 = %broadcast_in_dim3A_10, %scan3A_86 = %scan3A) -> (vector<16xi32>, i32)  : i32 {
      %mul3A_87 = arith.constant 2 : i32
      %mul3A_88 = arith.muli %mul3A_87, %scan3A_84 : i32
      %add3A_89 = arith.constant 1 : i32
      %add3A_90 = arith.addi %mul3A_88, %add3A_89 : i32
      %mul3A_91 = arith.constant 1600 : i32
      %mul3A_92 = arith.muli %add3A_90, %mul3A_91 : i32
      %dma_start3A_93 = tpu.memref_slice %arg3[%mul3A_92] : memref<160000xi32, #tpu.memory_space<hbm>> -> memref<1600xi32, #tpu.memory_space<hbm>>
      %dma_start3A_94 = tpu.memref_slice %arg3[%mul3A_92] : memref<160000xi32, #tpu.memory_space<hbm>> -> memref<1600xi32, #tpu.memory_space<hbm>>
      tpu.enqueue_dma source(%dma_start3A_94 : memref<1600xi32, #tpu.memory_space<hbm>>) target(%arg10 : memref<1600xi32, #tpu.memory_space<vmem>>) target_semaphore(%arg19 : memref<!tpu.dma_semaphore, #tpu.memory_space<semaphore_mem>>)
      %dma_start3A_95 = tpu.memref_slice %arg4[%mul3A_92] : memref<160000xi32, #tpu.memory_space<hbm>> -> memref<1600xi32, #tpu.memory_space<hbm>>
      %dma_start3A_96 = tpu.memref_slice %arg4[%mul3A_92] : memref<160000xi32, #tpu.memory_space<hbm>> -> memref<1600xi32, #tpu.memory_space<hbm>>
      tpu.enqueue_dma source(%dma_start3A_96 : memref<1600xi32, #tpu.memory_space<hbm>>) target(%arg11 : memref<1600xi32, #tpu.memory_space<vmem>>) target_semaphore(%arg19 : memref<!tpu.dma_semaphore, #tpu.memory_space<semaphore_mem>>)
      %dma_wait3A = arith.constant 0 : i32
      %dma_wait3A_97 = tpu.memref_slice %arg3[%dma_wait3A] : memref<160000xi32, #tpu.memory_space<hbm>> -> memref<1600xi32, #tpu.memory_space<hbm>>
      %dma_wait3A_98 = arith.constant 0 : i32
      %dma_wait3A_99 = tpu.memref_slice %arg3[%dma_wait3A_98] : memref<160000xi32, #tpu.memory_space<hbm>> -> memref<1600xi32, #tpu.memory_space<hbm>>
      tpu.wait_dma2 semaphore(%arg18 : memref<!tpu.dma_semaphore, #tpu.memory_space<semaphore_mem>>) src(%dma_wait3A_99 : memref<1600xi32, #tpu.memory_space<hbm>>) dst(%arg8 : memref<1600xi32, #tpu.memory_space<vmem>>)
      %dma_wait3A_100 = arith.constant 0 : i32
      %dma_wait3A_101 = tpu.memref_slice %arg4[%dma_wait3A_100] : memref<160000xi32, #tpu.memory_space<hbm>> -> memref<1600xi32, #tpu.memory_space<hbm>>
      %dma_wait3A_102 = arith.constant 0 : i32
      %dma_wait3A_103 = tpu.memref_slice %arg4[%dma_wait3A_102] : memref<160000xi32, #tpu.memory_space<hbm>> -> memref<1600xi32, #tpu.memory_space<hbm>>
      tpu.wait_dma2 semaphore(%arg18 : memref<!tpu.dma_semaphore, #tpu.memory_space<semaphore_mem>>) src(%dma_wait3A_103 : memref<1600xi32, #tpu.memory_space<hbm>>) dst(%arg9 : memref<1600xi32, #tpu.memory_space<vmem>>)
      %scan3A_104 = arith.constant 0 : i32
      %scan3A_105 = arith.constant 25 : i32
      %scan3A_106 = arith.addi %scan3A_104, %scan3A_105 : i32
      %scan3A_107 = arith.constant 1 : i32
      %scan3A_108:2 = scf.for %scan3A_129 = %scan3A_104 to %scan3A_106 step %scan3A_107 iter_args(%scan3A_130 = %scan3A_85, %scan3A_131 = %scan3A_86) -> (vector<16xi32>, i32)  : i32 {
        %mul3A_132 = arith.constant 64 : i32
        %mul3A_133 = arith.muli %scan3A_129, %mul3A_132 : i32
        %add3A_134 = arith.constant 0 : i32
        %add3A_135 = arith.addi %mul3A_133, %add3A_134 : i32
        %get3A = arith.index_cast %add3A_135 : i32 to index
        %get3A_136 = tpu.vector_load %arg9[%get3A] {strides = array<i32>} : memref<1600xi32, #tpu.memory_space<vmem>>, vector<16xi32>,
        %get3A_137 = arith.index_cast %add3A_135 : i32 to index
        %get3A_138 = tpu.vector_load %arg8[%get3A_137] {strides = array<i32>} : memref<1600xi32, #tpu.memory_space<vmem>>, vector<16xi32>,
        %ge3A = vector.broadcast %mul3A_2 : i32 to vector<16xi32>
        %ge3A_139 = arith.cmpi sge, %get3A_136, %ge3A : vector<16xi32>
        %add3A_140 = arith.constant 320 : i32
        %add3A_141 = arith.addi %mul3A_2, %add3A_140 : i32
        %lt3A_142 = vector.broadcast %add3A_141 : i32 to vector<16xi32>
        %lt3A_143 = arith.cmpi slt, %get3A_136, %lt3A_142 : vector<16xi32>
        %and3A_144 = arith.andi %ge3A_139, %lt3A_143 : vector<16xi1>
        %convert_element_type3A_145 = arith.extui %and3A_144 : vector<16xi1> to vector<16xi32>
        %broadcast_in_dim3A_146 = arith.constant true
        %broadcast_in_dim3A_147 = vector.broadcast %broadcast_in_dim3A_146 : i1 to vector<16xi1>
        %masked_cumsum3A = tpu.scan <sum>, %convert_element_type3A_145 masked %broadcast_in_dim3A_147 : vector<16xi32>, vector<16xi1> -> vector<16xi32>
        %add3A_148 = arith.addi %scan3A_130, %masked_cumsum3A : vector<16xi32>
        %sub3A_149 = arith.constant 1 : i32
        %sub3A_150 = vector.broadcast %sub3A_149 : i32 to vector<16xi32>
        %sub3A_151 = arith.subi %add3A_148, %sub3A_150 : vector<16xi32>
        %jit3A_152 = arith.constant 160 : i32
        %broadcast_in_dim3A_153 = vector.broadcast %jit3A_152 : i32 to vector<16xi32>
        %select_n3A_154 = arith.select %and3A_144, %sub3A_151, %broadcast_in_dim3A_153 : vector<16xi1>, vector<16xi32>
        tpu.vector_store_idx %arg12[%select_n3A_154], %get3A_138 : memref<176xi32, #tpu.memory_space<vmem>>[vector<16xi32>], vector<16xi32>,
        %sub3A_155 = vector.broadcast %mul3A_2 : i32 to vector<16xi32>
        %sub3A_156 = arith.subi %get3A_136, %sub3A_155 : vector<16xi32>
        tpu.vector_store_idx %arg13[%select_n3A_154], %sub3A_156 : memref<176xi32, #tpu.memory_space<vmem>>[vector<16xi32>], vector<16xi32>,
        %all_reduce_population_count3A = tpu.all_reduce %and3A_144 {dim = 0 : i64, kind = #tpu.reduction_kind<sum>} : vector<16xi1> -> vector<16xi32>
        %add3A_157 = arith.addi %scan3A_130, %all_reduce_population_count3A : vector<16xi32>
        %mul3A_158 = arith.constant 64 : i32
        %mul3A_159 = arith.muli %scan3A_129, %mul3A_158 : i32
        %add3A_160 = arith.constant 16 : i32
        %add3A_161 = arith.addi %mul3A_159, %add3A_160 : i32
        %get3A_162 = arith.index_cast %add3A_161 : i32 to index
        %get3A_163 = tpu.vector_load %arg9[%get3A_162] {strides = array<i32>} : memref<1600xi32, #tpu.memory_space<vmem>>, vector<16xi32>,
        %get3A_164 = arith.index_cast %add3A_161 : i32 to index
        %get3A_165 = tpu.vector_load %arg8[%get3A_164] {strides = array<i32>} : memref<1600xi32, #tpu.memory_space<vmem>>, vector<16xi32>,
        %ge3A_166 = vector.broadcast %mul3A_2 : i32 to vector<16xi32>
        %ge3A_167 = arith.cmpi sge, %get3A_163, %ge3A_166 : vector<16xi32>
        %add3A_168 = arith.constant 320 : i32
        %add3A_169 = arith.addi %mul3A_2, %add3A_168 : i32
        %lt3A_170 = vector.broadcast %add3A_169 : i32 to vector<16xi32>
        %lt3A_171 = arith.cmpi slt, %get3A_163, %lt3A_170 : vector<16xi32>
        %and3A_172 = arith.andi %ge3A_167, %lt3A_171 : vector<16xi1>
        %convert_element_type3A_173 = arith.extui %and3A_172 : vector<16xi1> to vector<16xi32>
        %broadcast_in_dim3A_174 = arith.constant true
        %broadcast_in_dim3A_175 = vector.broadcast %broadcast_in_dim3A_174 : i1 to vector<16xi1>
        %masked_cumsum3A_176 = tpu.scan <sum>, %convert_element_type3A_173 masked %broadcast_in_dim3A_175 : vector<16xi32>, vector<16xi1> -> vector<16xi32>
        %add3A_177 = arith.addi %add3A_157, %masked_cumsum3A_176 : vector<16xi32>
        %sub3A_178 = arith.constant 1 : i32
        %sub3A_179 = vector.broadcast %sub3A_178 : i32 to vector<16xi32>
        %sub3A_180 = arith.subi %add3A_177, %sub3A_179 : vector<16xi32>
        %jit3A_181 = arith.constant 160 : i32
        %broadcast_in_dim3A_182 = vector.broadcast %jit3A_181 : i32 to vector<16xi32>
        %select_n3A_183 = arith.select %and3A_172, %sub3A_180, %broadcast_in_dim3A_182 : vector<16xi1>, vector<16xi32>
        tpu.vector_store_idx %arg12[%select_n3A_183], %get3A_165 : memref<176xi32, #tpu.memory_space<vmem>>[vector<16xi32>], vector<16xi32>,
        %sub3A_184 = vector.broadcast %mul3A_2 : i32 to vector<16xi32>
        %sub3A_185 = arith.subi %get3A_163, %sub3A_184 : vector<16xi32>
        tpu.vector_store_idx %arg13[%select_n3A_183], %sub3A_185 : memref<176xi32, #tpu.memory_space<vmem>>[vector<16xi32>], vector<16xi32>,
        %all_reduce_population_count3A_186 = tpu.all_reduce %and3A_172 {dim = 0 : i64, kind = #tpu.reduction_kind<sum>} : vector<16xi1> -> vector<16xi32>
        %add3A_187 = arith.addi %add3A_157, %all_reduce_population_count3A_186 : vector<16xi32>
        %mul3A_188 = arith.constant 64 : i32
        %mul3A_189 = arith.muli %scan3A_129, %mul3A_188 : i32
        %add3A_190 = arith.constant 32 : i32
        %add3A_191 = arith.addi %mul3A_189, %add3A_190 : i32
        %get3A_192 = arith.index_cast %add3A_191 : i32 to index
        %get3A_193 = tpu.vector_load %arg9[%get3A_192] {strides = array<i32>} : memref<1600xi32, #tpu.memory_space<vmem>>, vector<16xi32>,
        %get3A_194 = arith.index_cast %add3A_191 : i32 to index
        %get3A_195 = tpu.vector_load %arg8[%get3A_194] {strides = array<i32>} : memref<1600xi32, #tpu.memory_space<vmem>>, vector<16xi32>,
        %ge3A_196 = vector.broadcast %mul3A_2 : i32 to vector<16xi32>
        %ge3A_197 = arith.cmpi sge, %get3A_193, %ge3A_196 : vector<16xi32>
        %add3A_198 = arith.constant 320 : i32
        %add3A_199 = arith.addi %mul3A_2, %add3A_198 : i32
        %lt3A_200 = vector.broadcast %add3A_199 : i32 to vector<16xi32>
        %lt3A_201 = arith.cmpi slt, %get3A_193, %lt3A_200 : vector<16xi32>
        %and3A_202 = arith.andi %ge3A_197, %lt3A_201 : vector<16xi1>
        %convert_element_type3A_203 = arith.extui %and3A_202 : vector<16xi1> to vector<16xi32>
        %broadcast_in_dim3A_204 = arith.constant true
        %broadcast_in_dim3A_205 = vector.broadcast %broadcast_in_dim3A_204 : i1 to vector<16xi1>
        %masked_cumsum3A_206 = tpu.scan <sum>, %convert_element_type3A_203 masked %broadcast_in_dim3A_205 : vector<16xi32>, vector<16xi1> -> vector<16xi32>
        %add3A_207 = arith.addi %add3A_187, %masked_cumsum3A_206 : vector<16xi32>
        %sub3A_208 = arith.constant 1 : i32
        %sub3A_209 = vector.broadcast %sub3A_208 : i32 to vector<16xi32>
        %sub3A_210 = arith.subi %add3A_207, %sub3A_209 : vector<16xi32>
        %jit3A_211 = arith.constant 160 : i32
        %broadcast_in_dim3A_212 = vector.broadcast %jit3A_211 : i32 to vector<16xi32>
        %select_n3A_213 = arith.select %and3A_202, %sub3A_210, %broadcast_in_dim3A_212 : vector<16xi1>, vector<16xi32>
        tpu.vector_store_idx %arg12[%select_n3A_213], %get3A_195 : memref<176xi32, #tpu.memory_space<vmem>>[vector<16xi32>], vector<16xi32>,
        %sub3A_214 = vector.broadcast %mul3A_2 : i32 to vector<16xi32>
        %sub3A_215 = arith.subi %get3A_193, %sub3A_214 : vector<16xi32>
        tpu.vector_store_idx %arg13[%select_n3A_213], %sub3A_215 : memref<176xi32, #tpu.memory_space<vmem>>[vector<16xi32>], vector<16xi32>,
        %all_reduce_population_count3A_216 = tpu.all_reduce %and3A_202 {dim = 0 : i64, kind = #tpu.reduction_kind<sum>} : vector<16xi1> -> vector<16xi32>
        %add3A_217 = arith.addi %add3A_187, %all_reduce_population_count3A_216 : vector<16xi32>
        %mul3A_218 = arith.constant 64 : i32
        %mul3A_219 = arith.muli %scan3A_129, %mul3A_218 : i32
        %add3A_220 = arith.constant 48 : i32
        %add3A_221 = arith.addi %mul3A_219, %add3A_220 : i32
        %get3A_222 = arith.index_cast %add3A_221 : i32 to index
        %get3A_223 = tpu.vector_load %arg9[%get3A_222] {strides = array<i32>} : memref<1600xi32, #tpu.memory_space<vmem>>, vector<16xi32>,
        %get3A_224 = arith.index_cast %add3A_221 : i32 to index
        %get3A_225 = tpu.vector_load %arg8[%get3A_224] {strides = array<i32>} : memref<1600xi32, #tpu.memory_space<vmem>>, vector<16xi32>,
        %ge3A_226 = vector.broadcast %mul3A_2 : i32 to vector<16xi32>
        %ge3A_227 = arith.cmpi sge, %get3A_223, %ge3A_226 : vector<16xi32>
        %add3A_228 = arith.constant 320 : i32
        %add3A_229 = arith.addi %mul3A_2, %add3A_228 : i32
        %lt3A_230 = vector.broadcast %add3A_229 : i32 to vector<16xi32>
        %lt3A_231 = arith.cmpi slt, %get3A_223, %lt3A_230 : vector<16xi32>
        %and3A_232 = arith.andi %ge3A_227, %lt3A_231 : vector<16xi1>
        %convert_element_type3A_233 = arith.extui %and3A_232 : vector<16xi1> to vector<16xi32>
        %broadcast_in_dim3A_234 = arith.constant true
        %broadcast_in_dim3A_235 = vector.broadcast %broadcast_in_dim3A_234 : i1 to vector<16xi1>
        %masked_cumsum3A_236 = tpu.scan <sum>, %convert_element_type3A_233 masked %broadcast_in_dim3A_235 : vector<16xi32>, vector<16xi1> -> vector<16xi32>
        %add3A_237 = arith.addi %add3A_217, %masked_cumsum3A_236 : vector<16xi32>
        %sub3A_238 = arith.constant 1 : i32
        %sub3A_239 = vector.broadcast %sub3A_238 : i32 to vector<16xi32>
        %sub3A_240 = arith.subi %add3A_237, %sub3A_239 : vector<16xi32>
        %jit3A_241 = arith.constant 160 : i32
        %broadcast_in_dim3A_242 = vector.broadcast %jit3A_241 : i32 to vector<16xi32>
        %select_n3A_243 = arith.select %and3A_232, %sub3A_240, %broadcast_in_dim3A_242 : vector<16xi1>, vector<16xi32>
        tpu.vector_store_idx %arg12[%select_n3A_243], %get3A_225 : memref<176xi32, #tpu.memory_space<vmem>>[vector<16xi32>], vector<16xi32>,
        %sub3A_244 = vector.broadcast %mul3A_2 : i32 to vector<16xi32>
        %sub3A_245 = arith.subi %get3A_223, %sub3A_244 : vector<16xi32>
        tpu.vector_store_idx %arg13[%select_n3A_243], %sub3A_245 : memref<176xi32, #tpu.memory_space<vmem>>[vector<16xi32>], vector<16xi32>,
        %all_reduce_population_count3A_246 = tpu.all_reduce %and3A_232 {dim = 0 : i64, kind = #tpu.reduction_kind<sum>} : vector<16xi1> -> vector<16xi32>
        %add3A_247 = arith.addi %add3A_217, %all_reduce_population_count3A_246 : vector<16xi32>
        %ge3A_248 = arith.constant 64 : i32
        %ge3A_249 = vector.broadcast %ge3A_248 : i32 to vector<16xi32>
        %ge3A_250 = arith.cmpi sge, %add3A_247, %ge3A_249 : vector<16xi32>
        %reduce_or3A = arith.constant 1.000000e+00 : f32
        %reduce_or3A_251 = arith.constant 0.000000e+00 : f32
        %reduce_or3A_252 = vector.broadcast %reduce_or3A : f32 to vector<16xf32>
        %reduce_or3A_253 = vector.broadcast %reduce_or3A_251 : f32 to vector<16xf32>
        %reduce_or3A_254 = arith.select %ge3A_250, %reduce_or3A_252, %reduce_or3A_253 : vector<16xi1>, vector<16xf32>
        %reduce_or3A_255 = arith.constant true
        %reduce_or3A_256 = vector.broadcast %reduce_or3A_255 : i1 to vector<16xi1>
        %reduce_or3A_257 = tpu.scan <max>, %reduce_or3A_254 masked %reduce_or3A_256 : vector<16xf32>, vector<16xi1> -> vector<16xf32>
        %reduce_or3A_258 = vector.extract %reduce_or3A_257[15] : f32 from vector<16xf32>
        %reduce_or3A_259 = arith.constant 0.000000e+00 : f32
        %reduce_or3A_260 = arith.cmpf ogt, %reduce_or3A_258, %reduce_or3A_259 : f32
        %convert_element_type3A_261 = arith.extui %reduce_or3A_260 : i1 to i32
        %cond3A_262 = arith.constant 0 : i32
        %cond3A_263 = arith.cmpi ne, %convert_element_type3A_261, %cond3A_262 : i32
        %cond3A_264:2 = scf.if %cond3A_263 -> (vector<16xi32>, i32) {
          %eq3A_265 = arith.constant 1 : i32
          %eq3A_266 = arith.cmpi eq, %scan3A_131, %eq3A_265 : i32
          %convert_element_type3A_267 = arith.extui %eq3A_266 : i1 to i32
          %cond3A_268 = arith.constant 0 : i32
          %cond3A_269 = arith.cmpi ne, %convert_element_type3A_267, %cond3A_268 : i32
          %cond3A_270:2 = scf.if %cond3A_269 -> (vector<16xi32>, i32) {
            %mul3A_271 = arith.constant 2 : i32
            %mul3A_272 = arith.muli %arg1, %mul3A_271 : i32
            %mul3A_273 = arith.constant 64 : i32
            %mul3A_274 = arith.muli %mul3A_272, %mul3A_273 : i32
            %add3A_275 = arith.constant 64 : i32
            %add3A_276 = arith.addi %mul3A_274, %add3A_275 : i32
            "tpu.region"() ({
              %run_scoped3A = tpu.sem_alloc : memref<!tpu.dma_semaphore, #tpu.memory_space<semaphore_mem>>
              %dma_start3A_333 = arith.constant 0 : i32
              %dma_start3A_334 = tpu.memref_slice %arg13[%dma_start3A_333] : memref<176xi32, #tpu.memory_space<vmem>> -> memref<64xi32, #tpu.memory_space<vmem>>
              %dma_start3A_335 = tpu.memref_slice %arg15[%add3A_276] : memref<2048xi32, #tpu.memory_space<vmem_shared>> -> memref<64xi32, #tpu.memory_space<vmem_shared>>
              %dma_start3A_336 = tpu.memref_slice %arg15[%add3A_276] : memref<2048xi32, #tpu.memory_space<vmem_shared>> -> memref<64xi32, #tpu.memory_space<vmem_shared>>
              %dma_start3A_337 = arith.constant 0 : i32
              %dma_start3A_338 = tpu.memref_slice %arg13[%dma_start3A_337] : memref<176xi32, #tpu.memory_space<vmem>> -> memref<64xi32, #tpu.memory_space<vmem>>
              tpu.enqueue_dma source(%dma_start3A_338 : memref<64xi32, #tpu.memory_space<vmem>>) target(%dma_start3A_336 : memref<64xi32, #tpu.memory_space<vmem_shared>>) target_semaphore(%run_scoped3A : memref<!tpu.dma_semaphore, #tpu.memory_space<semaphore_mem>>)
              %dma_wait3A_339 = arith.constant 0 : i32
              %dma_wait3A_340 = tpu.memref_slice %arg13[%dma_wait3A_339] : memref<176xi32, #tpu.memory_space<vmem>> -> memref<64xi32, #tpu.memory_space<vmem>>
              %dma_wait3A_341 = tpu.memref_slice %arg15[%add3A_276] : memref<2048xi32, #tpu.memory_space<vmem_shared>> -> memref<64xi32, #tpu.memory_space<vmem_shared>>
              %dma_wait3A_342 = tpu.memref_slice %arg15[%add3A_276] : memref<2048xi32, #tpu.memory_space<vmem_shared>> -> memref<64xi32, #tpu.memory_space<vmem_shared>>
              %dma_wait3A_343 = arith.constant 0 : i32
              %dma_wait3A_344 = tpu.memref_slice %arg13[%dma_wait3A_343] : memref<176xi32, #tpu.memory_space<vmem>> -> memref<64xi32, #tpu.memory_space<vmem>>
              tpu.wait_dma2 semaphore(%run_scoped3A : memref<!tpu.dma_semaphore, #tpu.memory_space<semaphore_mem>>) src(%dma_wait3A_344 : memref<64xi32, #tpu.memory_space<vmem>>) dst(%dma_wait3A_342 : memref<64xi32, #tpu.memory_space<vmem_shared>>)
              tpu.yield
            }) : () -> ()
            "tpu.region"() ({
              %run_scoped3A = tpu.sem_alloc : memref<!tpu.dma_semaphore, #tpu.memory_space<semaphore_mem>>
              %dma_start3A_333 = arith.constant 64 : i32
              %dma_start3A_334 = tpu.memref_slice %arg16[%dma_start3A_333] : memref<128xi32, #tpu.memory_space<smem>> -> memref<64xi32, #tpu.memory_space<smem>>
              %dma_start3A_335 = tpu.memref_slice %arg15[%add3A_276] : memref<2048xi32, #tpu.memory_space<vmem_shared>> -> memref<64xi32, #tpu.memory_space<vmem_shared>>
              tpu.enqueue_dma source(%dma_start3A_335 : memref<64xi32, #tpu.memory_space<vmem_shared>>) target(%dma_start3A_334 : memref<64xi32, #tpu.memory_space<smem>>) target_semaphore(%run_scoped3A : memref<!tpu.dma_semaphore, #tpu.memory_space<semaphore_mem>>)
              %dma_wait3A_336 = arith.constant 64 : i32
              %dma_wait3A_337 = tpu.memref_slice %arg16[%dma_wait3A_336] : memref<128xi32, #tpu.memory_space<smem>> -> memref<64xi32, #tpu.memory_space<smem>>
              %dma_wait3A_338 = tpu.memref_slice %arg15[%add3A_276] : memref<2048xi32, #tpu.memory_space<vmem_shared>> -> memref<64xi32, #tpu.memory_space<vmem_shared>>
              tpu.wait_dma2 semaphore(%run_scoped3A : memref<!tpu.dma_semaphore, #tpu.memory_space<semaphore_mem>>) src(%dma_wait3A_338 : memref<64xi32, #tpu.memory_space<vmem_shared>>) dst(%dma_wait3A_337 : memref<64xi32, #tpu.memory_space<smem>>)
              tpu.yield
            }) : () -> ()
            %dma_start3A_277 = arith.constant 64 : i32
            %dma_start3A_278 = arith.constant 0 : i32
            %dma_start3A_279 = tpu.memref_slice %arg14[%dma_start3A_277, %dma_start3A_278] : memref<128x256xf32, #tpu.memory_space<vmem>> -> memref<64x256xf32, #tpu.memory_space<vmem>>
            %dma_start3A_280 = arith.constant 0 : i32
            %dma_start3A_281 = tpu.memref_slice %arg12[%dma_start3A_280] : memref<176xi32, #tpu.memory_space<vmem>> -> memref<64xi32, #tpu.memory_space<vmem>>
            %dma_start3A_282 = arith.constant 0 : i32
            %dma_start3A_283 = arith.constant 0 : i32
            %dma_start3A_284 = tpu.memref_slice %arg2[%dma_start3A_282, %dma_start3A_283] : memref<10000x256xf32, #tpu.memory_space<hbm>> -> memref<10000x256xf32, #tpu.memory_space<hbm>>
            tpu.enqueue_indirect_dma source(%dma_start3A_284 : memref<10000x256xf32, #tpu.memory_space<hbm>>) target(%dma_start3A_279 : memref<64x256xf32, #tpu.memory_space<vmem>>) offsets(%dma_start3A_281 : memref<64xi32, #tpu.memory_space<vmem>>) semaphore(%arg21 : memref<!tpu.dma_semaphore, #tpu.memory_space<semaphore_mem>>)
            %get3A_285 = arith.constant 64 : index
            %get3A_286 = tpu.vector_load %arg12[%get3A_285] {strides = array<i32>} : memref<176xi32, #tpu.memory_space<vmem>>, vector<16xi32>,
            %get3A_287 = arith.constant 64 : index
            %get3A_288 = tpu.vector_load %arg13[%get3A_287] {strides = array<i32>} : memref<176xi32, #tpu.memory_space<vmem>>, vector<16xi32>,
            %swap3A = arith.constant 0 : index
            %swap3A_289 = tpu.vector_load %arg12[%swap3A] {strides = array<i32>} : memref<176xi32, #tpu.memory_space<vmem>>, vector<16xi32>,
            tpu.vector_store %arg12[%swap3A], %get3A_286 {strides = array<i32>} : memref<176xi32, #tpu.memory_space<vmem>>, vector<16xi32>,
            %swap3A_290 = arith.constant 0 : index
            %swap3A_291 = tpu.vector_load %arg13[%swap3A_290] {strides = array<i32>} : memref<176xi32, #tpu.memory_space<vmem>>, vector<16xi32>,
            tpu.vector_store %arg13[%swap3A_290], %get3A_288 {strides = array<i32>} : memref<176xi32, #tpu.memory_space<vmem>>, vector<16xi32>,
            %get3A_292 = arith.constant 80 : index
            %get3A_293 = tpu.vector_load %arg12[%get3A_292] {strides = array<i32>} : memref<176xi32, #tpu.memory_space<vmem>>, vector<16xi32>,
            %get3A_294 = arith.constant 80 : index
            %get3A_295 = tpu.vector_load %arg13[%get3A_294] {strides = array<i32>} : memref<176xi32, #tpu.memory_space<vmem>>, vector<16xi32>,
            %swap3A_296 = arith.constant 16 : index
            %swap3A_297 = tpu.vector_load %arg12[%swap3A_296] {strides = array<i32>} : memref<176xi32, #tpu.memory_space<vmem>>, vector<16xi32>,
            tpu.vector_store %arg12[%swap3A_296], %get3A_293 {strides = array<i32>} : memref<176xi32, #tpu.memory_space<vmem>>, vector<16xi32>,
            %swap3A_298 = arith.constant 16 : index
            %swap3A_299 = tpu.vector_load %arg13[%swap3A_298] {strides = array<i32>} : memref<176xi32, #tpu.memory_space<vmem>>, vector<16xi32>,
            tpu.vector_store %arg13[%swap3A_298], %get3A_295 {strides = array<i32>} : memref<176xi32, #tpu.memory_space<vmem>>, vector<16xi32>,
            %get3A_300 = arith.constant 96 : index
            %get3A_301 = tpu.vector_load %arg12[%get3A_300] {strides = array<i32>} : memref<176xi32, #tpu.memory_space<vmem>>, vector<16xi32>,
            %get3A_302 = arith.constant 96 : index
            %get3A_303 = tpu.vector_load %arg13[%get3A_302] {strides = array<i32>} : memref<176xi32, #tpu.memory_space<vmem>>, vector<16xi32>,
            %swap3A_304 = arith.constant 32 : index
            %swap3A_305 = tpu.vector_load %arg12[%swap3A_304] {strides = array<i32>} : memref<176xi32, #tpu.memory_space<vmem>>, vector<16xi32>,
            tpu.vector_store %arg12[%swap3A_304], %get3A_301 {strides = array<i32>} : memref<176xi32, #tpu.memory_space<vmem>>, vector<16xi32>,
            %swap3A_306 = arith.constant 32 : index
            %swap3A_307 = tpu.vector_load %arg13[%swap3A_306] {strides = array<i32>} : memref<176xi32, #tpu.memory_space<vmem>>, vector<16xi32>,
            tpu.vector_store %arg13[%swap3A_306], %get3A_303 {strides = array<i32>} : memref<176xi32, #tpu.memory_space<vmem>>, vector<16xi32>,
            %get3A_308 = arith.constant 112 : index
            %get3A_309 = tpu.vector_load %arg12[%get3A_308] {strides = array<i32>} : memref<176xi32, #tpu.memory_space<vmem>>, vector<16xi32>,
            %get3A_310 = arith.constant 112 : index
            %get3A_311 = tpu.vector_load %arg13[%get3A_310] {strides = array<i32>} : memref<176xi32, #tpu.memory_space<vmem>>, vector<16xi32>,
            %swap3A_312 = arith.constant 48 : index
            %swap3A_313 = tpu.vector_load %arg12[%swap3A_312] {strides = array<i32>} : memref<176xi32, #tpu.memory_space<vmem>>, vector<16xi32>,
            tpu.vector_store %arg12[%swap3A_312], %get3A_309 {strides = array<i32>} : memref<176xi32, #tpu.memory_space<vmem>>, vector<16xi32>,
            %swap3A_314 = arith.constant 48 : index
            %swap3A_315 = tpu.vector_load %arg13[%swap3A_314] {strides = array<i32>} : memref<176xi32, #tpu.memory_space<vmem>>, vector<16xi32>,
            tpu.vector_store %arg13[%swap3A_314], %get3A_311 {strides = array<i32>} : memref<176xi32, #tpu.memory_space<vmem>>, vector<16xi32>,
            %sub3A_316 = arith.constant 64 : i32
            %sub3A_317 = vector.broadcast %sub3A_316 : i32 to vector<16xi32>
            %sub3A_318 = arith.subi %add3A_247, %sub3A_317 : vector<16xi32>
            %dma_wait3A_319 = arith.constant 0 : i32
            %dma_wait3A_320 = arith.constant 0 : i32
            %dma_wait3A_321 = tpu.memref_slice %arg14[%dma_wait3A_319, %dma_wait3A_320] : memref<128x256xf32, #tpu.memory_space<vmem>> -> memref<64x256xf32, #tpu.memory_space<vmem>>
            %dma_wait3A_322 = arith.constant 0 : i32
            %dma_wait3A_323 = tpu.memref_slice %arg12[%dma_wait3A_322] : memref<176xi32, #tpu.memory_space<vmem>> -> memref<64xi32, #tpu.memory_space<vmem>>
            %dma_wait3A_324 = arith.constant 0 : i32
            %dma_wait3A_325 = arith.constant 0 : i32
            %dma_wait3A_326 = tpu.memref_slice %arg2[%dma_wait3A_324, %dma_wait3A_325] : memref<10000x256xf32, #tpu.memory_space<hbm>> -> memref<10000x256xf32, #tpu.memory_space<hbm>>
            tpu.wait_indirect_dma semaphore(%arg20 : memref<!tpu.dma_semaphore, #tpu.memory_space<semaphore_mem>>) src(%dma_wait3A_326 : memref<10000x256xf32, #tpu.memory_space<hbm>>) dst(%dma_wait3A_321 : memref<64x256xf32, #tpu.memory_space<vmem>>)
            %scan3A_327 = arith.constant 0 : i32
            %scan3A_328 = arith.constant 64 : i32
            %scan3A_329 = arith.addi %scan3A_327, %scan3A_328 : i32
            %scan3A_330 = arith.constant 1 : i32
            scf.for %scan3A_333 = %scan3A_327 to %scan3A_329 step %scan3A_330  : i32 {
              %mul3A_334 = arith.constant 1 : i32
              %mul3A_335 = arith.muli %scan3A_333, %mul3A_334 : i32
              %add3A_336 = arith.constant 0 : i32
              %add3A_337 = arith.addi %add3A_336, %mul3A_335 : i32
              %add3A_338 = arith.constant 0 : i32
              %add3A_339 = arith.addi %add3A_338, %add3A_337 : i32
              %get3A_340 = arith.index_cast %add3A_339 : i32 to index
              %get3A_341 = memref.load %arg16[%get3A_340] : memref<128xi32, #tpu.memory_space<smem>>
              %mul3A_342 = arith.constant 256 : i32
              %mul3A_343 = arith.muli %get3A_341, %mul3A_342 : i32
              %add3A_344 = arith.constant 0 : i32
              %add3A_345 = arith.addi %mul3A_343, %add3A_344 : i32
              %add3A_346 = arith.constant 0 : i32
              %add3A_347 = arith.addi %add3A_346, %add3A_337 : i32
              %get3A_348 = arith.index_cast %add3A_347 : i32 to index
              %get3A_349 = arith.constant 0 : index
              %get3A_350 = tpu.vector_load %arg14[%get3A_348, %get3A_349] {strides = array<i32>} : memref<128x256xf32, #tpu.memory_space<vmem>>, vector<16xf32>,
              %swap3A_351 = arith.index_cast %add3A_345 : i32 to index
              %swap3A_352 = tpu.vector_load %arg7[%swap3A_351] {strides = array<i32>} : memref<83968xf32, #tpu.memory_space<vmem>>, vector<16xf32>,
              tpu.vector_store %arg7[%swap3A_351], %get3A_350 {add = true, strides = array<i32>} : memref<83968xf32, #tpu.memory_space<vmem>>, vector<16xf32>,
              %add3A_353 = arith.constant 16 : i32
              %add3A_354 = arith.addi %mul3A_343, %add3A_353 : i32
              %add3A_355 = arith.constant 0 : i32
              %add3A_356 = arith.addi %add3A_355, %add3A_337 : i32
              %get3A_357 = arith.index_cast %add3A_356 : i32 to index
              %get3A_358 = arith.constant 16 : index
              %get3A_359 = tpu.vector_load %arg14[%get3A_357, %get3A_358] {strides = array<i32>} : memref<128x256xf32, #tpu.memory_space<vmem>>, vector<16xf32>,
              %swap3A_360 = arith.index_cast %add3A_354 : i32 to index
              %swap3A_361 = tpu.vector_load %arg7[%swap3A_360] {strides = array<i32>} : memref<83968xf32, #tpu.memory_space<vmem>>, vector<16xf32>,
              tpu.vector_store %arg7[%swap3A_360], %get3A_359 {add = true, strides = array<i32>} : memref<83968xf32, #tpu.memory_space<vmem>>, vector<16xf32>,
              %add3A_362 = arith.constant 32 : i32
              %add3A_363 = arith.addi %mul3A_343, %add3A_362 : i32
              %add3A_364 = arith.constant 0 : i32
              %add3A_365 = arith.addi %add3A_364, %add3A_337 : i32
              %get3A_366 = arith.index_cast %add3A_365 : i32 to index
              %get3A_367 = arith.constant 32 : index
              %get3A_368 = tpu.vector_load %arg14[%get3A_366, %get3A_367] {strides = array<i32>} : memref<128x256xf32, #tpu.memory_space<vmem>>, vector<16xf32>,
              %swap3A_369 = arith.index_cast %add3A_363 : i32 to index
              %swap3A_370 = tpu.vector_load %arg7[%swap3A_369] {strides = array<i32>} : memref<83968xf32, #tpu.memory_space<vmem>>, vector<16xf32>,
              tpu.vector_store %arg7[%swap3A_369], %get3A_368 {add = true, strides = array<i32>} : memref<83968xf32, #tpu.memory_space<vmem>>, vector<16xf32>,
              %add3A_371 = arith.constant 48 : i32
              %add3A_372 = arith.addi %mul3A_343, %add3A_371 : i32
              %add3A_373 = arith.constant 0 : i32
              %add3A_374 = arith.addi %add3A_373, %add3A_337 : i32
              %get3A_375 = arith.index_cast %add3A_374 : i32 to index
              %get3A_376 = arith.constant 48 : index
              %get3A_377 = tpu.vector_load %arg14[%get3A_375, %get3A_376] {strides = array<i32>} : memref<128x256xf32, #tpu.memory_space<vmem>>, vector<16xf32>,
              %swap3A_378 = arith.index_cast %add3A_372 : i32 to index
              %swap3A_379 = tpu.vector_load %arg7[%swap3A_378] {strides = array<i32>} : memref<83968xf32, #tpu.memory_space<vmem>>, vector<16xf32>,
              tpu.vector_store %arg7[%swap3A_378], %get3A_377 {add = true, strides = array<i32>} : memref<83968xf32, #tpu.memory_space<vmem>>, vector<16xf32>,
              %add3A_380 = arith.constant 64 : i32
              %add3A_381 = arith.addi %mul3A_343, %add3A_380 : i32
              %add3A_382 = arith.constant 0 : i32
              %add3A_383 = arith.addi %add3A_382, %add3A_337 : i32
              %get3A_384 = arith.index_cast %add3A_383 : i32 to index
              %get3A_385 = arith.constant 64 : index
              %get3A_386 = tpu.vector_load %arg14[%get3A_384, %get3A_385] {strides = array<i32>} : memref<128x256xf32, #tpu.memory_space<vmem>>, vector<16xf32>,
              %swap3A_387 = arith.index_cast %add3A_381 : i32 to index
              %swap3A_388 = tpu.vector_load %arg7[%swap3A_387] {strides = array<i32>} : memref<83968xf32, #tpu.memory_space<vmem>>, vector<16xf32>,
              tpu.vector_store %arg7[%swap3A_387], %get3A_386 {add = true, strides = array<i32>} : memref<83968xf32, #tpu.memory_space<vmem>>, vector<16xf32>,
              %add3A_389 = arith.constant 80 : i32
              %add3A_390 = arith.addi %mul3A_343, %add3A_389 : i32
              %add3A_391 = arith.constant 0 : i32
              %add3A_392 = arith.addi %add3A_391, %add3A_337 : i32
              %get3A_393 = arith.index_cast %add3A_392 : i32 to index
              %get3A_394 = arith.constant 80 : index
              %get3A_395 = tpu.vector_load %arg14[%get3A_393, %get3A_394] {strides = array<i32>} : memref<128x256xf32, #tpu.memory_space<vmem>>, vector<16xf32>,
              %swap3A_396 = arith.index_cast %add3A_390 : i32 to index
              %swap3A_397 = tpu.vector_load %arg7[%swap3A_396] {strides = array<i32>} : memref<83968xf32, #tpu.memory_space<vmem>>, vector<16xf32>,
              tpu.vector_store %arg7[%swap3A_396], %get3A_395 {add = true, strides = array<i32>} : memref<83968xf32, #tpu.memory_space<vmem>>, vector<16xf32>,
              %add3A_398 = arith.constant 96 : i32
              %add3A_399 = arith.addi %mul3A_343, %add3A_398 : i32
              %add3A_400 = arith.constant 0 : i32
              %add3A_401 = arith.addi %add3A_400, %add3A_337 : i32
              %get3A_402 = arith.index_cast %add3A_401 : i32 to index
              %get3A_403 = arith.constant 96 : index
              %get3A_404 = tpu.vector_load %arg14[%get3A_402, %get3A_403] {strides = array<i32>} : memref<128x256xf32, #tpu.memory_space<vmem>>, vector<16xf32>,
              %swap3A_405 = arith.index_cast %add3A_399 : i32 to index
              %swap3A_406 = tpu.vector_load %arg7[%swap3A_405] {strides = array<i32>} : memref<83968xf32, #tpu.memory_space<vmem>>, vector<16xf32>,
              tpu.vector_store %arg7[%swap3A_405], %get3A_404 {add = true, strides = array<i32>} : memref<83968xf32, #tpu.memory_space<vmem>>, vector<16xf32>,
              %add3A_407 = arith.constant 112 : i32
              %add3A_408 = arith.addi %mul3A_343, %add3A_407 : i32
              %add3A_409 = arith.constant 0 : i32
              %add3A_410 = arith.addi %add3A_409, %add3A_337 : i32
              %get3A_411 = arith.index_cast %add3A_410 : i32 to index
              %get3A_412 = arith.constant 112 : index
              %get3A_413 = tpu.vector_load %arg14[%get3A_411, %get3A_412] {strides = array<i32>} : memref<128x256xf32, #tpu.memory_space<vmem>>, vector<16xf32>,
              %swap3A_414 = arith.index_cast %add3A_408 : i32 to index
              %swap3A_415 = tpu.vector_load %arg7[%swap3A_414] {strides = array<i32>} : memref<83968xf32, #tpu.memory_space<vmem>>, vector<16xf32>,
              tpu.vector_store %arg7[%swap3A_414], %get3A_413 {add = true, strides = array<i32>} : memref<83968xf32, #tpu.memory_space<vmem>>, vector<16xf32>,
              %add3A_416 = arith.constant 128 : i32
              %add3A_417 = arith.addi %mul3A_343, %add3A_416 : i32
              %add3A_418 = arith.constant 0 : i32
              %add3A_419 = arith.addi %add3A_418, %add3A_337 : i32
              %get3A_420 = arith.index_cast %add3A_419 : i32 to index
              %get3A_421 = arith.constant 128 : index
              %get3A_422 = tpu.vector_load %arg14[%get3A_420, %get3A_421] {strides = array<i32>} : memref<128x256xf32, #tpu.memory_space<vmem>>, vector<16xf32>,
              %swap3A_423 = arith.index_cast %add3A_417 : i32 to index
              %swap3A_424 = tpu.vector_load %arg7[%swap3A_423] {strides = array<i32>} : memref<83968xf32, #tpu.memory_space<vmem>>, vector<16xf32>,
              tpu.vector_store %arg7[%swap3A_423], %get3A_422 {add = true, strides = array<i32>} : memref<83968xf32, #tpu.memory_space<vmem>>, vector<16xf32>,
              %add3A_425 = arith.constant 144 : i32
              %add3A_426 = arith.addi %mul3A_343, %add3A_425 : i32
              %add3A_427 = arith.constant 0 : i32
              %add3A_428 = arith.addi %add3A_427, %add3A_337 : i32
              %get3A_429 = arith.index_cast %add3A_428 : i32 to index
              %get3A_430 = arith.constant 144 : index
              %get3A_431 = tpu.vector_load %arg14[%get3A_429, %get3A_430] {strides = array<i32>} : memref<128x256xf32, #tpu.memory_space<vmem>>, vector<16xf32>,
              %swap3A_432 = arith.index_cast %add3A_426 : i32 to index
              %swap3A_433 = tpu.vector_load %arg7[%swap3A_432] {strides = array<i32>} : memref<83968xf32, #tpu.memory_space<vmem>>, vector<16xf32>,
              tpu.vector_store %arg7[%swap3A_432], %get3A_431 {add = true, strides = array<i32>} : memref<83968xf32, #tpu.memory_space<vmem>>, vector<16xf32>,
              %add3A_434 = arith.constant 160 : i32
              %add3A_435 = arith.addi %mul3A_343, %add3A_434 : i32
              %add3A_436 = arith.constant 0 : i32
              %add3A_437 = arith.addi %add3A_436, %add3A_337 : i32
              %get3A_438 = arith.index_cast %add3A_437 : i32 to index
              %get3A_439 = arith.constant 160 : index
              %get3A_440 = tpu.vector_load %arg14[%get3A_438, %get3A_439] {strides = array<i32>} : memref<128x256xf32, #tpu.memory_space<vmem>>, vector<16xf32>,
              %swap3A_441 = arith.index_cast %add3A_435 : i32 to index
              %swap3A_442 = tpu.vector_load %arg7[%swap3A_441] {strides = array<i32>} : memref<83968xf32, #tpu.memory_space<vmem>>, vector<16xf32>,
              tpu.vector_store %arg7[%swap3A_441], %get3A_440 {add = true, strides = array<i32>} : memref<83968xf32, #tpu.memory_space<vmem>>, vector<16xf32>,
              %add3A_443 = arith.constant 176 : i32
              %add3A_444 = arith.addi %mul3A_343, %add3A_443 : i32
              %add3A_445 = arith.constant 0 : i32
              %add3A_446 = arith.addi %add3A_445, %add3A_337 : i32
              %get3A_447 = arith.index_cast %add3A_446 : i32 to index
              %get3A_448 = arith.constant 176 : index
              %get3A_449 = tpu.vector_load %arg14[%get3A_447, %get3A_448] {strides = array<i32>} : memref<128x256xf32, #tpu.memory_space<vmem>>, vector<16xf32>,
              %swap3A_450 = arith.index_cast %add3A_444 : i32 to index
              %swap3A_451 = tpu.vector_load %arg7[%swap3A_450] {strides = array<i32>} : memref<83968xf32, #tpu.memory_space<vmem>>, vector<16xf32>,
              tpu.vector_store %arg7[%swap3A_450], %get3A_449 {add = true, strides = array<i32>} : memref<83968xf32, #tpu.memory_space<vmem>>, vector<16xf32>,
              %add3A_452 = arith.constant 192 : i32
              %add3A_453 = arith.addi %mul3A_343, %add3A_452 : i32
              %add3A_454 = arith.constant 0 : i32
              %add3A_455 = arith.addi %add3A_454, %add3A_337 : i32
              %get3A_456 = arith.index_cast %add3A_455 : i32 to index
              %get3A_457 = arith.constant 192 : index
              %get3A_458 = tpu.vector_load %arg14[%get3A_456, %get3A_457] {strides = array<i32>} : memref<128x256xf32, #tpu.memory_space<vmem>>, vector<16xf32>,
              %swap3A_459 = arith.index_cast %add3A_453 : i32 to index
              %swap3A_460 = tpu.vector_load %arg7[%swap3A_459] {strides = array<i32>} : memref<83968xf32, #tpu.memory_space<vmem>>, vector<16xf32>,
              tpu.vector_store %arg7[%swap3A_459], %get3A_458 {add = true, strides = array<i32>} : memref<83968xf32, #tpu.memory_space<vmem>>, vector<16xf32>,
              %add3A_461 = arith.constant 208 : i32
              %add3A_462 = arith.addi %mul3A_343, %add3A_461 : i32
              %add3A_463 = arith.constant 0 : i32
              %add3A_464 = arith.addi %add3A_463, %add3A_337 : i32
              %get3A_465 = arith.index_cast %add3A_464 : i32 to index
              %get3A_466 = arith.constant 208 : index
              %get3A_467 = tpu.vector_load %arg14[%get3A_465, %get3A_466] {strides = array<i32>} : memref<128x256xf32, #tpu.memory_space<vmem>>, vector<16xf32>,
              %swap3A_468 = arith.index_cast %add3A_462 : i32 to index
              %swap3A_469 = tpu.vector_load %arg7[%swap3A_468] {strides = array<i32>} : memref<83968xf32, #tpu.memory_space<vmem>>, vector<16xf32>,
              tpu.vector_store %arg7[%swap3A_468], %get3A_467 {add = true, strides = array<i32>} : memref<83968xf32, #tpu.memory_space<vmem>>, vector<16xf32>,
              %add3A_470 = arith.constant 224 : i32
              %add3A_471 = arith.addi %mul3A_343, %add3A_470 : i32
              %add3A_472 = arith.constant 0 : i32
              %add3A_473 = arith.addi %add3A_472, %add3A_337 : i32
              %get3A_474 = arith.index_cast %add3A_473 : i32 to index
              %get3A_475 = arith.constant 224 : index
              %get3A_476 = tpu.vector_load %arg14[%get3A_474, %get3A_475] {strides = array<i32>} : memref<128x256xf32, #tpu.memory_space<vmem>>, vector<16xf32>,
              %swap3A_477 = arith.index_cast %add3A_471 : i32 to index
              %swap3A_478 = tpu.vector_load %arg7[%swap3A_477] {strides = array<i32>} : memref<83968xf32, #tpu.memory_space<vmem>>, vector<16xf32>,
              tpu.vector_store %arg7[%swap3A_477], %get3A_476 {add = true, strides = array<i32>} : memref<83968xf32, #tpu.memory_space<vmem>>, vector<16xf32>,
              %add3A_479 = arith.constant 240 : i32
              %add3A_480 = arith.addi %mul3A_343, %add3A_479 : i32
              %add3A_481 = arith.constant 0 : i32
              %add3A_482 = arith.addi %add3A_481, %add3A_337 : i32
              %get3A_483 = arith.index_cast %add3A_482 : i32 to index
              %get3A_484 = arith.constant 240 : index
              %get3A_485 = tpu.vector_load %arg14[%get3A_483, %get3A_484] {strides = array<i32>} : memref<128x256xf32, #tpu.memory_space<vmem>>, vector<16xf32>,
              %swap3A_486 = arith.index_cast %add3A_480 : i32 to index
              %swap3A_487 = tpu.vector_load %arg7[%swap3A_486] {strides = array<i32>} : memref<83968xf32, #tpu.memory_space<vmem>>, vector<16xf32>,
              tpu.vector_store %arg7[%swap3A_486], %get3A_485 {add = true, strides = array<i32>} : memref<83968xf32, #tpu.memory_space<vmem>>, vector<16xf32>,
            }
            %scan3A_331 = arith.constant 64 : i32
            %cond3A_332 = arith.constant 2 : i32
            scf.yield %sub3A_318, %cond3A_332 : vector<16xi32>, i32
          } else {
            %mul3A_271 = arith.constant 2 : i32
            %mul3A_272 = arith.muli %arg1, %mul3A_271 : i32
            %mul3A_273 = arith.constant 64 : i32
            %mul3A_274 = arith.muli %mul3A_272, %mul3A_273 : i32
            %add3A_275 = arith.constant 0 : i32
            %add3A_276 = arith.addi %mul3A_274, %add3A_275 : i32
            "tpu.region"() ({
              %run_scoped3A = tpu.sem_alloc : memref<!tpu.dma_semaphore, #tpu.memory_space<semaphore_mem>>
              %dma_start3A_325 = arith.constant 0 : i32
              %dma_start3A_326 = tpu.memref_slice %arg13[%dma_start3A_325] : memref<176xi32, #tpu.memory_space<vmem>> -> memref<64xi32, #tpu.memory_space<vmem>>
              %dma_start3A_327 = tpu.memref_slice %arg15[%add3A_276] : memref<2048xi32, #tpu.memory_space<vmem_shared>> -> memref<64xi32, #tpu.memory_space<vmem_shared>>
              %dma_start3A_328 = tpu.memref_slice %arg15[%add3A_276] : memref<2048xi32, #tpu.memory_space<vmem_shared>> -> memref<64xi32, #tpu.memory_space<vmem_shared>>
              %dma_start3A_329 = arith.constant 0 : i32
              %dma_start3A_330 = tpu.memref_slice %arg13[%dma_start3A_329] : memref<176xi32, #tpu.memory_space<vmem>> -> memref<64xi32, #tpu.memory_space<vmem>>
              tpu.enqueue_dma source(%dma_start3A_330 : memref<64xi32, #tpu.memory_space<vmem>>) target(%dma_start3A_328 : memref<64xi32, #tpu.memory_space<vmem_shared>>) target_semaphore(%run_scoped3A : memref<!tpu.dma_semaphore, #tpu.memory_space<semaphore_mem>>)
              %dma_wait3A_331 = arith.constant 0 : i32
              %dma_wait3A_332 = tpu.memref_slice %arg13[%dma_wait3A_331] : memref<176xi32, #tpu.memory_space<vmem>> -> memref<64xi32, #tpu.memory_space<vmem>>
              %dma_wait3A_333 = tpu.memref_slice %arg15[%add3A_276] : memref<2048xi32, #tpu.memory_space<vmem_shared>> -> memref<64xi32, #tpu.memory_space<vmem_shared>>
              %dma_wait3A_334 = tpu.memref_slice %arg15[%add3A_276] : memref<2048xi32, #tpu.memory_space<vmem_shared>> -> memref<64xi32, #tpu.memory_space<vmem_shared>>
              %dma_wait3A_335 = arith.constant 0 : i32
              %dma_wait3A_336 = tpu.memref_slice %arg13[%dma_wait3A_335] : memref<176xi32, #tpu.memory_space<vmem>> -> memref<64xi32, #tpu.memory_space<vmem>>
              tpu.wait_dma2 semaphore(%run_scoped3A : memref<!tpu.dma_semaphore, #tpu.memory_space<semaphore_mem>>) src(%dma_wait3A_336 : memref<64xi32, #tpu.memory_space<vmem>>) dst(%dma_wait3A_334 : memref<64xi32, #tpu.memory_space<vmem_shared>>)
              tpu.yield
            }) : () -> ()
            "tpu.region"() ({
              %run_scoped3A = tpu.sem_alloc : memref<!tpu.dma_semaphore, #tpu.memory_space<semaphore_mem>>
              %dma_start3A_325 = arith.constant 0 : i32
              %dma_start3A_326 = tpu.memref_slice %arg16[%dma_start3A_325] : memref<128xi32, #tpu.memory_space<smem>> -> memref<64xi32, #tpu.memory_space<smem>>
              %dma_start3A_327 = tpu.memref_slice %arg15[%add3A_276] : memref<2048xi32, #tpu.memory_space<vmem_shared>> -> memref<64xi32, #tpu.memory_space<vmem_shared>>
              tpu.enqueue_dma source(%dma_start3A_327 : memref<64xi32, #tpu.memory_space<vmem_shared>>) target(%dma_start3A_326 : memref<64xi32, #tpu.memory_space<smem>>) target_semaphore(%run_scoped3A : memref<!tpu.dma_semaphore, #tpu.memory_space<semaphore_mem>>)
              %dma_wait3A_328 = arith.constant 0 : i32
              %dma_wait3A_329 = tpu.memref_slice %arg16[%dma_wait3A_328] : memref<128xi32, #tpu.memory_space<smem>> -> memref<64xi32, #tpu.memory_space<smem>>
              %dma_wait3A_330 = tpu.memref_slice %arg15[%add3A_276] : memref<2048xi32, #tpu.memory_space<vmem_shared>> -> memref<64xi32, #tpu.memory_space<vmem_shared>>
              tpu.wait_dma2 semaphore(%run_scoped3A : memref<!tpu.dma_semaphore, #tpu.memory_space<semaphore_mem>>) src(%dma_wait3A_330 : memref<64xi32, #tpu.memory_space<vmem_shared>>) dst(%dma_wait3A_329 : memref<64xi32, #tpu.memory_space<smem>>)
              tpu.yield
            }) : () -> ()
            %dma_start3A_277 = arith.constant 0 : i32
            %dma_start3A_278 = arith.constant 0 : i32
            %dma_start3A_279 = tpu.memref_slice %arg14[%dma_start3A_277, %dma_start3A_278] : memref<128x256xf32, #tpu.memory_space<vmem>> -> memref<64x256xf32, #tpu.memory_space<vmem>>
            %dma_start3A_280 = arith.constant 0 : i32
            %dma_start3A_281 = tpu.memref_slice %arg12[%dma_start3A_280] : memref<176xi32, #tpu.memory_space<vmem>> -> memref<64xi32, #tpu.memory_space<vmem>>
            %dma_start3A_282 = arith.constant 0 : i32
            %dma_start3A_283 = arith.constant 0 : i32
            %dma_start3A_284 = tpu.memref_slice %arg2[%dma_start3A_282, %dma_start3A_283] : memref<10000x256xf32, #tpu.memory_space<hbm>> -> memref<10000x256xf32, #tpu.memory_space<hbm>>
            tpu.enqueue_indirect_dma source(%dma_start3A_284 : memref<10000x256xf32, #tpu.memory_space<hbm>>) target(%dma_start3A_279 : memref<64x256xf32, #tpu.memory_space<vmem>>) offsets(%dma_start3A_281 : memref<64xi32, #tpu.memory_space<vmem>>) semaphore(%arg20 : memref<!tpu.dma_semaphore, #tpu.memory_space<semaphore_mem>>)
            %get3A_285 = arith.constant 64 : index
            %get3A_286 = tpu.vector_load %arg12[%get3A_285] {strides = array<i32>} : memref<176xi32, #tpu.memory_space<vmem>>, vector<16xi32>,
            %get3A_287 = arith.constant 64 : index
            %get3A_288 = tpu.vector_load %arg13[%get3A_287] {strides = array<i32>} : memref<176xi32, #tpu.memory_space<vmem>>, vector<16xi32>,
            %swap3A = arith.constant 0 : index
            %swap3A_289 = tpu.vector_load %arg12[%swap3A] {strides = array<i32>} : memref<176xi32, #tpu.memory_space<vmem>>, vector<16xi32>,
            tpu.vector_store %arg12[%swap3A], %get3A_286 {strides = array<i32>} : memref<176xi32, #tpu.memory_space<vmem>>, vector<16xi32>,
            %swap3A_290 = arith.constant 0 : index
            %swap3A_291 = tpu.vector_load %arg13[%swap3A_290] {strides = array<i32>} : memref<176xi32, #tpu.memory_space<vmem>>, vector<16xi32>,
            tpu.vector_store %arg13[%swap3A_290], %get3A_288 {strides = array<i32>} : memref<176xi32, #tpu.memory_space<vmem>>, vector<16xi32>,
            %get3A_292 = arith.constant 80 : index
            %get3A_293 = tpu.vector_load %arg12[%get3A_292] {strides = array<i32>} : memref<176xi32, #tpu.memory_space<vmem>>, vector<16xi32>,
            %get3A_294 = arith.constant 80 : index
            %get3A_295 = tpu.vector_load %arg13[%get3A_294] {strides = array<i32>} : memref<176xi32, #tpu.memory_space<vmem>>, vector<16xi32>,
            %swap3A_296 = arith.constant 16 : index
            %swap3A_297 = tpu.vector_load %arg12[%swap3A_296] {strides = array<i32>} : memref<176xi32, #tpu.memory_space<vmem>>, vector<16xi32>,
            tpu.vector_store %arg12[%swap3A_296], %get3A_293 {strides = array<i32>} : memref<176xi32, #tpu.memory_space<vmem>>, vector<16xi32>,
            %swap3A_298 = arith.constant 16 : index
            %swap3A_299 = tpu.vector_load %arg13[%swap3A_298] {strides = array<i32>} : memref<176xi32, #tpu.memory_space<vmem>>, vector<16xi32>,
            tpu.vector_store %arg13[%swap3A_298], %get3A_295 {strides = array<i32>} : memref<176xi32, #tpu.memory_space<vmem>>, vector<16xi32>,
            %get3A_300 = arith.constant 96 : index
            %get3A_301 = tpu.vector_load %arg12[%get3A_300] {strides = array<i32>} : memref<176xi32, #tpu.memory_space<vmem>>, vector<16xi32>,
            %get3A_302 = arith.constant 96 : index
            %get3A_303 = tpu.vector_load %arg13[%get3A_302] {strides = array<i32>} : memref<176xi32, #tpu.memory_space<vmem>>, vector<16xi32>,
            %swap3A_304 = arith.constant 32 : index
            %swap3A_305 = tpu.vector_load %arg12[%swap3A_304] {strides = array<i32>} : memref<176xi32, #tpu.memory_space<vmem>>, vector<16xi32>,
            tpu.vector_store %arg12[%swap3A_304], %get3A_301 {strides = array<i32>} : memref<176xi32, #tpu.memory_space<vmem>>, vector<16xi32>,
            %swap3A_306 = arith.constant 32 : index
            %swap3A_307 = tpu.vector_load %arg13[%swap3A_306] {strides = array<i32>} : memref<176xi32, #tpu.memory_space<vmem>>, vector<16xi32>,
            tpu.vector_store %arg13[%swap3A_306], %get3A_303 {strides = array<i32>} : memref<176xi32, #tpu.memory_space<vmem>>, vector<16xi32>,
            %get3A_308 = arith.constant 112 : index
            %get3A_309 = tpu.vector_load %arg12[%get3A_308] {strides = array<i32>} : memref<176xi32, #tpu.memory_space<vmem>>, vector<16xi32>,
            %get3A_310 = arith.constant 112 : index
            %get3A_311 = tpu.vector_load %arg13[%get3A_310] {strides = array<i32>} : memref<176xi32, #tpu.memory_space<vmem>>, vector<16xi32>,
            %swap3A_312 = arith.constant 48 : index
            %swap3A_313 = tpu.vector_load %arg12[%swap3A_312] {strides = array<i32>} : memref<176xi32, #tpu.memory_space<vmem>>, vector<16xi32>,
            tpu.vector_store %arg12[%swap3A_312], %get3A_309 {strides = array<i32>} : memref<176xi32, #tpu.memory_space<vmem>>, vector<16xi32>,
            %swap3A_314 = arith.constant 48 : index
            %swap3A_315 = tpu.vector_load %arg13[%swap3A_314] {strides = array<i32>} : memref<176xi32, #tpu.memory_space<vmem>>, vector<16xi32>,
            tpu.vector_store %arg13[%swap3A_314], %get3A_311 {strides = array<i32>} : memref<176xi32, #tpu.memory_space<vmem>>, vector<16xi32>,
            %sub3A_316 = arith.constant 64 : i32
            %sub3A_317 = vector.broadcast %sub3A_316 : i32 to vector<16xi32>
            %sub3A_318 = arith.subi %add3A_247, %sub3A_317 : vector<16xi32>
            %eq3A_319 = arith.constant 2 : i32
            %eq3A_320 = arith.cmpi eq, %scan3A_131, %eq3A_319 : i32
            %convert_element_type3A_321 = arith.extui %eq3A_320 : i1 to i32
            %cond3A_322 = arith.constant 0 : i32
            %cond3A_323 = arith.cmpi ne, %convert_element_type3A_321, %cond3A_322 : i32
            scf.if %cond3A_323 {
              %dma_wait3A_325 = arith.constant 64 : i32
              %dma_wait3A_326 = arith.constant 0 : i32
              %dma_wait3A_327 = tpu.memref_slice %arg14[%dma_wait3A_325, %dma_wait3A_326] : memref<128x256xf32, #tpu.memory_space<vmem>> -> memref<64x256xf32, #tpu.memory_space<vmem>>
              %dma_wait3A_328 = arith.constant 0 : i32
              %dma_wait3A_329 = tpu.memref_slice %arg12[%dma_wait3A_328] : memref<176xi32, #tpu.memory_space<vmem>> -> memref<64xi32, #tpu.memory_space<vmem>>
              %dma_wait3A_330 = arith.constant 0 : i32
              %dma_wait3A_331 = arith.constant 0 : i32
              %dma_wait3A_332 = tpu.memref_slice %arg2[%dma_wait3A_330, %dma_wait3A_331] : memref<10000x256xf32, #tpu.memory_space<hbm>> -> memref<10000x256xf32, #tpu.memory_space<hbm>>
              tpu.wait_indirect_dma semaphore(%arg21 : memref<!tpu.dma_semaphore, #tpu.memory_space<semaphore_mem>>) src(%dma_wait3A_332 : memref<10000x256xf32, #tpu.memory_space<hbm>>) dst(%dma_wait3A_327 : memref<64x256xf32, #tpu.memory_space<vmem>>)
              %scan3A_333 = arith.constant 0 : i32
              %scan3A_334 = arith.constant 64 : i32
              %scan3A_335 = arith.addi %scan3A_333, %scan3A_334 : i32
              %scan3A_336 = arith.constant 1 : i32
              scf.for %scan3A_338 = %scan3A_333 to %scan3A_335 step %scan3A_336  : i32 {
                %mul3A_339 = arith.constant 1 : i32
                %mul3A_340 = arith.muli %scan3A_338, %mul3A_339 : i32
                %add3A_341 = arith.constant 0 : i32
                %add3A_342 = arith.addi %add3A_341, %mul3A_340 : i32
                %add3A_343 = arith.constant 64 : i32
                %add3A_344 = arith.addi %add3A_343, %add3A_342 : i32
                %get3A_345 = arith.index_cast %add3A_344 : i32 to index
                %get3A_346 = memref.load %arg16[%get3A_345] : memref<128xi32, #tpu.memory_space<smem>>
                %mul3A_347 = arith.constant 256 : i32
                %mul3A_348 = arith.muli %get3A_346, %mul3A_347 : i32
                %add3A_349 = arith.constant 0 : i32
                %add3A_350 = arith.addi %mul3A_348, %add3A_349 : i32
                %add3A_351 = arith.constant 64 : i32
                %add3A_352 = arith.addi %add3A_351, %add3A_342 : i32
                %get3A_353 = arith.index_cast %add3A_352 : i32 to index
                %get3A_354 = arith.constant 0 : index
                %get3A_355 = tpu.vector_load %arg14[%get3A_353, %get3A_354] {strides = array<i32>} : memref<128x256xf32, #tpu.memory_space<vmem>>, vector<16xf32>,
                %swap3A_356 = arith.index_cast %add3A_350 : i32 to index
                %swap3A_357 = tpu.vector_load %arg7[%swap3A_356] {strides = array<i32>} : memref<83968xf32, #tpu.memory_space<vmem>>, vector<16xf32>,
                tpu.vector_store %arg7[%swap3A_356], %get3A_355 {add = true, strides = array<i32>} : memref<83968xf32, #tpu.memory_space<vmem>>, vector<16xf32>,
                %add3A_358 = arith.constant 16 : i32
                %add3A_359 = arith.addi %mul3A_348, %add3A_358 : i32
                %add3A_360 = arith.constant 64 : i32
                %add3A_361 = arith.addi %add3A_360, %add3A_342 : i32
                %get3A_362 = arith.index_cast %add3A_361 : i32 to index
                %get3A_363 = arith.constant 16 : index
                %get3A_364 = tpu.vector_load %arg14[%get3A_362, %get3A_363] {strides = array<i32>} : memref<128x256xf32, #tpu.memory_space<vmem>>, vector<16xf32>,
                %swap3A_365 = arith.index_cast %add3A_359 : i32 to index
                %swap3A_366 = tpu.vector_load %arg7[%swap3A_365] {strides = array<i32>} : memref<83968xf32, #tpu.memory_space<vmem>>, vector<16xf32>,
                tpu.vector_store %arg7[%swap3A_365], %get3A_364 {add = true, strides = array<i32>} : memref<83968xf32, #tpu.memory_space<vmem>>, vector<16xf32>,
                %add3A_367 = arith.constant 32 : i32
                %add3A_368 = arith.addi %mul3A_348, %add3A_367 : i32
                %add3A_369 = arith.constant 64 : i32
                %add3A_370 = arith.addi %add3A_369, %add3A_342 : i32
                %get3A_371 = arith.index_cast %add3A_370 : i32 to index
                %get3A_372 = arith.constant 32 : index
                %get3A_373 = tpu.vector_load %arg14[%get3A_371, %get3A_372] {strides = array<i32>} : memref<128x256xf32, #tpu.memory_space<vmem>>, vector<16xf32>,
                %swap3A_374 = arith.index_cast %add3A_368 : i32 to index
                %swap3A_375 = tpu.vector_load %arg7[%swap3A_374] {strides = array<i32>} : memref<83968xf32, #tpu.memory_space<vmem>>, vector<16xf32>,
                tpu.vector_store %arg7[%swap3A_374], %get3A_373 {add = true, strides = array<i32>} : memref<83968xf32, #tpu.memory_space<vmem>>, vector<16xf32>,
                %add3A_376 = arith.constant 48 : i32
                %add3A_377 = arith.addi %mul3A_348, %add3A_376 : i32
                %add3A_378 = arith.constant 64 : i32
                %add3A_379 = arith.addi %add3A_378, %add3A_342 : i32
                %get3A_380 = arith.index_cast %add3A_379 : i32 to index
                %get3A_381 = arith.constant 48 : index
                %get3A_382 = tpu.vector_load %arg14[%get3A_380, %get3A_381] {strides = array<i32>} : memref<128x256xf32, #tpu.memory_space<vmem>>, vector<16xf32>,
                %swap3A_383 = arith.index_cast %add3A_377 : i32 to index
                %swap3A_384 = tpu.vector_load %arg7[%swap3A_383] {strides = array<i32>} : memref<83968xf32, #tpu.memory_space<vmem>>, vector<16xf32>,
                tpu.vector_store %arg7[%swap3A_383], %get3A_382 {add = true, strides = array<i32>} : memref<83968xf32, #tpu.memory_space<vmem>>, vector<16xf32>,
                %add3A_385 = arith.constant 64 : i32
                %add3A_386 = arith.addi %mul3A_348, %add3A_385 : i32
                %add3A_387 = arith.constant 64 : i32
                %add3A_388 = arith.addi %add3A_387, %add3A_342 : i32
                %get3A_389 = arith.index_cast %add3A_388 : i32 to index
                %get3A_390 = arith.constant 64 : index
                %get3A_391 = tpu.vector_load %arg14[%get3A_389, %get3A_390] {strides = array<i32>} : memref<128x256xf32, #tpu.memory_space<vmem>>, vector<16xf32>,
                %swap3A_392 = arith.index_cast %add3A_386 : i32 to index
                %swap3A_393 = tpu.vector_load %arg7[%swap3A_392] {strides = array<i32>} : memref<83968xf32, #tpu.memory_space<vmem>>, vector<16xf32>,
                tpu.vector_store %arg7[%swap3A_392], %get3A_391 {add = true, strides = array<i32>} : memref<83968xf32, #tpu.memory_space<vmem>>, vector<16xf32>,
                %add3A_394 = arith.constant 80 : i32
                %add3A_395 = arith.addi %mul3A_348, %add3A_394 : i32
                %add3A_396 = arith.constant 64 : i32
                %add3A_397 = arith.addi %add3A_396, %add3A_342 : i32
                %get3A_398 = arith.index_cast %add3A_397 : i32 to index
                %get3A_399 = arith.constant 80 : index
                %get3A_400 = tpu.vector_load %arg14[%get3A_398, %get3A_399] {strides = array<i32>} : memref<128x256xf32, #tpu.memory_space<vmem>>, vector<16xf32>,
                %swap3A_401 = arith.index_cast %add3A_395 : i32 to index
                %swap3A_402 = tpu.vector_load %arg7[%swap3A_401] {strides = array<i32>} : memref<83968xf32, #tpu.memory_space<vmem>>, vector<16xf32>,
                tpu.vector_store %arg7[%swap3A_401], %get3A_400 {add = true, strides = array<i32>} : memref<83968xf32, #tpu.memory_space<vmem>>, vector<16xf32>,
                %add3A_403 = arith.constant 96 : i32
                %add3A_404 = arith.addi %mul3A_348, %add3A_403 : i32
                %add3A_405 = arith.constant 64 : i32
                %add3A_406 = arith.addi %add3A_405, %add3A_342 : i32
                %get3A_407 = arith.index_cast %add3A_406 : i32 to index
                %get3A_408 = arith.constant 96 : index
                %get3A_409 = tpu.vector_load %arg14[%get3A_407, %get3A_408] {strides = array<i32>} : memref<128x256xf32, #tpu.memory_space<vmem>>, vector<16xf32>,
                %swap3A_410 = arith.index_cast %add3A_404 : i32 to index
                %swap3A_411 = tpu.vector_load %arg7[%swap3A_410] {strides = array<i32>} : memref<83968xf32, #tpu.memory_space<vmem>>, vector<16xf32>,
                tpu.vector_store %arg7[%swap3A_410], %get3A_409 {add = true, strides = array<i32>} : memref<83968xf32, #tpu.memory_space<vmem>>, vector<16xf32>,
                %add3A_412 = arith.constant 112 : i32
                %add3A_413 = arith.addi %mul3A_348, %add3A_412 : i32
                %add3A_414 = arith.constant 64 : i32
                %add3A_415 = arith.addi %add3A_414, %add3A_342 : i32
                %get3A_416 = arith.index_cast %add3A_415 : i32 to index
                %get3A_417 = arith.constant 112 : index
                %get3A_418 = tpu.vector_load %arg14[%get3A_416, %get3A_417] {strides = array<i32>} : memref<128x256xf32, #tpu.memory_space<vmem>>, vector<16xf32>,
                %swap3A_419 = arith.index_cast %add3A_413 : i32 to index
                %swap3A_420 = tpu.vector_load %arg7[%swap3A_419] {strides = array<i32>} : memref<83968xf32, #tpu.memory_space<vmem>>, vector<16xf32>,
                tpu.vector_store %arg7[%swap3A_419], %get3A_418 {add = true, strides = array<i32>} : memref<83968xf32, #tpu.memory_space<vmem>>, vector<16xf32>,
                %add3A_421 = arith.constant 128 : i32
                %add3A_422 = arith.addi %mul3A_348, %add3A_421 : i32
                %add3A_423 = arith.constant 64 : i32
                %add3A_424 = arith.addi %add3A_423, %add3A_342 : i32
                %get3A_425 = arith.index_cast %add3A_424 : i32 to index
                %get3A_426 = arith.constant 128 : index
                %get3A_427 = tpu.vector_load %arg14[%get3A_425, %get3A_426] {strides = array<i32>} : memref<128x256xf32, #tpu.memory_space<vmem>>, vector<16xf32>,
                %swap3A_428 = arith.index_cast %add3A_422 : i32 to index
                %swap3A_429 = tpu.vector_load %arg7[%swap3A_428] {strides = array<i32>} : memref<83968xf32, #tpu.memory_space<vmem>>, vector<16xf32>,
                tpu.vector_store %arg7[%swap3A_428], %get3A_427 {add = true, strides = array<i32>} : memref<83968xf32, #tpu.memory_space<vmem>>, vector<16xf32>,
                %add3A_430 = arith.constant 144 : i32
                %add3A_431 = arith.addi %mul3A_348, %add3A_430 : i32
                %add3A_432 = arith.constant 64 : i32
                %add3A_433 = arith.addi %add3A_432, %add3A_342 : i32
                %get3A_434 = arith.index_cast %add3A_433 : i32 to index
                %get3A_435 = arith.constant 144 : index
                %get3A_436 = tpu.vector_load %arg14[%get3A_434, %get3A_435] {strides = array<i32>} : memref<128x256xf32, #tpu.memory_space<vmem>>, vector<16xf32>,
                %swap3A_437 = arith.index_cast %add3A_431 : i32 to index
                %swap3A_438 = tpu.vector_load %arg7[%swap3A_437] {strides = array<i32>} : memref<83968xf32, #tpu.memory_space<vmem>>, vector<16xf32>,
                tpu.vector_store %arg7[%swap3A_437], %get3A_436 {add = true, strides = array<i32>} : memref<83968xf32, #tpu.memory_space<vmem>>, vector<16xf32>,
                %add3A_439 = arith.constant 160 : i32
                %add3A_440 = arith.addi %mul3A_348, %add3A_439 : i32
                %add3A_441 = arith.constant 64 : i32
                %add3A_442 = arith.addi %add3A_441, %add3A_342 : i32
                %get3A_443 = arith.index_cast %add3A_442 : i32 to index
                %get3A_444 = arith.constant 160 : index
                %get3A_445 = tpu.vector_load %arg14[%get3A_443, %get3A_444] {strides = array<i32>} : memref<128x256xf32, #tpu.memory_space<vmem>>, vector<16xf32>,
                %swap3A_446 = arith.index_cast %add3A_440 : i32 to index
                %swap3A_447 = tpu.vector_load %arg7[%swap3A_446] {strides = array<i32>} : memref<83968xf32, #tpu.memory_space<vmem>>, vector<16xf32>,
                tpu.vector_store %arg7[%swap3A_446], %get3A_445 {add = true, strides = array<i32>} : memref<83968xf32, #tpu.memory_space<vmem>>, vector<16xf32>,
                %add3A_448 = arith.constant 176 : i32
                %add3A_449 = arith.addi %mul3A_348, %add3A_448 : i32
                %add3A_450 = arith.constant 64 : i32
                %add3A_451 = arith.addi %add3A_450, %add3A_342 : i32
                %get3A_452 = arith.index_cast %add3A_451 : i32 to index
                %get3A_453 = arith.constant 176 : index
                %get3A_454 = tpu.vector_load %arg14[%get3A_452, %get3A_453] {strides = array<i32>} : memref<128x256xf32, #tpu.memory_space<vmem>>, vector<16xf32>,
                %swap3A_455 = arith.index_cast %add3A_449 : i32 to index
                %swap3A_456 = tpu.vector_load %arg7[%swap3A_455] {strides = array<i32>} : memref<83968xf32, #tpu.memory_space<vmem>>, vector<16xf32>,
                tpu.vector_store %arg7[%swap3A_455], %get3A_454 {add = true, strides = array<i32>} : memref<83968xf32, #tpu.memory_space<vmem>>, vector<16xf32>,
                %add3A_457 = arith.constant 192 : i32
                %add3A_458 = arith.addi %mul3A_348, %add3A_457 : i32
                %add3A_459 = arith.constant 64 : i32
                %add3A_460 = arith.addi %add3A_459, %add3A_342 : i32
                %get3A_461 = arith.index_cast %add3A_460 : i32 to index
                %get3A_462 = arith.constant 192 : index
                %get3A_463 = tpu.vector_load %arg14[%get3A_461, %get3A_462] {strides = array<i32>} : memref<128x256xf32, #tpu.memory_space<vmem>>, vector<16xf32>,
                %swap3A_464 = arith.index_cast %add3A_458 : i32 to index
                %swap3A_465 = tpu.vector_load %arg7[%swap3A_464] {strides = array<i32>} : memref<83968xf32, #tpu.memory_space<vmem>>, vector<16xf32>,
                tpu.vector_store %arg7[%swap3A_464], %get3A_463 {add = true, strides = array<i32>} : memref<83968xf32, #tpu.memory_space<vmem>>, vector<16xf32>,
                %add3A_466 = arith.constant 208 : i32
                %add3A_467 = arith.addi %mul3A_348, %add3A_466 : i32
                %add3A_468 = arith.constant 64 : i32
                %add3A_469 = arith.addi %add3A_468, %add3A_342 : i32
                %get3A_470 = arith.index_cast %add3A_469 : i32 to index
                %get3A_471 = arith.constant 208 : index
                %get3A_472 = tpu.vector_load %arg14[%get3A_470, %get3A_471] {strides = array<i32>} : memref<128x256xf32, #tpu.memory_space<vmem>>, vector<16xf32>,
                %swap3A_473 = arith.index_cast %add3A_467 : i32 to index
                %swap3A_474 = tpu.vector_load %arg7[%swap3A_473] {strides = array<i32>} : memref<83968xf32, #tpu.memory_space<vmem>>, vector<16xf32>,
                tpu.vector_store %arg7[%swap3A_473], %get3A_472 {add = true, strides = array<i32>} : memref<83968xf32, #tpu.memory_space<vmem>>, vector<16xf32>,
                %add3A_475 = arith.constant 224 : i32
                %add3A_476 = arith.addi %mul3A_348, %add3A_475 : i32
                %add3A_477 = arith.constant 64 : i32
                %add3A_478 = arith.addi %add3A_477, %add3A_342 : i32
                %get3A_479 = arith.index_cast %add3A_478 : i32 to index
                %get3A_480 = arith.constant 224 : index
                %get3A_481 = tpu.vector_load %arg14[%get3A_479, %get3A_480] {strides = array<i32>} : memref<128x256xf32, #tpu.memory_space<vmem>>, vector<16xf32>,
                %swap3A_482 = arith.index_cast %add3A_476 : i32 to index
                %swap3A_483 = tpu.vector_load %arg7[%swap3A_482] {strides = array<i32>} : memref<83968xf32, #tpu.memory_space<vmem>>, vector<16xf32>,
                tpu.vector_store %arg7[%swap3A_482], %get3A_481 {add = true, strides = array<i32>} : memref<83968xf32, #tpu.memory_space<vmem>>, vector<16xf32>,
                %add3A_484 = arith.constant 240 : i32
                %add3A_485 = arith.addi %mul3A_348, %add3A_484 : i32
                %add3A_486 = arith.constant 64 : i32
                %add3A_487 = arith.addi %add3A_486, %add3A_342 : i32
                %get3A_488 = arith.index_cast %add3A_487 : i32 to index
                %get3A_489 = arith.constant 240 : index
                %get3A_490 = tpu.vector_load %arg14[%get3A_488, %get3A_489] {strides = array<i32>} : memref<128x256xf32, #tpu.memory_space<vmem>>, vector<16xf32>,
                %swap3A_491 = arith.index_cast %add3A_485 : i32 to index
                %swap3A_492 = tpu.vector_load %arg7[%swap3A_491] {strides = array<i32>} : memref<83968xf32, #tpu.memory_space<vmem>>, vector<16xf32>,
                tpu.vector_store %arg7[%swap3A_491], %get3A_490 {add = true, strides = array<i32>} : memref<83968xf32, #tpu.memory_space<vmem>>, vector<16xf32>,
              }
              %scan3A_337 = arith.constant 64 : i32
            } else {
            }
            %cond3A_324 = arith.constant 1 : i32
            scf.yield %sub3A_318, %cond3A_324 : vector<16xi32>, i32
          }
          scf.yield %cond3A_270#0, %cond3A_270#1 : vector<16xi32>, i32
        } else {
          scf.yield %add3A_247, %scan3A_131 : vector<16xi32>, i32
        }
        scf.yield %cond3A_264#0, %cond3A_264#1 : vector<16xi32>, i32
      }
      %scan3A_109 = arith.constant 25 : i32
      %lt3A_110 = arith.constant 49 : i32
      %lt3A_111 = arith.cmpi slt, %scan3A_84, %lt3A_110 : i32
      %convert_element_type3A_112 = arith.extui %lt3A_111 : i1 to i32
      %cond3A_113 = arith.constant 0 : i32
      %cond3A_114 = arith.cmpi ne, %convert_element_type3A_112, %cond3A_113 : i32
      scf.if %cond3A_114 {
        %mul3A_129 = arith.constant 2 : i32
        %mul3A_130 = arith.muli %mul3A_129, %scan3A_84 : i32
        %add3A_131 = arith.constant 2 : i32
        %add3A_132 = arith.addi %mul3A_130, %add3A_131 : i32
        %mul3A_133 = arith.constant 1600 : i32
        %mul3A_134 = arith.muli %add3A_132, %mul3A_133 : i32
        %dma_start3A_135 = tpu.memref_slice %arg3[%mul3A_134] : memref<160000xi32, #tpu.memory_space<hbm>> -> memref<1600xi32, #tpu.memory_space<hbm>>
        %dma_start3A_136 = tpu.memref_slice %arg3[%mul3A_134] : memref<160000xi32, #tpu.memory_space<hbm>> -> memref<1600xi32, #tpu.memory_space<hbm>>
        tpu.enqueue_dma source(%dma_start3A_136 : memref<1600xi32, #tpu.memory_space<hbm>>) target(%arg8 : memref<1600xi32, #tpu.memory_space<vmem>>) target_semaphore(%arg18 : memref<!tpu.dma_semaphore, #tpu.memory_space<semaphore_mem>>)
        %dma_start3A_137 = tpu.memref_slice %arg4[%mul3A_134] : memref<160000xi32, #tpu.memory_space<hbm>> -> memref<1600xi32, #tpu.memory_space<hbm>>
        %dma_start3A_138 = tpu.memref_slice %arg4[%mul3A_134] : memref<160000xi32, #tpu.memory_space<hbm>> -> memref<1600xi32, #tpu.memory_space<hbm>>
        tpu.enqueue_dma source(%dma_start3A_138 : memref<1600xi32, #tpu.memory_space<hbm>>) target(%arg9 : memref<1600xi32, #tpu.memory_space<vmem>>) target_semaphore(%arg18 : memref<!tpu.dma_semaphore, #tpu.memory_space<semaphore_mem>>)
      } else {
      }
      %dma_wait3A_115 = arith.constant 0 : i32
      %dma_wait3A_116 = tpu.memref_slice %arg3[%dma_wait3A_115] : memref<160000xi32, #tpu.memory_space<hbm>> -> memref<1600xi32, #tpu.memory_space<hbm>>
      %dma_wait3A_117 = arith.constant 0 : i32
      %dma_wait3A_118 = tpu.memref_slice %arg3[%dma_wait3A_117] : memref<160000xi32, #tpu.memory_space<hbm>> -> memref<1600xi32, #tpu.memory_space<hbm>>
      tpu.wait_dma2 semaphore(%arg19 : memref<!tpu.dma_semaphore, #tpu.memory_space<semaphore_mem>>) src(%dma_wait3A_118 : memref<1600xi32, #tpu.memory_space<hbm>>) dst(%arg10 : memref<1600xi32, #tpu.memory_space<vmem>>)
      %dma_wait3A_119 = arith.constant 0 : i32
      %dma_wait3A_120 = tpu.memref_slice %arg4[%dma_wait3A_119] : memref<160000xi32, #tpu.memory_space<hbm>> -> memref<1600xi32, #tpu.memory_space<hbm>>
      %dma_wait3A_121 = arith.constant 0 : i32
      %dma_wait3A_122 = tpu.memref_slice %arg4[%dma_wait3A_121] : memref<160000xi32, #tpu.memory_space<hbm>> -> memref<1600xi32, #tpu.memory_space<hbm>>
      tpu.wait_dma2 semaphore(%arg19 : memref<!tpu.dma_semaphore, #tpu.memory_space<semaphore_mem>>) src(%dma_wait3A_122 : memref<1600xi32, #tpu.memory_space<hbm>>) dst(%arg11 : memref<1600xi32, #tpu.memory_space<vmem>>)
      %scan3A_123 = arith.constant 0 : i32
      %scan3A_124 = arith.constant 25 : i32
      %scan3A_125 = arith.addi %scan3A_123, %scan3A_124 : i32
      %scan3A_126 = arith.constant 1 : i32
      %scan3A_127:2 = scf.for %scan3A_129 = %scan3A_123 to %scan3A_125 step %scan3A_126 iter_args(%scan3A_130 = %scan3A_108#0, %scan3A_131 = %scan3A_108#1) -> (vector<16xi32>, i32)  : i32 {
        %mul3A_132 = arith.constant 64 : i32
        %mul3A_133 = arith.muli %scan3A_129, %mul3A_132 : i32
        %add3A_134 = arith.constant 0 : i32
        %add3A_135 = arith.addi %mul3A_133, %add3A_134 : i32
        %get3A = arith.index_cast %add3A_135 : i32 to index
        %get3A_136 = tpu.vector_load %arg11[%get3A] {strides = array<i32>} : memref<1600xi32, #tpu.memory_space<vmem>>, vector<16xi32>,
        %get3A_137 = arith.index_cast %add3A_135 : i32 to index
        %get3A_138 = tpu.vector_load %arg10[%get3A_137] {strides = array<i32>} : memref<1600xi32, #tpu.memory_space<vmem>>, vector<16xi32>,
        %ge3A = vector.broadcast %mul3A_2 : i32 to vector<16xi32>
        %ge3A_139 = arith.cmpi sge, %get3A_136, %ge3A : vector<16xi32>
        %add3A_140 = arith.constant 320 : i32
        %add3A_141 = arith.addi %mul3A_2, %add3A_140 : i32
        %lt3A_142 = vector.broadcast %add3A_141 : i32 to vector<16xi32>
        %lt3A_143 = arith.cmpi slt, %get3A_136, %lt3A_142 : vector<16xi32>
        %and3A_144 = arith.andi %ge3A_139, %lt3A_143 : vector<16xi1>
        %convert_element_type3A_145 = arith.extui %and3A_144 : vector<16xi1> to vector<16xi32>
        %broadcast_in_dim3A_146 = arith.constant true
        %broadcast_in_dim3A_147 = vector.broadcast %broadcast_in_dim3A_146 : i1 to vector<16xi1>
        %masked_cumsum3A = tpu.scan <sum>, %convert_element_type3A_145 masked %broadcast_in_dim3A_147 : vector<16xi32>, vector<16xi1> -> vector<16xi32>
        %add3A_148 = arith.addi %scan3A_130, %masked_cumsum3A : vector<16xi32>
        %sub3A_149 = arith.constant 1 : i32
        %sub3A_150 = vector.broadcast %sub3A_149 : i32 to vector<16xi32>
        %sub3A_151 = arith.subi %add3A_148, %sub3A_150 : vector<16xi32>
        %jit3A_152 = arith.constant 160 : i32
        %broadcast_in_dim3A_153 = vector.broadcast %jit3A_152 : i32 to vector<16xi32>
        %select_n3A_154 = arith.select %and3A_144, %sub3A_151, %broadcast_in_dim3A_153 : vector<16xi1>, vector<16xi32>
        tpu.vector_store_idx %arg12[%select_n3A_154], %get3A_138 : memref<176xi32, #tpu.memory_space<vmem>>[vector<16xi32>], vector<16xi32>,
        %sub3A_155 = vector.broadcast %mul3A_2 : i32 to vector<16xi32>
        %sub3A_156 = arith.subi %get3A_136, %sub3A_155 : vector<16xi32>
        tpu.vector_store_idx %arg13[%select_n3A_154], %sub3A_156 : memref<176xi32, #tpu.memory_space<vmem>>[vector<16xi32>], vector<16xi32>,
        %all_reduce_population_count3A = tpu.all_reduce %and3A_144 {dim = 0 : i64, kind = #tpu.reduction_kind<sum>} : vector<16xi1> -> vector<16xi32>
        %add3A_157 = arith.addi %scan3A_130, %all_reduce_population_count3A : vector<16xi32>
        %mul3A_158 = arith.constant 64 : i32
        %mul3A_159 = arith.muli %scan3A_129, %mul3A_158 : i32
        %add3A_160 = arith.constant 16 : i32
        %add3A_161 = arith.addi %mul3A_159, %add3A_160 : i32
        %get3A_162 = arith.index_cast %add3A_161 : i32 to index
        %get3A_163 = tpu.vector_load %arg11[%get3A_162] {strides = array<i32>} : memref<1600xi32, #tpu.memory_space<vmem>>, vector<16xi32>,
        %get3A_164 = arith.index_cast %add3A_161 : i32 to index
        %get3A_165 = tpu.vector_load %arg10[%get3A_164] {strides = array<i32>} : memref<1600xi32, #tpu.memory_space<vmem>>, vector<16xi32>,
        %ge3A_166 = vector.broadcast %mul3A_2 : i32 to vector<16xi32>
        %ge3A_167 = arith.cmpi sge, %get3A_163, %ge3A_166 : vector<16xi32>
        %add3A_168 = arith.constant 320 : i32
        %add3A_169 = arith.addi %mul3A_2, %add3A_168 : i32
        %lt3A_170 = vector.broadcast %add3A_169 : i32 to vector<16xi32>
        %lt3A_171 = arith.cmpi slt, %get3A_163, %lt3A_170 : vector<16xi32>
        %and3A_172 = arith.andi %ge3A_167, %lt3A_171 : vector<16xi1>
        %convert_element_type3A_173 = arith.extui %and3A_172 : vector<16xi1> to vector<16xi32>
        %broadcast_in_dim3A_174 = arith.constant true
        %broadcast_in_dim3A_175 = vector.broadcast %broadcast_in_dim3A_174 : i1 to vector<16xi1>
        %masked_cumsum3A_176 = tpu.scan <sum>, %convert_element_type3A_173 masked %broadcast_in_dim3A_175 : vector<16xi32>, vector<16xi1> -> vector<16xi32>
        %add3A_177 = arith.addi %add3A_157, %masked_cumsum3A_176 : vector<16xi32>
        %sub3A_178 = arith.constant 1 : i32
        %sub3A_179 = vector.broadcast %sub3A_178 : i32 to vector<16xi32>
        %sub3A_180 = arith.subi %add3A_177, %sub3A_179 : vector<16xi32>
        %jit3A_181 = arith.constant 160 : i32
        %broadcast_in_dim3A_182 = vector.broadcast %jit3A_181 : i32 to vector<16xi32>
        %select_n3A_183 = arith.select %and3A_172, %sub3A_180, %broadcast_in_dim3A_182 : vector<16xi1>, vector<16xi32>
        tpu.vector_store_idx %arg12[%select_n3A_183], %get3A_165 : memref<176xi32, #tpu.memory_space<vmem>>[vector<16xi32>], vector<16xi32>,
        %sub3A_184 = vector.broadcast %mul3A_2 : i32 to vector<16xi32>
        %sub3A_185 = arith.subi %get3A_163, %sub3A_184 : vector<16xi32>
        tpu.vector_store_idx %arg13[%select_n3A_183], %sub3A_185 : memref<176xi32, #tpu.memory_space<vmem>>[vector<16xi32>], vector<16xi32>,
        %all_reduce_population_count3A_186 = tpu.all_reduce %and3A_172 {dim = 0 : i64, kind = #tpu.reduction_kind<sum>} : vector<16xi1> -> vector<16xi32>
        %add3A_187 = arith.addi %add3A_157, %all_reduce_population_count3A_186 : vector<16xi32>
        %mul3A_188 = arith.constant 64 : i32
        %mul3A_189 = arith.muli %scan3A_129, %mul3A_188 : i32
        %add3A_190 = arith.constant 32 : i32
        %add3A_191 = arith.addi %mul3A_189, %add3A_190 : i32
        %get3A_192 = arith.index_cast %add3A_191 : i32 to index
        %get3A_193 = tpu.vector_load %arg11[%get3A_192] {strides = array<i32>} : memref<1600xi32, #tpu.memory_space<vmem>>, vector<16xi32>,
        %get3A_194 = arith.index_cast %add3A_191 : i32 to index
        %get3A_195 = tpu.vector_load %arg10[%get3A_194] {strides = array<i32>} : memref<1600xi32, #tpu.memory_space<vmem>>, vector<16xi32>,
        %ge3A_196 = vector.broadcast %mul3A_2 : i32 to vector<16xi32>
        %ge3A_197 = arith.cmpi sge, %get3A_193, %ge3A_196 : vector<16xi32>
        %add3A_198 = arith.constant 320 : i32
        %add3A_199 = arith.addi %mul3A_2, %add3A_198 : i32
        %lt3A_200 = vector.broadcast %add3A_199 : i32 to vector<16xi32>
        %lt3A_201 = arith.cmpi slt, %get3A_193, %lt3A_200 : vector<16xi32>
        %and3A_202 = arith.andi %ge3A_197, %lt3A_201 : vector<16xi1>
        %convert_element_type3A_203 = arith.extui %and3A_202 : vector<16xi1> to vector<16xi32>
        %broadcast_in_dim3A_204 = arith.constant true
        %broadcast_in_dim3A_205 = vector.broadcast %broadcast_in_dim3A_204 : i1 to vector<16xi1>
        %masked_cumsum3A_206 = tpu.scan <sum>, %convert_element_type3A_203 masked %broadcast_in_dim3A_205 : vector<16xi32>, vector<16xi1> -> vector<16xi32>
        %add3A_207 = arith.addi %add3A_187, %masked_cumsum3A_206 : vector<16xi32>
        %sub3A_208 = arith.constant 1 : i32
        %sub3A_209 = vector.broadcast %sub3A_208 : i32 to vector<16xi32>
        %sub3A_210 = arith.subi %add3A_207, %sub3A_209 : vector<16xi32>
        %jit3A_211 = arith.constant 160 : i32
        %broadcast_in_dim3A_212 = vector.broadcast %jit3A_211 : i32 to vector<16xi32>
        %select_n3A_213 = arith.select %and3A_202, %sub3A_210, %broadcast_in_dim3A_212 : vector<16xi1>, vector<16xi32>
        tpu.vector_store_idx %arg12[%select_n3A_213], %get3A_195 : memref<176xi32, #tpu.memory_space<vmem>>[vector<16xi32>], vector<16xi32>,
        %sub3A_214 = vector.broadcast %mul3A_2 : i32 to vector<16xi32>
        %sub3A_215 = arith.subi %get3A_193, %sub3A_214 : vector<16xi32>
        tpu.vector_store_idx %arg13[%select_n3A_213], %sub3A_215 : memref<176xi32, #tpu.memory_space<vmem>>[vector<16xi32>], vector<16xi32>,
        %all_reduce_population_count3A_216 = tpu.all_reduce %and3A_202 {dim = 0 : i64, kind = #tpu.reduction_kind<sum>} : vector<16xi1> -> vector<16xi32>
        %add3A_217 = arith.addi %add3A_187, %all_reduce_population_count3A_216 : vector<16xi32>
        %mul3A_218 = arith.constant 64 : i32
        %mul3A_219 = arith.muli %scan3A_129, %mul3A_218 : i32
        %add3A_220 = arith.constant 48 : i32
        %add3A_221 = arith.addi %mul3A_219, %add3A_220 : i32
        %get3A_222 = arith.index_cast %add3A_221 : i32 to index
        %get3A_223 = tpu.vector_load %arg11[%get3A_222] {strides = array<i32>} : memref<1600xi32, #tpu.memory_space<vmem>>, vector<16xi32>,
        %get3A_224 = arith.index_cast %add3A_221 : i32 to index
        %get3A_225 = tpu.vector_load %arg10[%get3A_224] {strides = array<i32>} : memref<1600xi32, #tpu.memory_space<vmem>>, vector<16xi32>,
        %ge3A_226 = vector.broadcast %mul3A_2 : i32 to vector<16xi32>
        %ge3A_227 = arith.cmpi sge, %get3A_223, %ge3A_226 : vector<16xi32>
        %add3A_228 = arith.constant 320 : i32
        %add3A_229 = arith.addi %mul3A_2, %add3A_228 : i32
        %lt3A_230 = vector.broadcast %add3A_229 : i32 to vector<16xi32>
        %lt3A_231 = arith.cmpi slt, %get3A_223, %lt3A_230 : vector<16xi32>
        %and3A_232 = arith.andi %ge3A_227, %lt3A_231 : vector<16xi1>
        %convert_element_type3A_233 = arith.extui %and3A_232 : vector<16xi1> to vector<16xi32>
        %broadcast_in_dim3A_234 = arith.constant true
        %broadcast_in_dim3A_235 = vector.broadcast %broadcast_in_dim3A_234 : i1 to vector<16xi1>
        %masked_cumsum3A_236 = tpu.scan <sum>, %convert_element_type3A_233 masked %broadcast_in_dim3A_235 : vector<16xi32>, vector<16xi1> -> vector<16xi32>
        %add3A_237 = arith.addi %add3A_217, %masked_cumsum3A_236 : vector<16xi32>
        %sub3A_238 = arith.constant 1 : i32
        %sub3A_239 = vector.broadcast %sub3A_238 : i32 to vector<16xi32>
        %sub3A_240 = arith.subi %add3A_237, %sub3A_239 : vector<16xi32>
        %jit3A_241 = arith.constant 160 : i32
        %broadcast_in_dim3A_242 = vector.broadcast %jit3A_241 : i32 to vector<16xi32>
        %select_n3A_243 = arith.select %and3A_232, %sub3A_240, %broadcast_in_dim3A_242 : vector<16xi1>, vector<16xi32>
        tpu.vector_store_idx %arg12[%select_n3A_243], %get3A_225 : memref<176xi32, #tpu.memory_space<vmem>>[vector<16xi32>], vector<16xi32>,
        %sub3A_244 = vector.broadcast %mul3A_2 : i32 to vector<16xi32>
        %sub3A_245 = arith.subi %get3A_223, %sub3A_244 : vector<16xi32>
        tpu.vector_store_idx %arg13[%select_n3A_243], %sub3A_245 : memref<176xi32, #tpu.memory_space<vmem>>[vector<16xi32>], vector<16xi32>,
        %all_reduce_population_count3A_246 = tpu.all_reduce %and3A_232 {dim = 0 : i64, kind = #tpu.reduction_kind<sum>} : vector<16xi1> -> vector<16xi32>
        %add3A_247 = arith.addi %add3A_217, %all_reduce_population_count3A_246 : vector<16xi32>
        %ge3A_248 = arith.constant 64 : i32
        %ge3A_249 = vector.broadcast %ge3A_248 : i32 to vector<16xi32>
        %ge3A_250 = arith.cmpi sge, %add3A_247, %ge3A_249 : vector<16xi32>
        %reduce_or3A = arith.constant 1.000000e+00 : f32
        %reduce_or3A_251 = arith.constant 0.000000e+00 : f32
        %reduce_or3A_252 = vector.broadcast %reduce_or3A : f32 to vector<16xf32>
        %reduce_or3A_253 = vector.broadcast %reduce_or3A_251 : f32 to vector<16xf32>
        %reduce_or3A_254 = arith.select %ge3A_250, %reduce_or3A_252, %reduce_or3A_253 : vector<16xi1>, vector<16xf32>
        %reduce_or3A_255 = arith.constant true
        %reduce_or3A_256 = vector.broadcast %reduce_or3A_255 : i1 to vector<16xi1>
        %reduce_or3A_257 = tpu.scan <max>, %reduce_or3A_254 masked %reduce_or3A_256 : vector<16xf32>, vector<16xi1> -> vector<16xf32>
        %reduce_or3A_258 = vector.extract %reduce_or3A_257[15] : f32 from vector<16xf32>
        %reduce_or3A_259 = arith.constant 0.000000e+00 : f32
        %reduce_or3A_260 = arith.cmpf ogt, %reduce_or3A_258, %reduce_or3A_259 : f32
        %convert_element_type3A_261 = arith.extui %reduce_or3A_260 : i1 to i32
        %cond3A_262 = arith.constant 0 : i32
        %cond3A_263 = arith.cmpi ne, %convert_element_type3A_261, %cond3A_262 : i32
        %cond3A_264:2 = scf.if %cond3A_263 -> (vector<16xi32>, i32) {
          %eq3A_265 = arith.constant 1 : i32
          %eq3A_266 = arith.cmpi eq, %scan3A_131, %eq3A_265 : i32
          %convert_element_type3A_267 = arith.extui %eq3A_266 : i1 to i32
          %cond3A_268 = arith.constant 0 : i32
          %cond3A_269 = arith.cmpi ne, %convert_element_type3A_267, %cond3A_268 : i32
          %cond3A_270:2 = scf.if %cond3A_269 -> (vector<16xi32>, i32) {
            %mul3A_271 = arith.constant 2 : i32
            %mul3A_272 = arith.muli %arg1, %mul3A_271 : i32
            %mul3A_273 = arith.constant 64 : i32
            %mul3A_274 = arith.muli %mul3A_272, %mul3A_273 : i32
            %add3A_275 = arith.constant 64 : i32
            %add3A_276 = arith.addi %mul3A_274, %add3A_275 : i32
            "tpu.region"() ({
              %run_scoped3A = tpu.sem_alloc : memref<!tpu.dma_semaphore, #tpu.memory_space<semaphore_mem>>
              %dma_start3A_333 = arith.constant 0 : i32
              %dma_start3A_334 = tpu.memref_slice %arg13[%dma_start3A_333] : memref<176xi32, #tpu.memory_space<vmem>> -> memref<64xi32, #tpu.memory_space<vmem>>
              %dma_start3A_335 = tpu.memref_slice %arg15[%add3A_276] : memref<2048xi32, #tpu.memory_space<vmem_shared>> -> memref<64xi32, #tpu.memory_space<vmem_shared>>
              %dma_start3A_336 = tpu.memref_slice %arg15[%add3A_276] : memref<2048xi32, #tpu.memory_space<vmem_shared>> -> memref<64xi32, #tpu.memory_space<vmem_shared>>
              %dma_start3A_337 = arith.constant 0 : i32
              %dma_start3A_338 = tpu.memref_slice %arg13[%dma_start3A_337] : memref<176xi32, #tpu.memory_space<vmem>> -> memref<64xi32, #tpu.memory_space<vmem>>
              tpu.enqueue_dma source(%dma_start3A_338 : memref<64xi32, #tpu.memory_space<vmem>>) target(%dma_start3A_336 : memref<64xi32, #tpu.memory_space<vmem_shared>>) target_semaphore(%run_scoped3A : memref<!tpu.dma_semaphore, #tpu.memory_space<semaphore_mem>>)
              %dma_wait3A_339 = arith.constant 0 : i32
              %dma_wait3A_340 = tpu.memref_slice %arg13[%dma_wait3A_339] : memref<176xi32, #tpu.memory_space<vmem>> -> memref<64xi32, #tpu.memory_space<vmem>>
              %dma_wait3A_341 = tpu.memref_slice %arg15[%add3A_276] : memref<2048xi32, #tpu.memory_space<vmem_shared>> -> memref<64xi32, #tpu.memory_space<vmem_shared>>
              %dma_wait3A_342 = tpu.memref_slice %arg15[%add3A_276] : memref<2048xi32, #tpu.memory_space<vmem_shared>> -> memref<64xi32, #tpu.memory_space<vmem_shared>>
              %dma_wait3A_343 = arith.constant 0 : i32
              %dma_wait3A_344 = tpu.memref_slice %arg13[%dma_wait3A_343] : memref<176xi32, #tpu.memory_space<vmem>> -> memref<64xi32, #tpu.memory_space<vmem>>
              tpu.wait_dma2 semaphore(%run_scoped3A : memref<!tpu.dma_semaphore, #tpu.memory_space<semaphore_mem>>) src(%dma_wait3A_344 : memref<64xi32, #tpu.memory_space<vmem>>) dst(%dma_wait3A_342 : memref<64xi32, #tpu.memory_space<vmem_shared>>)
              tpu.yield
            }) : () -> ()
            "tpu.region"() ({
              %run_scoped3A = tpu.sem_alloc : memref<!tpu.dma_semaphore, #tpu.memory_space<semaphore_mem>>
              %dma_start3A_333 = arith.constant 64 : i32
              %dma_start3A_334 = tpu.memref_slice %arg16[%dma_start3A_333] : memref<128xi32, #tpu.memory_space<smem>> -> memref<64xi32, #tpu.memory_space<smem>>
              %dma_start3A_335 = tpu.memref_slice %arg15[%add3A_276] : memref<2048xi32, #tpu.memory_space<vmem_shared>> -> memref<64xi32, #tpu.memory_space<vmem_shared>>
              tpu.enqueue_dma source(%dma_start3A_335 : memref<64xi32, #tpu.memory_space<vmem_shared>>) target(%dma_start3A_334 : memref<64xi32, #tpu.memory_space<smem>>) target_semaphore(%run_scoped3A : memref<!tpu.dma_semaphore, #tpu.memory_space<semaphore_mem>>)
              %dma_wait3A_336 = arith.constant 64 : i32
              %dma_wait3A_337 = tpu.memref_slice %arg16[%dma_wait3A_336] : memref<128xi32, #tpu.memory_space<smem>> -> memref<64xi32, #tpu.memory_space<smem>>
              %dma_wait3A_338 = tpu.memref_slice %arg15[%add3A_276] : memref<2048xi32, #tpu.memory_space<vmem_shared>> -> memref<64xi32, #tpu.memory_space<vmem_shared>>
              tpu.wait_dma2 semaphore(%run_scoped3A : memref<!tpu.dma_semaphore, #tpu.memory_space<semaphore_mem>>) src(%dma_wait3A_338 : memref<64xi32, #tpu.memory_space<vmem_shared>>) dst(%dma_wait3A_337 : memref<64xi32, #tpu.memory_space<smem>>)
              tpu.yield
            }) : () -> ()
            %dma_start3A_277 = arith.constant 64 : i32
            %dma_start3A_278 = arith.constant 0 : i32
            %dma_start3A_279 = tpu.memref_slice %arg14[%dma_start3A_277, %dma_start3A_278] : memref<128x256xf32, #tpu.memory_space<vmem>> -> memref<64x256xf32, #tpu.memory_space<vmem>>
            %dma_start3A_280 = arith.constant 0 : i32
            %dma_start3A_281 = tpu.memref_slice %arg12[%dma_start3A_280] : memref<176xi32, #tpu.memory_space<vmem>> -> memref<64xi32, #tpu.memory_space<vmem>>
            %dma_start3A_282 = arith.constant 0 : i32
            %dma_start3A_283 = arith.constant 0 : i32
            %dma_start3A_284 = tpu.memref_slice %arg2[%dma_start3A_282, %dma_start3A_283] : memref<10000x256xf32, #tpu.memory_space<hbm>> -> memref<10000x256xf32, #tpu.memory_space<hbm>>
            tpu.enqueue_indirect_dma source(%dma_start3A_284 : memref<10000x256xf32, #tpu.memory_space<hbm>>) target(%dma_start3A_279 : memref<64x256xf32, #tpu.memory_space<vmem>>) offsets(%dma_start3A_281 : memref<64xi32, #tpu.memory_space<vmem>>) semaphore(%arg21 : memref<!tpu.dma_semaphore, #tpu.memory_space<semaphore_mem>>)
            %get3A_285 = arith.constant 64 : index
            %get3A_286 = tpu.vector_load %arg12[%get3A_285] {strides = array<i32>} : memref<176xi32, #tpu.memory_space<vmem>>, vector<16xi32>,
            %get3A_287 = arith.constant 64 : index
            %get3A_288 = tpu.vector_load %arg13[%get3A_287] {strides = array<i32>} : memref<176xi32, #tpu.memory_space<vmem>>, vector<16xi32>,
            %swap3A = arith.constant 0 : index
            %swap3A_289 = tpu.vector_load %arg12[%swap3A] {strides = array<i32>} : memref<176xi32, #tpu.memory_space<vmem>>, vector<16xi32>,
            tpu.vector_store %arg12[%swap3A], %get3A_286 {strides = array<i32>} : memref<176xi32, #tpu.memory_space<vmem>>, vector<16xi32>,
            %swap3A_290 = arith.constant 0 : index
            %swap3A_291 = tpu.vector_load %arg13[%swap3A_290] {strides = array<i32>} : memref<176xi32, #tpu.memory_space<vmem>>, vector<16xi32>,
            tpu.vector_store %arg13[%swap3A_290], %get3A_288 {strides = array<i32>} : memref<176xi32, #tpu.memory_space<vmem>>, vector<16xi32>,
            %get3A_292 = arith.constant 80 : index
            %get3A_293 = tpu.vector_load %arg12[%get3A_292] {strides = array<i32>} : memref<176xi32, #tpu.memory_space<vmem>>, vector<16xi32>,
            %get3A_294 = arith.constant 80 : index
            %get3A_295 = tpu.vector_load %arg13[%get3A_294] {strides = array<i32>} : memref<176xi32, #tpu.memory_space<vmem>>, vector<16xi32>,
            %swap3A_296 = arith.constant 16 : index
            %swap3A_297 = tpu.vector_load %arg12[%swap3A_296] {strides = array<i32>} : memref<176xi32, #tpu.memory_space<vmem>>, vector<16xi32>,
            tpu.vector_store %arg12[%swap3A_296], %get3A_293 {strides = array<i32>} : memref<176xi32, #tpu.memory_space<vmem>>, vector<16xi32>,
            %swap3A_298 = arith.constant 16 : index
            %swap3A_299 = tpu.vector_load %arg13[%swap3A_298] {strides = array<i32>} : memref<176xi32, #tpu.memory_space<vmem>>, vector<16xi32>,
            tpu.vector_store %arg13[%swap3A_298], %get3A_295 {strides = array<i32>} : memref<176xi32, #tpu.memory_space<vmem>>, vector<16xi32>,
            %get3A_300 = arith.constant 96 : index
            %get3A_301 = tpu.vector_load %arg12[%get3A_300] {strides = array<i32>} : memref<176xi32, #tpu.memory_space<vmem>>, vector<16xi32>,
            %get3A_302 = arith.constant 96 : index
            %get3A_303 = tpu.vector_load %arg13[%get3A_302] {strides = array<i32>} : memref<176xi32, #tpu.memory_space<vmem>>, vector<16xi32>,
            %swap3A_304 = arith.constant 32 : index
            %swap3A_305 = tpu.vector_load %arg12[%swap3A_304] {strides = array<i32>} : memref<176xi32, #tpu.memory_space<vmem>>, vector<16xi32>,
            tpu.vector_store %arg12[%swap3A_304], %get3A_301 {strides = array<i32>} : memref<176xi32, #tpu.memory_space<vmem>>, vector<16xi32>,
            %swap3A_306 = arith.constant 32 : index
            %swap3A_307 = tpu.vector_load %arg13[%swap3A_306] {strides = array<i32>} : memref<176xi32, #tpu.memory_space<vmem>>, vector<16xi32>,
            tpu.vector_store %arg13[%swap3A_306], %get3A_303 {strides = array<i32>} : memref<176xi32, #tpu.memory_space<vmem>>, vector<16xi32>,
            %get3A_308 = arith.constant 112 : index
            %get3A_309 = tpu.vector_load %arg12[%get3A_308] {strides = array<i32>} : memref<176xi32, #tpu.memory_space<vmem>>, vector<16xi32>,
            %get3A_310 = arith.constant 112 : index
            %get3A_311 = tpu.vector_load %arg13[%get3A_310] {strides = array<i32>} : memref<176xi32, #tpu.memory_space<vmem>>, vector<16xi32>,
            %swap3A_312 = arith.constant 48 : index
            %swap3A_313 = tpu.vector_load %arg12[%swap3A_312] {strides = array<i32>} : memref<176xi32, #tpu.memory_space<vmem>>, vector<16xi32>,
            tpu.vector_store %arg12[%swap3A_312], %get3A_309 {strides = array<i32>} : memref<176xi32, #tpu.memory_space<vmem>>, vector<16xi32>,
            %swap3A_314 = arith.constant 48 : index
            %swap3A_315 = tpu.vector_load %arg13[%swap3A_314] {strides = array<i32>} : memref<176xi32, #tpu.memory_space<vmem>>, vector<16xi32>,
            tpu.vector_store %arg13[%swap3A_314], %get3A_311 {strides = array<i32>} : memref<176xi32, #tpu.memory_space<vmem>>, vector<16xi32>,
            %sub3A_316 = arith.constant 64 : i32
            %sub3A_317 = vector.broadcast %sub3A_316 : i32 to vector<16xi32>
            %sub3A_318 = arith.subi %add3A_247, %sub3A_317 : vector<16xi32>
            %dma_wait3A_319 = arith.constant 0 : i32
            %dma_wait3A_320 = arith.constant 0 : i32
            %dma_wait3A_321 = tpu.memref_slice %arg14[%dma_wait3A_319, %dma_wait3A_320] : memref<128x256xf32, #tpu.memory_space<vmem>> -> memref<64x256xf32, #tpu.memory_space<vmem>>
            %dma_wait3A_322 = arith.constant 0 : i32
            %dma_wait3A_323 = tpu.memref_slice %arg12[%dma_wait3A_322] : memref<176xi32, #tpu.memory_space<vmem>> -> memref<64xi32, #tpu.memory_space<vmem>>
            %dma_wait3A_324 = arith.constant 0 : i32
            %dma_wait3A_325 = arith.constant 0 : i32
            %dma_wait3A_326 = tpu.memref_slice %arg2[%dma_wait3A_324, %dma_wait3A_325] : memref<10000x256xf32, #tpu.memory_space<hbm>> -> memref<10000x256xf32, #tpu.memory_space<hbm>>
            tpu.wait_indirect_dma semaphore(%arg20 : memref<!tpu.dma_semaphore, #tpu.memory_space<semaphore_mem>>) src(%dma_wait3A_326 : memref<10000x256xf32, #tpu.memory_space<hbm>>) dst(%dma_wait3A_321 : memref<64x256xf32, #tpu.memory_space<vmem>>)
            %scan3A_327 = arith.constant 0 : i32
            %scan3A_328 = arith.constant 64 : i32
            %scan3A_329 = arith.addi %scan3A_327, %scan3A_328 : i32
            %scan3A_330 = arith.constant 1 : i32
            scf.for %scan3A_333 = %scan3A_327 to %scan3A_329 step %scan3A_330  : i32 {
              %mul3A_334 = arith.constant 1 : i32
              %mul3A_335 = arith.muli %scan3A_333, %mul3A_334 : i32
              %add3A_336 = arith.constant 0 : i32
              %add3A_337 = arith.addi %add3A_336, %mul3A_335 : i32
              %add3A_338 = arith.constant 0 : i32
              %add3A_339 = arith.addi %add3A_338, %add3A_337 : i32
              %get3A_340 = arith.index_cast %add3A_339 : i32 to index
              %get3A_341 = memref.load %arg16[%get3A_340] : memref<128xi32, #tpu.memory_space<smem>>
              %mul3A_342 = arith.constant 256 : i32
              %mul3A_343 = arith.muli %get3A_341, %mul3A_342 : i32
              %add3A_344 = arith.constant 0 : i32
              %add3A_345 = arith.addi %mul3A_343, %add3A_344 : i32
              %add3A_346 = arith.constant 0 : i32
              %add3A_347 = arith.addi %add3A_346, %add3A_337 : i32
              %get3A_348 = arith.index_cast %add3A_347 : i32 to index
              %get3A_349 = arith.constant 0 : index
              %get3A_350 = tpu.vector_load %arg14[%get3A_348, %get3A_349] {strides = array<i32>} : memref<128x256xf32, #tpu.memory_space<vmem>>, vector<16xf32>,
              %swap3A_351 = arith.index_cast %add3A_345 : i32 to index
              %swap3A_352 = tpu.vector_load %arg7[%swap3A_351] {strides = array<i32>} : memref<83968xf32, #tpu.memory_space<vmem>>, vector<16xf32>,
              tpu.vector_store %arg7[%swap3A_351], %get3A_350 {add = true, strides = array<i32>} : memref<83968xf32, #tpu.memory_space<vmem>>, vector<16xf32>,
              %add3A_353 = arith.constant 16 : i32
              %add3A_354 = arith.addi %mul3A_343, %add3A_353 : i32
              %add3A_355 = arith.constant 0 : i32
              %add3A_356 = arith.addi %add3A_355, %add3A_337 : i32
              %get3A_357 = arith.index_cast %add3A_356 : i32 to index
              %get3A_358 = arith.constant 16 : index
              %get3A_359 = tpu.vector_load %arg14[%get3A_357, %get3A_358] {strides = array<i32>} : memref<128x256xf32, #tpu.memory_space<vmem>>, vector<16xf32>,
              %swap3A_360 = arith.index_cast %add3A_354 : i32 to index
              %swap3A_361 = tpu.vector_load %arg7[%swap3A_360] {strides = array<i32>} : memref<83968xf32, #tpu.memory_space<vmem>>, vector<16xf32>,
              tpu.vector_store %arg7[%swap3A_360], %get3A_359 {add = true, strides = array<i32>} : memref<83968xf32, #tpu.memory_space<vmem>>, vector<16xf32>,
              %add3A_362 = arith.constant 32 : i32
              %add3A_363 = arith.addi %mul3A_343, %add3A_362 : i32
              %add3A_364 = arith.constant 0 : i32
              %add3A_365 = arith.addi %add3A_364, %add3A_337 : i32
              %get3A_366 = arith.index_cast %add3A_365 : i32 to index
              %get3A_367 = arith.constant 32 : index
              %get3A_368 = tpu.vector_load %arg14[%get3A_366, %get3A_367] {strides = array<i32>} : memref<128x256xf32, #tpu.memory_space<vmem>>, vector<16xf32>,
              %swap3A_369 = arith.index_cast %add3A_363 : i32 to index
              %swap3A_370 = tpu.vector_load %arg7[%swap3A_369] {strides = array<i32>} : memref<83968xf32, #tpu.memory_space<vmem>>, vector<16xf32>,
              tpu.vector_store %arg7[%swap3A_369], %get3A_368 {add = true, strides = array<i32>} : memref<83968xf32, #tpu.memory_space<vmem>>, vector<16xf32>,
              %add3A_371 = arith.constant 48 : i32
              %add3A_372 = arith.addi %mul3A_343, %add3A_371 : i32
              %add3A_373 = arith.constant 0 : i32
              %add3A_374 = arith.addi %add3A_373, %add3A_337 : i32
              %get3A_375 = arith.index_cast %add3A_374 : i32 to index
              %get3A_376 = arith.constant 48 : index
              %get3A_377 = tpu.vector_load %arg14[%get3A_375, %get3A_376] {strides = array<i32>} : memref<128x256xf32, #tpu.memory_space<vmem>>, vector<16xf32>,
              %swap3A_378 = arith.index_cast %add3A_372 : i32 to index
              %swap3A_379 = tpu.vector_load %arg7[%swap3A_378] {strides = array<i32>} : memref<83968xf32, #tpu.memory_space<vmem>>, vector<16xf32>,
              tpu.vector_store %arg7[%swap3A_378], %get3A_377 {add = true, strides = array<i32>} : memref<83968xf32, #tpu.memory_space<vmem>>, vector<16xf32>,
              %add3A_380 = arith.constant 64 : i32
              %add3A_381 = arith.addi %mul3A_343, %add3A_380 : i32
              %add3A_382 = arith.constant 0 : i32
              %add3A_383 = arith.addi %add3A_382, %add3A_337 : i32
              %get3A_384 = arith.index_cast %add3A_383 : i32 to index
              %get3A_385 = arith.constant 64 : index
              %get3A_386 = tpu.vector_load %arg14[%get3A_384, %get3A_385] {strides = array<i32>} : memref<128x256xf32, #tpu.memory_space<vmem>>, vector<16xf32>,
              %swap3A_387 = arith.index_cast %add3A_381 : i32 to index
              %swap3A_388 = tpu.vector_load %arg7[%swap3A_387] {strides = array<i32>} : memref<83968xf32, #tpu.memory_space<vmem>>, vector<16xf32>,
              tpu.vector_store %arg7[%swap3A_387], %get3A_386 {add = true, strides = array<i32>} : memref<83968xf32, #tpu.memory_space<vmem>>, vector<16xf32>,
              %add3A_389 = arith.constant 80 : i32
              %add3A_390 = arith.addi %mul3A_343, %add3A_389 : i32
              %add3A_391 = arith.constant 0 : i32
              %add3A_392 = arith.addi %add3A_391, %add3A_337 : i32
              %get3A_393 = arith.index_cast %add3A_392 : i32 to index
              %get3A_394 = arith.constant 80 : index
              %get3A_395 = tpu.vector_load %arg14[%get3A_393, %get3A_394] {strides = array<i32>} : memref<128x256xf32, #tpu.memory_space<vmem>>, vector<16xf32>,
              %swap3A_396 = arith.index_cast %add3A_390 : i32 to index
              %swap3A_397 = tpu.vector_load %arg7[%swap3A_396] {strides = array<i32>} : memref<83968xf32, #tpu.memory_space<vmem>>, vector<16xf32>,
              tpu.vector_store %arg7[%swap3A_396], %get3A_395 {add = true, strides = array<i32>} : memref<83968xf32, #tpu.memory_space<vmem>>, vector<16xf32>,
              %add3A_398 = arith.constant 96 : i32
              %add3A_399 = arith.addi %mul3A_343, %add3A_398 : i32
              %add3A_400 = arith.constant 0 : i32
              %add3A_401 = arith.addi %add3A_400, %add3A_337 : i32
              %get3A_402 = arith.index_cast %add3A_401 : i32 to index
              %get3A_403 = arith.constant 96 : index
              %get3A_404 = tpu.vector_load %arg14[%get3A_402, %get3A_403] {strides = array<i32>} : memref<128x256xf32, #tpu.memory_space<vmem>>, vector<16xf32>,
              %swap3A_405 = arith.index_cast %add3A_399 : i32 to index
              %swap3A_406 = tpu.vector_load %arg7[%swap3A_405] {strides = array<i32>} : memref<83968xf32, #tpu.memory_space<vmem>>, vector<16xf32>,
              tpu.vector_store %arg7[%swap3A_405], %get3A_404 {add = true, strides = array<i32>} : memref<83968xf32, #tpu.memory_space<vmem>>, vector<16xf32>,
              %add3A_407 = arith.constant 112 : i32
              %add3A_408 = arith.addi %mul3A_343, %add3A_407 : i32
              %add3A_409 = arith.constant 0 : i32
              %add3A_410 = arith.addi %add3A_409, %add3A_337 : i32
              %get3A_411 = arith.index_cast %add3A_410 : i32 to index
              %get3A_412 = arith.constant 112 : index
              %get3A_413 = tpu.vector_load %arg14[%get3A_411, %get3A_412] {strides = array<i32>} : memref<128x256xf32, #tpu.memory_space<vmem>>, vector<16xf32>,
              %swap3A_414 = arith.index_cast %add3A_408 : i32 to index
              %swap3A_415 = tpu.vector_load %arg7[%swap3A_414] {strides = array<i32>} : memref<83968xf32, #tpu.memory_space<vmem>>, vector<16xf32>,
              tpu.vector_store %arg7[%swap3A_414], %get3A_413 {add = true, strides = array<i32>} : memref<83968xf32, #tpu.memory_space<vmem>>, vector<16xf32>,
              %add3A_416 = arith.constant 128 : i32
              %add3A_417 = arith.addi %mul3A_343, %add3A_416 : i32
              %add3A_418 = arith.constant 0 : i32
              %add3A_419 = arith.addi %add3A_418, %add3A_337 : i32
              %get3A_420 = arith.index_cast %add3A_419 : i32 to index
              %get3A_421 = arith.constant 128 : index
              %get3A_422 = tpu.vector_load %arg14[%get3A_420, %get3A_421] {strides = array<i32>} : memref<128x256xf32, #tpu.memory_space<vmem>>, vector<16xf32>,
              %swap3A_423 = arith.index_cast %add3A_417 : i32 to index
              %swap3A_424 = tpu.vector_load %arg7[%swap3A_423] {strides = array<i32>} : memref<83968xf32, #tpu.memory_space<vmem>>, vector<16xf32>,
              tpu.vector_store %arg7[%swap3A_423], %get3A_422 {add = true, strides = array<i32>} : memref<83968xf32, #tpu.memory_space<vmem>>, vector<16xf32>,
              %add3A_425 = arith.constant 144 : i32
              %add3A_426 = arith.addi %mul3A_343, %add3A_425 : i32
              %add3A_427 = arith.constant 0 : i32
              %add3A_428 = arith.addi %add3A_427, %add3A_337 : i32
              %get3A_429 = arith.index_cast %add3A_428 : i32 to index
              %get3A_430 = arith.constant 144 : index
              %get3A_431 = tpu.vector_load %arg14[%get3A_429, %get3A_430] {strides = array<i32>} : memref<128x256xf32, #tpu.memory_space<vmem>>, vector<16xf32>,
              %swap3A_432 = arith.index_cast %add3A_426 : i32 to index
              %swap3A_433 = tpu.vector_load %arg7[%swap3A_432] {strides = array<i32>} : memref<83968xf32, #tpu.memory_space<vmem>>, vector<16xf32>,
              tpu.vector_store %arg7[%swap3A_432], %get3A_431 {add = true, strides = array<i32>} : memref<83968xf32, #tpu.memory_space<vmem>>, vector<16xf32>,
              %add3A_434 = arith.constant 160 : i32
              %add3A_435 = arith.addi %mul3A_343, %add3A_434 : i32
              %add3A_436 = arith.constant 0 : i32
              %add3A_437 = arith.addi %add3A_436, %add3A_337 : i32
              %get3A_438 = arith.index_cast %add3A_437 : i32 to index
              %get3A_439 = arith.constant 160 : index
              %get3A_440 = tpu.vector_load %arg14[%get3A_438, %get3A_439] {strides = array<i32>} : memref<128x256xf32, #tpu.memory_space<vmem>>, vector<16xf32>,
              %swap3A_441 = arith.index_cast %add3A_435 : i32 to index
              %swap3A_442 = tpu.vector_load %arg7[%swap3A_441] {strides = array<i32>} : memref<83968xf32, #tpu.memory_space<vmem>>, vector<16xf32>,
              tpu.vector_store %arg7[%swap3A_441], %get3A_440 {add = true, strides = array<i32>} : memref<83968xf32, #tpu.memory_space<vmem>>, vector<16xf32>,
              %add3A_443 = arith.constant 176 : i32
              %add3A_444 = arith.addi %mul3A_343, %add3A_443 : i32
              %add3A_445 = arith.constant 0 : i32
              %add3A_446 = arith.addi %add3A_445, %add3A_337 : i32
              %get3A_447 = arith.index_cast %add3A_446 : i32 to index
              %get3A_448 = arith.constant 176 : index
              %get3A_449 = tpu.vector_load %arg14[%get3A_447, %get3A_448] {strides = array<i32>} : memref<128x256xf32, #tpu.memory_space<vmem>>, vector<16xf32>,
              %swap3A_450 = arith.index_cast %add3A_444 : i32 to index
              %swap3A_451 = tpu.vector_load %arg7[%swap3A_450] {strides = array<i32>} : memref<83968xf32, #tpu.memory_space<vmem>>, vector<16xf32>,
              tpu.vector_store %arg7[%swap3A_450], %get3A_449 {add = true, strides = array<i32>} : memref<83968xf32, #tpu.memory_space<vmem>>, vector<16xf32>,
              %add3A_452 = arith.constant 192 : i32
              %add3A_453 = arith.addi %mul3A_343, %add3A_452 : i32
              %add3A_454 = arith.constant 0 : i32
              %add3A_455 = arith.addi %add3A_454, %add3A_337 : i32
              %get3A_456 = arith.index_cast %add3A_455 : i32 to index
              %get3A_457 = arith.constant 192 : index
              %get3A_458 = tpu.vector_load %arg14[%get3A_456, %get3A_457] {strides = array<i32>} : memref<128x256xf32, #tpu.memory_space<vmem>>, vector<16xf32>,
              %swap3A_459 = arith.index_cast %add3A_453 : i32 to index
              %swap3A_460 = tpu.vector_load %arg7[%swap3A_459] {strides = array<i32>} : memref<83968xf32, #tpu.memory_space<vmem>>, vector<16xf32>,
              tpu.vector_store %arg7[%swap3A_459], %get3A_458 {add = true, strides = array<i32>} : memref<83968xf32, #tpu.memory_space<vmem>>, vector<16xf32>,
              %add3A_461 = arith.constant 208 : i32
              %add3A_462 = arith.addi %mul3A_343, %add3A_461 : i32
              %add3A_463 = arith.constant 0 : i32
              %add3A_464 = arith.addi %add3A_463, %add3A_337 : i32
              %get3A_465 = arith.index_cast %add3A_464 : i32 to index
              %get3A_466 = arith.constant 208 : index
              %get3A_467 = tpu.vector_load %arg14[%get3A_465, %get3A_466] {strides = array<i32>} : memref<128x256xf32, #tpu.memory_space<vmem>>, vector<16xf32>,
              %swap3A_468 = arith.index_cast %add3A_462 : i32 to index
              %swap3A_469 = tpu.vector_load %arg7[%swap3A_468] {strides = array<i32>} : memref<83968xf32, #tpu.memory_space<vmem>>, vector<16xf32>,
              tpu.vector_store %arg7[%swap3A_468], %get3A_467 {add = true, strides = array<i32>} : memref<83968xf32, #tpu.memory_space<vmem>>, vector<16xf32>,
              %add3A_470 = arith.constant 224 : i32
              %add3A_471 = arith.addi %mul3A_343, %add3A_470 : i32
              %add3A_472 = arith.constant 0 : i32
              %add3A_473 = arith.addi %add3A_472, %add3A_337 : i32
              %get3A_474 = arith.index_cast %add3A_473 : i32 to index
              %get3A_475 = arith.constant 224 : index
              %get3A_476 = tpu.vector_load %arg14[%get3A_474, %get3A_475] {strides = array<i32>} : memref<128x256xf32, #tpu.memory_space<vmem>>, vector<16xf32>,
              %swap3A_477 = arith.index_cast %add3A_471 : i32 to index
              %swap3A_478 = tpu.vector_load %arg7[%swap3A_477] {strides = array<i32>} : memref<83968xf32, #tpu.memory_space<vmem>>, vector<16xf32>,
              tpu.vector_store %arg7[%swap3A_477], %get3A_476 {add = true, strides = array<i32>} : memref<83968xf32, #tpu.memory_space<vmem>>, vector<16xf32>,
              %add3A_479 = arith.constant 240 : i32
              %add3A_480 = arith.addi %mul3A_343, %add3A_479 : i32
              %add3A_481 = arith.constant 0 : i32
              %add3A_482 = arith.addi %add3A_481, %add3A_337 : i32
              %get3A_483 = arith.index_cast %add3A_482 : i32 to index
              %get3A_484 = arith.constant 240 : index
              %get3A_485 = tpu.vector_load %arg14[%get3A_483, %get3A_484] {strides = array<i32>} : memref<128x256xf32, #tpu.memory_space<vmem>>, vector<16xf32>,
              %swap3A_486 = arith.index_cast %add3A_480 : i32 to index
              %swap3A_487 = tpu.vector_load %arg7[%swap3A_486] {strides = array<i32>} : memref<83968xf32, #tpu.memory_space<vmem>>, vector<16xf32>,
              tpu.vector_store %arg7[%swap3A_486], %get3A_485 {add = true, strides = array<i32>} : memref<83968xf32, #tpu.memory_space<vmem>>, vector<16xf32>,
            }
            %scan3A_331 = arith.constant 64 : i32
            %cond3A_332 = arith.constant 2 : i32
            scf.yield %sub3A_318, %cond3A_332 : vector<16xi32>, i32
          } else {
            %mul3A_271 = arith.constant 2 : i32
            %mul3A_272 = arith.muli %arg1, %mul3A_271 : i32
            %mul3A_273 = arith.constant 64 : i32
            %mul3A_274 = arith.muli %mul3A_272, %mul3A_273 : i32
            %add3A_275 = arith.constant 0 : i32
            %add3A_276 = arith.addi %mul3A_274, %add3A_275 : i32
            "tpu.region"() ({
              %run_scoped3A = tpu.sem_alloc : memref<!tpu.dma_semaphore, #tpu.memory_space<semaphore_mem>>
              %dma_start3A_325 = arith.constant 0 : i32
              %dma_start3A_326 = tpu.memref_slice %arg13[%dma_start3A_325] : memref<176xi32, #tpu.memory_space<vmem>> -> memref<64xi32, #tpu.memory_space<vmem>>
              %dma_start3A_327 = tpu.memref_slice %arg15[%add3A_276] : memref<2048xi32, #tpu.memory_space<vmem_shared>> -> memref<64xi32, #tpu.memory_space<vmem_shared>>
              %dma_start3A_328 = tpu.memref_slice %arg15[%add3A_276] : memref<2048xi32, #tpu.memory_space<vmem_shared>> -> memref<64xi32, #tpu.memory_space<vmem_shared>>
              %dma_start3A_329 = arith.constant 0 : i32
              %dma_start3A_330 = tpu.memref_slice %arg13[%dma_start3A_329] : memref<176xi32, #tpu.memory_space<vmem>> -> memref<64xi32, #tpu.memory_space<vmem>>
              tpu.enqueue_dma source(%dma_start3A_330 : memref<64xi32, #tpu.memory_space<vmem>>) target(%dma_start3A_328 : memref<64xi32, #tpu.memory_space<vmem_shared>>) target_semaphore(%run_scoped3A : memref<!tpu.dma_semaphore, #tpu.memory_space<semaphore_mem>>)
              %dma_wait3A_331 = arith.constant 0 : i32
              %dma_wait3A_332 = tpu.memref_slice %arg13[%dma_wait3A_331] : memref<176xi32, #tpu.memory_space<vmem>> -> memref<64xi32, #tpu.memory_space<vmem>>
              %dma_wait3A_333 = tpu.memref_slice %arg15[%add3A_276] : memref<2048xi32, #tpu.memory_space<vmem_shared>> -> memref<64xi32, #tpu.memory_space<vmem_shared>>
              %dma_wait3A_334 = tpu.memref_slice %arg15[%add3A_276] : memref<2048xi32, #tpu.memory_space<vmem_shared>> -> memref<64xi32, #tpu.memory_space<vmem_shared>>
              %dma_wait3A_335 = arith.constant 0 : i32
              %dma_wait3A_336 = tpu.memref_slice %arg13[%dma_wait3A_335] : memref<176xi32, #tpu.memory_space<vmem>> -> memref<64xi32, #tpu.memory_space<vmem>>
              tpu.wait_dma2 semaphore(%run_scoped3A : memref<!tpu.dma_semaphore, #tpu.memory_space<semaphore_mem>>) src(%dma_wait3A_336 : memref<64xi32, #tpu.memory_space<vmem>>) dst(%dma_wait3A_334 : memref<64xi32, #tpu.memory_space<vmem_shared>>)
              tpu.yield
            }) : () -> ()
            "tpu.region"() ({
              %run_scoped3A = tpu.sem_alloc : memref<!tpu.dma_semaphore, #tpu.memory_space<semaphore_mem>>
              %dma_start3A_325 = arith.constant 0 : i32
              %dma_start3A_326 = tpu.memref_slice %arg16[%dma_start3A_325] : memref<128xi32, #tpu.memory_space<smem>> -> memref<64xi32, #tpu.memory_space<smem>>
              %dma_start3A_327 = tpu.memref_slice %arg15[%add3A_276] : memref<2048xi32, #tpu.memory_space<vmem_shared>> -> memref<64xi32, #tpu.memory_space<vmem_shared>>
              tpu.enqueue_dma source(%dma_start3A_327 : memref<64xi32, #tpu.memory_space<vmem_shared>>) target(%dma_start3A_326 : memref<64xi32, #tpu.memory_space<smem>>) target_semaphore(%run_scoped3A : memref<!tpu.dma_semaphore, #tpu.memory_space<semaphore_mem>>)
              %dma_wait3A_328 = arith.constant 0 : i32
              %dma_wait3A_329 = tpu.memref_slice %arg16[%dma_wait3A_328] : memref<128xi32, #tpu.memory_space<smem>> -> memref<64xi32, #tpu.memory_space<smem>>
              %dma_wait3A_330 = tpu.memref_slice %arg15[%add3A_276] : memref<2048xi32, #tpu.memory_space<vmem_shared>> -> memref<64xi32, #tpu.memory_space<vmem_shared>>
              tpu.wait_dma2 semaphore(%run_scoped3A : memref<!tpu.dma_semaphore, #tpu.memory_space<semaphore_mem>>) src(%dma_wait3A_330 : memref<64xi32, #tpu.memory_space<vmem_shared>>) dst(%dma_wait3A_329 : memref<64xi32, #tpu.memory_space<smem>>)
              tpu.yield
            }) : () -> ()
            %dma_start3A_277 = arith.constant 0 : i32
            %dma_start3A_278 = arith.constant 0 : i32
            %dma_start3A_279 = tpu.memref_slice %arg14[%dma_start3A_277, %dma_start3A_278] : memref<128x256xf32, #tpu.memory_space<vmem>> -> memref<64x256xf32, #tpu.memory_space<vmem>>
            %dma_start3A_280 = arith.constant 0 : i32
            %dma_start3A_281 = tpu.memref_slice %arg12[%dma_start3A_280] : memref<176xi32, #tpu.memory_space<vmem>> -> memref<64xi32, #tpu.memory_space<vmem>>
            %dma_start3A_282 = arith.constant 0 : i32
            %dma_start3A_283 = arith.constant 0 : i32
            %dma_start3A_284 = tpu.memref_slice %arg2[%dma_start3A_282, %dma_start3A_283] : memref<10000x256xf32, #tpu.memory_space<hbm>> -> memref<10000x256xf32, #tpu.memory_space<hbm>>
            tpu.enqueue_indirect_dma source(%dma_start3A_284 : memref<10000x256xf32, #tpu.memory_space<hbm>>) target(%dma_start3A_279 : memref<64x256xf32, #tpu.memory_space<vmem>>) offsets(%dma_start3A_281 : memref<64xi32, #tpu.memory_space<vmem>>) semaphore(%arg20 : memref<!tpu.dma_semaphore, #tpu.memory_space<semaphore_mem>>)
            %get3A_285 = arith.constant 64 : index
            %get3A_286 = tpu.vector_load %arg12[%get3A_285] {strides = array<i32>} : memref<176xi32, #tpu.memory_space<vmem>>, vector<16xi32>,
            %get3A_287 = arith.constant 64 : index
            %get3A_288 = tpu.vector_load %arg13[%get3A_287] {strides = array<i32>} : memref<176xi32, #tpu.memory_space<vmem>>, vector<16xi32>,
            %swap3A = arith.constant 0 : index
            %swap3A_289 = tpu.vector_load %arg12[%swap3A] {strides = array<i32>} : memref<176xi32, #tpu.memory_space<vmem>>, vector<16xi32>,
            tpu.vector_store %arg12[%swap3A], %get3A_286 {strides = array<i32>} : memref<176xi32, #tpu.memory_space<vmem>>, vector<16xi32>,
            %swap3A_290 = arith.constant 0 : index
            %swap3A_291 = tpu.vector_load %arg13[%swap3A_290] {strides = array<i32>} : memref<176xi32, #tpu.memory_space<vmem>>, vector<16xi32>,
            tpu.vector_store %arg13[%swap3A_290], %get3A_288 {strides = array<i32>} : memref<176xi32, #tpu.memory_space<vmem>>, vector<16xi32>,
            %get3A_292 = arith.constant 80 : index
            %get3A_293 = tpu.vector_load %arg12[%get3A_292] {strides = array<i32>} : memref<176xi32, #tpu.memory_space<vmem>>, vector<16xi32>,
            %get3A_294 = arith.constant 80 : index
            %get3A_295 = tpu.vector_load %arg13[%get3A_294] {strides = array<i32>} : memref<176xi32, #tpu.memory_space<vmem>>, vector<16xi32>,
            %swap3A_296 = arith.constant 16 : index
            %swap3A_297 = tpu.vector_load %arg12[%swap3A_296] {strides = array<i32>} : memref<176xi32, #tpu.memory_space<vmem>>, vector<16xi32>,
            tpu.vector_store %arg12[%swap3A_296], %get3A_293 {strides = array<i32>} : memref<176xi32, #tpu.memory_space<vmem>>, vector<16xi32>,
            %swap3A_298 = arith.constant 16 : index
            %swap3A_299 = tpu.vector_load %arg13[%swap3A_298] {strides = array<i32>} : memref<176xi32, #tpu.memory_space<vmem>>, vector<16xi32>,
            tpu.vector_store %arg13[%swap3A_298], %get3A_295 {strides = array<i32>} : memref<176xi32, #tpu.memory_space<vmem>>, vector<16xi32>,
            %get3A_300 = arith.constant 96 : index
            %get3A_301 = tpu.vector_load %arg12[%get3A_300] {strides = array<i32>} : memref<176xi32, #tpu.memory_space<vmem>>, vector<16xi32>,
            %get3A_302 = arith.constant 96 : index
            %get3A_303 = tpu.vector_load %arg13[%get3A_302] {strides = array<i32>} : memref<176xi32, #tpu.memory_space<vmem>>, vector<16xi32>,
            %swap3A_304 = arith.constant 32 : index
            %swap3A_305 = tpu.vector_load %arg12[%swap3A_304] {strides = array<i32>} : memref<176xi32, #tpu.memory_space<vmem>>, vector<16xi32>,
            tpu.vector_store %arg12[%swap3A_304], %get3A_301 {strides = array<i32>} : memref<176xi32, #tpu.memory_space<vmem>>, vector<16xi32>,
            %swap3A_306 = arith.constant 32 : index
            %swap3A_307 = tpu.vector_load %arg13[%swap3A_306] {strides = array<i32>} : memref<176xi32, #tpu.memory_space<vmem>>, vector<16xi32>,
            tpu.vector_store %arg13[%swap3A_306], %get3A_303 {strides = array<i32>} : memref<176xi32, #tpu.memory_space<vmem>>, vector<16xi32>,
            %get3A_308 = arith.constant 112 : index
            %get3A_309 = tpu.vector_load %arg12[%get3A_308] {strides = array<i32>} : memref<176xi32, #tpu.memory_space<vmem>>, vector<16xi32>,
            %get3A_310 = arith.constant 112 : index
            %get3A_311 = tpu.vector_load %arg13[%get3A_310] {strides = array<i32>} : memref<176xi32, #tpu.memory_space<vmem>>, vector<16xi32>,
            %swap3A_312 = arith.constant 48 : index
            %swap3A_313 = tpu.vector_load %arg12[%swap3A_312] {strides = array<i32>} : memref<176xi32, #tpu.memory_space<vmem>>, vector<16xi32>,
            tpu.vector_store %arg12[%swap3A_312], %get3A_309 {strides = array<i32>} : memref<176xi32, #tpu.memory_space<vmem>>, vector<16xi32>,
            %swap3A_314 = arith.constant 48 : index
            %swap3A_315 = tpu.vector_load %arg13[%swap3A_314] {strides = array<i32>} : memref<176xi32, #tpu.memory_space<vmem>>, vector<16xi32>,
            tpu.vector_store %arg13[%swap3A_314], %get3A_311 {strides = array<i32>} : memref<176xi32, #tpu.memory_space<vmem>>, vector<16xi32>,
            %sub3A_316 = arith.constant 64 : i32
            %sub3A_317 = vector.broadcast %sub3A_316 : i32 to vector<16xi32>
            %sub3A_318 = arith.subi %add3A_247, %sub3A_317 : vector<16xi32>
            %eq3A_319 = arith.constant 2 : i32
            %eq3A_320 = arith.cmpi eq, %scan3A_131, %eq3A_319 : i32
            %convert_element_type3A_321 = arith.extui %eq3A_320 : i1 to i32
            %cond3A_322 = arith.constant 0 : i32
            %cond3A_323 = arith.cmpi ne, %convert_element_type3A_321, %cond3A_322 : i32
            scf.if %cond3A_323 {
              %dma_wait3A_325 = arith.constant 64 : i32
              %dma_wait3A_326 = arith.constant 0 : i32
              %dma_wait3A_327 = tpu.memref_slice %arg14[%dma_wait3A_325, %dma_wait3A_326] : memref<128x256xf32, #tpu.memory_space<vmem>> -> memref<64x256xf32, #tpu.memory_space<vmem>>
              %dma_wait3A_328 = arith.constant 0 : i32
              %dma_wait3A_329 = tpu.memref_slice %arg12[%dma_wait3A_328] : memref<176xi32, #tpu.memory_space<vmem>> -> memref<64xi32, #tpu.memory_space<vmem>>
              %dma_wait3A_330 = arith.constant 0 : i32
              %dma_wait3A_331 = arith.constant 0 : i32
              %dma_wait3A_332 = tpu.memref_slice %arg2[%dma_wait3A_330, %dma_wait3A_331] : memref<10000x256xf32, #tpu.memory_space<hbm>> -> memref<10000x256xf32, #tpu.memory_space<hbm>>
              tpu.wait_indirect_dma semaphore(%arg21 : memref<!tpu.dma_semaphore, #tpu.memory_space<semaphore_mem>>) src(%dma_wait3A_332 : memref<10000x256xf32, #tpu.memory_space<hbm>>) dst(%dma_wait3A_327 : memref<64x256xf32, #tpu.memory_space<vmem>>)
              %scan3A_333 = arith.constant 0 : i32
              %scan3A_334 = arith.constant 64 : i32
              %scan3A_335 = arith.addi %scan3A_333, %scan3A_334 : i32
              %scan3A_336 = arith.constant 1 : i32
              scf.for %scan3A_338 = %scan3A_333 to %scan3A_335 step %scan3A_336  : i32 {
                %mul3A_339 = arith.constant 1 : i32
                %mul3A_340 = arith.muli %scan3A_338, %mul3A_339 : i32
                %add3A_341 = arith.constant 0 : i32
                %add3A_342 = arith.addi %add3A_341, %mul3A_340 : i32
                %add3A_343 = arith.constant 64 : i32
                %add3A_344 = arith.addi %add3A_343, %add3A_342 : i32
                %get3A_345 = arith.index_cast %add3A_344 : i32 to index
                %get3A_346 = memref.load %arg16[%get3A_345] : memref<128xi32, #tpu.memory_space<smem>>
                %mul3A_347 = arith.constant 256 : i32
                %mul3A_348 = arith.muli %get3A_346, %mul3A_347 : i32
                %add3A_349 = arith.constant 0 : i32
                %add3A_350 = arith.addi %mul3A_348, %add3A_349 : i32
                %add3A_351 = arith.constant 64 : i32
                %add3A_352 = arith.addi %add3A_351, %add3A_342 : i32
                %get3A_353 = arith.index_cast %add3A_352 : i32 to index
                %get3A_354 = arith.constant 0 : index
                %get3A_355 = tpu.vector_load %arg14[%get3A_353, %get3A_354] {strides = array<i32>} : memref<128x256xf32, #tpu.memory_space<vmem>>, vector<16xf32>,
                %swap3A_356 = arith.index_cast %add3A_350 : i32 to index
                %swap3A_357 = tpu.vector_load %arg7[%swap3A_356] {strides = array<i32>} : memref<83968xf32, #tpu.memory_space<vmem>>, vector<16xf32>,
                tpu.vector_store %arg7[%swap3A_356], %get3A_355 {add = true, strides = array<i32>} : memref<83968xf32, #tpu.memory_space<vmem>>, vector<16xf32>,
                %add3A_358 = arith.constant 16 : i32
                %add3A_359 = arith.addi %mul3A_348, %add3A_358 : i32
                %add3A_360 = arith.constant 64 : i32
                %add3A_361 = arith.addi %add3A_360, %add3A_342 : i32
                %get3A_362 = arith.index_cast %add3A_361 : i32 to index
                %get3A_363 = arith.constant 16 : index
                %get3A_364 = tpu.vector_load %arg14[%get3A_362, %get3A_363] {strides = array<i32>} : memref<128x256xf32, #tpu.memory_space<vmem>>, vector<16xf32>,
                %swap3A_365 = arith.index_cast %add3A_359 : i32 to index
                %swap3A_366 = tpu.vector_load %arg7[%swap3A_365] {strides = array<i32>} : memref<83968xf32, #tpu.memory_space<vmem>>, vector<16xf32>,
                tpu.vector_store %arg7[%swap3A_365], %get3A_364 {add = true, strides = array<i32>} : memref<83968xf32, #tpu.memory_space<vmem>>, vector<16xf32>,
                %add3A_367 = arith.constant 32 : i32
                %add3A_368 = arith.addi %mul3A_348, %add3A_367 : i32
                %add3A_369 = arith.constant 64 : i32
                %add3A_370 = arith.addi %add3A_369, %add3A_342 : i32
                %get3A_371 = arith.index_cast %add3A_370 : i32 to index
                %get3A_372 = arith.constant 32 : index
                %get3A_373 = tpu.vector_load %arg14[%get3A_371, %get3A_372] {strides = array<i32>} : memref<128x256xf32, #tpu.memory_space<vmem>>, vector<16xf32>,
                %swap3A_374 = arith.index_cast %add3A_368 : i32 to index
                %swap3A_375 = tpu.vector_load %arg7[%swap3A_374] {strides = array<i32>} : memref<83968xf32, #tpu.memory_space<vmem>>, vector<16xf32>,
                tpu.vector_store %arg7[%swap3A_374], %get3A_373 {add = true, strides = array<i32>} : memref<83968xf32, #tpu.memory_space<vmem>>, vector<16xf32>,
                %add3A_376 = arith.constant 48 : i32
                %add3A_377 = arith.addi %mul3A_348, %add3A_376 : i32
                %add3A_378 = arith.constant 64 : i32
                %add3A_379 = arith.addi %add3A_378, %add3A_342 : i32
                %get3A_380 = arith.index_cast %add3A_379 : i32 to index
                %get3A_381 = arith.constant 48 : index
                %get3A_382 = tpu.vector_load %arg14[%get3A_380, %get3A_381] {strides = array<i32>} : memref<128x256xf32, #tpu.memory_space<vmem>>, vector<16xf32>,
                %swap3A_383 = arith.index_cast %add3A_377 : i32 to index
                %swap3A_384 = tpu.vector_load %arg7[%swap3A_383] {strides = array<i32>} : memref<83968xf32, #tpu.memory_space<vmem>>, vector<16xf32>,
                tpu.vector_store %arg7[%swap3A_383], %get3A_382 {add = true, strides = array<i32>} : memref<83968xf32, #tpu.memory_space<vmem>>, vector<16xf32>,
                %add3A_385 = arith.constant 64 : i32
                %add3A_386 = arith.addi %mul3A_348, %add3A_385 : i32
                %add3A_387 = arith.constant 64 : i32
                %add3A_388 = arith.addi %add3A_387, %add3A_342 : i32
                %get3A_389 = arith.index_cast %add3A_388 : i32 to index
                %get3A_390 = arith.constant 64 : index
                %get3A_391 = tpu.vector_load %arg14[%get3A_389, %get3A_390] {strides = array<i32>} : memref<128x256xf32, #tpu.memory_space<vmem>>, vector<16xf32>,
                %swap3A_392 = arith.index_cast %add3A_386 : i32 to index
                %swap3A_393 = tpu.vector_load %arg7[%swap3A_392] {strides = array<i32>} : memref<83968xf32, #tpu.memory_space<vmem>>, vector<16xf32>,
                tpu.vector_store %arg7[%swap3A_392], %get3A_391 {add = true, strides = array<i32>} : memref<83968xf32, #tpu.memory_space<vmem>>, vector<16xf32>,
                %add3A_394 = arith.constant 80 : i32
                %add3A_395 = arith.addi %mul3A_348, %add3A_394 : i32
                %add3A_396 = arith.constant 64 : i32
                %add3A_397 = arith.addi %add3A_396, %add3A_342 : i32
                %get3A_398 = arith.index_cast %add3A_397 : i32 to index
                %get3A_399 = arith.constant 80 : index
                %get3A_400 = tpu.vector_load %arg14[%get3A_398, %get3A_399] {strides = array<i32>} : memref<128x256xf32, #tpu.memory_space<vmem>>, vector<16xf32>,
                %swap3A_401 = arith.index_cast %add3A_395 : i32 to index
                %swap3A_402 = tpu.vector_load %arg7[%swap3A_401] {strides = array<i32>} : memref<83968xf32, #tpu.memory_space<vmem>>, vector<16xf32>,
                tpu.vector_store %arg7[%swap3A_401], %get3A_400 {add = true, strides = array<i32>} : memref<83968xf32, #tpu.memory_space<vmem>>, vector<16xf32>,
                %add3A_403 = arith.constant 96 : i32
                %add3A_404 = arith.addi %mul3A_348, %add3A_403 : i32
                %add3A_405 = arith.constant 64 : i32
                %add3A_406 = arith.addi %add3A_405, %add3A_342 : i32
                %get3A_407 = arith.index_cast %add3A_406 : i32 to index
                %get3A_408 = arith.constant 96 : index
                %get3A_409 = tpu.vector_load %arg14[%get3A_407, %get3A_408] {strides = array<i32>} : memref<128x256xf32, #tpu.memory_space<vmem>>, vector<16xf32>,
                %swap3A_410 = arith.index_cast %add3A_404 : i32 to index
                %swap3A_411 = tpu.vector_load %arg7[%swap3A_410] {strides = array<i32>} : memref<83968xf32, #tpu.memory_space<vmem>>, vector<16xf32>,
                tpu.vector_store %arg7[%swap3A_410], %get3A_409 {add = true, strides = array<i32>} : memref<83968xf32, #tpu.memory_space<vmem>>, vector<16xf32>,
                %add3A_412 = arith.constant 112 : i32
                %add3A_413 = arith.addi %mul3A_348, %add3A_412 : i32
                %add3A_414 = arith.constant 64 : i32
                %add3A_415 = arith.addi %add3A_414, %add3A_342 : i32
                %get3A_416 = arith.index_cast %add3A_415 : i32 to index
                %get3A_417 = arith.constant 112 : index
                %get3A_418 = tpu.vector_load %arg14[%get3A_416, %get3A_417] {strides = array<i32>} : memref<128x256xf32, #tpu.memory_space<vmem>>, vector<16xf32>,
                %swap3A_419 = arith.index_cast %add3A_413 : i32 to index
                %swap3A_420 = tpu.vector_load %arg7[%swap3A_419] {strides = array<i32>} : memref<83968xf32, #tpu.memory_space<vmem>>, vector<16xf32>,
                tpu.vector_store %arg7[%swap3A_419], %get3A_418 {add = true, strides = array<i32>} : memref<83968xf32, #tpu.memory_space<vmem>>, vector<16xf32>,
                %add3A_421 = arith.constant 128 : i32
                %add3A_422 = arith.addi %mul3A_348, %add3A_421 : i32
                %add3A_423 = arith.constant 64 : i32
                %add3A_424 = arith.addi %add3A_423, %add3A_342 : i32
                %get3A_425 = arith.index_cast %add3A_424 : i32 to index
                %get3A_426 = arith.constant 128 : index
                %get3A_427 = tpu.vector_load %arg14[%get3A_425, %get3A_426] {strides = array<i32>} : memref<128x256xf32, #tpu.memory_space<vmem>>, vector<16xf32>,
                %swap3A_428 = arith.index_cast %add3A_422 : i32 to index
                %swap3A_429 = tpu.vector_load %arg7[%swap3A_428] {strides = array<i32>} : memref<83968xf32, #tpu.memory_space<vmem>>, vector<16xf32>,
                tpu.vector_store %arg7[%swap3A_428], %get3A_427 {add = true, strides = array<i32>} : memref<83968xf32, #tpu.memory_space<vmem>>, vector<16xf32>,
                %add3A_430 = arith.constant 144 : i32
                %add3A_431 = arith.addi %mul3A_348, %add3A_430 : i32
                %add3A_432 = arith.constant 64 : i32
                %add3A_433 = arith.addi %add3A_432, %add3A_342 : i32
                %get3A_434 = arith.index_cast %add3A_433 : i32 to index
                %get3A_435 = arith.constant 144 : index
                %get3A_436 = tpu.vector_load %arg14[%get3A_434, %get3A_435] {strides = array<i32>} : memref<128x256xf32, #tpu.memory_space<vmem>>, vector<16xf32>,
                %swap3A_437 = arith.index_cast %add3A_431 : i32 to index
                %swap3A_438 = tpu.vector_load %arg7[%swap3A_437] {strides = array<i32>} : memref<83968xf32, #tpu.memory_space<vmem>>, vector<16xf32>,
                tpu.vector_store %arg7[%swap3A_437], %get3A_436 {add = true, strides = array<i32>} : memref<83968xf32, #tpu.memory_space<vmem>>, vector<16xf32>,
                %add3A_439 = arith.constant 160 : i32
                %add3A_440 = arith.addi %mul3A_348, %add3A_439 : i32
                %add3A_441 = arith.constant 64 : i32
                %add3A_442 = arith.addi %add3A_441, %add3A_342 : i32
                %get3A_443 = arith.index_cast %add3A_442 : i32 to index
                %get3A_444 = arith.constant 160 : index
                %get3A_445 = tpu.vector_load %arg14[%get3A_443, %get3A_444] {strides = array<i32>} : memref<128x256xf32, #tpu.memory_space<vmem>>, vector<16xf32>,
                %swap3A_446 = arith.index_cast %add3A_440 : i32 to index
                %swap3A_447 = tpu.vector_load %arg7[%swap3A_446] {strides = array<i32>} : memref<83968xf32, #tpu.memory_space<vmem>>, vector<16xf32>,
                tpu.vector_store %arg7[%swap3A_446], %get3A_445 {add = true, strides = array<i32>} : memref<83968xf32, #tpu.memory_space<vmem>>, vector<16xf32>,
                %add3A_448 = arith.constant 176 : i32
                %add3A_449 = arith.addi %mul3A_348, %add3A_448 : i32
                %add3A_450 = arith.constant 64 : i32
                %add3A_451 = arith.addi %add3A_450, %add3A_342 : i32
                %get3A_452 = arith.index_cast %add3A_451 : i32 to index
                %get3A_453 = arith.constant 176 : index
                %get3A_454 = tpu.vector_load %arg14[%get3A_452, %get3A_453] {strides = array<i32>} : memref<128x256xf32, #tpu.memory_space<vmem>>, vector<16xf32>,
                %swap3A_455 = arith.index_cast %add3A_449 : i32 to index
                %swap3A_456 = tpu.vector_load %arg7[%swap3A_455] {strides = array<i32>} : memref<83968xf32, #tpu.memory_space<vmem>>, vector<16xf32>,
                tpu.vector_store %arg7[%swap3A_455], %get3A_454 {add = true, strides = array<i32>} : memref<83968xf32, #tpu.memory_space<vmem>>, vector<16xf32>,
                %add3A_457 = arith.constant 192 : i32
                %add3A_458 = arith.addi %mul3A_348, %add3A_457 : i32
                %add3A_459 = arith.constant 64 : i32
                %add3A_460 = arith.addi %add3A_459, %add3A_342 : i32
                %get3A_461 = arith.index_cast %add3A_460 : i32 to index
                %get3A_462 = arith.constant 192 : index
                %get3A_463 = tpu.vector_load %arg14[%get3A_461, %get3A_462] {strides = array<i32>} : memref<128x256xf32, #tpu.memory_space<vmem>>, vector<16xf32>,
                %swap3A_464 = arith.index_cast %add3A_458 : i32 to index
                %swap3A_465 = tpu.vector_load %arg7[%swap3A_464] {strides = array<i32>} : memref<83968xf32, #tpu.memory_space<vmem>>, vector<16xf32>,
                tpu.vector_store %arg7[%swap3A_464], %get3A_463 {add = true, strides = array<i32>} : memref<83968xf32, #tpu.memory_space<vmem>>, vector<16xf32>,
                %add3A_466 = arith.constant 208 : i32
                %add3A_467 = arith.addi %mul3A_348, %add3A_466 : i32
                %add3A_468 = arith.constant 64 : i32
                %add3A_469 = arith.addi %add3A_468, %add3A_342 : i32
                %get3A_470 = arith.index_cast %add3A_469 : i32 to index
                %get3A_471 = arith.constant 208 : index
                %get3A_472 = tpu.vector_load %arg14[%get3A_470, %get3A_471] {strides = array<i32>} : memref<128x256xf32, #tpu.memory_space<vmem>>, vector<16xf32>,
                %swap3A_473 = arith.index_cast %add3A_467 : i32 to index
                %swap3A_474 = tpu.vector_load %arg7[%swap3A_473] {strides = array<i32>} : memref<83968xf32, #tpu.memory_space<vmem>>, vector<16xf32>,
                tpu.vector_store %arg7[%swap3A_473], %get3A_472 {add = true, strides = array<i32>} : memref<83968xf32, #tpu.memory_space<vmem>>, vector<16xf32>,
                %add3A_475 = arith.constant 224 : i32
                %add3A_476 = arith.addi %mul3A_348, %add3A_475 : i32
                %add3A_477 = arith.constant 64 : i32
                %add3A_478 = arith.addi %add3A_477, %add3A_342 : i32
                %get3A_479 = arith.index_cast %add3A_478 : i32 to index
                %get3A_480 = arith.constant 224 : index
                %get3A_481 = tpu.vector_load %arg14[%get3A_479, %get3A_480] {strides = array<i32>} : memref<128x256xf32, #tpu.memory_space<vmem>>, vector<16xf32>,
                %swap3A_482 = arith.index_cast %add3A_476 : i32 to index
                %swap3A_483 = tpu.vector_load %arg7[%swap3A_482] {strides = array<i32>} : memref<83968xf32, #tpu.memory_space<vmem>>, vector<16xf32>,
                tpu.vector_store %arg7[%swap3A_482], %get3A_481 {add = true, strides = array<i32>} : memref<83968xf32, #tpu.memory_space<vmem>>, vector<16xf32>,
                %add3A_484 = arith.constant 240 : i32
                %add3A_485 = arith.addi %mul3A_348, %add3A_484 : i32
                %add3A_486 = arith.constant 64 : i32
                %add3A_487 = arith.addi %add3A_486, %add3A_342 : i32
                %get3A_488 = arith.index_cast %add3A_487 : i32 to index
                %get3A_489 = arith.constant 240 : index
                %get3A_490 = tpu.vector_load %arg14[%get3A_488, %get3A_489] {strides = array<i32>} : memref<128x256xf32, #tpu.memory_space<vmem>>, vector<16xf32>,
                %swap3A_491 = arith.index_cast %add3A_485 : i32 to index
                %swap3A_492 = tpu.vector_load %arg7[%swap3A_491] {strides = array<i32>} : memref<83968xf32, #tpu.memory_space<vmem>>, vector<16xf32>,
                tpu.vector_store %arg7[%swap3A_491], %get3A_490 {add = true, strides = array<i32>} : memref<83968xf32, #tpu.memory_space<vmem>>, vector<16xf32>,
              }
              %scan3A_337 = arith.constant 64 : i32
            } else {
            }
            %cond3A_324 = arith.constant 1 : i32
            scf.yield %sub3A_318, %cond3A_324 : vector<16xi32>, i32
          }
          scf.yield %cond3A_270#0, %cond3A_270#1 : vector<16xi32>, i32
        } else {
          scf.yield %add3A_247, %scan3A_131 : vector<16xi32>, i32
        }
        scf.yield %cond3A_264#0, %cond3A_264#1 : vector<16xi32>, i32
      }
      %scan3A_128 = arith.constant 25 : i32
      scf.yield %scan3A_127#0, %scan3A_127#1 : vector<16xi32>, i32
    }
    %scan3A_16 = arith.constant 50 : i32
    %reduce_max3A = arith.constant true
    %reduce_max3A_17 = vector.broadcast %reduce_max3A : i1 to vector<16xi1>
    %reduce_max3A_18 = arith.constant -2147483648 : i32
    %reduce_max3A_19 = vector.broadcast %reduce_max3A_18 : i32 to vector<16xi32>
    %reduce_max3A_20 = arith.xori %scan3A_15#0, %reduce_max3A_19 : vector<16xi32>
    %reduce_max3A_21 = tpu.scan <max>, %reduce_max3A_20 masked %reduce_max3A_17 : vector<16xi32>, vector<16xi1> -> vector<16xi32>
    %reduce_max3A_22 = arith.xori %reduce_max3A_21, %reduce_max3A_19 : vector<16xi32>
    %reduce_max3A_23 = vector.extract %reduce_max3A_22[15] : i32 from vector<16xi32>
    %eq3A = arith.constant 1 : i32
    %eq3A_24 = arith.cmpi eq, %scan3A_15#1, %eq3A : i32
    %convert_element_type3A = arith.extui %eq3A_24 : i1 to i32
    %cond3A = arith.constant 0 : i32
    %cond3A_25 = arith.cmpi ne, %convert_element_type3A, %cond3A : i32
    scf.if %cond3A_25 {
      %dma_wait3A = arith.constant 0 : i32
      %dma_wait3A_84 = arith.constant 0 : i32
      %dma_wait3A_85 = tpu.memref_slice %arg14[%dma_wait3A, %dma_wait3A_84] : memref<128x256xf32, #tpu.memory_space<vmem>> -> memref<64x256xf32, #tpu.memory_space<vmem>>
      %dma_wait3A_86 = arith.constant 0 : i32
      %dma_wait3A_87 = tpu.memref_slice %arg12[%dma_wait3A_86] : memref<176xi32, #tpu.memory_space<vmem>> -> memref<64xi32, #tpu.memory_space<vmem>>
      %dma_wait3A_88 = arith.constant 0 : i32
      %dma_wait3A_89 = arith.constant 0 : i32
      %dma_wait3A_90 = tpu.memref_slice %arg2[%dma_wait3A_88, %dma_wait3A_89] : memref<10000x256xf32, #tpu.memory_space<hbm>> -> memref<10000x256xf32, #tpu.memory_space<hbm>>
      tpu.wait_indirect_dma semaphore(%arg20 : memref<!tpu.dma_semaphore, #tpu.memory_space<semaphore_mem>>) src(%dma_wait3A_90 : memref<10000x256xf32, #tpu.memory_space<hbm>>) dst(%dma_wait3A_85 : memref<64x256xf32, #tpu.memory_space<vmem>>)
      %scan3A_91 = arith.constant 0 : i32
      %scan3A_92 = arith.constant 64 : i32
      %scan3A_93 = arith.addi %scan3A_91, %scan3A_92 : i32
      %scan3A_94 = arith.constant 1 : i32
      scf.for %scan3A_96 = %scan3A_91 to %scan3A_93 step %scan3A_94  : i32 {
        %mul3A_97 = arith.constant 1 : i32
        %mul3A_98 = arith.muli %scan3A_96, %mul3A_97 : i32
        %add3A_99 = arith.constant 0 : i32
        %add3A_100 = arith.addi %add3A_99, %mul3A_98 : i32
        %add3A_101 = arith.constant 0 : i32
        %add3A_102 = arith.addi %add3A_101, %add3A_100 : i32
        %get3A = arith.index_cast %add3A_102 : i32 to index
        %get3A_103 = memref.load %arg16[%get3A] : memref<128xi32, #tpu.memory_space<smem>>
        %mul3A_104 = arith.constant 256 : i32
        %mul3A_105 = arith.muli %get3A_103, %mul3A_104 : i32
        %add3A_106 = arith.constant 0 : i32
        %add3A_107 = arith.addi %mul3A_105, %add3A_106 : i32
        %add3A_108 = arith.constant 0 : i32
        %add3A_109 = arith.addi %add3A_108, %add3A_100 : i32
        %get3A_110 = arith.index_cast %add3A_109 : i32 to index
        %get3A_111 = arith.constant 0 : index
        %get3A_112 = tpu.vector_load %arg14[%get3A_110, %get3A_111] {strides = array<i32>} : memref<128x256xf32, #tpu.memory_space<vmem>>, vector<16xf32>,
        %swap3A = arith.index_cast %add3A_107 : i32 to index
        %swap3A_113 = tpu.vector_load %arg7[%swap3A] {strides = array<i32>} : memref<83968xf32, #tpu.memory_space<vmem>>, vector<16xf32>,
        tpu.vector_store %arg7[%swap3A], %get3A_112 {add = true, strides = array<i32>} : memref<83968xf32, #tpu.memory_space<vmem>>, vector<16xf32>,
        %add3A_114 = arith.constant 16 : i32
        %add3A_115 = arith.addi %mul3A_105, %add3A_114 : i32
        %add3A_116 = arith.constant 0 : i32
        %add3A_117 = arith.addi %add3A_116, %add3A_100 : i32
        %get3A_118 = arith.index_cast %add3A_117 : i32 to index
        %get3A_119 = arith.constant 16 : index
        %get3A_120 = tpu.vector_load %arg14[%get3A_118, %get3A_119] {strides = array<i32>} : memref<128x256xf32, #tpu.memory_space<vmem>>, vector<16xf32>,
        %swap3A_121 = arith.index_cast %add3A_115 : i32 to index
        %swap3A_122 = tpu.vector_load %arg7[%swap3A_121] {strides = array<i32>} : memref<83968xf32, #tpu.memory_space<vmem>>, vector<16xf32>,
        tpu.vector_store %arg7[%swap3A_121], %get3A_120 {add = true, strides = array<i32>} : memref<83968xf32, #tpu.memory_space<vmem>>, vector<16xf32>,
        %add3A_123 = arith.constant 32 : i32
        %add3A_124 = arith.addi %mul3A_105, %add3A_123 : i32
        %add3A_125 = arith.constant 0 : i32
        %add3A_126 = arith.addi %add3A_125, %add3A_100 : i32
        %get3A_127 = arith.index_cast %add3A_126 : i32 to index
        %get3A_128 = arith.constant 32 : index
        %get3A_129 = tpu.vector_load %arg14[%get3A_127, %get3A_128] {strides = array<i32>} : memref<128x256xf32, #tpu.memory_space<vmem>>, vector<16xf32>,
        %swap3A_130 = arith.index_cast %add3A_124 : i32 to index
        %swap3A_131 = tpu.vector_load %arg7[%swap3A_130] {strides = array<i32>} : memref<83968xf32, #tpu.memory_space<vmem>>, vector<16xf32>,
        tpu.vector_store %arg7[%swap3A_130], %get3A_129 {add = true, strides = array<i32>} : memref<83968xf32, #tpu.memory_space<vmem>>, vector<16xf32>,
        %add3A_132 = arith.constant 48 : i32
        %add3A_133 = arith.addi %mul3A_105, %add3A_132 : i32
        %add3A_134 = arith.constant 0 : i32
        %add3A_135 = arith.addi %add3A_134, %add3A_100 : i32
        %get3A_136 = arith.index_cast %add3A_135 : i32 to index
        %get3A_137 = arith.constant 48 : index
        %get3A_138 = tpu.vector_load %arg14[%get3A_136, %get3A_137] {strides = array<i32>} : memref<128x256xf32, #tpu.memory_space<vmem>>, vector<16xf32>,
        %swap3A_139 = arith.index_cast %add3A_133 : i32 to index
        %swap3A_140 = tpu.vector_load %arg7[%swap3A_139] {strides = array<i32>} : memref<83968xf32, #tpu.memory_space<vmem>>, vector<16xf32>,
        tpu.vector_store %arg7[%swap3A_139], %get3A_138 {add = true, strides = array<i32>} : memref<83968xf32, #tpu.memory_space<vmem>>, vector<16xf32>,
        %add3A_141 = arith.constant 64 : i32
        %add3A_142 = arith.addi %mul3A_105, %add3A_141 : i32
        %add3A_143 = arith.constant 0 : i32
        %add3A_144 = arith.addi %add3A_143, %add3A_100 : i32
        %get3A_145 = arith.index_cast %add3A_144 : i32 to index
        %get3A_146 = arith.constant 64 : index
        %get3A_147 = tpu.vector_load %arg14[%get3A_145, %get3A_146] {strides = array<i32>} : memref<128x256xf32, #tpu.memory_space<vmem>>, vector<16xf32>,
        %swap3A_148 = arith.index_cast %add3A_142 : i32 to index
        %swap3A_149 = tpu.vector_load %arg7[%swap3A_148] {strides = array<i32>} : memref<83968xf32, #tpu.memory_space<vmem>>, vector<16xf32>,
        tpu.vector_store %arg7[%swap3A_148], %get3A_147 {add = true, strides = array<i32>} : memref<83968xf32, #tpu.memory_space<vmem>>, vector<16xf32>,
        %add3A_150 = arith.constant 80 : i32
        %add3A_151 = arith.addi %mul3A_105, %add3A_150 : i32
        %add3A_152 = arith.constant 0 : i32
        %add3A_153 = arith.addi %add3A_152, %add3A_100 : i32
        %get3A_154 = arith.index_cast %add3A_153 : i32 to index
        %get3A_155 = arith.constant 80 : index
        %get3A_156 = tpu.vector_load %arg14[%get3A_154, %get3A_155] {strides = array<i32>} : memref<128x256xf32, #tpu.memory_space<vmem>>, vector<16xf32>,
        %swap3A_157 = arith.index_cast %add3A_151 : i32 to index
        %swap3A_158 = tpu.vector_load %arg7[%swap3A_157] {strides = array<i32>} : memref<83968xf32, #tpu.memory_space<vmem>>, vector<16xf32>,
        tpu.vector_store %arg7[%swap3A_157], %get3A_156 {add = true, strides = array<i32>} : memref<83968xf32, #tpu.memory_space<vmem>>, vector<16xf32>,
        %add3A_159 = arith.constant 96 : i32
        %add3A_160 = arith.addi %mul3A_105, %add3A_159 : i32
        %add3A_161 = arith.constant 0 : i32
        %add3A_162 = arith.addi %add3A_161, %add3A_100 : i32
        %get3A_163 = arith.index_cast %add3A_162 : i32 to index
        %get3A_164 = arith.constant 96 : index
        %get3A_165 = tpu.vector_load %arg14[%get3A_163, %get3A_164] {strides = array<i32>} : memref<128x256xf32, #tpu.memory_space<vmem>>, vector<16xf32>,
        %swap3A_166 = arith.index_cast %add3A_160 : i32 to index
        %swap3A_167 = tpu.vector_load %arg7[%swap3A_166] {strides = array<i32>} : memref<83968xf32, #tpu.memory_space<vmem>>, vector<16xf32>,
        tpu.vector_store %arg7[%swap3A_166], %get3A_165 {add = true, strides = array<i32>} : memref<83968xf32, #tpu.memory_space<vmem>>, vector<16xf32>,
        %add3A_168 = arith.constant 112 : i32
        %add3A_169 = arith.addi %mul3A_105, %add3A_168 : i32
        %add3A_170 = arith.constant 0 : i32
        %add3A_171 = arith.addi %add3A_170, %add3A_100 : i32
        %get3A_172 = arith.index_cast %add3A_171 : i32 to index
        %get3A_173 = arith.constant 112 : index
        %get3A_174 = tpu.vector_load %arg14[%get3A_172, %get3A_173] {strides = array<i32>} : memref<128x256xf32, #tpu.memory_space<vmem>>, vector<16xf32>,
        %swap3A_175 = arith.index_cast %add3A_169 : i32 to index
        %swap3A_176 = tpu.vector_load %arg7[%swap3A_175] {strides = array<i32>} : memref<83968xf32, #tpu.memory_space<vmem>>, vector<16xf32>,
        tpu.vector_store %arg7[%swap3A_175], %get3A_174 {add = true, strides = array<i32>} : memref<83968xf32, #tpu.memory_space<vmem>>, vector<16xf32>,
        %add3A_177 = arith.constant 128 : i32
        %add3A_178 = arith.addi %mul3A_105, %add3A_177 : i32
        %add3A_179 = arith.constant 0 : i32
        %add3A_180 = arith.addi %add3A_179, %add3A_100 : i32
        %get3A_181 = arith.index_cast %add3A_180 : i32 to index
        %get3A_182 = arith.constant 128 : index
        %get3A_183 = tpu.vector_load %arg14[%get3A_181, %get3A_182] {strides = array<i32>} : memref<128x256xf32, #tpu.memory_space<vmem>>, vector<16xf32>,
        %swap3A_184 = arith.index_cast %add3A_178 : i32 to index
        %swap3A_185 = tpu.vector_load %arg7[%swap3A_184] {strides = array<i32>} : memref<83968xf32, #tpu.memory_space<vmem>>, vector<16xf32>,
        tpu.vector_store %arg7[%swap3A_184], %get3A_183 {add = true, strides = array<i32>} : memref<83968xf32, #tpu.memory_space<vmem>>, vector<16xf32>,
        %add3A_186 = arith.constant 144 : i32
        %add3A_187 = arith.addi %mul3A_105, %add3A_186 : i32
        %add3A_188 = arith.constant 0 : i32
        %add3A_189 = arith.addi %add3A_188, %add3A_100 : i32
        %get3A_190 = arith.index_cast %add3A_189 : i32 to index
        %get3A_191 = arith.constant 144 : index
        %get3A_192 = tpu.vector_load %arg14[%get3A_190, %get3A_191] {strides = array<i32>} : memref<128x256xf32, #tpu.memory_space<vmem>>, vector<16xf32>,
        %swap3A_193 = arith.index_cast %add3A_187 : i32 to index
        %swap3A_194 = tpu.vector_load %arg7[%swap3A_193] {strides = array<i32>} : memref<83968xf32, #tpu.memory_space<vmem>>, vector<16xf32>,
        tpu.vector_store %arg7[%swap3A_193], %get3A_192 {add = true, strides = array<i32>} : memref<83968xf32, #tpu.memory_space<vmem>>, vector<16xf32>,
        %add3A_195 = arith.constant 160 : i32
        %add3A_196 = arith.addi %mul3A_105, %add3A_195 : i32
        %add3A_197 = arith.constant 0 : i32
        %add3A_198 = arith.addi %add3A_197, %add3A_100 : i32
        %get3A_199 = arith.index_cast %add3A_198 : i32 to index
        %get3A_200 = arith.constant 160 : index
        %get3A_201 = tpu.vector_load %arg14[%get3A_199, %get3A_200] {strides = array<i32>} : memref<128x256xf32, #tpu.memory_space<vmem>>, vector<16xf32>,
        %swap3A_202 = arith.index_cast %add3A_196 : i32 to index
        %swap3A_203 = tpu.vector_load %arg7[%swap3A_202] {strides = array<i32>} : memref<83968xf32, #tpu.memory_space<vmem>>, vector<16xf32>,
        tpu.vector_store %arg7[%swap3A_202], %get3A_201 {add = true, strides = array<i32>} : memref<83968xf32, #tpu.memory_space<vmem>>, vector<16xf32>,
        %add3A_204 = arith.constant 176 : i32
        %add3A_205 = arith.addi %mul3A_105, %add3A_204 : i32
        %add3A_206 = arith.constant 0 : i32
        %add3A_207 = arith.addi %add3A_206, %add3A_100 : i32
        %get3A_208 = arith.index_cast %add3A_207 : i32 to index
        %get3A_209 = arith.constant 176 : index
        %get3A_210 = tpu.vector_load %arg14[%get3A_208, %get3A_209] {strides = array<i32>} : memref<128x256xf32, #tpu.memory_space<vmem>>, vector<16xf32>,
        %swap3A_211 = arith.index_cast %add3A_205 : i32 to index
        %swap3A_212 = tpu.vector_load %arg7[%swap3A_211] {strides = array<i32>} : memref<83968xf32, #tpu.memory_space<vmem>>, vector<16xf32>,
        tpu.vector_store %arg7[%swap3A_211], %get3A_210 {add = true, strides = array<i32>} : memref<83968xf32, #tpu.memory_space<vmem>>, vector<16xf32>,
        %add3A_213 = arith.constant 192 : i32
        %add3A_214 = arith.addi %mul3A_105, %add3A_213 : i32
        %add3A_215 = arith.constant 0 : i32
        %add3A_216 = arith.addi %add3A_215, %add3A_100 : i32
        %get3A_217 = arith.index_cast %add3A_216 : i32 to index
        %get3A_218 = arith.constant 192 : index
        %get3A_219 = tpu.vector_load %arg14[%get3A_217, %get3A_218] {strides = array<i32>} : memref<128x256xf32, #tpu.memory_space<vmem>>, vector<16xf32>,
        %swap3A_220 = arith.index_cast %add3A_214 : i32 to index
        %swap3A_221 = tpu.vector_load %arg7[%swap3A_220] {strides = array<i32>} : memref<83968xf32, #tpu.memory_space<vmem>>, vector<16xf32>,
        tpu.vector_store %arg7[%swap3A_220], %get3A_219 {add = true, strides = array<i32>} : memref<83968xf32, #tpu.memory_space<vmem>>, vector<16xf32>,
        %add3A_222 = arith.constant 208 : i32
        %add3A_223 = arith.addi %mul3A_105, %add3A_222 : i32
        %add3A_224 = arith.constant 0 : i32
        %add3A_225 = arith.addi %add3A_224, %add3A_100 : i32
        %get3A_226 = arith.index_cast %add3A_225 : i32 to index
        %get3A_227 = arith.constant 208 : index
        %get3A_228 = tpu.vector_load %arg14[%get3A_226, %get3A_227] {strides = array<i32>} : memref<128x256xf32, #tpu.memory_space<vmem>>, vector<16xf32>,
        %swap3A_229 = arith.index_cast %add3A_223 : i32 to index
        %swap3A_230 = tpu.vector_load %arg7[%swap3A_229] {strides = array<i32>} : memref<83968xf32, #tpu.memory_space<vmem>>, vector<16xf32>,
        tpu.vector_store %arg7[%swap3A_229], %get3A_228 {add = true, strides = array<i32>} : memref<83968xf32, #tpu.memory_space<vmem>>, vector<16xf32>,
        %add3A_231 = arith.constant 224 : i32
        %add3A_232 = arith.addi %mul3A_105, %add3A_231 : i32
        %add3A_233 = arith.constant 0 : i32
        %add3A_234 = arith.addi %add3A_233, %add3A_100 : i32
        %get3A_235 = arith.index_cast %add3A_234 : i32 to index
        %get3A_236 = arith.constant 224 : index
        %get3A_237 = tpu.vector_load %arg14[%get3A_235, %get3A_236] {strides = array<i32>} : memref<128x256xf32, #tpu.memory_space<vmem>>, vector<16xf32>,
        %swap3A_238 = arith.index_cast %add3A_232 : i32 to index
        %swap3A_239 = tpu.vector_load %arg7[%swap3A_238] {strides = array<i32>} : memref<83968xf32, #tpu.memory_space<vmem>>, vector<16xf32>,
        tpu.vector_store %arg7[%swap3A_238], %get3A_237 {add = true, strides = array<i32>} : memref<83968xf32, #tpu.memory_space<vmem>>, vector<16xf32>,
        %add3A_240 = arith.constant 240 : i32
        %add3A_241 = arith.addi %mul3A_105, %add3A_240 : i32
        %add3A_242 = arith.constant 0 : i32
        %add3A_243 = arith.addi %add3A_242, %add3A_100 : i32
        %get3A_244 = arith.index_cast %add3A_243 : i32 to index
        %get3A_245 = arith.constant 240 : index
        %get3A_246 = tpu.vector_load %arg14[%get3A_244, %get3A_245] {strides = array<i32>} : memref<128x256xf32, #tpu.memory_space<vmem>>, vector<16xf32>,
        %swap3A_247 = arith.index_cast %add3A_241 : i32 to index
        %swap3A_248 = tpu.vector_load %arg7[%swap3A_247] {strides = array<i32>} : memref<83968xf32, #tpu.memory_space<vmem>>, vector<16xf32>,
        tpu.vector_store %arg7[%swap3A_247], %get3A_246 {add = true, strides = array<i32>} : memref<83968xf32, #tpu.memory_space<vmem>>, vector<16xf32>,
      }
      %scan3A_95 = arith.constant 64 : i32
    } else {
    }
    %eq3A_26 = arith.constant 2 : i32
    %eq3A_27 = arith.cmpi eq, %scan3A_15#1, %eq3A_26 : i32
    %convert_element_type3A_28 = arith.extui %eq3A_27 : i1 to i32
    %cond3A_29 = arith.constant 0 : i32
    %cond3A_30 = arith.cmpi ne, %convert_element_type3A_28, %cond3A_29 : i32
    scf.if %cond3A_30 {
      %dma_wait3A = arith.constant 64 : i32
      %dma_wait3A_84 = arith.constant 0 : i32
      %dma_wait3A_85 = tpu.memref_slice %arg14[%dma_wait3A, %dma_wait3A_84] : memref<128x256xf32, #tpu.memory_space<vmem>> -> memref<64x256xf32, #tpu.memory_space<vmem>>
      %dma_wait3A_86 = arith.constant 0 : i32
      %dma_wait3A_87 = tpu.memref_slice %arg12[%dma_wait3A_86] : memref<176xi32, #tpu.memory_space<vmem>> -> memref<64xi32, #tpu.memory_space<vmem>>
      %dma_wait3A_88 = arith.constant 0 : i32
      %dma_wait3A_89 = arith.constant 0 : i32
      %dma_wait3A_90 = tpu.memref_slice %arg2[%dma_wait3A_88, %dma_wait3A_89] : memref<10000x256xf32, #tpu.memory_space<hbm>> -> memref<10000x256xf32, #tpu.memory_space<hbm>>
      tpu.wait_indirect_dma semaphore(%arg21 : memref<!tpu.dma_semaphore, #tpu.memory_space<semaphore_mem>>) src(%dma_wait3A_90 : memref<10000x256xf32, #tpu.memory_space<hbm>>) dst(%dma_wait3A_85 : memref<64x256xf32, #tpu.memory_space<vmem>>)
      %scan3A_91 = arith.constant 0 : i32
      %scan3A_92 = arith.constant 64 : i32
      %scan3A_93 = arith.addi %scan3A_91, %scan3A_92 : i32
      %scan3A_94 = arith.constant 1 : i32
      scf.for %scan3A_96 = %scan3A_91 to %scan3A_93 step %scan3A_94  : i32 {
        %mul3A_97 = arith.constant 1 : i32
        %mul3A_98 = arith.muli %scan3A_96, %mul3A_97 : i32
        %add3A_99 = arith.constant 0 : i32
        %add3A_100 = arith.addi %add3A_99, %mul3A_98 : i32
        %add3A_101 = arith.constant 64 : i32
        %add3A_102 = arith.addi %add3A_101, %add3A_100 : i32
        %get3A = arith.index_cast %add3A_102 : i32 to index
        %get3A_103 = memref.load %arg16[%get3A] : memref<128xi32, #tpu.memory_space<smem>>
        %mul3A_104 = arith.constant 256 : i32
        %mul3A_105 = arith.muli %get3A_103, %mul3A_104 : i32
        %add3A_106 = arith.constant 0 : i32
        %add3A_107 = arith.addi %mul3A_105, %add3A_106 : i32
        %add3A_108 = arith.constant 64 : i32
        %add3A_109 = arith.addi %add3A_108, %add3A_100 : i32
        %get3A_110 = arith.index_cast %add3A_109 : i32 to index
        %get3A_111 = arith.constant 0 : index
        %get3A_112 = tpu.vector_load %arg14[%get3A_110, %get3A_111] {strides = array<i32>} : memref<128x256xf32, #tpu.memory_space<vmem>>, vector<16xf32>,
        %swap3A = arith.index_cast %add3A_107 : i32 to index
        %swap3A_113 = tpu.vector_load %arg7[%swap3A] {strides = array<i32>} : memref<83968xf32, #tpu.memory_space<vmem>>, vector<16xf32>,
        tpu.vector_store %arg7[%swap3A], %get3A_112 {add = true, strides = array<i32>} : memref<83968xf32, #tpu.memory_space<vmem>>, vector<16xf32>,
        %add3A_114 = arith.constant 16 : i32
        %add3A_115 = arith.addi %mul3A_105, %add3A_114 : i32
        %add3A_116 = arith.constant 64 : i32
        %add3A_117 = arith.addi %add3A_116, %add3A_100 : i32
        %get3A_118 = arith.index_cast %add3A_117 : i32 to index
        %get3A_119 = arith.constant 16 : index
        %get3A_120 = tpu.vector_load %arg14[%get3A_118, %get3A_119] {strides = array<i32>} : memref<128x256xf32, #tpu.memory_space<vmem>>, vector<16xf32>,
        %swap3A_121 = arith.index_cast %add3A_115 : i32 to index
        %swap3A_122 = tpu.vector_load %arg7[%swap3A_121] {strides = array<i32>} : memref<83968xf32, #tpu.memory_space<vmem>>, vector<16xf32>,
        tpu.vector_store %arg7[%swap3A_121], %get3A_120 {add = true, strides = array<i32>} : memref<83968xf32, #tpu.memory_space<vmem>>, vector<16xf32>,
        %add3A_123 = arith.constant 32 : i32
        %add3A_124 = arith.addi %mul3A_105, %add3A_123 : i32
        %add3A_125 = arith.constant 64 : i32
        %add3A_126 = arith.addi %add3A_125, %add3A_100 : i32
        %get3A_127 = arith.index_cast %add3A_126 : i32 to index
        %get3A_128 = arith.constant 32 : index
        %get3A_129 = tpu.vector_load %arg14[%get3A_127, %get3A_128] {strides = array<i32>} : memref<128x256xf32, #tpu.memory_space<vmem>>, vector<16xf32>,
        %swap3A_130 = arith.index_cast %add3A_124 : i32 to index
        %swap3A_131 = tpu.vector_load %arg7[%swap3A_130] {strides = array<i32>} : memref<83968xf32, #tpu.memory_space<vmem>>, vector<16xf32>,
        tpu.vector_store %arg7[%swap3A_130], %get3A_129 {add = true, strides = array<i32>} : memref<83968xf32, #tpu.memory_space<vmem>>, vector<16xf32>,
        %add3A_132 = arith.constant 48 : i32
        %add3A_133 = arith.addi %mul3A_105, %add3A_132 : i32
        %add3A_134 = arith.constant 64 : i32
        %add3A_135 = arith.addi %add3A_134, %add3A_100 : i32
        %get3A_136 = arith.index_cast %add3A_135 : i32 to index
        %get3A_137 = arith.constant 48 : index
        %get3A_138 = tpu.vector_load %arg14[%get3A_136, %get3A_137] {strides = array<i32>} : memref<128x256xf32, #tpu.memory_space<vmem>>, vector<16xf32>,
        %swap3A_139 = arith.index_cast %add3A_133 : i32 to index
        %swap3A_140 = tpu.vector_load %arg7[%swap3A_139] {strides = array<i32>} : memref<83968xf32, #tpu.memory_space<vmem>>, vector<16xf32>,
        tpu.vector_store %arg7[%swap3A_139], %get3A_138 {add = true, strides = array<i32>} : memref<83968xf32, #tpu.memory_space<vmem>>, vector<16xf32>,
        %add3A_141 = arith.constant 64 : i32
        %add3A_142 = arith.addi %mul3A_105, %add3A_141 : i32
        %add3A_143 = arith.constant 64 : i32
        %add3A_144 = arith.addi %add3A_143, %add3A_100 : i32
        %get3A_145 = arith.index_cast %add3A_144 : i32 to index
        %get3A_146 = arith.constant 64 : index
        %get3A_147 = tpu.vector_load %arg14[%get3A_145, %get3A_146] {strides = array<i32>} : memref<128x256xf32, #tpu.memory_space<vmem>>, vector<16xf32>,
        %swap3A_148 = arith.index_cast %add3A_142 : i32 to index
        %swap3A_149 = tpu.vector_load %arg7[%swap3A_148] {strides = array<i32>} : memref<83968xf32, #tpu.memory_space<vmem>>, vector<16xf32>,
        tpu.vector_store %arg7[%swap3A_148], %get3A_147 {add = true, strides = array<i32>} : memref<83968xf32, #tpu.memory_space<vmem>>, vector<16xf32>,
        %add3A_150 = arith.constant 80 : i32
        %add3A_151 = arith.addi %mul3A_105, %add3A_150 : i32
        %add3A_152 = arith.constant 64 : i32
        %add3A_153 = arith.addi %add3A_152, %add3A_100 : i32
        %get3A_154 = arith.index_cast %add3A_153 : i32 to index
        %get3A_155 = arith.constant 80 : index
        %get3A_156 = tpu.vector_load %arg14[%get3A_154, %get3A_155] {strides = array<i32>} : memref<128x256xf32, #tpu.memory_space<vmem>>, vector<16xf32>,
        %swap3A_157 = arith.index_cast %add3A_151 : i32 to index
        %swap3A_158 = tpu.vector_load %arg7[%swap3A_157] {strides = array<i32>} : memref<83968xf32, #tpu.memory_space<vmem>>, vector<16xf32>,
        tpu.vector_store %arg7[%swap3A_157], %get3A_156 {add = true, strides = array<i32>} : memref<83968xf32, #tpu.memory_space<vmem>>, vector<16xf32>,
        %add3A_159 = arith.constant 96 : i32
        %add3A_160 = arith.addi %mul3A_105, %add3A_159 : i32
        %add3A_161 = arith.constant 64 : i32
        %add3A_162 = arith.addi %add3A_161, %add3A_100 : i32
        %get3A_163 = arith.index_cast %add3A_162 : i32 to index
        %get3A_164 = arith.constant 96 : index
        %get3A_165 = tpu.vector_load %arg14[%get3A_163, %get3A_164] {strides = array<i32>} : memref<128x256xf32, #tpu.memory_space<vmem>>, vector<16xf32>,
        %swap3A_166 = arith.index_cast %add3A_160 : i32 to index
        %swap3A_167 = tpu.vector_load %arg7[%swap3A_166] {strides = array<i32>} : memref<83968xf32, #tpu.memory_space<vmem>>, vector<16xf32>,
        tpu.vector_store %arg7[%swap3A_166], %get3A_165 {add = true, strides = array<i32>} : memref<83968xf32, #tpu.memory_space<vmem>>, vector<16xf32>,
        %add3A_168 = arith.constant 112 : i32
        %add3A_169 = arith.addi %mul3A_105, %add3A_168 : i32
        %add3A_170 = arith.constant 64 : i32
        %add3A_171 = arith.addi %add3A_170, %add3A_100 : i32
        %get3A_172 = arith.index_cast %add3A_171 : i32 to index
        %get3A_173 = arith.constant 112 : index
        %get3A_174 = tpu.vector_load %arg14[%get3A_172, %get3A_173] {strides = array<i32>} : memref<128x256xf32, #tpu.memory_space<vmem>>, vector<16xf32>,
        %swap3A_175 = arith.index_cast %add3A_169 : i32 to index
        %swap3A_176 = tpu.vector_load %arg7[%swap3A_175] {strides = array<i32>} : memref<83968xf32, #tpu.memory_space<vmem>>, vector<16xf32>,
        tpu.vector_store %arg7[%swap3A_175], %get3A_174 {add = true, strides = array<i32>} : memref<83968xf32, #tpu.memory_space<vmem>>, vector<16xf32>,
        %add3A_177 = arith.constant 128 : i32
        %add3A_178 = arith.addi %mul3A_105, %add3A_177 : i32
        %add3A_179 = arith.constant 64 : i32
        %add3A_180 = arith.addi %add3A_179, %add3A_100 : i32
        %get3A_181 = arith.index_cast %add3A_180 : i32 to index
        %get3A_182 = arith.constant 128 : index
        %get3A_183 = tpu.vector_load %arg14[%get3A_181, %get3A_182] {strides = array<i32>} : memref<128x256xf32, #tpu.memory_space<vmem>>, vector<16xf32>,
        %swap3A_184 = arith.index_cast %add3A_178 : i32 to index
        %swap3A_185 = tpu.vector_load %arg7[%swap3A_184] {strides = array<i32>} : memref<83968xf32, #tpu.memory_space<vmem>>, vector<16xf32>,
        tpu.vector_store %arg7[%swap3A_184], %get3A_183 {add = true, strides = array<i32>} : memref<83968xf32, #tpu.memory_space<vmem>>, vector<16xf32>,
        %add3A_186 = arith.constant 144 : i32
        %add3A_187 = arith.addi %mul3A_105, %add3A_186 : i32
        %add3A_188 = arith.constant 64 : i32
        %add3A_189 = arith.addi %add3A_188, %add3A_100 : i32
        %get3A_190 = arith.index_cast %add3A_189 : i32 to index
        %get3A_191 = arith.constant 144 : index
        %get3A_192 = tpu.vector_load %arg14[%get3A_190, %get3A_191] {strides = array<i32>} : memref<128x256xf32, #tpu.memory_space<vmem>>, vector<16xf32>,
        %swap3A_193 = arith.index_cast %add3A_187 : i32 to index
        %swap3A_194 = tpu.vector_load %arg7[%swap3A_193] {strides = array<i32>} : memref<83968xf32, #tpu.memory_space<vmem>>, vector<16xf32>,
        tpu.vector_store %arg7[%swap3A_193], %get3A_192 {add = true, strides = array<i32>} : memref<83968xf32, #tpu.memory_space<vmem>>, vector<16xf32>,
        %add3A_195 = arith.constant 160 : i32
        %add3A_196 = arith.addi %mul3A_105, %add3A_195 : i32
        %add3A_197 = arith.constant 64 : i32
        %add3A_198 = arith.addi %add3A_197, %add3A_100 : i32
        %get3A_199 = arith.index_cast %add3A_198 : i32 to index
        %get3A_200 = arith.constant 160 : index
        %get3A_201 = tpu.vector_load %arg14[%get3A_199, %get3A_200] {strides = array<i32>} : memref<128x256xf32, #tpu.memory_space<vmem>>, vector<16xf32>,
        %swap3A_202 = arith.index_cast %add3A_196 : i32 to index
        %swap3A_203 = tpu.vector_load %arg7[%swap3A_202] {strides = array<i32>} : memref<83968xf32, #tpu.memory_space<vmem>>, vector<16xf32>,
        tpu.vector_store %arg7[%swap3A_202], %get3A_201 {add = true, strides = array<i32>} : memref<83968xf32, #tpu.memory_space<vmem>>, vector<16xf32>,
        %add3A_204 = arith.constant 176 : i32
        %add3A_205 = arith.addi %mul3A_105, %add3A_204 : i32
        %add3A_206 = arith.constant 64 : i32
        %add3A_207 = arith.addi %add3A_206, %add3A_100 : i32
        %get3A_208 = arith.index_cast %add3A_207 : i32 to index
        %get3A_209 = arith.constant 176 : index
        %get3A_210 = tpu.vector_load %arg14[%get3A_208, %get3A_209] {strides = array<i32>} : memref<128x256xf32, #tpu.memory_space<vmem>>, vector<16xf32>,
        %swap3A_211 = arith.index_cast %add3A_205 : i32 to index
        %swap3A_212 = tpu.vector_load %arg7[%swap3A_211] {strides = array<i32>} : memref<83968xf32, #tpu.memory_space<vmem>>, vector<16xf32>,
        tpu.vector_store %arg7[%swap3A_211], %get3A_210 {add = true, strides = array<i32>} : memref<83968xf32, #tpu.memory_space<vmem>>, vector<16xf32>,
        %add3A_213 = arith.constant 192 : i32
        %add3A_214 = arith.addi %mul3A_105, %add3A_213 : i32
        %add3A_215 = arith.constant 64 : i32
        %add3A_216 = arith.addi %add3A_215, %add3A_100 : i32
        %get3A_217 = arith.index_cast %add3A_216 : i32 to index
        %get3A_218 = arith.constant 192 : index
        %get3A_219 = tpu.vector_load %arg14[%get3A_217, %get3A_218] {strides = array<i32>} : memref<128x256xf32, #tpu.memory_space<vmem>>, vector<16xf32>,
        %swap3A_220 = arith.index_cast %add3A_214 : i32 to index
        %swap3A_221 = tpu.vector_load %arg7[%swap3A_220] {strides = array<i32>} : memref<83968xf32, #tpu.memory_space<vmem>>, vector<16xf32>,
        tpu.vector_store %arg7[%swap3A_220], %get3A_219 {add = true, strides = array<i32>} : memref<83968xf32, #tpu.memory_space<vmem>>, vector<16xf32>,
        %add3A_222 = arith.constant 208 : i32
        %add3A_223 = arith.addi %mul3A_105, %add3A_222 : i32
        %add3A_224 = arith.constant 64 : i32
        %add3A_225 = arith.addi %add3A_224, %add3A_100 : i32
        %get3A_226 = arith.index_cast %add3A_225 : i32 to index
        %get3A_227 = arith.constant 208 : index
        %get3A_228 = tpu.vector_load %arg14[%get3A_226, %get3A_227] {strides = array<i32>} : memref<128x256xf32, #tpu.memory_space<vmem>>, vector<16xf32>,
        %swap3A_229 = arith.index_cast %add3A_223 : i32 to index
        %swap3A_230 = tpu.vector_load %arg7[%swap3A_229] {strides = array<i32>} : memref<83968xf32, #tpu.memory_space<vmem>>, vector<16xf32>,
        tpu.vector_store %arg7[%swap3A_229], %get3A_228 {add = true, strides = array<i32>} : memref<83968xf32, #tpu.memory_space<vmem>>, vector<16xf32>,
        %add3A_231 = arith.constant 224 : i32
        %add3A_232 = arith.addi %mul3A_105, %add3A_231 : i32
        %add3A_233 = arith.constant 64 : i32
        %add3A_234 = arith.addi %add3A_233, %add3A_100 : i32
        %get3A_235 = arith.index_cast %add3A_234 : i32 to index
        %get3A_236 = arith.constant 224 : index
        %get3A_237 = tpu.vector_load %arg14[%get3A_235, %get3A_236] {strides = array<i32>} : memref<128x256xf32, #tpu.memory_space<vmem>>, vector<16xf32>,
        %swap3A_238 = arith.index_cast %add3A_232 : i32 to index
        %swap3A_239 = tpu.vector_load %arg7[%swap3A_238] {strides = array<i32>} : memref<83968xf32, #tpu.memory_space<vmem>>, vector<16xf32>,
        tpu.vector_store %arg7[%swap3A_238], %get3A_237 {add = true, strides = array<i32>} : memref<83968xf32, #tpu.memory_space<vmem>>, vector<16xf32>,
        %add3A_240 = arith.constant 240 : i32
        %add3A_241 = arith.addi %mul3A_105, %add3A_240 : i32
        %add3A_242 = arith.constant 64 : i32
        %add3A_243 = arith.addi %add3A_242, %add3A_100 : i32
        %get3A_244 = arith.index_cast %add3A_243 : i32 to index
        %get3A_245 = arith.constant 240 : index
        %get3A_246 = tpu.vector_load %arg14[%get3A_244, %get3A_245] {strides = array<i32>} : memref<128x256xf32, #tpu.memory_space<vmem>>, vector<16xf32>,
        %swap3A_247 = arith.index_cast %add3A_241 : i32 to index
        %swap3A_248 = tpu.vector_load %arg7[%swap3A_247] {strides = array<i32>} : memref<83968xf32, #tpu.memory_space<vmem>>, vector<16xf32>,
        tpu.vector_store %arg7[%swap3A_247], %get3A_246 {add = true, strides = array<i32>} : memref<83968xf32, #tpu.memory_space<vmem>>, vector<16xf32>,
      }
      %scan3A_95 = arith.constant 64 : i32
    } else {
    }
    %iota3A = tpu.iota {dimensions = array<i32: 0>} : vector<16xi32>
    %add3A_31 = vector.broadcast %reduce_max3A_23 : i32 to vector<16xi32>
    %add3A_32 = arith.addi %add3A_31, %iota3A : vector<16xi32>
    %iota3A_33 = tpu.iota {dimensions = array<i32: 0>} : vector<16xi32>
    %mul3A_34 = arith.constant 8 : i32
    %mul3A_35 = vector.broadcast %mul3A_34 : i32 to vector<16xi32>
    %mul3A_36 = arith.muli %iota3A_33, %mul3A_35 : vector<16xi32>
    tpu.vector_store_idx %arg12[%add3A_32], %mul3A_36 : memref<176xi32, #tpu.memory_space<vmem>>[vector<16xi32>], vector<16xi32>,
    %broadcast_in_dim3A_37 = arith.constant 320 : i32
    %broadcast_in_dim3A_38 = vector.broadcast %broadcast_in_dim3A_37 : i32 to vector<16xi32>
    tpu.vector_store_idx %arg13[%add3A_32], %broadcast_in_dim3A_38 : memref<176xi32, #tpu.memory_space<vmem>>[vector<16xi32>], vector<16xi32>,
    %add3A_39 = arith.constant 15 : i32
    %add3A_40 = arith.addi %reduce_max3A_23, %add3A_39 : i32
    %jit3A = arith.constant 16 : i32
    %div3A = arith.divsi %add3A_40, %jit3A : i32
    %sign3A = arith.constant 0 : i32
    %sign3A_41 = arith.cmpi sgt, %add3A_40, %sign3A : i32
    %sign3A_42 = arith.extui %sign3A_41 : i1 to i32
    %sign3A_43 = arith.constant 0 : i32
    %sign3A_44 = arith.cmpi slt, %add3A_40, %sign3A_43 : i32
    %sign3A_45 = arith.extui %sign3A_44 : i1 to i32
    %sign3A_46 = arith.subi %sign3A_42, %sign3A_45 : i32
    %sign3A_47 = arith.constant 0 : i32
    %sign3A_48 = arith.cmpi sgt, %jit3A, %sign3A_47 : i32
    %sign3A_49 = arith.extui %sign3A_48 : i1 to i32
    %sign3A_50 = arith.constant 0 : i32
    %sign3A_51 = arith.cmpi slt, %jit3A, %sign3A_50 : i32
    %sign3A_52 = arith.extui %sign3A_51 : i1 to i32
    %sign3A_53 = arith.subi %sign3A_49, %sign3A_52 : i32
    %ne3A = arith.cmpi ne, %sign3A_46, %sign3A_53 : i32
    %rem3A = arith.remsi %add3A_40, %jit3A : i32
    %ne3A_54 = arith.constant 0 : i32
    %ne3A_55 = arith.cmpi ne, %rem3A, %ne3A_54 : i32
    %and3A = arith.andi %ne3A, %ne3A_55 : i1
    %sub3A = arith.constant 1 : i32
    %sub3A_56 = arith.subi %div3A, %sub3A : i32
    %select_n3A = arith.select %and3A, %sub3A_56, %div3A : i32
    %sub3A_57 = arith.constant 0 : i32
    %sub3A_58 = arith.subi %select_n3A, %sub3A_57 : i32
    %sub3A_59 = arith.constant 1 : i32
    %sub3A_60 = arith.constant 1 : i32
    %sub3A_61 = arith.subi %sub3A_59, %sub3A_60 : i32
    %add3A_62 = arith.addi %sub3A_58, %sub3A_61 : i32
    %div3A_63 = arith.constant 1 : i32
    %div3A_64 = arith.divsi %add3A_62, %div3A_63 : i32
    %while3A = arith.constant 1 : i32
    %while3A_65 = arith.constant 0 : i32
    %while3A_66 = arith.constant 0 : i32
    %while3A_67 = arith.subi %div3A_64, %while3A_66 : i32
    %while3A_68 = arith.addi %while3A_66, %while3A_67 : i32
    %while3A_69 = arith.constant 1 : i32
    %while3A_70 = arith.divsi %while3A_67, %while3A_69 : i32
    %while3A_71 = arith.muli %while3A_70, %while3A_69 : i32
    %while3A_72 = arith.addi %while3A_66, %while3A_71 : i32
    %while3A_73 = arith.constant 1 : i32
    scf.for %while3A_84 = %while3A_66 to %while3A_72 step %while3A_73  : i32 {
      %mul3A_85 = arith.muli %while3A_84, %while3A : i32
      %add3A_86 = arith.addi %while3A_65, %mul3A_85 : i32
      %mul3A_87 = arith.constant 16 : i32
      %mul3A_88 = arith.muli %add3A_86, %mul3A_87 : i32
      %dma_start3A_89 = arith.constant 0 : i32
      %dma_start3A_90 = arith.constant 0 : i32
      %dma_start3A_91 = tpu.memref_slice %arg14[%dma_start3A_89, %dma_start3A_90] : memref<128x256xf32, #tpu.memory_space<vmem>> -> memref<16x256xf32, #tpu.memory_space<vmem>>
      %dma_start3A_92 = tpu.memref_slice %arg12[%mul3A_88] : memref<176xi32, #tpu.memory_space<vmem>> -> memref<16xi32, #tpu.memory_space<vmem>>
      %dma_start3A_93 = arith.constant 0 : i32
      %dma_start3A_94 = arith.constant 0 : i32
      %dma_start3A_95 = tpu.memref_slice %arg2[%dma_start3A_93, %dma_start3A_94] : memref<10000x256xf32, #tpu.memory_space<hbm>> -> memref<10000x256xf32, #tpu.memory_space<hbm>>
      tpu.enqueue_indirect_dma source(%dma_start3A_95 : memref<10000x256xf32, #tpu.memory_space<hbm>>) target(%dma_start3A_91 : memref<16x256xf32, #tpu.memory_space<vmem>>) offsets(%dma_start3A_92 : memref<16xi32, #tpu.memory_space<vmem>>) semaphore(%arg17 : memref<!tpu.dma_semaphore, #tpu.memory_space<semaphore_mem>>)
      %dma_wait3A = arith.constant 0 : i32
      %dma_wait3A_96 = arith.constant 0 : i32
      %dma_wait3A_97 = tpu.memref_slice %arg14[%dma_wait3A, %dma_wait3A_96] : memref<128x256xf32, #tpu.memory_space<vmem>> -> memref<16x256xf32, #tpu.memory_space<vmem>>
      %dma_wait3A_98 = tpu.memref_slice %arg12[%mul3A_88] : memref<176xi32, #tpu.memory_space<vmem>> -> memref<16xi32, #tpu.memory_space<vmem>>
      %dma_wait3A_99 = arith.constant 0 : i32
      %dma_wait3A_100 = arith.constant 0 : i32
      %dma_wait3A_101 = tpu.memref_slice %arg2[%dma_wait3A_99, %dma_wait3A_100] : memref<10000x256xf32, #tpu.memory_space<hbm>> -> memref<10000x256xf32, #tpu.memory_space<hbm>>
      tpu.wait_indirect_dma semaphore(%arg17 : memref<!tpu.dma_semaphore, #tpu.memory_space<semaphore_mem>>) src(%dma_wait3A_101 : memref<10000x256xf32, #tpu.memory_space<hbm>>) dst(%dma_wait3A_97 : memref<16x256xf32, #tpu.memory_space<vmem>>)
      %mul3A_102 = arith.constant 16 : i32
      %mul3A_103 = arith.muli %add3A_86, %mul3A_102 : i32
      %mul3A_104 = arith.constant 2 : i32
      %mul3A_105 = arith.muli %arg1, %mul3A_104 : i32
      %mul3A_106 = arith.constant 64 : i32
      %mul3A_107 = arith.muli %mul3A_105, %mul3A_106 : i32
      %add3A_108 = arith.constant 0 : i32
      %add3A_109 = arith.addi %mul3A_107, %add3A_108 : i32
      "tpu.region"() ({
        %run_scoped3A = tpu.sem_alloc : memref<!tpu.dma_semaphore, #tpu.memory_space<semaphore_mem>>
        %dma_start3A_115 = tpu.memref_slice %arg13[%mul3A_103] : memref<176xi32, #tpu.memory_space<vmem>> -> memref<16xi32, #tpu.memory_space<vmem>>
        %dma_start3A_116 = tpu.memref_slice %arg15[%add3A_109] : memref<2048xi32, #tpu.memory_space<vmem_shared>> -> memref<16xi32, #tpu.memory_space<vmem_shared>>
        %dma_start3A_117 = tpu.memref_slice %arg15[%add3A_109] : memref<2048xi32, #tpu.memory_space<vmem_shared>> -> memref<16xi32, #tpu.memory_space<vmem_shared>>
        %dma_start3A_118 = tpu.memref_slice %arg13[%mul3A_103] : memref<176xi32, #tpu.memory_space<vmem>> -> memref<16xi32, #tpu.memory_space<vmem>>
        tpu.enqueue_dma source(%dma_start3A_118 : memref<16xi32, #tpu.memory_space<vmem>>) target(%dma_start3A_117 : memref<16xi32, #tpu.memory_space<vmem_shared>>) target_semaphore(%run_scoped3A : memref<!tpu.dma_semaphore, #tpu.memory_space<semaphore_mem>>)
        %dma_wait3A_119 = tpu.memref_slice %arg13[%mul3A_103] : memref<176xi32, #tpu.memory_space<vmem>> -> memref<16xi32, #tpu.memory_space<vmem>>
        %dma_wait3A_120 = tpu.memref_slice %arg15[%add3A_109] : memref<2048xi32, #tpu.memory_space<vmem_shared>> -> memref<16xi32, #tpu.memory_space<vmem_shared>>
        %dma_wait3A_121 = tpu.memref_slice %arg15[%add3A_109] : memref<2048xi32, #tpu.memory_space<vmem_shared>> -> memref<16xi32, #tpu.memory_space<vmem_shared>>
        %dma_wait3A_122 = tpu.memref_slice %arg13[%mul3A_103] : memref<176xi32, #tpu.memory_space<vmem>> -> memref<16xi32, #tpu.memory_space<vmem>>
        tpu.wait_dma2 semaphore(%run_scoped3A : memref<!tpu.dma_semaphore, #tpu.memory_space<semaphore_mem>>) src(%dma_wait3A_122 : memref<16xi32, #tpu.memory_space<vmem>>) dst(%dma_wait3A_121 : memref<16xi32, #tpu.memory_space<vmem_shared>>)
        tpu.yield
      }) : () -> ()
      "tpu.region"() ({
        %run_scoped3A = tpu.sem_alloc : memref<!tpu.dma_semaphore, #tpu.memory_space<semaphore_mem>>
        %dma_start3A_115 = arith.constant 0 : i32
        %dma_start3A_116 = tpu.memref_slice %arg16[%dma_start3A_115] : memref<128xi32, #tpu.memory_space<smem>> -> memref<16xi32, #tpu.memory_space<smem>>
        %dma_start3A_117 = tpu.memref_slice %arg15[%add3A_109] : memref<2048xi32, #tpu.memory_space<vmem_shared>> -> memref<16xi32, #tpu.memory_space<vmem_shared>>
        tpu.enqueue_dma source(%dma_start3A_117 : memref<16xi32, #tpu.memory_space<vmem_shared>>) target(%dma_start3A_116 : memref<16xi32, #tpu.memory_space<smem>>) target_semaphore(%run_scoped3A : memref<!tpu.dma_semaphore, #tpu.memory_space<semaphore_mem>>)
        %dma_wait3A_118 = arith.constant 0 : i32
        %dma_wait3A_119 = tpu.memref_slice %arg16[%dma_wait3A_118] : memref<128xi32, #tpu.memory_space<smem>> -> memref<16xi32, #tpu.memory_space<smem>>
        %dma_wait3A_120 = tpu.memref_slice %arg15[%add3A_109] : memref<2048xi32, #tpu.memory_space<vmem_shared>> -> memref<16xi32, #tpu.memory_space<vmem_shared>>
        tpu.wait_dma2 semaphore(%run_scoped3A : memref<!tpu.dma_semaphore, #tpu.memory_space<semaphore_mem>>) src(%dma_wait3A_120 : memref<16xi32, #tpu.memory_space<vmem_shared>>) dst(%dma_wait3A_119 : memref<16xi32, #tpu.memory_space<smem>>)
        tpu.yield
      }) : () -> ()
      %scan3A_110 = arith.constant 0 : i32
      %scan3A_111 = arith.constant 16 : i32
      %scan3A_112 = arith.addi %scan3A_110, %scan3A_111 : i32
      %scan3A_113 = arith.constant 1 : i32
      scf.for %scan3A_115 = %scan3A_110 to %scan3A_112 step %scan3A_113  : i32 {
        %mul3A_116 = arith.constant 1 : i32
        %mul3A_117 = arith.muli %scan3A_115, %mul3A_116 : i32
        %add3A_118 = arith.constant 0 : i32
        %add3A_119 = arith.addi %add3A_118, %mul3A_117 : i32
        %add3A_120 = arith.constant 0 : i32
        %add3A_121 = arith.addi %add3A_120, %add3A_119 : i32
        %get3A = arith.index_cast %add3A_121 : i32 to index
        %get3A_122 = memref.load %arg16[%get3A] : memref<128xi32, #tpu.memory_space<smem>>
        %mul3A_123 = arith.constant 256 : i32
        %mul3A_124 = arith.muli %get3A_122, %mul3A_123 : i32
        %add3A_125 = arith.constant 0 : i32
        %add3A_126 = arith.addi %mul3A_124, %add3A_125 : i32
        %add3A_127 = arith.constant 0 : i32
        %add3A_128 = arith.addi %add3A_127, %add3A_119 : i32
        %get3A_129 = arith.index_cast %add3A_128 : i32 to index
        %get3A_130 = arith.constant 0 : index
        %get3A_131 = tpu.vector_load %arg14[%get3A_129, %get3A_130] {strides = array<i32>} : memref<128x256xf32, #tpu.memory_space<vmem>>, vector<16xf32>,
        %swap3A = arith.index_cast %add3A_126 : i32 to index
        %swap3A_132 = tpu.vector_load %arg7[%swap3A] {strides = array<i32>} : memref<83968xf32, #tpu.memory_space<vmem>>, vector<16xf32>,
        tpu.vector_store %arg7[%swap3A], %get3A_131 {add = true, strides = array<i32>} : memref<83968xf32, #tpu.memory_space<vmem>>, vector<16xf32>,
        %add3A_133 = arith.constant 16 : i32
        %add3A_134 = arith.addi %mul3A_124, %add3A_133 : i32
        %add3A_135 = arith.constant 0 : i32
        %add3A_136 = arith.addi %add3A_135, %add3A_119 : i32
        %get3A_137 = arith.index_cast %add3A_136 : i32 to index
        %get3A_138 = arith.constant 16 : index
        %get3A_139 = tpu.vector_load %arg14[%get3A_137, %get3A_138] {strides = array<i32>} : memref<128x256xf32, #tpu.memory_space<vmem>>, vector<16xf32>,
        %swap3A_140 = arith.index_cast %add3A_134 : i32 to index
        %swap3A_141 = tpu.vector_load %arg7[%swap3A_140] {strides = array<i32>} : memref<83968xf32, #tpu.memory_space<vmem>>, vector<16xf32>,
        tpu.vector_store %arg7[%swap3A_140], %get3A_139 {add = true, strides = array<i32>} : memref<83968xf32, #tpu.memory_space<vmem>>, vector<16xf32>,
        %add3A_142 = arith.constant 32 : i32
        %add3A_143 = arith.addi %mul3A_124, %add3A_142 : i32
        %add3A_144 = arith.constant 0 : i32
        %add3A_145 = arith.addi %add3A_144, %add3A_119 : i32
        %get3A_146 = arith.index_cast %add3A_145 : i32 to index
        %get3A_147 = arith.constant 32 : index
        %get3A_148 = tpu.vector_load %arg14[%get3A_146, %get3A_147] {strides = array<i32>} : memref<128x256xf32, #tpu.memory_space<vmem>>, vector<16xf32>,
        %swap3A_149 = arith.index_cast %add3A_143 : i32 to index
        %swap3A_150 = tpu.vector_load %arg7[%swap3A_149] {strides = array<i32>} : memref<83968xf32, #tpu.memory_space<vmem>>, vector<16xf32>,
        tpu.vector_store %arg7[%swap3A_149], %get3A_148 {add = true, strides = array<i32>} : memref<83968xf32, #tpu.memory_space<vmem>>, vector<16xf32>,
        %add3A_151 = arith.constant 48 : i32
        %add3A_152 = arith.addi %mul3A_124, %add3A_151 : i32
        %add3A_153 = arith.constant 0 : i32
        %add3A_154 = arith.addi %add3A_153, %add3A_119 : i32
        %get3A_155 = arith.index_cast %add3A_154 : i32 to index
        %get3A_156 = arith.constant 48 : index
        %get3A_157 = tpu.vector_load %arg14[%get3A_155, %get3A_156] {strides = array<i32>} : memref<128x256xf32, #tpu.memory_space<vmem>>, vector<16xf32>,
        %swap3A_158 = arith.index_cast %add3A_152 : i32 to index
        %swap3A_159 = tpu.vector_load %arg7[%swap3A_158] {strides = array<i32>} : memref<83968xf32, #tpu.memory_space<vmem>>, vector<16xf32>,
        tpu.vector_store %arg7[%swap3A_158], %get3A_157 {add = true, strides = array<i32>} : memref<83968xf32, #tpu.memory_space<vmem>>, vector<16xf32>,
        %add3A_160 = arith.constant 64 : i32
        %add3A_161 = arith.addi %mul3A_124, %add3A_160 : i32
        %add3A_162 = arith.constant 0 : i32
        %add3A_163 = arith.addi %add3A_162, %add3A_119 : i32
        %get3A_164 = arith.index_cast %add3A_163 : i32 to index
        %get3A_165 = arith.constant 64 : index
        %get3A_166 = tpu.vector_load %arg14[%get3A_164, %get3A_165] {strides = array<i32>} : memref<128x256xf32, #tpu.memory_space<vmem>>, vector<16xf32>,
        %swap3A_167 = arith.index_cast %add3A_161 : i32 to index
        %swap3A_168 = tpu.vector_load %arg7[%swap3A_167] {strides = array<i32>} : memref<83968xf32, #tpu.memory_space<vmem>>, vector<16xf32>,
        tpu.vector_store %arg7[%swap3A_167], %get3A_166 {add = true, strides = array<i32>} : memref<83968xf32, #tpu.memory_space<vmem>>, vector<16xf32>,
        %add3A_169 = arith.constant 80 : i32
        %add3A_170 = arith.addi %mul3A_124, %add3A_169 : i32
        %add3A_171 = arith.constant 0 : i32
        %add3A_172 = arith.addi %add3A_171, %add3A_119 : i32
        %get3A_173 = arith.index_cast %add3A_172 : i32 to index
        %get3A_174 = arith.constant 80 : index
        %get3A_175 = tpu.vector_load %arg14[%get3A_173, %get3A_174] {strides = array<i32>} : memref<128x256xf32, #tpu.memory_space<vmem>>, vector<16xf32>,
        %swap3A_176 = arith.index_cast %add3A_170 : i32 to index
        %swap3A_177 = tpu.vector_load %arg7[%swap3A_176] {strides = array<i32>} : memref<83968xf32, #tpu.memory_space<vmem>>, vector<16xf32>,
        tpu.vector_store %arg7[%swap3A_176], %get3A_175 {add = true, strides = array<i32>} : memref<83968xf32, #tpu.memory_space<vmem>>, vector<16xf32>,
        %add3A_178 = arith.constant 96 : i32
        %add3A_179 = arith.addi %mul3A_124, %add3A_178 : i32
        %add3A_180 = arith.constant 0 : i32
        %add3A_181 = arith.addi %add3A_180, %add3A_119 : i32
        %get3A_182 = arith.index_cast %add3A_181 : i32 to index
        %get3A_183 = arith.constant 96 : index
        %get3A_184 = tpu.vector_load %arg14[%get3A_182, %get3A_183] {strides = array<i32>} : memref<128x256xf32, #tpu.memory_space<vmem>>, vector<16xf32>,
        %swap3A_185 = arith.index_cast %add3A_179 : i32 to index
        %swap3A_186 = tpu.vector_load %arg7[%swap3A_185] {strides = array<i32>} : memref<83968xf32, #tpu.memory_space<vmem>>, vector<16xf32>,
        tpu.vector_store %arg7[%swap3A_185], %get3A_184 {add = true, strides = array<i32>} : memref<83968xf32, #tpu.memory_space<vmem>>, vector<16xf32>,
        %add3A_187 = arith.constant 112 : i32
        %add3A_188 = arith.addi %mul3A_124, %add3A_187 : i32
        %add3A_189 = arith.constant 0 : i32
        %add3A_190 = arith.addi %add3A_189, %add3A_119 : i32
        %get3A_191 = arith.index_cast %add3A_190 : i32 to index
        %get3A_192 = arith.constant 112 : index
        %get3A_193 = tpu.vector_load %arg14[%get3A_191, %get3A_192] {strides = array<i32>} : memref<128x256xf32, #tpu.memory_space<vmem>>, vector<16xf32>,
        %swap3A_194 = arith.index_cast %add3A_188 : i32 to index
        %swap3A_195 = tpu.vector_load %arg7[%swap3A_194] {strides = array<i32>} : memref<83968xf32, #tpu.memory_space<vmem>>, vector<16xf32>,
        tpu.vector_store %arg7[%swap3A_194], %get3A_193 {add = true, strides = array<i32>} : memref<83968xf32, #tpu.memory_space<vmem>>, vector<16xf32>,
        %add3A_196 = arith.constant 128 : i32
        %add3A_197 = arith.addi %mul3A_124, %add3A_196 : i32
        %add3A_198 = arith.constant 0 : i32
        %add3A_199 = arith.addi %add3A_198, %add3A_119 : i32
        %get3A_200 = arith.index_cast %add3A_199 : i32 to index
        %get3A_201 = arith.constant 128 : index
        %get3A_202 = tpu.vector_load %arg14[%get3A_200, %get3A_201] {strides = array<i32>} : memref<128x256xf32, #tpu.memory_space<vmem>>, vector<16xf32>,
        %swap3A_203 = arith.index_cast %add3A_197 : i32 to index
        %swap3A_204 = tpu.vector_load %arg7[%swap3A_203] {strides = array<i32>} : memref<83968xf32, #tpu.memory_space<vmem>>, vector<16xf32>,
        tpu.vector_store %arg7[%swap3A_203], %get3A_202 {add = true, strides = array<i32>} : memref<83968xf32, #tpu.memory_space<vmem>>, vector<16xf32>,
        %add3A_205 = arith.constant 144 : i32
        %add3A_206 = arith.addi %mul3A_124, %add3A_205 : i32
        %add3A_207 = arith.constant 0 : i32
        %add3A_208 = arith.addi %add3A_207, %add3A_119 : i32
        %get3A_209 = arith.index_cast %add3A_208 : i32 to index
        %get3A_210 = arith.constant 144 : index
        %get3A_211 = tpu.vector_load %arg14[%get3A_209, %get3A_210] {strides = array<i32>} : memref<128x256xf32, #tpu.memory_space<vmem>>, vector<16xf32>,
        %swap3A_212 = arith.index_cast %add3A_206 : i32 to index
        %swap3A_213 = tpu.vector_load %arg7[%swap3A_212] {strides = array<i32>} : memref<83968xf32, #tpu.memory_space<vmem>>, vector<16xf32>,
        tpu.vector_store %arg7[%swap3A_212], %get3A_211 {add = true, strides = array<i32>} : memref<83968xf32, #tpu.memory_space<vmem>>, vector<16xf32>,
        %add3A_214 = arith.constant 160 : i32
        %add3A_215 = arith.addi %mul3A_124, %add3A_214 : i32
        %add3A_216 = arith.constant 0 : i32
        %add3A_217 = arith.addi %add3A_216, %add3A_119 : i32
        %get3A_218 = arith.index_cast %add3A_217 : i32 to index
        %get3A_219 = arith.constant 160 : index
        %get3A_220 = tpu.vector_load %arg14[%get3A_218, %get3A_219] {strides = array<i32>} : memref<128x256xf32, #tpu.memory_space<vmem>>, vector<16xf32>,
        %swap3A_221 = arith.index_cast %add3A_215 : i32 to index
        %swap3A_222 = tpu.vector_load %arg7[%swap3A_221] {strides = array<i32>} : memref<83968xf32, #tpu.memory_space<vmem>>, vector<16xf32>,
        tpu.vector_store %arg7[%swap3A_221], %get3A_220 {add = true, strides = array<i32>} : memref<83968xf32, #tpu.memory_space<vmem>>, vector<16xf32>,
        %add3A_223 = arith.constant 176 : i32
        %add3A_224 = arith.addi %mul3A_124, %add3A_223 : i32
        %add3A_225 = arith.constant 0 : i32
        %add3A_226 = arith.addi %add3A_225, %add3A_119 : i32
        %get3A_227 = arith.index_cast %add3A_226 : i32 to index
        %get3A_228 = arith.constant 176 : index
        %get3A_229 = tpu.vector_load %arg14[%get3A_227, %get3A_228] {strides = array<i32>} : memref<128x256xf32, #tpu.memory_space<vmem>>, vector<16xf32>,
        %swap3A_230 = arith.index_cast %add3A_224 : i32 to index
        %swap3A_231 = tpu.vector_load %arg7[%swap3A_230] {strides = array<i32>} : memref<83968xf32, #tpu.memory_space<vmem>>, vector<16xf32>,
        tpu.vector_store %arg7[%swap3A_230], %get3A_229 {add = true, strides = array<i32>} : memref<83968xf32, #tpu.memory_space<vmem>>, vector<16xf32>,
        %add3A_232 = arith.constant 192 : i32
        %add3A_233 = arith.addi %mul3A_124, %add3A_232 : i32
        %add3A_234 = arith.constant 0 : i32
        %add3A_235 = arith.addi %add3A_234, %add3A_119 : i32
        %get3A_236 = arith.index_cast %add3A_235 : i32 to index
        %get3A_237 = arith.constant 192 : index
        %get3A_238 = tpu.vector_load %arg14[%get3A_236, %get3A_237] {strides = array<i32>} : memref<128x256xf32, #tpu.memory_space<vmem>>, vector<16xf32>,
        %swap3A_239 = arith.index_cast %add3A_233 : i32 to index
        %swap3A_240 = tpu.vector_load %arg7[%swap3A_239] {strides = array<i32>} : memref<83968xf32, #tpu.memory_space<vmem>>, vector<16xf32>,
        tpu.vector_store %arg7[%swap3A_239], %get3A_238 {add = true, strides = array<i32>} : memref<83968xf32, #tpu.memory_space<vmem>>, vector<16xf32>,
        %add3A_241 = arith.constant 208 : i32
        %add3A_242 = arith.addi %mul3A_124, %add3A_241 : i32
        %add3A_243 = arith.constant 0 : i32
        %add3A_244 = arith.addi %add3A_243, %add3A_119 : i32
        %get3A_245 = arith.index_cast %add3A_244 : i32 to index
        %get3A_246 = arith.constant 208 : index
        %get3A_247 = tpu.vector_load %arg14[%get3A_245, %get3A_246] {strides = array<i32>} : memref<128x256xf32, #tpu.memory_space<vmem>>, vector<16xf32>,
        %swap3A_248 = arith.index_cast %add3A_242 : i32 to index
        %swap3A_249 = tpu.vector_load %arg7[%swap3A_248] {strides = array<i32>} : memref<83968xf32, #tpu.memory_space<vmem>>, vector<16xf32>,
        tpu.vector_store %arg7[%swap3A_248], %get3A_247 {add = true, strides = array<i32>} : memref<83968xf32, #tpu.memory_space<vmem>>, vector<16xf32>,
        %add3A_250 = arith.constant 224 : i32
        %add3A_251 = arith.addi %mul3A_124, %add3A_250 : i32
        %add3A_252 = arith.constant 0 : i32
        %add3A_253 = arith.addi %add3A_252, %add3A_119 : i32
        %get3A_254 = arith.index_cast %add3A_253 : i32 to index
        %get3A_255 = arith.constant 224 : index
        %get3A_256 = tpu.vector_load %arg14[%get3A_254, %get3A_255] {strides = array<i32>} : memref<128x256xf32, #tpu.memory_space<vmem>>, vector<16xf32>,
        %swap3A_257 = arith.index_cast %add3A_251 : i32 to index
        %swap3A_258 = tpu.vector_load %arg7[%swap3A_257] {strides = array<i32>} : memref<83968xf32, #tpu.memory_space<vmem>>, vector<16xf32>,
        tpu.vector_store %arg7[%swap3A_257], %get3A_256 {add = true, strides = array<i32>} : memref<83968xf32, #tpu.memory_space<vmem>>, vector<16xf32>,
        %add3A_259 = arith.constant 240 : i32
        %add3A_260 = arith.addi %mul3A_124, %add3A_259 : i32
        %add3A_261 = arith.constant 0 : i32
        %add3A_262 = arith.addi %add3A_261, %add3A_119 : i32
        %get3A_263 = arith.index_cast %add3A_262 : i32 to index
        %get3A_264 = arith.constant 240 : index
        %get3A_265 = tpu.vector_load %arg14[%get3A_263, %get3A_264] {strides = array<i32>} : memref<128x256xf32, #tpu.memory_space<vmem>>, vector<16xf32>,
        %swap3A_266 = arith.index_cast %add3A_260 : i32 to index
        %swap3A_267 = tpu.vector_load %arg7[%swap3A_266] {strides = array<i32>} : memref<83968xf32, #tpu.memory_space<vmem>>, vector<16xf32>,
        tpu.vector_store %arg7[%swap3A_266], %get3A_265 {add = true, strides = array<i32>} : memref<83968xf32, #tpu.memory_space<vmem>>, vector<16xf32>,
      }
      %scan3A_114 = arith.constant 16 : i32
    }
    %while3A_74 = arith.constant 1 : i32
    scf.for %while3A_84 = %while3A_72 to %while3A_68 step %while3A_74  : i32 {
      %mul3A_85 = arith.muli %while3A_84, %while3A : i32
      %add3A_86 = arith.addi %while3A_65, %mul3A_85 : i32
      %mul3A_87 = arith.constant 16 : i32
      %mul3A_88 = arith.muli %add3A_86, %mul3A_87 : i32
      %dma_start3A_89 = arith.constant 0 : i32
      %dma_start3A_90 = arith.constant 0 : i32
      %dma_start3A_91 = tpu.memref_slice %arg14[%dma_start3A_89, %dma_start3A_90] : memref<128x256xf32, #tpu.memory_space<vmem>> -> memref<16x256xf32, #tpu.memory_space<vmem>>
      %dma_start3A_92 = tpu.memref_slice %arg12[%mul3A_88] : memref<176xi32, #tpu.memory_space<vmem>> -> memref<16xi32, #tpu.memory_space<vmem>>
      %dma_start3A_93 = arith.constant 0 : i32
      %dma_start3A_94 = arith.constant 0 : i32
      %dma_start3A_95 = tpu.memref_slice %arg2[%dma_start3A_93, %dma_start3A_94] : memref<10000x256xf32, #tpu.memory_space<hbm>> -> memref<10000x256xf32, #tpu.memory_space<hbm>>
      tpu.enqueue_indirect_dma source(%dma_start3A_95 : memref<10000x256xf32, #tpu.memory_space<hbm>>) target(%dma_start3A_91 : memref<16x256xf32, #tpu.memory_space<vmem>>) offsets(%dma_start3A_92 : memref<16xi32, #tpu.memory_space<vmem>>) semaphore(%arg17 : memref<!tpu.dma_semaphore, #tpu.memory_space<semaphore_mem>>)
      %dma_wait3A = arith.constant 0 : i32
      %dma_wait3A_96 = arith.constant 0 : i32
      %dma_wait3A_97 = tpu.memref_slice %arg14[%dma_wait3A, %dma_wait3A_96] : memref<128x256xf32, #tpu.memory_space<vmem>> -> memref<16x256xf32, #tpu.memory_space<vmem>>
      %dma_wait3A_98 = tpu.memref_slice %arg12[%mul3A_88] : memref<176xi32, #tpu.memory_space<vmem>> -> memref<16xi32, #tpu.memory_space<vmem>>
      %dma_wait3A_99 = arith.constant 0 : i32
      %dma_wait3A_100 = arith.constant 0 : i32
      %dma_wait3A_101 = tpu.memref_slice %arg2[%dma_wait3A_99, %dma_wait3A_100] : memref<10000x256xf32, #tpu.memory_space<hbm>> -> memref<10000x256xf32, #tpu.memory_space<hbm>>
      tpu.wait_indirect_dma semaphore(%arg17 : memref<!tpu.dma_semaphore, #tpu.memory_space<semaphore_mem>>) src(%dma_wait3A_101 : memref<10000x256xf32, #tpu.memory_space<hbm>>) dst(%dma_wait3A_97 : memref<16x256xf32, #tpu.memory_space<vmem>>)
      %mul3A_102 = arith.constant 16 : i32
      %mul3A_103 = arith.muli %add3A_86, %mul3A_102 : i32
      %mul3A_104 = arith.constant 2 : i32
      %mul3A_105 = arith.muli %arg1, %mul3A_104 : i32
      %mul3A_106 = arith.constant 64 : i32
      %mul3A_107 = arith.muli %mul3A_105, %mul3A_106 : i32
      %add3A_108 = arith.constant 0 : i32
      %add3A_109 = arith.addi %mul3A_107, %add3A_108 : i32
      "tpu.region"() ({
        %run_scoped3A = tpu.sem_alloc : memref<!tpu.dma_semaphore, #tpu.memory_space<semaphore_mem>>
        %dma_start3A_115 = tpu.memref_slice %arg13[%mul3A_103] : memref<176xi32, #tpu.memory_space<vmem>> -> memref<16xi32, #tpu.memory_space<vmem>>
        %dma_start3A_116 = tpu.memref_slice %arg15[%add3A_109] : memref<2048xi32, #tpu.memory_space<vmem_shared>> -> memref<16xi32, #tpu.memory_space<vmem_shared>>
        %dma_start3A_117 = tpu.memref_slice %arg15[%add3A_109] : memref<2048xi32, #tpu.memory_space<vmem_shared>> -> memref<16xi32, #tpu.memory_space<vmem_shared>>
        %dma_start3A_118 = tpu.memref_slice %arg13[%mul3A_103] : memref<176xi32, #tpu.memory_space<vmem>> -> memref<16xi32, #tpu.memory_space<vmem>>
        tpu.enqueue_dma source(%dma_start3A_118 : memref<16xi32, #tpu.memory_space<vmem>>) target(%dma_start3A_117 : memref<16xi32, #tpu.memory_space<vmem_shared>>) target_semaphore(%run_scoped3A : memref<!tpu.dma_semaphore, #tpu.memory_space<semaphore_mem>>)
        %dma_wait3A_119 = tpu.memref_slice %arg13[%mul3A_103] : memref<176xi32, #tpu.memory_space<vmem>> -> memref<16xi32, #tpu.memory_space<vmem>>
        %dma_wait3A_120 = tpu.memref_slice %arg15[%add3A_109] : memref<2048xi32, #tpu.memory_space<vmem_shared>> -> memref<16xi32, #tpu.memory_space<vmem_shared>>
        %dma_wait3A_121 = tpu.memref_slice %arg15[%add3A_109] : memref<2048xi32, #tpu.memory_space<vmem_shared>> -> memref<16xi32, #tpu.memory_space<vmem_shared>>
        %dma_wait3A_122 = tpu.memref_slice %arg13[%mul3A_103] : memref<176xi32, #tpu.memory_space<vmem>> -> memref<16xi32, #tpu.memory_space<vmem>>
        tpu.wait_dma2 semaphore(%run_scoped3A : memref<!tpu.dma_semaphore, #tpu.memory_space<semaphore_mem>>) src(%dma_wait3A_122 : memref<16xi32, #tpu.memory_space<vmem>>) dst(%dma_wait3A_121 : memref<16xi32, #tpu.memory_space<vmem_shared>>)
        tpu.yield
      }) : () -> ()
      "tpu.region"() ({
        %run_scoped3A = tpu.sem_alloc : memref<!tpu.dma_semaphore, #tpu.memory_space<semaphore_mem>>
        %dma_start3A_115 = arith.constant 0 : i32
        %dma_start3A_116 = tpu.memref_slice %arg16[%dma_start3A_115] : memref<128xi32, #tpu.memory_space<smem>> -> memref<16xi32, #tpu.memory_space<smem>>
        %dma_start3A_117 = tpu.memref_slice %arg15[%add3A_109] : memref<2048xi32, #tpu.memory_space<vmem_shared>> -> memref<16xi32, #tpu.memory_space<vmem_shared>>
        tpu.enqueue_dma source(%dma_start3A_117 : memref<16xi32, #tpu.memory_space<vmem_shared>>) target(%dma_start3A_116 : memref<16xi32, #tpu.memory_space<smem>>) target_semaphore(%run_scoped3A : memref<!tpu.dma_semaphore, #tpu.memory_space<semaphore_mem>>)
        %dma_wait3A_118 = arith.constant 0 : i32
        %dma_wait3A_119 = tpu.memref_slice %arg16[%dma_wait3A_118] : memref<128xi32, #tpu.memory_space<smem>> -> memref<16xi32, #tpu.memory_space<smem>>
        %dma_wait3A_120 = tpu.memref_slice %arg15[%add3A_109] : memref<2048xi32, #tpu.memory_space<vmem_shared>> -> memref<16xi32, #tpu.memory_space<vmem_shared>>
        tpu.wait_dma2 semaphore(%run_scoped3A : memref<!tpu.dma_semaphore, #tpu.memory_space<semaphore_mem>>) src(%dma_wait3A_120 : memref<16xi32, #tpu.memory_space<vmem_shared>>) dst(%dma_wait3A_119 : memref<16xi32, #tpu.memory_space<smem>>)
        tpu.yield
      }) : () -> ()
      %scan3A_110 = arith.constant 0 : i32
      %scan3A_111 = arith.constant 16 : i32
      %scan3A_112 = arith.addi %scan3A_110, %scan3A_111 : i32
      %scan3A_113 = arith.constant 1 : i32
      scf.for %scan3A_115 = %scan3A_110 to %scan3A_112 step %scan3A_113  : i32 {
        %mul3A_116 = arith.constant 1 : i32
        %mul3A_117 = arith.muli %scan3A_115, %mul3A_116 : i32
        %add3A_118 = arith.constant 0 : i32
        %add3A_119 = arith.addi %add3A_118, %mul3A_117 : i32
        %add3A_120 = arith.constant 0 : i32
        %add3A_121 = arith.addi %add3A_120, %add3A_119 : i32
        %get3A = arith.index_cast %add3A_121 : i32 to index
        %get3A_122 = memref.load %arg16[%get3A] : memref<128xi32, #tpu.memory_space<smem>>
        %mul3A_123 = arith.constant 256 : i32
        %mul3A_124 = arith.muli %get3A_122, %mul3A_123 : i32
        %add3A_125 = arith.constant 0 : i32
        %add3A_126 = arith.addi %mul3A_124, %add3A_125 : i32
        %add3A_127 = arith.constant 0 : i32
        %add3A_128 = arith.addi %add3A_127, %add3A_119 : i32
        %get3A_129 = arith.index_cast %add3A_128 : i32 to index
        %get3A_130 = arith.constant 0 : index
        %get3A_131 = tpu.vector_load %arg14[%get3A_129, %get3A_130] {strides = array<i32>} : memref<128x256xf32, #tpu.memory_space<vmem>>, vector<16xf32>,
        %swap3A = arith.index_cast %add3A_126 : i32 to index
        %swap3A_132 = tpu.vector_load %arg7[%swap3A] {strides = array<i32>} : memref<83968xf32, #tpu.memory_space<vmem>>, vector<16xf32>,
        tpu.vector_store %arg7[%swap3A], %get3A_131 {add = true, strides = array<i32>} : memref<83968xf32, #tpu.memory_space<vmem>>, vector<16xf32>,
        %add3A_133 = arith.constant 16 : i32
        %add3A_134 = arith.addi %mul3A_124, %add3A_133 : i32
        %add3A_135 = arith.constant 0 : i32
        %add3A_136 = arith.addi %add3A_135, %add3A_119 : i32
        %get3A_137 = arith.index_cast %add3A_136 : i32 to index
        %get3A_138 = arith.constant 16 : index
        %get3A_139 = tpu.vector_load %arg14[%get3A_137, %get3A_138] {strides = array<i32>} : memref<128x256xf32, #tpu.memory_space<vmem>>, vector<16xf32>,
        %swap3A_140 = arith.index_cast %add3A_134 : i32 to index
        %swap3A_141 = tpu.vector_load %arg7[%swap3A_140] {strides = array<i32>} : memref<83968xf32, #tpu.memory_space<vmem>>, vector<16xf32>,
        tpu.vector_store %arg7[%swap3A_140], %get3A_139 {add = true, strides = array<i32>} : memref<83968xf32, #tpu.memory_space<vmem>>, vector<16xf32>,
        %add3A_142 = arith.constant 32 : i32
        %add3A_143 = arith.addi %mul3A_124, %add3A_142 : i32
        %add3A_144 = arith.constant 0 : i32
        %add3A_145 = arith.addi %add3A_144, %add3A_119 : i32
        %get3A_146 = arith.index_cast %add3A_145 : i32 to index
        %get3A_147 = arith.constant 32 : index
        %get3A_148 = tpu.vector_load %arg14[%get3A_146, %get3A_147] {strides = array<i32>} : memref<128x256xf32, #tpu.memory_space<vmem>>, vector<16xf32>,
        %swap3A_149 = arith.index_cast %add3A_143 : i32 to index
        %swap3A_150 = tpu.vector_load %arg7[%swap3A_149] {strides = array<i32>} : memref<83968xf32, #tpu.memory_space<vmem>>, vector<16xf32>,
        tpu.vector_store %arg7[%swap3A_149], %get3A_148 {add = true, strides = array<i32>} : memref<83968xf32, #tpu.memory_space<vmem>>, vector<16xf32>,
        %add3A_151 = arith.constant 48 : i32
        %add3A_152 = arith.addi %mul3A_124, %add3A_151 : i32
        %add3A_153 = arith.constant 0 : i32
        %add3A_154 = arith.addi %add3A_153, %add3A_119 : i32
        %get3A_155 = arith.index_cast %add3A_154 : i32 to index
        %get3A_156 = arith.constant 48 : index
        %get3A_157 = tpu.vector_load %arg14[%get3A_155, %get3A_156] {strides = array<i32>} : memref<128x256xf32, #tpu.memory_space<vmem>>, vector<16xf32>,
        %swap3A_158 = arith.index_cast %add3A_152 : i32 to index
        %swap3A_159 = tpu.vector_load %arg7[%swap3A_158] {strides = array<i32>} : memref<83968xf32, #tpu.memory_space<vmem>>, vector<16xf32>,
        tpu.vector_store %arg7[%swap3A_158], %get3A_157 {add = true, strides = array<i32>} : memref<83968xf32, #tpu.memory_space<vmem>>, vector<16xf32>,
        %add3A_160 = arith.constant 64 : i32
        %add3A_161 = arith.addi %mul3A_124, %add3A_160 : i32
        %add3A_162 = arith.constant 0 : i32
        %add3A_163 = arith.addi %add3A_162, %add3A_119 : i32
        %get3A_164 = arith.index_cast %add3A_163 : i32 to index
        %get3A_165 = arith.constant 64 : index
        %get3A_166 = tpu.vector_load %arg14[%get3A_164, %get3A_165] {strides = array<i32>} : memref<128x256xf32, #tpu.memory_space<vmem>>, vector<16xf32>,
        %swap3A_167 = arith.index_cast %add3A_161 : i32 to index
        %swap3A_168 = tpu.vector_load %arg7[%swap3A_167] {strides = array<i32>} : memref<83968xf32, #tpu.memory_space<vmem>>, vector<16xf32>,
        tpu.vector_store %arg7[%swap3A_167], %get3A_166 {add = true, strides = array<i32>} : memref<83968xf32, #tpu.memory_space<vmem>>, vector<16xf32>,
        %add3A_169 = arith.constant 80 : i32
        %add3A_170 = arith.addi %mul3A_124, %add3A_169 : i32
        %add3A_171 = arith.constant 0 : i32
        %add3A_172 = arith.addi %add3A_171, %add3A_119 : i32
        %get3A_173 = arith.index_cast %add3A_172 : i32 to index
        %get3A_174 = arith.constant 80 : index
        %get3A_175 = tpu.vector_load %arg14[%get3A_173, %get3A_174] {strides = array<i32>} : memref<128x256xf32, #tpu.memory_space<vmem>>, vector<16xf32>,
        %swap3A_176 = arith.index_cast %add3A_170 : i32 to index
        %swap3A_177 = tpu.vector_load %arg7[%swap3A_176] {strides = array<i32>} : memref<83968xf32, #tpu.memory_space<vmem>>, vector<16xf32>,
        tpu.vector_store %arg7[%swap3A_176], %get3A_175 {add = true, strides = array<i32>} : memref<83968xf32, #tpu.memory_space<vmem>>, vector<16xf32>,
        %add3A_178 = arith.constant 96 : i32
        %add3A_179 = arith.addi %mul3A_124, %add3A_178 : i32
        %add3A_180 = arith.constant 0 : i32
        %add3A_181 = arith.addi %add3A_180, %add3A_119 : i32
        %get3A_182 = arith.index_cast %add3A_181 : i32 to index
        %get3A_183 = arith.constant 96 : index
        %get3A_184 = tpu.vector_load %arg14[%get3A_182, %get3A_183] {strides = array<i32>} : memref<128x256xf32, #tpu.memory_space<vmem>>, vector<16xf32>,
        %swap3A_185 = arith.index_cast %add3A_179 : i32 to index
        %swap3A_186 = tpu.vector_load %arg7[%swap3A_185] {strides = array<i32>} : memref<83968xf32, #tpu.memory_space<vmem>>, vector<16xf32>,
        tpu.vector_store %arg7[%swap3A_185], %get3A_184 {add = true, strides = array<i32>} : memref<83968xf32, #tpu.memory_space<vmem>>, vector<16xf32>,
        %add3A_187 = arith.constant 112 : i32
        %add3A_188 = arith.addi %mul3A_124, %add3A_187 : i32
        %add3A_189 = arith.constant 0 : i32
        %add3A_190 = arith.addi %add3A_189, %add3A_119 : i32
        %get3A_191 = arith.index_cast %add3A_190 : i32 to index
        %get3A_192 = arith.constant 112 : index
        %get3A_193 = tpu.vector_load %arg14[%get3A_191, %get3A_192] {strides = array<i32>} : memref<128x256xf32, #tpu.memory_space<vmem>>, vector<16xf32>,
        %swap3A_194 = arith.index_cast %add3A_188 : i32 to index
        %swap3A_195 = tpu.vector_load %arg7[%swap3A_194] {strides = array<i32>} : memref<83968xf32, #tpu.memory_space<vmem>>, vector<16xf32>,
        tpu.vector_store %arg7[%swap3A_194], %get3A_193 {add = true, strides = array<i32>} : memref<83968xf32, #tpu.memory_space<vmem>>, vector<16xf32>,
        %add3A_196 = arith.constant 128 : i32
        %add3A_197 = arith.addi %mul3A_124, %add3A_196 : i32
        %add3A_198 = arith.constant 0 : i32
        %add3A_199 = arith.addi %add3A_198, %add3A_119 : i32
        %get3A_200 = arith.index_cast %add3A_199 : i32 to index
        %get3A_201 = arith.constant 128 : index
        %get3A_202 = tpu.vector_load %arg14[%get3A_200, %get3A_201] {strides = array<i32>} : memref<128x256xf32, #tpu.memory_space<vmem>>, vector<16xf32>,
        %swap3A_203 = arith.index_cast %add3A_197 : i32 to index
        %swap3A_204 = tpu.vector_load %arg7[%swap3A_203] {strides = array<i32>} : memref<83968xf32, #tpu.memory_space<vmem>>, vector<16xf32>,
        tpu.vector_store %arg7[%swap3A_203], %get3A_202 {add = true, strides = array<i32>} : memref<83968xf32, #tpu.memory_space<vmem>>, vector<16xf32>,
        %add3A_205 = arith.constant 144 : i32
        %add3A_206 = arith.addi %mul3A_124, %add3A_205 : i32
        %add3A_207 = arith.constant 0 : i32
        %add3A_208 = arith.addi %add3A_207, %add3A_119 : i32
        %get3A_209 = arith.index_cast %add3A_208 : i32 to index
        %get3A_210 = arith.constant 144 : index
        %get3A_211 = tpu.vector_load %arg14[%get3A_209, %get3A_210] {strides = array<i32>} : memref<128x256xf32, #tpu.memory_space<vmem>>, vector<16xf32>,
        %swap3A_212 = arith.index_cast %add3A_206 : i32 to index
        %swap3A_213 = tpu.vector_load %arg7[%swap3A_212] {strides = array<i32>} : memref<83968xf32, #tpu.memory_space<vmem>>, vector<16xf32>,
        tpu.vector_store %arg7[%swap3A_212], %get3A_211 {add = true, strides = array<i32>} : memref<83968xf32, #tpu.memory_space<vmem>>, vector<16xf32>,
        %add3A_214 = arith.constant 160 : i32
        %add3A_215 = arith.addi %mul3A_124, %add3A_214 : i32
        %add3A_216 = arith.constant 0 : i32
        %add3A_217 = arith.addi %add3A_216, %add3A_119 : i32
        %get3A_218 = arith.index_cast %add3A_217 : i32 to index
        %get3A_219 = arith.constant 160 : index
        %get3A_220 = tpu.vector_load %arg14[%get3A_218, %get3A_219] {strides = array<i32>} : memref<128x256xf32, #tpu.memory_space<vmem>>, vector<16xf32>,
        %swap3A_221 = arith.index_cast %add3A_215 : i32 to index
        %swap3A_222 = tpu.vector_load %arg7[%swap3A_221] {strides = array<i32>} : memref<83968xf32, #tpu.memory_space<vmem>>, vector<16xf32>,
        tpu.vector_store %arg7[%swap3A_221], %get3A_220 {add = true, strides = array<i32>} : memref<83968xf32, #tpu.memory_space<vmem>>, vector<16xf32>,
        %add3A_223 = arith.constant 176 : i32
        %add3A_224 = arith.addi %mul3A_124, %add3A_223 : i32
        %add3A_225 = arith.constant 0 : i32
        %add3A_226 = arith.addi %add3A_225, %add3A_119 : i32
        %get3A_227 = arith.index_cast %add3A_226 : i32 to index
        %get3A_228 = arith.constant 176 : index
        %get3A_229 = tpu.vector_load %arg14[%get3A_227, %get3A_228] {strides = array<i32>} : memref<128x256xf32, #tpu.memory_space<vmem>>, vector<16xf32>,
        %swap3A_230 = arith.index_cast %add3A_224 : i32 to index
        %swap3A_231 = tpu.vector_load %arg7[%swap3A_230] {strides = array<i32>} : memref<83968xf32, #tpu.memory_space<vmem>>, vector<16xf32>,
        tpu.vector_store %arg7[%swap3A_230], %get3A_229 {add = true, strides = array<i32>} : memref<83968xf32, #tpu.memory_space<vmem>>, vector<16xf32>,
        %add3A_232 = arith.constant 192 : i32
        %add3A_233 = arith.addi %mul3A_124, %add3A_232 : i32
        %add3A_234 = arith.constant 0 : i32
        %add3A_235 = arith.addi %add3A_234, %add3A_119 : i32
        %get3A_236 = arith.index_cast %add3A_235 : i32 to index
        %get3A_237 = arith.constant 192 : index
        %get3A_238 = tpu.vector_load %arg14[%get3A_236, %get3A_237] {strides = array<i32>} : memref<128x256xf32, #tpu.memory_space<vmem>>, vector<16xf32>,
        %swap3A_239 = arith.index_cast %add3A_233 : i32 to index
        %swap3A_240 = tpu.vector_load %arg7[%swap3A_239] {strides = array<i32>} : memref<83968xf32, #tpu.memory_space<vmem>>, vector<16xf32>,
        tpu.vector_store %arg7[%swap3A_239], %get3A_238 {add = true, strides = array<i32>} : memref<83968xf32, #tpu.memory_space<vmem>>, vector<16xf32>,
        %add3A_241 = arith.constant 208 : i32
        %add3A_242 = arith.addi %mul3A_124, %add3A_241 : i32
        %add3A_243 = arith.constant 0 : i32
        %add3A_244 = arith.addi %add3A_243, %add3A_119 : i32
        %get3A_245 = arith.index_cast %add3A_244 : i32 to index
        %get3A_246 = arith.constant 208 : index
        %get3A_247 = tpu.vector_load %arg14[%get3A_245, %get3A_246] {strides = array<i32>} : memref<128x256xf32, #tpu.memory_space<vmem>>, vector<16xf32>,
        %swap3A_248 = arith.index_cast %add3A_242 : i32 to index
        %swap3A_249 = tpu.vector_load %arg7[%swap3A_248] {strides = array<i32>} : memref<83968xf32, #tpu.memory_space<vmem>>, vector<16xf32>,
        tpu.vector_store %arg7[%swap3A_248], %get3A_247 {add = true, strides = array<i32>} : memref<83968xf32, #tpu.memory_space<vmem>>, vector<16xf32>,
        %add3A_250 = arith.constant 224 : i32
        %add3A_251 = arith.addi %mul3A_124, %add3A_250 : i32
        %add3A_252 = arith.constant 0 : i32
        %add3A_253 = arith.addi %add3A_252, %add3A_119 : i32
        %get3A_254 = arith.index_cast %add3A_253 : i32 to index
        %get3A_255 = arith.constant 224 : index
        %get3A_256 = tpu.vector_load %arg14[%get3A_254, %get3A_255] {strides = array<i32>} : memref<128x256xf32, #tpu.memory_space<vmem>>, vector<16xf32>,
        %swap3A_257 = arith.index_cast %add3A_251 : i32 to index
        %swap3A_258 = tpu.vector_load %arg7[%swap3A_257] {strides = array<i32>} : memref<83968xf32, #tpu.memory_space<vmem>>, vector<16xf32>,
        tpu.vector_store %arg7[%swap3A_257], %get3A_256 {add = true, strides = array<i32>} : memref<83968xf32, #tpu.memory_space<vmem>>, vector<16xf32>,
        %add3A_259 = arith.constant 240 : i32
        %add3A_260 = arith.addi %mul3A_124, %add3A_259 : i32
        %add3A_261 = arith.constant 0 : i32
        %add3A_262 = arith.addi %add3A_261, %add3A_119 : i32
        %get3A_263 = arith.index_cast %add3A_262 : i32 to index
        %get3A_264 = arith.constant 240 : index
        %get3A_265 = tpu.vector_load %arg14[%get3A_263, %get3A_264] {strides = array<i32>} : memref<128x256xf32, #tpu.memory_space<vmem>>, vector<16xf32>,
        %swap3A_266 = arith.index_cast %add3A_260 : i32 to index
        %swap3A_267 = tpu.vector_load %arg7[%swap3A_266] {strides = array<i32>} : memref<83968xf32, #tpu.memory_space<vmem>>, vector<16xf32>,
        tpu.vector_store %arg7[%swap3A_266], %get3A_265 {add = true, strides = array<i32>} : memref<83968xf32, #tpu.memory_space<vmem>>, vector<16xf32>,
      }
      %scan3A_114 = arith.constant 16 : i32
    }
    %lt3A = arith.constant 31 : i32
    %lt3A_75 = arith.cmpi slt, %add3A, %lt3A : i32
    %convert_element_type3A_76 = arith.extui %lt3A_75 : i1 to i32
    %cond3A_77 = arith.constant 0 : i32
    %cond3A_78 = arith.cmpi ne, %convert_element_type3A_76, %cond3A_77 : i32
    scf.if %cond3A_78 {
      %mul3A_84 = arith.constant 256 : i32
      %mul3A_85 = arith.muli %mul3A_2, %mul3A_84 : i32
      "tpu.region"() ({
        %run_scoped3A = tpu.sem_alloc : memref<!tpu.dma_semaphore, #tpu.memory_space<semaphore_mem>>
        %dma_start3A_86 = arith.constant 0 : i32
        %dma_start3A_87 = tpu.memref_slice %arg7[%dma_start3A_86] : memref<83968xf32, #tpu.memory_space<vmem>> -> memref<81920xf32, #tpu.memory_space<vmem>>
        %dma_start3A_88 = tpu.memref_slice %arg6[%mul3A_85] : memref<2560000xf32, #tpu.memory_space<hbm>> -> memref<81920xf32, #tpu.memory_space<hbm>>
        %dma_start3A_89 = tpu.memref_slice %arg6[%mul3A_85] : memref<2560000xf32, #tpu.memory_space<hbm>> -> memref<81920xf32, #tpu.memory_space<hbm>>
        %dma_start3A_90 = arith.constant 0 : i32
        %dma_start3A_91 = tpu.memref_slice %arg7[%dma_start3A_90] : memref<83968xf32, #tpu.memory_space<vmem>> -> memref<81920xf32, #tpu.memory_space<vmem>>
        tpu.enqueue_dma source(%dma_start3A_91 : memref<81920xf32, #tpu.memory_space<vmem>>) target(%dma_start3A_89 : memref<81920xf32, #tpu.memory_space<hbm>>) target_semaphore(%run_scoped3A : memref<!tpu.dma_semaphore, #tpu.memory_space<semaphore_mem>>)
        %dma_wait3A = arith.constant 0 : i32
        %dma_wait3A_92 = tpu.memref_slice %arg7[%dma_wait3A] : memref<83968xf32, #tpu.memory_space<vmem>> -> memref<81920xf32, #tpu.memory_space<vmem>>
        %dma_wait3A_93 = tpu.memref_slice %arg6[%mul3A_85] : memref<2560000xf32, #tpu.memory_space<hbm>> -> memref<81920xf32, #tpu.memory_space<hbm>>
        %dma_wait3A_94 = tpu.memref_slice %arg6[%mul3A_85] : memref<2560000xf32, #tpu.memory_space<hbm>> -> memref<81920xf32, #tpu.memory_space<hbm>>
        %dma_wait3A_95 = arith.constant 0 : i32
        %dma_wait3A_96 = tpu.memref_slice %arg7[%dma_wait3A_95] : memref<83968xf32, #tpu.memory_space<vmem>> -> memref<81920xf32, #tpu.memory_space<vmem>>
        tpu.wait_dma2 semaphore(%run_scoped3A : memref<!tpu.dma_semaphore, #tpu.memory_space<semaphore_mem>>) src(%dma_wait3A_96 : memref<81920xf32, #tpu.memory_space<vmem>>) dst(%dma_wait3A_94 : memref<81920xf32, #tpu.memory_space<hbm>>)
        tpu.yield
      }) : () -> ()
    } else {
    }
    %eq3A_79 = arith.constant 31 : i32
    %eq3A_80 = arith.cmpi eq, %add3A, %eq3A_79 : i32
    %convert_element_type3A_81 = arith.extui %eq3A_80 : i1 to i32
    %cond3A_82 = arith.constant 0 : i32
    %cond3A_83 = arith.cmpi ne, %convert_element_type3A_81, %cond3A_82 : i32
    scf.if %cond3A_83 {
      %mul3A_84 = arith.constant 256 : i32
      %mul3A_85 = arith.muli %mul3A_2, %mul3A_84 : i32
      "tpu.region"() ({
        %run_scoped3A = tpu.sem_alloc : memref<!tpu.dma_semaphore, #tpu.memory_space<semaphore_mem>>
        %dma_start3A_86 = arith.constant 0 : i32
        %dma_start3A_87 = tpu.memref_slice %arg7[%dma_start3A_86] : memref<83968xf32, #tpu.memory_space<vmem>> -> memref<20480xf32, #tpu.memory_space<vmem>>
        %dma_start3A_88 = tpu.memref_slice %arg6[%mul3A_85] : memref<2560000xf32, #tpu.memory_space<hbm>> -> memref<20480xf32, #tpu.memory_space<hbm>>
        %dma_start3A_89 = tpu.memref_slice %arg6[%mul3A_85] : memref<2560000xf32, #tpu.memory_space<hbm>> -> memref<20480xf32, #tpu.memory_space<hbm>>
        %dma_start3A_90 = arith.constant 0 : i32
        %dma_start3A_91 = tpu.memref_slice %arg7[%dma_start3A_90] : memref<83968xf32, #tpu.memory_space<vmem>> -> memref<20480xf32, #tpu.memory_space<vmem>>
        tpu.enqueue_dma source(%dma_start3A_91 : memref<20480xf32, #tpu.memory_space<vmem>>) target(%dma_start3A_89 : memref<20480xf32, #tpu.memory_space<hbm>>) target_semaphore(%run_scoped3A : memref<!tpu.dma_semaphore, #tpu.memory_space<semaphore_mem>>)
        %dma_wait3A = arith.constant 0 : i32
        %dma_wait3A_92 = tpu.memref_slice %arg7[%dma_wait3A] : memref<83968xf32, #tpu.memory_space<vmem>> -> memref<20480xf32, #tpu.memory_space<vmem>>
        %dma_wait3A_93 = tpu.memref_slice %arg6[%mul3A_85] : memref<2560000xf32, #tpu.memory_space<hbm>> -> memref<20480xf32, #tpu.memory_space<hbm>>
        %dma_wait3A_94 = tpu.memref_slice %arg6[%mul3A_85] : memref<2560000xf32, #tpu.memory_space<hbm>> -> memref<20480xf32, #tpu.memory_space<hbm>>
        %dma_wait3A_95 = arith.constant 0 : i32
        %dma_wait3A_96 = tpu.memref_slice %arg7[%dma_wait3A_95] : memref<83968xf32, #tpu.memory_space<vmem>> -> memref<20480xf32, #tpu.memory_space<vmem>>
        tpu.wait_dma2 semaphore(%run_scoped3A : memref<!tpu.dma_semaphore, #tpu.memory_space<semaphore_mem>>) src(%dma_wait3A_96 : memref<20480xf32, #tpu.memory_space<vmem>>) dst(%dma_wait3A_94 : memref<20480xf32, #tpu.memory_space<hbm>>)
        tpu.yield
      }) : () -> ()
    } else {
    }
    return
  }
}

module attributes {stable_mosaic.version = 14 : i64} {
  func.func @_transpose_body(%arg0: i32, %arg1: memref<256x512xf32, #tpu.memory_space<vmem>>, %arg2: memref<512x256xf32, #tpu.memory_space<vmem>>) attributes {dimension_semantics = [#tpu.dimension_semantics<arbitrary>], iteration_bounds = array<i64: 20>, scalar_prefetch = 0 : i64, scratch_operands = 0 : i64, tpu.core_type = #tpu.core_type<tc>, window_params = [{transform_indices = @transform_0, window_bounds = array<i64: 256, 512>}, {transform_indices = @transform_1, window_bounds = array<i64: 512, 256>}]} {
    %get3A = arith.constant 0 : index
    %get3A_0 = arith.constant 0 : index
    %get3A_1 = vector.load %arg1[%get3A, %get3A_0] : memref<256x512xf32, #tpu.memory_space<vmem>>, vector<256x512xf32>
    %convert_element_type3A = arith.truncf %get3A_1 : vector<256x512xf32> to vector<256x512xbf16>
    %convert_element_type3A_2 = arith.extf %convert_element_type3A : vector<256x512xbf16> to vector<256x512xf32>
    %sub3A = arith.subf %get3A_1, %convert_element_type3A_2 : vector<256x512xf32>
    %transpose3A = tpu.transpose %convert_element_type3A_2, [1, 0] : vector<256x512xf32> -> vector<512x256xf32>
    %transpose3A_3 = tpu.transpose %sub3A, [1, 0] : vector<256x512xf32> -> vector<512x256xf32>
    %add3A = arith.addf %transpose3A, %transpose3A_3 : vector<512x256xf32>
    %swap3A = arith.constant 0 : index
    %swap3A_4 = arith.constant 0 : index
    %swap3A_5 = vector.load %arg2[%swap3A, %swap3A_4] : memref<512x256xf32, #tpu.memory_space<vmem>>, vector<512x256xf32>
    tpu.vector_store %arg2[%swap3A, %swap3A_4], %add3A {strides = array<i32>} : memref<512x256xf32, #tpu.memory_space<vmem>>, vector<512x256xf32>,
    return
  }
  func.func @transform_0(%arg0: i32) -> (i32, i32) {
    %c0_i32 = arith.constant 0 : i32
    %c0_i32_0 = arith.constant 0 : i32
    return %c0_i32, %arg0 : i32, i32
  }
  func.func @transform_1(%arg0: i32) -> (i32, i32) {
    %c0_i32 = arith.constant 0 : i32
    %c0_i32_0 = arith.constant 0 : i32
    return %arg0, %c0_i32 : i32, i32
  }
}

module attributes {stable_mosaic.version = 14 : i64} {
  func.func @_linear_body(%arg0: i32, %arg1: memref<512x256xf32, #tpu.memory_space<vmem>>, %arg2: memref<256x256xf32, #tpu.memory_space<vmem>>, %arg3: memref<256x1xf32, #tpu.memory_space<vmem>>, %arg4: memref<256x512xf32, #tpu.memory_space<vmem>>) attributes {dimension_semantics = [#tpu.dimension_semantics<arbitrary>], iteration_bounds = array<i64: 20>, scalar_prefetch = 0 : i64, scratch_operands = 0 : i64, tpu.core_type = #tpu.core_type<tc>, window_params = [{transform_indices = @transform_0, window_bounds = array<i64: 512, 256>}, {pipeline_mode = #tpu.pipeline_mode<synchronous>, transform_indices = @transform_1, window_bounds = array<i64: 256, 256>}, {pipeline_mode = #tpu.pipeline_mode<synchronous>, transform_indices = @transform_2, window_bounds = array<i64: 256, 1>}, {transform_indices = @transform_3, window_bounds = array<i64: 256, 512>}]} {
    %get3A = arith.constant 0 : index
    %get3A_0 = arith.constant 0 : index
    %get3A_1 = vector.load %arg1[%get3A, %get3A_0] : memref<512x256xf32, #tpu.memory_space<vmem>>, vector<512x256xf32>
    %get3A_2 = arith.constant 0 : index
    %get3A_3 = arith.constant 0 : index
    %get3A_4 = vector.load %arg2[%get3A_2, %get3A_3] : memref<256x256xf32, #tpu.memory_space<vmem>>, vector<256x256xf32>
    %convert_element_type3A = arith.truncf %get3A_1 : vector<512x256xf32> to vector<512x256xbf16>
    %convert_element_type3A_5 = arith.extf %convert_element_type3A : vector<512x256xbf16> to vector<512x256xf32>
    %convert_element_type3A_6 = arith.truncf %get3A_4 : vector<256x256xf32> to vector<256x256xbf16>
    %convert_element_type3A_7 = arith.extf %convert_element_type3A_6 : vector<256x256xbf16> to vector<256x256xf32>
    %sub3A = arith.subf %get3A_1, %convert_element_type3A_5 : vector<512x256xf32>
    %sub3A_8 = arith.subf %get3A_4, %convert_element_type3A_7 : vector<256x256xf32>
    %dot_general3A = arith.constant dense<0.000000e+00> : vector<256x512xf32>
    %dot_general3A_9 = tpu.matmul %convert_element_type3A_7, %convert_element_type3A_5, %dot_general3A {dimension_numbers = #tpu.dot_dimension_numbers<[1], [1], [0], [0], [0, 0, 1, 0], [], []>, transpose_lhs_hint = false} : vector<256x256xf32>, vector<512x256xf32>, vector<256x512xf32> -> vector<256x512xf32>
    %dot_general3A_10 = arith.constant dense<0.000000e+00> : vector<256x512xf32>
    %dot_general3A_11 = tpu.matmul %convert_element_type3A_7, %sub3A, %dot_general3A_10 {dimension_numbers = #tpu.dot_dimension_numbers<[1], [1], [0], [0], [0, 0, 1, 0], [], []>, transpose_lhs_hint = false} : vector<256x256xf32>, vector<512x256xf32>, vector<256x512xf32> -> vector<256x512xf32>
    %add3A = arith.addf %dot_general3A_9, %dot_general3A_11 : vector<256x512xf32>
    %dot_general3A_12 = arith.constant dense<0.000000e+00> : vector<256x512xf32>
    %dot_general3A_13 = tpu.matmul %sub3A_8, %convert_element_type3A_5, %dot_general3A_12 {dimension_numbers = #tpu.dot_dimension_numbers<[1], [1], [0], [0], [0, 0, 1, 0], [], []>, transpose_lhs_hint = false} : vector<256x256xf32>, vector<512x256xf32>, vector<256x512xf32> -> vector<256x512xf32>
    %add3A_14 = arith.addf %add3A, %dot_general3A_13 : vector<256x512xf32>
    %get3A_15 = arith.constant 0 : index
    %get3A_16 = arith.constant 0 : index
    %get3A_17 = vector.load %arg3[%get3A_15, %get3A_16] : memref<256x1xf32, #tpu.memory_space<vmem>>, vector<256x1xf32>
    %add3A_18 = vector.broadcast %get3A_17 : vector<256x1xf32> to vector<256x512xf32>
    %add3A_19 = arith.addf %add3A_14, %add3A_18 : vector<256x512xf32>
    %max3A = arith.constant 0.000000e+00 : f32
    %max3A_20 = vector.broadcast %max3A : f32 to vector<256x512xf32>
    %max3A_21 = arith.maximumf %add3A_19, %max3A_20 : vector<256x512xf32>
    %swap3A = arith.constant 0 : index
    %swap3A_22 = arith.constant 0 : index
    %swap3A_23 = vector.load %arg4[%swap3A, %swap3A_22] : memref<256x512xf32, #tpu.memory_space<vmem>>, vector<256x512xf32>
    tpu.vector_store %arg4[%swap3A, %swap3A_22], %max3A_21 {strides = array<i32>} : memref<256x512xf32, #tpu.memory_space<vmem>>, vector<256x512xf32>,
    return
  }
  func.func @transform_0(%arg0: i32) -> (i32, i32) {
    %c0_i32 = arith.constant 0 : i32
    %c0_i32_0 = arith.constant 0 : i32
    return %arg0, %c0_i32 : i32, i32
  }
  func.func @transform_1(%arg0: i32) -> (i32, i32) {
    %c0_i32 = arith.constant 0 : i32
    %c0_i32_0 = arith.constant 0 : i32
    %c0_i32_1 = arith.constant 0 : i32
    return %c0_i32, %c0_i32_0 : i32, i32
  }
  func.func @transform_2(%arg0: i32) -> (i32, i32) {
    %c0_i32 = arith.constant 0 : i32
    %c0_i32_0 = arith.constant 0 : i32
    %c0_i32_1 = arith.constant 0 : i32
    return %c0_i32, %c0_i32_0 : i32, i32
  }
  func.func @transform_3(%arg0: i32) -> (i32, i32) {
    %c0_i32 = arith.constant 0 : i32
    %c0_i32_0 = arith.constant 0 : i32
    return %c0_i32, %arg0 : i32, i32
  }
}

</mosaic_0001>

<sc_bundles>
// kernel: kernel.5.cloned.1.call-start
scs
__scs_entry_jumppad:
0x0: {  	(pc) =	sbr.rel $0x88, $3  }
0x1: {  	(tag) =	ssettag $0x0;
	lr =	simm.s32 $0x1  }
0x2: {  	[smem:$0x3F9D] =	sst lr;
	_ =	strace $0xD0000000  }
0x3: {  	_ = 	snop  }
0x4: {  	_ = 	snop  }
0x5: {  	_ = 	snop  }
0x6: {  	_ = 	snop  }
0x7: {  	_ = 	snop  }
__scs_overlays_trampoline_lowered:
0x8: {  	[smem:$0x3FAC] =	sst s0  }
0x9: {  	[smem:$0x3FAD] =	sst s1  }
0xa: {  	[smem:$0x3FAE] =	sst s2  }
0xb: {  	[smem:$0x3FAF] =	sst s3  }
0xc: {  	[smem:$0x3FB0] =	sst s4  }
0xd: {  	[smem:$0x3FB1] =	sst s5  }
0xe: {  	[smem:$0x3FB2] =	sst s6  }
0xf: {  	[smem:$0x3FB3] =	sst s7  }
0x10: {  	[smem:$0x3FB4] =	sst s8  }
0x11: {  	[smem:$0x3FB5] =	sst s9;
	s0 =	simm.s32 @!p0 $0x0  }
0x12: {  	s1 =	sld [smem:$0x3F9B];
	s0 =	simm.s32 @p0 $0x1  }
0x13: {  	[smem:$0x3FB6] =	sst s0;
	s0 =	simm.s32 @!p1 $0x0  }
0x14: {  	s2 =	sld [smem:$0x3F9A];
	s0 =	simm.s32 @p1 $0x1  }
0x15: {  	[smem:$0x3FB7] =	sst s0;
	s0 =	simm.s32 @!p2 $0x0  }
0x16: {  	s3 =	sld [smem:$0x3FDB];
	s0 =	simm.s32 @p2 $0x1  }
0x17: {  	s4 =	simm.s32 $0x1BF5;
	[smem:$0x3FB9] =	sst s0  }
0x18: {  	s0 =	sld [smem:$0x3F9C];
	_ =	swait.ge [sflag:s4], $0x0  }
0x19: {  	s7 =	sld [smem:$0x3F9D]  }
0x1a: {  	s8 =	sadd.s32 $0xFFFFE003, lr  }
0x1b: {  	s9 =	sadd.s32 $0xFFFFFEF7, lr;
	s5 =	simm.s32 $0xFFFFFFFF;
	p2 =	slt.u32 s8, $0xFFFFF086  }
0x1c: {  	p1 =	slt.u32 s9, $0xF7A;
	s5 =	simm.s32 @!p2 $0x0  }
0x1d: {  	s5 =	simm.s32 @p1 $0x1;
	p0 =	seq.s32 s7, s2  }
0x1e: {  	s7 =	smul.u32 @!p0 $0xF7A, s2;
	p2 =	seq.s32 @!p0 s5, $0x0  }
0x1f: {  	s9 =	smul.u32 $0xF7A, s1;
	s8 =	simm.s32 @!p0 $0x1BF5;
	p2 =	por !p2, p0  }
0x20: {  	[sflag:s8] =	ssyncset.s32 @!p0 $0xFFFFF086;
	s6 =	sadd.s32 @!p0 s3, s7;
	s7 =	simm.s32 @!p0 $0x108  }
0x21: {  	s3 =	sadd.s32 s3, s9;
	s6 =	sadd.s32 @!p0 $0x88, s6;
	s7 =	simm.s32 @p2 $0x1082  }
0x22: {  	[simem:s7], [sflag:s8] =	dma.local @!p0 [hbm:s6], $0xF7A  }
0x23: {  	s9 =	sor.u32 $0xD0000000, s2;
	s6 =	simm.s32 $0x108;
	_ =	swait.ge @!p0 [sflag:s8], $0x0  }
0x24: {  	s3 =	sadd.s32 $0x88, s3;
	s6 =	simm.s32 @!p1 $0x1082;
	[sflag:s4] =	ssyncset.s32 $0xFFFFF086  }
0x25: {  	[simem:s6], [sflag:s4] =	dma.local [hbm:s3], $0xF7A  }
0x26: {  	[smem:$0x3F9D] =	sst s1;
	(tag) =	ssettag s2;
	_ =	strace s9  }
0x27: {  	s1 =	sld [smem:$0x3FAD]  }
0x28: {  	s2 =	sld [smem:$0x3FAE]  }
0x29: {  	s4 =	sld [smem:$0x3FB0]  }
0x2a: {  	p0 =	seq.s32 s5, $0x0;
	s5 =	sld [smem:$0x3FB1]  }
0x2b: {  	s6 =	sld [smem:$0x3FB2]  }
0x2c: {  	s7 =	sld [smem:$0x3FB3]  }
0x2d: {  	s3 =	simm.s32 $0x108;
	s8 =	sld [smem:$0x3FB4]  }
0x2e: {  	s3 =	simm.s32 @!p0 $0x1082;
	s9 =	sld [smem:$0x3FB5]  }
0x2f: {  	lr =	sadd.s32 s0, s3;
	s0 =	sld [smem:$0x3FAC]  }
0x30: {  	s3 =	sld [smem:$0x3FAF]  }
0x31: {  	[smem:$0x3FB8] =	sst s10  }
0x32: {  	s10 =	sld [smem:$0x3FB6];
	_ =	sdelay $0x3  }
0x33: {  	p0 =	seq.s32 s10, $0x1;
	s10 =	sld [smem:$0x3FB8];
	_ =	sdelay $0x3  }
0x34: {  	[smem:$0x3FB8] =	sst s10  }
0x35: {  	s10 =	sld [smem:$0x3FB7];
	_ =	sdelay $0x3  }
0x36: {  	p1 =	seq.s32 s10, $0x1;
	s10 =	sld [smem:$0x3FB8];
	_ =	sdelay $0x3  }
0x37: {  	[smem:$0x3FB8] =	sst s10  }
0x38: {  	s10 =	sld [smem:$0x3FB9]  }
0x39: {  	_ = 	snop;
	(pc) =	sbr.ind lr, $3  }
0x3a: {  	_ = 	snop  }
0x3b: {  	_ = 	snop  }
0x3c: {  	p2 =	seq.s32 s10, $0x1;
	s10 =	sld [smem:$0x3FB8]  }
0x3d: {  	_ =	shalt  }
0x3e: {  	_ =	shalt  }
0x3f: {  	_ =	shalt  }
0x40: {  	_ =	shalt  }
0x41: {  	_ =	shalt  }
0x42: {  	_ =	shalt  }
0x43: {  	_ =	shalt  }
0x44: {  	_ =	shalt  }
0x45: {  	_ =	shalt  }
0x46: {  	_ =	shalt  }
0x47: {  	_ =	shalt  }
0x48: {  	_ =	shalt  }
0x49: {  	_ =	shalt  }
0x4a: {  	_ =	shalt  }
0x4b: {  	_ =	shalt  }
0x4c: {  	_ =	shalt  }
0x4d: {  	_ =	shalt  }
0x4e: {  	_ =	shalt  }
0x4f: {  	_ =	shalt  }
0x50: {  	_ =	shalt  }
0x51: {  	_ =	shalt  }
0x52: {  	_ =	shalt  }
0x53: {  	_ =	shalt  }
0x54: {  	_ =	shalt  }
0x55: {  	_ =	shalt  }
0x56: {  	_ =	shalt  }
0x57: {  	_ =	shalt  }
0x58: {  	_ =	shalt  }
0x59: {  	_ =	shalt  }
0x5a: {  	_ =	shalt  }
0x5b: {  	_ =	shalt  }
0x5c: {  	_ =	shalt  }
0x5d: {  	_ =	shalt  }
0x5e: {  	_ =	shalt  }
0x5f: {  	_ =	shalt  }
0x60: {  	_ =	shalt  }
0x61: {  	_ =	shalt  }
0x62: {  	_ =	shalt  }
0x63: {  	_ =	shalt  }
0x64: {  	_ =	shalt  }
0x65: {  	_ =	shalt  }
0x66: {  	_ =	shalt  }
0x67: {  	_ =	shalt  }
0x68: {  	_ =	shalt  }
0x69: {  	_ =	shalt  }
0x6a: {  	_ =	shalt  }
0x6b: {  	_ =	shalt  }
0x6c: {  	_ =	shalt  }
0x6d: {  	_ =	shalt  }
0x6e: {  	_ =	shalt  }
0x6f: {  	_ =	shalt  }
0x70: {  	_ =	shalt  }
0x71: {  	_ =	shalt  }
0x72: {  	_ =	shalt  }
0x73: {  	_ =	shalt  }
0x74: {  	_ =	shalt  }
0x75: {  	_ =	shalt  }
0x76: {  	_ =	shalt  }
0x77: {  	_ =	shalt  }
0x78: {  	_ =	shalt  }
0x79: {  	_ =	shalt  }
0x7a: {  	_ =	shalt  }
0x7b: {  	_ =	shalt  }
0x7c: {  	_ =	shalt  }
0x7d: {  	_ =	shalt  }
0x7e: {  	_ =	shalt  }
0x7f: {  	_ =	shalt  }
0x80: {  	_ =	shalt  }
0x81: {  	_ =	shalt  }
0x82: {  	_ =	shalt  }
0x83: {  	_ =	shalt  }
0x84: {  	_ =	shalt  }
0x85: {  	_ =	shalt  }
0x86: {  	_ =	shalt  }
0x87: {  	_ =	shalt  }
.Lfunc_end0:
.L_simem_size_0:
called_computation_lowered:
.L_overlay_start_0:
0x88: {  	s2 =	sld [smem:$0x3FD9]  }
0x89: {  	s3 =	sld [smem:$0x3FFE];
	_ =	sdelay $0x1  }
0x8a: {  	s1 =	srdreg.scid  }
0x8b: {  	s0 =	sand.u32 $0x1, s1  }
0x8c: {  	s17 =	sshll.u32 s0, $0xA;
	s2 =	sadd.s32 s3, s2  }
0x8d: {  	s2 =	sadd.s32 s2, s17  }
0x8e: {  	[smem:$0x3FC4] =	sst s2  }
0x8f: {  	_ = 	snop  }
0x90: {  	s2 =	sld [smem:$0x3FD0];
	(tm) =	ssettm $0x1  }
0x91: {  	s18 =	sld [smem:$0x3FFB];
	_ =	sdelay $0x3  }
0x92: {  	_ =	strace s18  }
0x93: {  	s3 =	sld [smem:$0x3FFC];
	_ =	sdelay $0x3  }
0x94: {  	_ =	strace s3  }
0x95: {  	s3 =	sld [smem:$0x3FFD];
	_ =	sdelay $0x3  }
0x96: {  	_ =	strace s3  }
0x97: {  	_ =	strace $0x8FFFFFFF  }
0x98: {  	s19 =	sld [smem:$0x3FDB];
	_ =	sdelay $0x1  }
0x99: {  	s4 =	simm.s32 $_scs_section_size  }
0x9a: {  	s5 =	simm.s32 $_size__tile_overlayer_lowered;
	s6 =	simm.s32 $_tile_overlayer_lowered  }
0x9b: {  	s22 =	simm.s32 $0x1BFF;
	s21 =	sshll.u32 s6, $0x1;
	s3 =	sadd.s32 s4, s19  }
0x9c: {  	s7 =	simm.s32 $0x0;
	s20 =	sshll.u32 s5, $0x1;
	s5 =	sadd.s32 s21, s3  }
0x9d: {  	[timem:s7], [sflag:s22] =	dma.local [hbm:s5], s20  }
0x9e: {  	_ =	swait.ge [sflag:s22], s20  }
0x9f: {  	s4 =	ssub.s32 $0x0, s20;
	[sflag:s22] =	ssyncset.done $0x0  }
0xa0: {  	[sflag:s22] =	ssyncadd.s32 s4;
	_ =	sdelay $0x1  }
0xa1: {  	s23 =	simm.s32 $0x1B8B  }
0xa2: {  	_ =	swait.ge [sflag:s23], $0x1  }
0xa3: {  	[sflag:s23] =	ssyncset.done $0x0  }
0xa4: {  	s25 =	simm.s32 $0x1B8E;
	s24 =	sld [smem:$0x3FFE];
	[sflag:s23] =	ssyncadd.s32 $0xFFFFFFFF  }
0xa5: {  	s26 =	simm.s32 $execute0_lowered;
	[smem:$0x3FD2] =	sst s25  }
0xa6: {  	s5 =	sshll.u32 s26, $0x1;
	_ =	strace $0x80000046;
	[dreg:$0x1] =	wrdreg $0xFFFFFFFF  }
0xa7: {  	s28 =	simm.s32 $_size_execute0_lowered;
	s3 =	sadd.s32 s3, s5;
	[dreg:$0x0] =	wrdreg $0x0  }
0xa8: {  	s5 =	sshll.u32 s28, $0x1;
	[dreg:$0x2] =	wrdreg s3  }
0xa9: {  	[dreg:$0x3] =	wrdreg s5  }
0xaa: {  	[dreg:$0x4] =	wrdreg $0xC0  }
0xab: {  	_ =	task [dreg:s7], $0x5FFFF  }
0xac: {  	[dreg:$0x1] =	wrdreg $0xFFFFFFFF  }
0xad: {  	[dreg:$0x0] =	wrdreg $0x60  }
0xae: {  	[dreg:$0x2] =	wrdreg s2  }
0xaf: {  	[dreg:$0x3] =	wrdreg s24  }
0xb0: {  	[dreg:$0x4] =	wrdreg $0x1E4000  }
0xb1: {  	[dreg:$0x5] =	wrdreg $0x9  }
0xb2: {  	_ =	task.clear_ibuf [dreg:s7], $0x6FFFF;
	_ =	strace $0x90000046  }
0xb3: {  	s29 =	simm.s32 $0x9;
	_ =	strace $0x80000048  }
0xb4: {  	_ =	swait.ge [sflag:s29], $0x1  }
0xb5: {  	[sflag:s29] =	ssyncadd.s32 $0xFFFFFFFF  }
0xb6: {  	_ =	strace $0x90000048  }
0xb7: {  	_ =	sfence  }
0xb8: {  	s30 =	sld [smem:$0x0];
	_ =	sdelay $0x2  }
0xb9: {  	s31 =	sshll.u32 s1, $0xD;
	s1 =	sshrl.u32 s1, $0x2  }
0xba: {  	s3 =	sand.u32 $0x4000, s31;
	s1 =	sadd.s32 s1, s30  }
0xbb: {  	s0 =	sor.u32 s3, s0;
	s1 =	sshll.u32 s1, $0x11  }
0xbc: {  	s0 =	sor.u32 s1, s0  }
0xbd: {  	s0 =	sadd.s32 $0x8F2B, s0  }
0xbe: {  	[sflag:s0] =	ssyncadd.remote.s32 $0x1  }
0xbf: {  	_ =	sfence.sel $0xFFFF  }
0xc0: {  	[dreg:$0x0] =	wrdreg $0xFFFFFFFF;
	(pc) =	sbr.abs _section_cstart, $3  }
0xc1: {  	[dreg:$0x1] =	wrdreg $0xFFFFFFFF  }
0xc2: {  	_ =	task.clear_ibuf [dreg:s7], $0x2FFFF;
	_ =	strace $0x9FFFFFFF  }
0xc3: {  	(tm) =	ssettm $0x7FFFFFFF  }
tec
execute0_lowered:
.L_overlay_start_1:
0x0: {  	(tag) =	ssettag $0x1  }
0x1: {  	s1 =	rddreg [dreg:$0x0]  }
0x2: {  	s0 =	rddreg [dreg:$0x1]  }
0x3: {  	s2 =	rddreg [dreg:$0x2];
	s3 =	simm.s32 $0x0;
	s4 =	srdreg.scid  }
0x4: {  	s8 =	stileid.u32;
	s12 =	simm.s32 $0x6;
	s18 =	simm.s32 $0x16200  }
0x5: {  	s19 =	simm.s32 $0x16300;
	s20 =	simm.s32 $0x40;
	s21 =	simm.s32 $0x1A400  }
0x6: {  	s22 =	simm.s32 $0x1AC00;
	s23 =	simm.s32 $0x1B400;
	s24 =	simm.s32 $0x1BC00  }
0x7: {  	s25 =	simm.s32 $0x1C400;
	s28 =	simm.s32 $0x1D400;
	s29 =	simm.s32 $0x1DC00  }
0x8: {  	s30 =	simm.s32 $0x4;
	s31 =	simm.s32 $0x16400;
	s10 =	simm.s32 $0x19C00  }
0x9: {  	s11 =	simm.s32 $0x5;
	[smem:$0x7FF] =	sst s3;
	s4 =	sand.u32 $0x1, s4  }
0xa: {  	s5 =	sshll.u32 s8, $0x1;
	s6 =	sadd.s32 $0x5200, s0;
	s14 =	sadd.s32 $0x200, s0  }
0xb: {  	s15 =	sadd.s32 $0xA200, s0;
	_ =	strace $0x80000047;
	[dreg:$0x4] =	wrdreg s6  }
0xc: {  	s8 =	sshll.u32 s8, $0x7;
	[dreg:$0x5] =	wrdreg s14;
	s5 =	sor.u32 s4, s5  }
0xd: {  	[dreg:$0x6] =	wrdreg s15;
	s4 =	ssub.s32 $0x2, s4;
	s16 =	smul.u32 $0x2800, s5  }
0xe: {  	s7 =	sshrl.u32 s4, $0x1;
	s9 =	smul.u32 $0x140, s5;
	p0 =	seq.s32 s5, $0x1F  }
.Ltmp0:
0xf: {  	s5 =	simm.s32 $0x0;
	s4 =	ssub.s32 s4, s7;
	(pc) =	sbr.rel .LBB2_1-.Ltmp0, $4  }
0x10: {  	v1 =	vlaneseq.u32;
	v3 =	vimm.s32 $0x0;
	s7 =	sadd.s32 s8, s2;
	s6 =	sadd.s32 s16, s0;
	s0 =	sadd.s32 $0x5A400, s0  }
0x11: {  	v4 =	vimm.f32 $0.0e+00;
	vm0 =	vmmov $0xffff;
	v8 =	vimm.s32 $0x140;
	s17 =	sadd.s32 $0x140, s9;
	s26 =	smax.u32 s4, $0x1;
	[dreg:$0x8] =	wrdreg s0  }
0x12: {  	v6 =	vshrl.u32 v1, $0x3;
	v5 =	vand.u32 $0x7, v1;
	v7 =	vor.u32 $0x8, v1;
	s8 =	sadd.s32 $0x40, s7;
	s6 =	sadd.s32 $0xCC00, s6;
	[dreg:$0x9] =	wrdreg s26  }
0x13: {  	v6 =	vmul.u32 $0x8, v6;
	v0 =	vmov s9;
	s26 =	simm.s32 $0x1CC00;
	s0 =	simm.s32 $0x16C00;
	v2 =	vmov s17;
	[dreg:$0x7] =	wrdreg s6  }
.LBB2_37:
0x14: {  	s2 =	simm.s32 @p0 $0x0;
	s4 =	rddreg [dreg:$0x8]  }
0x15: {  	[hbm4b:s4+s2] =	stream.linear.scatter @p0 [tilespmem:s2], [sflag:$0x6], $0x5000, $0x38;
	[tilespmem:$0x1E480] =	vst v63  }
0x16: {  	s2 =	simm.s32 @p0 $0x6  }
0x17: {  	_ =	swait.ge @p0 [sflag:s2], $0x5000  }
0x18: {  	[sflag:s2] =	ssyncset.done @p0 $0x0  }
0x19: {  	s4 =	rddreg [dreg:$0x7];
	[sflag:s2] =	ssyncadd.s32 @p0 $0xFFFFB000;
	s2 =	simm.s32 @!p0 $0x0  }
0x1a: {  	[hbm4b:s4+s2] =	stream.linear.scatter @!p0 [tilespmem:s2], [sflag:$0x6], $0x14000, $0x38;
	[tilespmem:$0x1E480] =	vst v63  }
0x1b: {  	s2 =	simm.s32 @!p0 $0x6  }
0x1c: {  	_ =	swait.ge @!p0 [sflag:s2], $0x14000  }
0x1d: {  	s5 =	rddreg [dreg:$0xa]  }
0x1e: {  	s17 =	rddreg [dreg:$0x9];
	s5 =	sadd.s32 $0x1, s5  }
0x1f: {  	p1 =	sne.s32 s5, s17  }
.Ltmp1:
0x20: {  	_ = 	snop;
	(pc) =	sbr.rel @!p1 .LBB2_38-.Ltmp1, $3  }
0x21: {  	_ =	sdelay $0x1  }
0x22: {  	[sflag:s2] =	ssyncset.done @!p0 $0x0  }
0x23: {  	[sflag:s2] =	ssyncadd.s32 @!p0 $0xFFFEC000  }
.LBB2_1:
0x24: {  	[dreg:$0xa] =	wrdreg s5  }
0x25: {  	s2 =	rddreg [dreg:$0x6]  }
0x26: {  	[tilespmem:s3], [sflag:$0x6] =	stream.linear.gather [hbm4b:s2+s3], $0x14800, $0x38;
	[tilespmem:$0x1E480] =	vst v63  }
0x27: {  	_ =	swait.ge [sflag:s12], $0x14800  }
0x28: {  	s4 =	simm.s32 $0x14800;
	[sflag:s12] =	ssyncset.done $0x0  }
.Ltmp2:
0x29: {  	s15 =	rddreg [dreg:$0x4];
	[sflag:s12] =	ssyncadd.s32 $0xFFFEB800;
	(pc) =	sbr.rel .LBB2_2-.Ltmp2, $4  }
0x2a: {  	[tilespmem:s4], [sflag:$0x2] =	stream.linear.gather [hbm4b:s15+s3], $0x640, $0x38;
	[tilespmem:$0x1E480] =	vst v63  }
0x2b: {  	s17 =	simm.s32 $0x14E80;
	s16 =	rddreg [dreg:$0x5]  }
0x2c: {  	[tilespmem:s17], [sflag:$0x2] =	stream.linear.gather [hbm4b:s16+s3], $0x640, $0x38;
	[tilespmem:$0x1E480] =	vst v63  }
0x2d: {  	v9 =	vimm.s32 $0x0;
	s4 =	simm.s32 $0x0;
	s16 =	simm.s32 $0x0  }
.LBB2_24:
0x2e: {  	s16 =	sadd.s32 $0x1, s16  }
0x2f: {  	p1 =	sne.s32 s16, $0x32  }
.Ltmp3:
0x30: {  	_ = 	snop;
	(pc) =	sbr.rel @!p1 .LBB2_25-.Ltmp3, $1  }
0x31: {  	_ =	sdelay $0x3  }
.LBB2_2:
0x32: {  	s5 =	smul.u32 $0xC80, s16;
	_ =	sdelay $0x1  }
0x33: {  	s2 =	sshrl.u32 s5, $0x3  }
0x34: {  	s6 =	rddreg [dreg:$0x4];
	s17 =	simm.s32 $0x0;
	s2 =	sadd.s32 $0xC8, s2  }
0x35: {  	s9 =	simm.s32 $0x15500;
	s13 =	rddreg [dreg:$0x5];
	s6 =	sadd.s32 s6, s2  }
0x36: {  	[tilespmem:s9], [sflag:$0x3] =	stream.linear.gather [hbm4b:s6+s17], $0x640, $0x38;
	[tilespmem:$0x1E480] =	vst v63  }
0x37: {  	s14 =	simm.s32 $0x15B80;
	s15 =	simm.s32 $0x2;
	s2 =	sadd.s32 s13, s2  }
0x38: {  	[tilespmem:s14], [sflag:$0x3] =	stream.linear.gather [hbm4b:s2+s17], $0x640, $0x38;
	[tilespmem:$0x1E480] =	vst v63  }
0x39: {  	_ =	swait.ge [sflag:s15], $0x640  }
.Ltmp4:
0x3a: {  	[sflag:s15] =	ssyncset.done $0x0;
	(pc) =	sbr.rel .LBB2_3-.Ltmp4, $4  }
0x3b: {  	[sflag:s15] =	ssyncadd.s32 $0xFFFFF9C0  }
0x3c: {  	_ =	swait.ge [sflag:s15], $0x640  }
0x3d: {  	[sflag:s15] =	ssyncset.done $0x0  }
0x3e: {  	[sflag:s15] =	ssyncadd.s32 $0xFFFFF9C0  }
.LBB2_12:
0x3f: {  	s17 =	sadd.s32 $0x1, s17  }
0x40: {  	p1 =	sne.s32 s17, $0x19  }
.Ltmp5:
0x41: {  	_ = 	snop;
	(pc) =	sbr.rel @!p1 .LBB2_13-.Ltmp5, $1  }
0x42: {  	_ =	sdelay $0x3  }
.LBB2_3:
0x43: {  	s2 =	sshll.u32 s17, $0x6  }
0x44: {  	v10 =	vld [tilespmem:s2+$0x14E80];
	_ =	sdelay $0x4  }
0x45: {  	vm1 =	vge.s32 v10, v0;
	vm2 =	vlt.s32 v10, v2  }
0x46: {  	vm1 =	vmand vm1, vm2  }
0x47: {  	v11 =	vsel vm1, $0x1, v3  }
0x48: {  	(xrf0) =	vadd.scan.msk.s32 $0xffff, v11;
	_ =	sdelay $0x5  }
0x49: {  	v11, _, _ =	vpop (xrf0)  }
0x4a: {  	v11 =	vadd.s32 v11, v9  }
0x4b: {  	v11 =	vadd.s32 $0xFFFFFFFF, v11  }
0x4c: {  	v12 =	vld [tilespmem:s2+$0x14800];
	v11 =	vnsel vm1, $0xA0, v11;
	_ =	sdelay $0x4  }
0x4d: {  	v10 =	vsub.s32 v10, v0;
	[tilespmem:v11+s18+$0x0] =	vst.idx.msk $0xffff, v12  }
0x4e: {  	[tilespmem:v11+s19+$0x0] =	vst.idx.msk $0xffff, v10  }
0x4f: {  	v10 =	vld [tilespmem:s2+$0x14E90];
	_ =	sdelay $0x4  }
0x50: {  	vm2 =	vge.s32 v10, v0;
	vm3 =	vlt.s32 v10, v2  }
0x51: {  	vm2 =	vmand vm2, vm3  }
0x52: {  	v11 =	vsel vm2, $0x1, v3  }
0x53: {  	(xrf0) =	vadd.scan.msk.s32 $0xffff, v11;
	_ =	sdelay $0x1  }
0x54: {  	v11 =	vmpcnt.ones.xlane vm1;
	_ =	sdelay $0x3  }
0x55: {  	v9 =	vadd.s32 v9, v11;
	v11, _, _ =	vpop (xrf0)  }
0x56: {  	v11 =	vadd.s32 v11, v9  }
0x57: {  	v11 =	vadd.s32 $0xFFFFFFFF, v11  }
0x58: {  	v12 =	vld [tilespmem:s2+$0x14810];
	v11 =	vnsel vm2, $0xA0, v11;
	_ =	sdelay $0x4  }
0x59: {  	v10 =	vsub.s32 v10, v0;
	[tilespmem:v11+s18+$0x0] =	vst.idx.msk $0xffff, v12  }
0x5a: {  	[tilespmem:v11+s19+$0x0] =	vst.idx.msk $0xffff, v10  }
0x5b: {  	v10 =	vld [tilespmem:s2+$0x14EA0];
	_ =	sdelay $0x4  }
0x5c: {  	vm1 =	vge.s32 v10, v0;
	vm3 =	vlt.s32 v10, v2  }
0x5d: {  	vm1 =	vmand vm1, vm3  }
0x5e: {  	v11 =	vsel vm1, $0x1, v3  }
0x5f: {  	(xrf0) =	vadd.scan.msk.s32 $0xffff, v11;
	_ =	sdelay $0x1  }
0x60: {  	v11 =	vmpcnt.ones.xlane vm2;
	_ =	sdelay $0x3  }
0x61: {  	v9 =	vadd.s32 v9, v11;
	v11, _, _ =	vpop (xrf0)  }
0x62: {  	v11 =	vadd.s32 v11, v9  }
0x63: {  	v11 =	vadd.s32 $0xFFFFFFFF, v11  }
0x64: {  	v12 =	vld [tilespmem:s2+$0x14820];
	v11 =	vnsel vm1, $0xA0, v11;
	_ =	sdelay $0x4  }
0x65: {  	v10 =	vsub.s32 v10, v0;
	[tilespmem:v11+s18+$0x0] =	vst.idx.msk $0xffff, v12  }
0x66: {  	[tilespmem:v11+s19+$0x0] =	vst.idx.msk $0xffff, v10  }
0x67: {  	v10 =	vld [tilespmem:s2+$0x14EB0];
	_ =	sdelay $0x4  }
0x68: {  	vm2 =	vge.s32 v10, v0;
	vm3 =	vlt.s32 v10, v2  }
0x69: {  	v11 =	vmpcnt.ones.xlane vm1;
	vm1 =	vmand vm2, vm3  }
0x6a: {  	v59 =	vmpcnt.ones.xlane vm1  }
0x6b: {  	v11 =	vadd.s32 v9, v11  }
0x6c: {  	v9 =	vadd.s32 v11, v59  }
0x6d: {  	v60 =	vsel vm1, $0x1, v3;
	vm2 =	vgt.s32 v9, $0x3F  }
0x6e: {  	(xrf0) =	vadd.scan.msk.s32 $0xffff, v60;
	v61 =	vsel vm2, $0x3F800000, v4  }
0x6f: {  	(xrf0) =	vmax.scan.msk.f32 $0xffff, v61;
	_ =	sdelay $0x4  }
0x70: {  	v62, _, _ =	vpop (xrf0)  }
0x71: {  	v13, _, _ =	vpop (xrf0)  }
0x72: {  	(v2sf) =	vpush v13, $0xF;
	_ =	sdelay $0xc  }
0x73: {  	v11 =	vadd.s32 v62, v11  }
0x74: {  	v11 =	vadd.s32 $0xFFFFFFFF, v11  }
0x75: {  	v63 =	vld [tilespmem:s2+$0x14830];
	v11 =	vnsel vm1, $0xA0, v11;
	s15 =	spop (v2sf)  }
0x76: {  	p1 =	sgt.f32 s15, $0.0e+00  }
.Ltmp6:
0x77: {  	_ = 	snop;
	(pc) =	sbr.rel @!p1 .LBB2_12-.Ltmp6, $3  }
0x78: {  	_ =	sdelay $0x1  }
0x79: {  	v10 =	vsub.s32 v10, v0;
	[tilespmem:v11+s18+$0x0] =	vst.idx.msk $0xffff, v63  }
0x7a: {  	[tilespmem:v11+s19+$0x0] =	vst.idx.msk $0xffff, v10  }
0x7b: {  	p1 =	sne.s32 s4, $0x1  }
.Ltmp7:
0x7c: {  	_ = 	snop;
	(pc) =	sbr.rel @p1 .LBB2_8-.Ltmp7, $1  }
0x7d: {  	_ =	sdelay $0x3  }
0x7e: {  	[spmem:s8] =	stream.linear.scatter [tilespmem:s19], [sflag:$0x6], $0x40, $0x38;
	[tilespmem:$0x1E480] =	vst v63  }
0x7f: {  	_ =	swait.ge [sflag:s12], $0x40  }
0x80: {  	[sflag:s12] =	ssyncset.done $0x0  }
0x81: {  	[sflag:s12] =	ssyncadd.s32 $0xFFFFFFC0  }
0x82: {  	[smem:s20], [sflag:$0x6] =	stream.linear.gather [spmem:s8], $0x40, $0x38;
	[tilespmem:$0x1E480] =	vst v63  }
0x83: {  	_ =	swait.ge [sflag:s12], $0x40  }
0x84: {  	[sflag:s12] =	ssyncset.done $0x0  }
0x85: {  	[sflag:s12] =	ssyncadd.s32 $0xFFFFFFC0  }
0x86: {  	v10 =	vld [tilespmem:$0x16200];
	_ =	sdelay $0x4  }
0x87: {  	v11 =	vshll.u32 v10, $0x1  }
0x88: {  	v10 =	vand.u32 $0x7, v10;
	v11 =	vand.u32 $0xFFFFFFF0, v11  }
0x89: {  	v10 =	vor.u32 v10, v11  }
0x8a: {  	v11 =	vperm.xlane v10, v5;
	_ =	sdelay $0x1  }
0x8b: {  	v10 =	vperm.xlane v10, v7;
	v11 =	vadd.s32 v6, v11;
	_ =	sdelay $0x1  }
0x8c: {  	v10 =	vadd.s32 v6, v10;
	_ =	sdelay $0x1  }
0x8d: {  	s4 =	simm.s32 $0x0  }
0x8e: {  	[tilespmem:s21], [sflag:$0x5] =	stream.indirect_vreg.gather [hbm4b:s1+s4], $0x80, v11, vm0, $0xb8;
	[tilespmem:$0x1E480] =	vst v63  }
0x8f: {  	_ = 	snop  }
0x90: {  	[tilespmem:s22], [sflag:$0x5] =	stream.indirect_vreg.gather [hbm4b:s1+s4], $0x80, v10, vm0, $0xb8;
	[tilespmem:$0x1E480] =	vst v63  }
0x91: {  	v10 =	vld [tilespmem:$0x16210];
	_ =	sdelay $0x4  }
0x92: {  	v11 =	vshll.u32 v10, $0x1  }
0x93: {  	v10 =	vand.u32 $0x7, v10;
	v11 =	vand.u32 $0xFFFFFFF0, v11  }
0x94: {  	v10 =	vor.u32 v10, v11  }
0x95: {  	v11 =	vperm.xlane v10, v5;
	_ =	sdelay $0x1  }
0x96: {  	v10 =	vperm.xlane v10, v7;
	v11 =	vadd.s32 v6, v11;
	_ =	sdelay $0x1  }
0x97: {  	v10 =	vadd.s32 v6, v10;
	_ =	sdelay $0x2  }
0x98: {  	[tilespmem:s23], [sflag:$0x5] =	stream.indirect_vreg.gather [hbm4b:s1+s4], $0x80, v11, vm0, $0xb8;
	[tilespmem:$0x1E480] =	vst v63  }
0x99: {  	_ = 	snop  }
0x9a: {  	[tilespmem:s24], [sflag:$0x5] =	stream.indirect_vreg.gather [hbm4b:s1+s4], $0x80, v10, vm0, $0xb8;
	[tilespmem:$0x1E480] =	vst v63  }
0x9b: {  	v10 =	vld [tilespmem:$0x16220];
	_ =	sdelay $0x4  }
0x9c: {  	v11 =	vshll.u32 v10, $0x1  }
0x9d: {  	v10 =	vand.u32 $0x7, v10;
	v11 =	vand.u32 $0xFFFFFFF0, v11  }
0x9e: {  	v10 =	vor.u32 v10, v11  }
0x9f: {  	v11 =	vperm.xlane v10, v5;
	_ =	sdelay $0x1  }
0xa0: {  	v10 =	vperm.xlane v10, v7;
	v11 =	vadd.s32 v6, v11;
	_ =	sdelay $0x1  }
0xa1: {  	v10 =	vadd.s32 v6, v10;
	_ =	sdelay $0x2  }
0xa2: {  	[tilespmem:s25], [sflag:$0x5] =	stream.indirect_vreg.gather [hbm4b:s1+s4], $0x80, v11, vm0, $0xb8;
	[tilespmem:$0x1E480] =	vst v63  }
0xa3: {  	_ = 	snop  }
0xa4: {  	[tilespmem:s26], [sflag:$0x5] =	stream.indirect_vreg.gather [hbm4b:s1+s4], $0x80, v10, vm0, $0xb8;
	[tilespmem:$0x1E480] =	vst v63  }
0xa5: {  	v10 =	vld [tilespmem:$0x16230];
	_ =	sdelay $0x4  }
0xa6: {  	v11 =	vshll.u32 v10, $0x1  }
0xa7: {  	v10 =	vand.u32 $0x7, v10;
	v11 =	vand.u32 $0xFFFFFFF0, v11  }
0xa8: {  	v10 =	vor.u32 v10, v11  }
0xa9: {  	v11 =	vperm.xlane v10, v5;
	_ =	sdelay $0x1  }
0xaa: {  	v10 =	vperm.xlane v10, v7;
	v11 =	vadd.s32 v6, v11;
	_ =	sdelay $0x1  }
0xab: {  	v10 =	vadd.s32 v6, v10;
	_ =	sdelay $0x2  }
0xac: {  	[tilespmem:s28], [sflag:$0x5] =	stream.indirect_vreg.gather [hbm4b:s1+s4], $0x80, v11, vm0, $0xb8;
	[tilespmem:$0x1E480] =	vst v63  }
0xad: {  	_ = 	snop  }
0xae: {  	[tilespmem:s29], [sflag:$0x5] =	stream.indirect_vreg.gather [hbm4b:s1+s4], $0x80, v10, vm0, $0xb8;
	[tilespmem:$0x1E480] =	vst v63  }
0xaf: {  	v10 =	vld [tilespmem:$0x16240]  }
0xb0: {  	v11 =	vld [tilespmem:$0x16340]  }
0xb1: {  	v12 =	vld [tilespmem:$0x16250]  }
0xb2: {  	v13 =	vld [tilespmem:$0x16350]  }
0xb3: {  	v14 =	vld [tilespmem:$0x16260]  }
0xb4: {  	v63 =	vld [tilespmem:$0x16370];
	[tilespmem:$0x16200] =	vst v10  }
0xb5: {  	v10 =	vld [tilespmem:$0x16360];
	[tilespmem:$0x16300] =	vst v11  }
0xb6: {  	v11 =	vld [tilespmem:$0x16270];
	[tilespmem:$0x16210] =	vst v12  }
0xb7: {  	[tilespmem:$0x16310] =	vst v13  }
0xb8: {  	[tilespmem:$0x16220] =	vst v14  }
0xb9: {  	[tilespmem:$0x16330] =	vst v63  }
0xba: {  	[tilespmem:$0x16320] =	vst v10  }
0xbb: {  	[tilespmem:$0x16230] =	vst v11  }
0xbc: {  	_ =	swait.ge [sflag:s30], $0x4000  }
0xbd: {  	s2 =	sand.u32 $0x3800, s4;
	s6 =	sand.u32 $0x380, s4;
	[sflag:s30] =	ssyncset.done $0x0  }
0xbe: {  	s2 =	sor.u32 s6, s2;
	[sflag:s30] =	ssyncadd.s32 $0xFFFFC000  }
0xbf: {  	s14 =	sld [smem:$0x0];
	v10 =	vld [tilespmem:s2+$0x16400];
	_ =	sdelay $0x2  }
0xc0: {  	s6 =	sshll.u32 s14, $0xA  }
0xc1: {  	s9 =	sshra.s32 s6, $0x2  }
0xc2: {  	s2 =	sadd.s32 $0x16400, s2;
	[tilespmem:s9+$0x0] =	vst.add.f32.msk $0xffff, v10  }
0xc3: {  	v10 =	vld [tilespmem:s2+$0x10];
	_ =	sdelay $0x3  }
0xc4: {  	s6 =	sor.u32 $0x10, s9  }
0xc5: {  	[tilespmem:s6+$0x0] =	vst.add.f32.msk $0xffff, v10  }
0xc6: {  	v10 =	vld [tilespmem:s2+$0x20];
	_ =	sdelay $0x3  }
0xc7: {  	s15 =	sor.u32 $0x20, s9  }
0xc8: {  	[tilespmem:s15+$0x0] =	vst.add.f32.msk $0xffff, v10  }
0xc9: {  	v10 =	vld [tilespmem:s2+$0x30];
	_ =	sdelay $0x3  }
0xca: {  	s13 =	sor.u32 $0x30, s9  }
0xcb: {  	[tilespmem:s13+$0x0] =	vst.add.f32.msk $0xffff, v10  }
0xcc: {  	v10 =	vld [tilespmem:s2+$0x40];
	_ =	sdelay $0x3  }
0xcd: {  	s14 =	sor.u32 $0x40, s9  }
0xce: {  	[tilespmem:s14+$0x0] =	vst.add.f32.msk $0xffff, v10  }
0xcf: {  	v10 =	vld [tilespmem:s2+$0x50];
	_ =	sdelay $0x3  }
0xd0: {  	s15 =	sor.u32 $0x50, s9  }
0xd1: {  	[tilespmem:s15+$0x0] =	vst.add.f32.msk $0xffff, v10  }
0xd2: {  	v10 =	vld [tilespmem:s2+$0x60];
	_ =	sdelay $0x3  }
0xd3: {  	s13 =	sor.u32 $0x60, s9  }
0xd4: {  	[tilespmem:s13+$0x0] =	vst.add.f32.msk $0xffff, v10  }
0xd5: {  	v10 =	vld [tilespmem:s2+$0x70];
	_ =	sdelay $0x3  }
0xd6: {  	s14 =	sor.u32 $0x70, s9  }
0xd7: {  	[tilespmem:s14+$0x0] =	vst.add.f32.msk $0xffff, v10  }
0xd8: {  	v10 =	vld [tilespmem:s2+$0x400];
	_ =	sdelay $0x3  }
0xd9: {  	s15 =	sor.u32 $0x80, s9  }
0xda: {  	[tilespmem:s15+$0x0] =	vst.add.f32.msk $0xffff, v10  }
0xdb: {  	v10 =	vld [tilespmem:s2+$0x410];
	_ =	sdelay $0x3  }
0xdc: {  	s13 =	sor.u32 $0x90, s9  }
0xdd: {  	[tilespmem:s13+$0x0] =	vst.add.f32.msk $0xffff, v10  }
0xde: {  	v10 =	vld [tilespmem:s2+$0x420];
	_ =	sdelay $0x3  }
0xdf: {  	s14 =	sor.u32 $0xA0, s9  }
0xe0: {  	[tilespmem:s14+$0x0] =	vst.add.f32.msk $0xffff, v10  }
0xe1: {  	v10 =	vld [tilespmem:s2+$0x430];
	_ =	sdelay $0x3  }
0xe2: {  	s15 =	sor.u32 $0xB0, s9  }
0xe3: {  	[tilespmem:s15+$0x0] =	vst.add.f32.msk $0xffff, v10  }
0xe4: {  	v10 =	vld [tilespmem:s2+$0x440];
	_ =	sdelay $0x3  }
0xe5: {  	s13 =	sor.u32 $0xC0, s9  }
0xe6: {  	[tilespmem:s13+$0x0] =	vst.add.f32.msk $0xffff, v10  }
0xe7: {  	v10 =	vld [tilespmem:s2+$0x450];
	_ =	sdelay $0x3  }
0xe8: {  	s14 =	sor.u32 $0xD0, s9  }
0xe9: {  	[tilespmem:s14+$0x0] =	vst.add.f32.msk $0xffff, v10  }
0xea: {  	v10 =	vld [tilespmem:s2+$0x460];
	_ =	sdelay $0x3  }
0xeb: {  	s13 =	sor.u32 $0xE0, s9  }
0xec: {  	[tilespmem:s13+$0x0] =	vst.add.f32.msk $0xffff, v10  }
0xed: {  	v10 =	vld [tilespmem:s2+$0x470];
	_ =	sdelay $0x1  }
0xee: {  	s15 =	simm.s32 $0x100  }
0xef: {  	s6 =	sand.u32 $0x3800, s15;
	s15 =	simm.s32 $0x80  }
0xf0: {  	s9 =	sor.u32 $0xF0, s9;
	s14 =	sand.u32 $0x380, s15;
	s2 =	simm.s32 $0x200  }
.LBB2_6:
0xf1: {  	p1 =	seq.s32 s2, $0x3F00;
	s6 =	sor.u32 s14, s6;
	[tilespmem:s9+$0x0] =	vst.add.f32.msk $0xffff, v10;
	s4 =	sadd.s32 $0x1, s4  }
0xf2: {  	s9 =	sld [smem:s4+$0x0];
	v10 =	vld [tilespmem:s6+$0x16400];
	_ =	sdelay $0x2  }
0xf3: {  	s9 =	sshll.u32 s9, $0xA  }
0xf4: {  	s13 =	sshra.s32 s9, $0x2  }
0xf5: {  	s6 =	sadd.s32 $0x16400, s6;
	[tilespmem:s13+$0x0] =	vst.add.f32.msk $0xffff, v10  }
0xf6: {  	v10 =	vld [tilespmem:s6+$0x10];
	_ =	sdelay $0x3  }
0xf7: {  	s9 =	sor.u32 $0x10, s13  }
0xf8: {  	[tilespmem:s9+$0x0] =	vst.add.f32.msk $0xffff, v10  }
0xf9: {  	v10 =	vld [tilespmem:s6+$0x20];
	_ =	sdelay $0x3  }
0xfa: {  	s9 =	sor.u32 $0x20, s13  }
0xfb: {  	[tilespmem:s9+$0x0] =	vst.add.f32.msk $0xffff, v10  }
0xfc: {  	v10 =	vld [tilespmem:s6+$0x30];
	_ =	sdelay $0x3  }
0xfd: {  	s9 =	sor.u32 $0x30, s13  }
0xfe: {  	[tilespmem:s9+$0x0] =	vst.add.f32.msk $0xffff, v10  }
0xff: {  	v10 =	vld [tilespmem:s6+$0x40];
	_ =	sdelay $0x3  }
0x100: {  	s9 =	sor.u32 $0x40, s13  }
0x101: {  	[tilespmem:s9+$0x0] =	vst.add.f32.msk $0xffff, v10  }
0x102: {  	v10 =	vld [tilespmem:s6+$0x50];
	_ =	sdelay $0x3  }
0x103: {  	s9 =	sor.u32 $0x50, s13  }
0x104: {  	[tilespmem:s9+$0x0] =	vst.add.f32.msk $0xffff, v10  }
0x105: {  	v10 =	vld [tilespmem:s6+$0x60];
	_ =	sdelay $0x3  }
0x106: {  	s9 =	sor.u32 $0x60, s13  }
0x107: {  	[tilespmem:s9+$0x0] =	vst.add.f32.msk $0xffff, v10  }
0x108: {  	v10 =	vld [tilespmem:s6+$0x70];
	_ =	sdelay $0x3  }
0x109: {  	s9 =	sor.u32 $0x70, s13  }
0x10a: {  	[tilespmem:s9+$0x0] =	vst.add.f32.msk $0xffff, v10  }
0x10b: {  	v10 =	vld [tilespmem:s6+$0x400];
	_ =	sdelay $0x3  }
0x10c: {  	s9 =	sor.u32 $0x80, s13  }
0x10d: {  	[tilespmem:s9+$0x0] =	vst.add.f32.msk $0xffff, v10  }
0x10e: {  	v10 =	vld [tilespmem:s6+$0x410];
	_ =	sdelay $0x3  }
0x10f: {  	s9 =	sor.u32 $0x90, s13  }
0x110: {  	[tilespmem:s9+$0x0] =	vst.add.f32.msk $0xffff, v10  }
0x111: {  	v10 =	vld [tilespmem:s6+$0x420];
	_ =	sdelay $0x3  }
0x112: {  	s9 =	sor.u32 $0xA0, s13  }
0x113: {  	[tilespmem:s9+$0x0] =	vst.add.f32.msk $0xffff, v10  }
0x114: {  	v10 =	vld [tilespmem:s6+$0x430];
	_ =	sdelay $0x3  }
0x115: {  	s9 =	sor.u32 $0xB0, s13  }
0x116: {  	[tilespmem:s9+$0x0] =	vst.add.f32.msk $0xffff, v10  }
0x117: {  	v10 =	vld [tilespmem:s6+$0x440];
	_ =	sdelay $0x3  }
0x118: {  	s9 =	sor.u32 $0xC0, s13  }
0x119: {  	[tilespmem:s9+$0x0] =	vst.add.f32.msk $0xffff, v10  }
0x11a: {  	v10 =	vld [tilespmem:s6+$0x450];
	_ =	sdelay $0x3  }
0x11b: {  	s9 =	sor.u32 $0xD0, s13  }
0x11c: {  	[tilespmem:s9+$0x0] =	vst.add.f32.msk $0xffff, v10  }
0x11d: {  	v10 =	vld [tilespmem:s6+$0x460];
	_ =	sdelay $0x3  }
0x11e: {  	s9 =	sor.u32 $0xE0, s13  }
0x11f: {  	[tilespmem:s9+$0x0] =	vst.add.f32.msk $0xffff, v10  }
.Ltmp8:
0x120: {  	v10 =	vld [tilespmem:s6+$0x470];
	(pc) =	sbr.rel @!p1 .LBB2_6-.Ltmp8, $3  }
0x121: {  	_ =	sdelay $0x1  }
0x122: {  	s15 =	sadd.s32 $0x80, s15;
	s6 =	sand.u32 $0x3800, s2  }
0x123: {  	s14 =	sand.u32 $0x380, s15;
	s9 =	sor.u32 $0xF0, s13;
	s2 =	sadd.s32 $0x100, s2  }
0x124: {  	s2 =	sor.u32 s14, s6;
	[tilespmem:s9+$0x0] =	vst.add.f32.msk $0xffff, v10;
	s4 =	sadd.s32 $0x1, s4  }
0x125: {  	s4 =	sld [smem:s4+$0x0];
	v10 =	vld [tilespmem:s2+$0x16400];
	_ =	sdelay $0x2  }
0x126: {  	s4 =	sshll.u32 s4, $0xA  }
0x127: {  	s4 =	sshra.s32 s4, $0x2  }
0x128: {  	s2 =	sadd.s32 $0x16400, s2;
	[tilespmem:s4+$0x0] =	vst.add.f32.msk $0xffff, v10  }
0x129: {  	v10 =	vld [tilespmem:s2+$0x10];
	_ =	sdelay $0x3  }
0x12a: {  	s13 =	sor.u32 $0x10, s4  }
0x12b: {  	[tilespmem:s13+$0x0] =	vst.add.f32.msk $0xffff, v10  }
0x12c: {  	v10 =	vld [tilespmem:s2+$0x20];
	_ =	sdelay $0x3  }
0x12d: {  	s14 =	sor.u32 $0x20, s4  }
0x12e: {  	[tilespmem:s14+$0x0] =	vst.add.f32.msk $0xffff, v10  }
0x12f: {  	v10 =	vld [tilespmem:s2+$0x30];
	_ =	sdelay $0x3  }
0x130: {  	s15 =	sor.u32 $0x30, s4  }
0x131: {  	[tilespmem:s15+$0x0] =	vst.add.f32.msk $0xffff, v10  }
0x132: {  	v10 =	vld [tilespmem:s2+$0x40];
	_ =	sdelay $0x3  }
0x133: {  	s9 =	sor.u32 $0x40, s4  }
0x134: {  	[tilespmem:s9+$0x0] =	vst.add.f32.msk $0xffff, v10  }
0x135: {  	v10 =	vld [tilespmem:s2+$0x50];
	_ =	sdelay $0x3  }
0x136: {  	s13 =	sor.u32 $0x50, s4  }
0x137: {  	[tilespmem:s13+$0x0] =	vst.add.f32.msk $0xffff, v10  }
0x138: {  	v10 =	vld [tilespmem:s2+$0x60];
	_ =	sdelay $0x3  }
0x139: {  	s14 =	sor.u32 $0x60, s4  }
0x13a: {  	[tilespmem:s14+$0x0] =	vst.add.f32.msk $0xffff, v10  }
0x13b: {  	v10 =	vld [tilespmem:s2+$0x70];
	_ =	sdelay $0x3  }
0x13c: {  	s15 =	sor.u32 $0x70, s4  }
0x13d: {  	[tilespmem:s15+$0x0] =	vst.add.f32.msk $0xffff, v10  }
0x13e: {  	v10 =	vld [tilespmem:s2+$0x400];
	_ =	sdelay $0x3  }
0x13f: {  	s9 =	sor.u32 $0x80, s4  }
0x140: {  	[tilespmem:s9+$0x0] =	vst.add.f32.msk $0xffff, v10  }
0x141: {  	v10 =	vld [tilespmem:s2+$0x410];
	_ =	sdelay $0x3  }
0x142: {  	s13 =	sor.u32 $0x90, s4  }
0x143: {  	[tilespmem:s13+$0x0] =	vst.add.f32.msk $0xffff, v10  }
0x144: {  	v10 =	vld [tilespmem:s2+$0x420];
	_ =	sdelay $0x3  }
0x145: {  	s14 =	sor.u32 $0xA0, s4  }
0x146: {  	[tilespmem:s14+$0x0] =	vst.add.f32.msk $0xffff, v10  }
0x147: {  	v10 =	vld [tilespmem:s2+$0x430];
	_ =	sdelay $0x3  }
0x148: {  	s15 =	sor.u32 $0xB0, s4  }
0x149: {  	[tilespmem:s15+$0x0] =	vst.add.f32.msk $0xffff, v10  }
0x14a: {  	v10 =	vld [tilespmem:s2+$0x440];
	_ =	sdelay $0x3  }
0x14b: {  	s9 =	sor.u32 $0xC0, s4  }
0x14c: {  	[tilespmem:s9+$0x0] =	vst.add.f32.msk $0xffff, v10  }
0x14d: {  	v10 =	vld [tilespmem:s2+$0x450];
	_ =	sdelay $0x3  }
0x14e: {  	s13 =	sor.u32 $0xD0, s4  }
0x14f: {  	[tilespmem:s13+$0x0] =	vst.add.f32.msk $0xffff, v10  }
0x150: {  	v10 =	vld [tilespmem:s2+$0x460];
	_ =	sdelay $0x3  }
0x151: {  	s14 =	sor.u32 $0xE0, s4  }
0x152: {  	[tilespmem:s14+$0x0] =	vst.add.f32.msk $0xffff, v10  }
0x153: {  	v10 =	vld [tilespmem:s2+$0x470]  }
.Ltmp9:
0x154: {  	_ = 	snop;
	(pc) =	sbr.rel .LBB2_12-.Ltmp9, $3  }
0x155: {  	_ =	sdelay $0x1  }
0x156: {  	s15 =	sor.u32 $0xF0, s4  }
0x157: {  	v9 =	vadd.s32 $0xFFFFFFC0, v9;
	s4 =	simm.s32 $0x2;
	[tilespmem:s15+$0x0] =	vst.add.f32.msk $0xffff, v10  }
.LBB2_8:
0x158: {  	[spmem:s7] =	stream.linear.scatter [tilespmem:s19], [sflag:$0x6], $0x40, $0x38;
	[tilespmem:$0x1E480] =	vst v63  }
0x159: {  	_ =	swait.ge [sflag:s12], $0x40  }
0x15a: {  	[sflag:s12] =	ssyncset.done $0x0  }
0x15b: {  	[sflag:s12] =	ssyncadd.s32 $0xFFFFFFC0  }
0x15c: {  	[smem:s3], [sflag:$0x6] =	stream.linear.gather [spmem:s7], $0x40, $0x38;
	[tilespmem:$0x1E480] =	vst v63  }
0x15d: {  	_ =	swait.ge [sflag:s12], $0x40  }
0x15e: {  	[sflag:s12] =	ssyncset.done $0x0  }
0x15f: {  	[sflag:s12] =	ssyncadd.s32 $0xFFFFFFC0  }
0x160: {  	v10 =	vld [tilespmem:$0x16200];
	_ =	sdelay $0x4  }
0x161: {  	v11 =	vshll.u32 v10, $0x1  }
0x162: {  	v10 =	vand.u32 $0x7, v10;
	v11 =	vand.u32 $0xFFFFFFF0, v11  }
0x163: {  	v10 =	vor.u32 v10, v11  }
0x164: {  	v11 =	vperm.xlane v10, v5;
	_ =	sdelay $0x1  }
0x165: {  	v10 =	vperm.xlane v10, v7;
	v11 =	vadd.s32 v6, v11;
	_ =	sdelay $0x1  }
0x166: {  	v10 =	vadd.s32 v6, v10;
	_ =	sdelay $0x2  }
0x167: {  	[tilespmem:s31], [sflag:$0x4] =	stream.indirect_vreg.gather [hbm4b:s1+s3], $0x80, v11, vm0, $0xb8;
	[tilespmem:$0x1E480] =	vst v63  }
0x168: {  	_ = 	snop  }
0x169: {  	[tilespmem:s0], [sflag:$0x4] =	stream.indirect_vreg.gather [hbm4b:s1+s3], $0x80, v10, vm0, $0xb8;
	[tilespmem:$0x1E480] =	vst v63  }
0x16a: {  	v10 =	vld [tilespmem:$0x16210];
	_ =	sdelay $0x4  }
0x16b: {  	v11 =	vshll.u32 v10, $0x1  }
0x16c: {  	v10 =	vand.u32 $0x7, v10;
	v11 =	vand.u32 $0xFFFFFFF0, v11  }
0x16d: {  	v10 =	vor.u32 v10, v11  }
0x16e: {  	v11 =	vperm.xlane v10, v5;
	_ =	sdelay $0x1  }
0x16f: {  	v10 =	vperm.xlane v10, v7;
	v11 =	vadd.s32 v6, v11;
	_ =	sdelay $0x1  }
0x170: {  	v10 =	vadd.s32 v6, v10;
	_ =	sdelay $0x1  }
0x171: {  	s2 =	simm.s32 $0x17400  }
0x172: {  	[tilespmem:s2], [sflag:$0x4] =	stream.indirect_vreg.gather [hbm4b:s1+s3], $0x80, v11, vm0, $0xb8;
	[tilespmem:$0x1E480] =	vst v63  }
0x173: {  	s9 =	simm.s32 $0x17C00  }
0x174: {  	[tilespmem:s9], [sflag:$0x4] =	stream.indirect_vreg.gather [hbm4b:s1+s3], $0x80, v10, vm0, $0xb8;
	[tilespmem:$0x1E480] =	vst v63  }
0x175: {  	v10 =	vld [tilespmem:$0x16220];
	_ =	sdelay $0x4  }
0x176: {  	v11 =	vshll.u32 v10, $0x1  }
0x177: {  	v10 =	vand.u32 $0x7, v10;
	v11 =	vand.u32 $0xFFFFFFF0, v11  }
0x178: {  	v10 =	vor.u32 v10, v11  }
0x179: {  	v11 =	vperm.xlane v10, v5;
	_ =	sdelay $0x1  }
0x17a: {  	v10 =	vperm.xlane v10, v7;
	v11 =	vadd.s32 v6, v11;
	_ =	sdelay $0x1  }
0x17b: {  	v10 =	vadd.s32 v6, v10;
	_ =	sdelay $0x1  }
0x17c: {  	s13 =	simm.s32 $0x18400  }
0x17d: {  	[tilespmem:s13], [sflag:$0x4] =	stream.indirect_vreg.gather [hbm4b:s1+s3], $0x80, v11, vm0, $0xb8;
	[tilespmem:$0x1E480] =	vst v63  }
0x17e: {  	s14 =	simm.s32 $0x18C00  }
0x17f: {  	[tilespmem:s14], [sflag:$0x4] =	stream.indirect_vreg.gather [hbm4b:s1+s3], $0x80, v10, vm0, $0xb8;
	[tilespmem:$0x1E480] =	vst v63  }
0x180: {  	v10 =	vld [tilespmem:$0x16230];
	_ =	sdelay $0x4  }
0x181: {  	v11 =	vshll.u32 v10, $0x1  }
0x182: {  	v10 =	vand.u32 $0x7, v10;
	v11 =	vand.u32 $0xFFFFFFF0, v11  }
0x183: {  	v10 =	vor.u32 v10, v11  }
0x184: {  	v11 =	vperm.xlane v10, v5;
	_ =	sdelay $0x1  }
0x185: {  	v10 =	vperm.xlane v10, v7;
	v11 =	vadd.s32 v6, v11;
	_ =	sdelay $0x1  }
0x186: {  	v10 =	vadd.s32 v6, v10;
	_ =	sdelay $0x1  }
0x187: {  	s15 =	simm.s32 $0x19400  }
0x188: {  	[tilespmem:s15], [sflag:$0x4] =	stream.indirect_vreg.gather [hbm4b:s1+s3], $0x80, v11, vm0, $0xb8;
	[tilespmem:$0x1E480] =	vst v63  }
0x189: {  	_ = 	snop  }
0x18a: {  	[tilespmem:s10], [sflag:$0x4] =	stream.indirect_vreg.gather [hbm4b:s1+s3], $0x80, v10, vm0, $0xb8;
	[tilespmem:$0x1E480] =	vst v63  }
0x18b: {  	v10 =	vld [tilespmem:$0x16240]  }
0x18c: {  	v11 =	vld [tilespmem:$0x16340]  }
0x18d: {  	v12 =	vld [tilespmem:$0x16250]  }
0x18e: {  	v13 =	vld [tilespmem:$0x16350]  }
0x18f: {  	v14 =	vld [tilespmem:$0x16260]  }
0x190: {  	v63 =	vld [tilespmem:$0x16370];
	[tilespmem:$0x16200] =	vst v10  }
0x191: {  	v10 =	vld [tilespmem:$0x16360];
	[tilespmem:$0x16300] =	vst v11  }
0x192: {  	p1 =	sne.s32 s4, $0x2;
	v11 =	vld [tilespmem:$0x16270];
	[tilespmem:$0x16210] =	vst v12  }
.Ltmp10:
0x193: {  	[tilespmem:$0x16310] =	vst v13;
	(pc) =	sbr.rel @p1 .LBB2_12-.Ltmp10, $4  }
0x194: {  	[tilespmem:$0x16220] =	vst v14  }
0x195: {  	[tilespmem:$0x16330] =	vst v63  }
0x196: {  	[tilespmem:$0x16320] =	vst v10  }
0x197: {  	v9 =	vadd.s32 $0xFFFFFFC0, v9;
	s4 =	simm.s32 $0x1;
	[tilespmem:$0x16230] =	vst v11  }
0x198: {  	_ =	swait.ge [sflag:s11], $0x4000;
	s2 =	simm.s32 $0x4000;
	s6 =	simm.s32 $0x0  }
0x199: {  	[sflag:s11] =	ssyncset.done $0x0;
	s2 =	sand.u32 $0x7800, s2;
	s6 =	sand.u32 $0x380, s6  }
0x19a: {  	[sflag:s11] =	ssyncadd.s32 $0xFFFFC000;
	s2 =	sor.u32 s6, s2  }
0x19b: {  	s15 =	sld [smem:$0x40];
	v10 =	vld [tilespmem:s2+$0x16400];
	_ =	sdelay $0x2  }
0x19c: {  	s6 =	sshll.u32 s15, $0xA  }
0x19d: {  	s14 =	sshra.s32 s6, $0x2  }
0x19e: {  	s9 =	sadd.s32 $0x16400, s2;
	[tilespmem:s14+$0x0] =	vst.add.f32.msk $0xffff, v10  }
0x19f: {  	v10 =	vld [tilespmem:s9+$0x10];
	_ =	sdelay $0x3  }
0x1a0: {  	s6 =	sor.u32 $0x10, s14  }
0x1a1: {  	[tilespmem:s6+$0x0] =	vst.add.f32.msk $0xffff, v10  }
0x1a2: {  	v10 =	vld [tilespmem:s9+$0x20];
	_ =	sdelay $0x3  }
0x1a3: {  	s13 =	sor.u32 $0x20, s14  }
0x1a4: {  	[tilespmem:s13+$0x0] =	vst.add.f32.msk $0xffff, v10  }
0x1a5: {  	v10 =	vld [tilespmem:s9+$0x30];
	_ =	sdelay $0x3  }
0x1a6: {  	s15 =	sor.u32 $0x30, s14  }
0x1a7: {  	[tilespmem:s15+$0x0] =	vst.add.f32.msk $0xffff, v10  }
0x1a8: {  	v10 =	vld [tilespmem:s9+$0x40];
	_ =	sdelay $0x3  }
0x1a9: {  	s6 =	sor.u32 $0x40, s14  }
0x1aa: {  	[tilespmem:s6+$0x0] =	vst.add.f32.msk $0xffff, v10  }
0x1ab: {  	v10 =	vld [tilespmem:s9+$0x50];
	_ =	sdelay $0x3  }
0x1ac: {  	s13 =	sor.u32 $0x50, s14  }
0x1ad: {  	[tilespmem:s13+$0x0] =	vst.add.f32.msk $0xffff, v10  }
0x1ae: {  	v10 =	vld [tilespmem:s9+$0x60];
	_ =	sdelay $0x3  }
0x1af: {  	s15 =	sor.u32 $0x60, s14  }
0x1b0: {  	[tilespmem:s15+$0x0] =	vst.add.f32.msk $0xffff, v10  }
0x1b1: {  	v10 =	vld [tilespmem:s9+$0x70];
	_ =	sdelay $0x3  }
0x1b2: {  	s6 =	sor.u32 $0x70, s14  }
0x1b3: {  	[tilespmem:s6+$0x0] =	vst.add.f32.msk $0xffff, v10  }
0x1b4: {  	v10 =	vld [tilespmem:s9+$0x400];
	_ =	sdelay $0x3  }
0x1b5: {  	s13 =	sor.u32 $0x80, s14  }
0x1b6: {  	[tilespmem:s13+$0x0] =	vst.add.f32.msk $0xffff, v10  }
0x1b7: {  	v10 =	vld [tilespmem:s9+$0x410];
	_ =	sdelay $0x3  }
0x1b8: {  	s15 =	sor.u32 $0x90, s14  }
0x1b9: {  	[tilespmem:s15+$0x0] =	vst.add.f32.msk $0xffff, v10  }
0x1ba: {  	v10 =	vld [tilespmem:s9+$0x420];
	_ =	sdelay $0x3  }
0x1bb: {  	s6 =	sor.u32 $0xA0, s14  }
0x1bc: {  	[tilespmem:s6+$0x0] =	vst.add.f32.msk $0xffff, v10  }
0x1bd: {  	v10 =	vld [tilespmem:s9+$0x430];
	_ =	sdelay $0x3  }
0x1be: {  	s13 =	sor.u32 $0xB0, s14  }
0x1bf: {  	[tilespmem:s13+$0x0] =	vst.add.f32.msk $0xffff, v10  }
0x1c0: {  	v10 =	vld [tilespmem:s9+$0x440];
	_ =	sdelay $0x3  }
0x1c1: {  	s15 =	sor.u32 $0xC0, s14  }
0x1c2: {  	[tilespmem:s15+$0x0] =	vst.add.f32.msk $0xffff, v10  }
0x1c3: {  	v10 =	vld [tilespmem:s9+$0x450];
	_ =	sdelay $0x3  }
0x1c4: {  	s6 =	sor.u32 $0xD0, s14  }
0x1c5: {  	[tilespmem:s6+$0x0] =	vst.add.f32.msk $0xffff, v10  }
0x1c6: {  	v10 =	vld [tilespmem:s9+$0x460];
	_ =	sdelay $0x3  }
0x1c7: {  	s6 =	sor.u32 $0xE0, s14  }
0x1c8: {  	[tilespmem:s6+$0x0] =	vst.add.f32.msk $0xffff, v10  }
0x1c9: {  	v10 =	vld [tilespmem:s9+$0x470];
	_ =	sdelay $0x1  }
0x1ca: {  	s2 =	simm.s32 $0x80  }
0x1cb: {  	s13 =	simm.s32 $0x4100;
	s15 =	simm.s32 $0x40;
	s14 =	sor.u32 $0xF0, s14  }
0x1cc: {  	s6 =	sand.u32 $0x7800, s13;
	s13 =	simm.s32 $0x4200;
	s9 =	sand.u32 $0x380, s2  }
.LBB2_10:
0x1cd: {  	p1 =	seq.s32 s13, $0x7F00;
	s6 =	sor.u32 s9, s6;
	[tilespmem:s14+$0x0] =	vst.add.f32.msk $0xffff, v10;
	s15 =	sadd.s32 $0x1, s15  }
0x1ce: {  	s9 =	sld [smem:s15+$0x0];
	v10 =	vld [tilespmem:s6+$0x16400];
	_ =	sdelay $0x2  }
0x1cf: {  	s9 =	sshll.u32 s9, $0xA  }
0x1d0: {  	s14 =	sshra.s32 s9, $0x2  }
0x1d1: {  	s6 =	sadd.s32 $0x16400, s6;
	[tilespmem:s14+$0x0] =	vst.add.f32.msk $0xffff, v10  }
0x1d2: {  	v10 =	vld [tilespmem:s6+$0x10];
	_ =	sdelay $0x3  }
0x1d3: {  	s9 =	sor.u32 $0x10, s14  }
0x1d4: {  	[tilespmem:s9+$0x0] =	vst.add.f32.msk $0xffff, v10  }
0x1d5: {  	v10 =	vld [tilespmem:s6+$0x20];
	_ =	sdelay $0x3  }
0x1d6: {  	s9 =	sor.u32 $0x20, s14  }
0x1d7: {  	[tilespmem:s9+$0x0] =	vst.add.f32.msk $0xffff, v10  }
0x1d8: {  	v10 =	vld [tilespmem:s6+$0x30];
	_ =	sdelay $0x3  }
0x1d9: {  	s9 =	sor.u32 $0x30, s14  }
0x1da: {  	[tilespmem:s9+$0x0] =	vst.add.f32.msk $0xffff, v10  }
0x1db: {  	v10 =	vld [tilespmem:s6+$0x40];
	_ =	sdelay $0x3  }
0x1dc: {  	s9 =	sor.u32 $0x40, s14  }
0x1dd: {  	[tilespmem:s9+$0x0] =	vst.add.f32.msk $0xffff, v10  }
0x1de: {  	v10 =	vld [tilespmem:s6+$0x50];
	_ =	sdelay $0x3  }
0x1df: {  	s9 =	sor.u32 $0x50, s14  }
0x1e0: {  	[tilespmem:s9+$0x0] =	vst.add.f32.msk $0xffff, v10  }
0x1e1: {  	v10 =	vld [tilespmem:s6+$0x60];
	_ =	sdelay $0x3  }
0x1e2: {  	s9 =	sor.u32 $0x60, s14  }
0x1e3: {  	[tilespmem:s9+$0x0] =	vst.add.f32.msk $0xffff, v10  }
0x1e4: {  	v10 =	vld [tilespmem:s6+$0x70];
	_ =	sdelay $0x3  }
0x1e5: {  	s9 =	sor.u32 $0x70, s14  }
0x1e6: {  	[tilespmem:s9+$0x0] =	vst.add.f32.msk $0xffff, v10  }
0x1e7: {  	v10 =	vld [tilespmem:s6+$0x400];
	_ =	sdelay $0x3  }
0x1e8: {  	s9 =	sor.u32 $0x80, s14  }
0x1e9: {  	[tilespmem:s9+$0x0] =	vst.add.f32.msk $0xffff, v10  }
0x1ea: {  	v10 =	vld [tilespmem:s6+$0x410];
	_ =	sdelay $0x3  }
0x1eb: {  	s9 =	sor.u32 $0x90, s14  }
0x1ec: {  	[tilespmem:s9+$0x0] =	vst.add.f32.msk $0xffff, v10  }
0x1ed: {  	v10 =	vld [tilespmem:s6+$0x420];
	_ =	sdelay $0x3  }
0x1ee: {  	s9 =	sor.u32 $0xA0, s14  }
0x1ef: {  	[tilespmem:s9+$0x0] =	vst.add.f32.msk $0xffff, v10  }
0x1f0: {  	v10 =	vld [tilespmem:s6+$0x430];
	_ =	sdelay $0x3  }
0x1f1: {  	s9 =	sor.u32 $0xB0, s14  }
0x1f2: {  	[tilespmem:s9+$0x0] =	vst.add.f32.msk $0xffff, v10  }
0x1f3: {  	v10 =	vld [tilespmem:s6+$0x440];
	_ =	sdelay $0x3  }
0x1f4: {  	s9 =	sor.u32 $0xC0, s14  }
0x1f5: {  	[tilespmem:s9+$0x0] =	vst.add.f32.msk $0xffff, v10  }
0x1f6: {  	v10 =	vld [tilespmem:s6+$0x450];
	_ =	sdelay $0x3  }
0x1f7: {  	s9 =	sor.u32 $0xD0, s14  }
0x1f8: {  	[tilespmem:s9+$0x0] =	vst.add.f32.msk $0xffff, v10  }
0x1f9: {  	v10 =	vld [tilespmem:s6+$0x460];
	_ =	sdelay $0x3  }
0x1fa: {  	s9 =	sor.u32 $0xE0, s14  }
0x1fb: {  	[tilespmem:s9+$0x0] =	vst.add.f32.msk $0xffff, v10  }
.Ltmp11:
0x1fc: {  	v10 =	vld [tilespmem:s6+$0x470];
	(pc) =	sbr.rel @!p1 .LBB2_10-.Ltmp11, $3  }
0x1fd: {  	_ =	sdelay $0x1  }
0x1fe: {  	s2 =	sadd.s32 $0x80, s2;
	s6 =	sand.u32 $0x7800, s13  }
0x1ff: {  	s14 =	sor.u32 $0xF0, s14;
	s9 =	sand.u32 $0x380, s2;
	s13 =	sadd.s32 $0x100, s13  }
0x200: {  	s2 =	sor.u32 s9, s6;
	[tilespmem:s14+$0x0] =	vst.add.f32.msk $0xffff, v10;
	s9 =	sadd.s32 $0x1, s15  }
0x201: {  	s6 =	sld [smem:s9+$0x0];
	v10 =	vld [tilespmem:s2+$0x16400];
	_ =	sdelay $0x2  }
0x202: {  	s6 =	sshll.u32 s6, $0xA  }
0x203: {  	s6 =	sshra.s32 s6, $0x2  }
0x204: {  	s2 =	sadd.s32 $0x16400, s2;
	[tilespmem:s6+$0x0] =	vst.add.f32.msk $0xffff, v10  }
0x205: {  	v10 =	vld [tilespmem:s2+$0x10];
	_ =	sdelay $0x3  }
0x206: {  	s13 =	sor.u32 $0x10, s6  }
0x207: {  	[tilespmem:s13+$0x0] =	vst.add.f32.msk $0xffff, v10  }
0x208: {  	v10 =	vld [tilespmem:s2+$0x20];
	_ =	sdelay $0x3  }
0x209: {  	s14 =	sor.u32 $0x20, s6  }
0x20a: {  	[tilespmem:s14+$0x0] =	vst.add.f32.msk $0xffff, v10  }
0x20b: {  	v10 =	vld [tilespmem:s2+$0x30];
	_ =	sdelay $0x3  }
0x20c: {  	s15 =	sor.u32 $0x30, s6  }
0x20d: {  	[tilespmem:s15+$0x0] =	vst.add.f32.msk $0xffff, v10  }
0x20e: {  	v10 =	vld [tilespmem:s2+$0x40];
	_ =	sdelay $0x3  }
0x20f: {  	s13 =	sor.u32 $0x40, s6  }
0x210: {  	[tilespmem:s13+$0x0] =	vst.add.f32.msk $0xffff, v10  }
0x211: {  	v10 =	vld [tilespmem:s2+$0x50];
	_ =	sdelay $0x3  }
0x212: {  	s14 =	sor.u32 $0x50, s6  }
0x213: {  	[tilespmem:s14+$0x0] =	vst.add.f32.msk $0xffff, v10  }
0x214: {  	v10 =	vld [tilespmem:s2+$0x60];
	_ =	sdelay $0x3  }
0x215: {  	s15 =	sor.u32 $0x60, s6  }
0x216: {  	[tilespmem:s15+$0x0] =	vst.add.f32.msk $0xffff, v10  }
0x217: {  	v10 =	vld [tilespmem:s2+$0x70];
	_ =	sdelay $0x3  }
0x218: {  	s13 =	sor.u32 $0x70, s6  }
0x219: {  	[tilespmem:s13+$0x0] =	vst.add.f32.msk $0xffff, v10  }
0x21a: {  	v10 =	vld [tilespmem:s2+$0x400];
	_ =	sdelay $0x3  }
0x21b: {  	s14 =	sor.u32 $0x80, s6  }
0x21c: {  	[tilespmem:s14+$0x0] =	vst.add.f32.msk $0xffff, v10  }
0x21d: {  	v10 =	vld [tilespmem:s2+$0x410];
	_ =	sdelay $0x3  }
0x21e: {  	s15 =	sor.u32 $0x90, s6  }
0x21f: {  	[tilespmem:s15+$0x0] =	vst.add.f32.msk $0xffff, v10  }
0x220: {  	v10 =	vld [tilespmem:s2+$0x420];
	_ =	sdelay $0x3  }
0x221: {  	s13 =	sor.u32 $0xA0, s6  }
0x222: {  	[tilespmem:s13+$0x0] =	vst.add.f32.msk $0xffff, v10  }
0x223: {  	v10 =	vld [tilespmem:s2+$0x430];
	_ =	sdelay $0x3  }
0x224: {  	s14 =	sor.u32 $0xB0, s6  }
0x225: {  	[tilespmem:s14+$0x0] =	vst.add.f32.msk $0xffff, v10  }
0x226: {  	v10 =	vld [tilespmem:s2+$0x440];
	_ =	sdelay $0x3  }
0x227: {  	s15 =	sor.u32 $0xC0, s6  }
0x228: {  	[tilespmem:s15+$0x0] =	vst.add.f32.msk $0xffff, v10  }
0x229: {  	v10 =	vld [tilespmem:s2+$0x450];
	_ =	sdelay $0x3  }
0x22a: {  	s13 =	sor.u32 $0xD0, s6  }
0x22b: {  	[tilespmem:s13+$0x0] =	vst.add.f32.msk $0xffff, v10  }
0x22c: {  	v10 =	vld [tilespmem:s2+$0x460];
	_ =	sdelay $0x3  }
0x22d: {  	s14 =	sor.u32 $0xE0, s6  }
0x22e: {  	[tilespmem:s14+$0x0] =	vst.add.f32.msk $0xffff, v10  }
0x22f: {  	v10 =	vld [tilespmem:s2+$0x470]  }
.Ltmp12:
0x230: {  	_ = 	snop;
	(pc) =	sbr.rel .LBB2_12-.Ltmp12, $3  }
0x231: {  	_ =	sdelay $0x1  }
0x232: {  	s15 =	sor.u32 $0xF0, s6  }
0x233: {  	[tilespmem:s15+$0x0] =	vst.add.f32.msk $0xffff, v10  }
.LBB2_13:
0x234: {  	p1 =	seq.s32 s16, $0x31  }
0x235: {  	s2 =	sshrl.u32 @!p1 s5, $0x3  }
0x236: {  	s5 =	rddreg [dreg:$0x4];
	s2 =	sadd.s32 @!p1 $0x190, s2  }
0x237: {  	s6 =	simm.s32 @!p1 $0x0;
	s9 =	simm.s32 @!p1 $0x14800;
	s5 =	sadd.s32 @!p1 s5, s2  }
0x238: {  	[tilespmem:s9], [sflag:$0x2] =	stream.linear.gather @!p1 [hbm4b:s5+s6], $0x640, $0x38;
	[tilespmem:$0x1E480] =	vst v63  }
0x239: {  	s5 =	rddreg [dreg:$0x5]  }
0x23a: {  	s17 =	simm.s32 $0x3;
	s2 =	sadd.s32 @!p1 s5, s2;
	s5 =	simm.s32 @!p1 $0x14E80  }
0x23b: {  	[tilespmem:s5], [sflag:$0x2] =	stream.linear.gather @!p1 [hbm4b:s2+s6], $0x640, $0x38;
	[tilespmem:$0x1E480] =	vst v63  }
0x23c: {  	_ =	swait.ge [sflag:s17], $0x640  }
.Ltmp13:
0x23d: {  	[sflag:s17] =	ssyncset.done $0x0;
	(pc) =	sbr.rel .LBB2_14-.Ltmp13, $4  }
0x23e: {  	[sflag:s17] =	ssyncadd.s32 $0xFFFFF9C0  }
0x23f: {  	_ =	swait.ge [sflag:s17], $0x640  }
0x240: {  	[sflag:s17] =	ssyncset.done $0x0  }
0x241: {  	s5 =	simm.s32 $0x0;
	[sflag:s17] =	ssyncadd.s32 $0xFFFFF9C0  }
.LBB2_23:
0x242: {  	s5 =	sadd.s32 $0x1, s5  }
0x243: {  	p1 =	sne.s32 s5, $0x19  }
.Ltmp14:
0x244: {  	_ = 	snop;
	(pc) =	sbr.rel @!p1 .LBB2_24-.Ltmp14, $1  }
0x245: {  	_ =	sdelay $0x3  }
.LBB2_14:
0x246: {  	s2 =	sshll.u32 s5, $0x6  }
0x247: {  	v10 =	vld [tilespmem:s2+$0x15B80];
	_ =	sdelay $0x4  }
0x248: {  	vm1 =	vge.s32 v10, v0;
	vm2 =	vlt.s32 v10, v2  }
0x249: {  	vm1 =	vmand vm1, vm2  }
0x24a: {  	v11 =	vsel vm1, $0x1, v3  }
0x24b: {  	(xrf0) =	vadd.scan.msk.s32 $0xffff, v11;
	_ =	sdelay $0x5  }
0x24c: {  	v11, _, _ =	vpop (xrf0)  }
0x24d: {  	v11 =	vadd.s32 v11, v9  }
0x24e: {  	v11 =	vadd.s32 $0xFFFFFFFF, v11  }
0x24f: {  	v12 =	vld [tilespmem:s2+$0x15500];
	v11 =	vnsel vm1, $0xA0, v11;
	_ =	sdelay $0x4  }
0x250: {  	v10 =	vsub.s32 v10, v0;
	[tilespmem:v11+s18+$0x0] =	vst.idx.msk $0xffff, v12  }
0x251: {  	[tilespmem:v11+s19+$0x0] =	vst.idx.msk $0xffff, v10  }
0x252: {  	v10 =	vld [tilespmem:s2+$0x15B90];
	_ =	sdelay $0x4  }
0x253: {  	vm2 =	vge.s32 v10, v0;
	vm3 =	vlt.s32 v10, v2  }
0x254: {  	vm2 =	vmand vm2, vm3  }
0x255: {  	v11 =	vsel vm2, $0x1, v3  }
0x256: {  	(xrf0) =	vadd.scan.msk.s32 $0xffff, v11;
	_ =	sdelay $0x1  }
0x257: {  	v11 =	vmpcnt.ones.xlane vm1;
	_ =	sdelay $0x3  }
0x258: {  	v9 =	vadd.s32 v9, v11;
	v11, _, _ =	vpop (xrf0)  }
0x259: {  	v11 =	vadd.s32 v11, v9  }
0x25a: {  	v11 =	vadd.s32 $0xFFFFFFFF, v11  }
0x25b: {  	v12 =	vld [tilespmem:s2+$0x15510];
	v11 =	vnsel vm2, $0xA0, v11;
	_ =	sdelay $0x4  }
0x25c: {  	v10 =	vsub.s32 v10, v0;
	[tilespmem:v11+s18+$0x0] =	vst.idx.msk $0xffff, v12  }
0x25d: {  	[tilespmem:v11+s19+$0x0] =	vst.idx.msk $0xffff, v10  }
0x25e: {  	v10 =	vld [tilespmem:s2+$0x15BA0];
	_ =	sdelay $0x4  }
0x25f: {  	vm1 =	vge.s32 v10, v0;
	vm3 =	vlt.s32 v10, v2  }
0x260: {  	vm1 =	vmand vm1, vm3  }
0x261: {  	v11 =	vsel vm1, $0x1, v3  }
0x262: {  	(xrf0) =	vadd.scan.msk.s32 $0xffff, v11;
	_ =	sdelay $0x1  }
0x263: {  	v11 =	vmpcnt.ones.xlane vm2;
	_ =	sdelay $0x3  }
0x264: {  	v9 =	vadd.s32 v9, v11;
	v11, _, _ =	vpop (xrf0)  }
0x265: {  	v11 =	vadd.s32 v11, v9  }
0x266: {  	v11 =	vadd.s32 $0xFFFFFFFF, v11  }
0x267: {  	v12 =	vld [tilespmem:s2+$0x15520];
	v11 =	vnsel vm1, $0xA0, v11;
	_ =	sdelay $0x4  }
0x268: {  	v10 =	vsub.s32 v10, v0;
	[tilespmem:v11+s18+$0x0] =	vst.idx.msk $0xffff, v12  }
0x269: {  	[tilespmem:v11+s19+$0x0] =	vst.idx.msk $0xffff, v10  }
0x26a: {  	v10 =	vld [tilespmem:s2+$0x15BB0];
	_ =	sdelay $0x4  }
0x26b: {  	vm2 =	vge.s32 v10, v0;
	vm3 =	vlt.s32 v10, v2  }
0x26c: {  	v11 =	vmpcnt.ones.xlane vm1;
	vm1 =	vmand vm2, vm3  }
0x26d: {  	v59 =	vmpcnt.ones.xlane vm1  }
0x26e: {  	v11 =	vadd.s32 v9, v11  }
0x26f: {  	v9 =	vadd.s32 v11, v59  }
0x270: {  	v60 =	vsel vm1, $0x1, v3;
	vm2 =	vgt.s32 v9, $0x3F  }
0x271: {  	(xrf0) =	vadd.scan.msk.s32 $0xffff, v60;
	v61 =	vsel vm2, $0x3F800000, v4  }
0x272: {  	(xrf0) =	vmax.scan.msk.f32 $0xffff, v61;
	_ =	sdelay $0x4  }
0x273: {  	v62, _, _ =	vpop (xrf0)  }
0x274: {  	v13, _, _ =	vpop (xrf0)  }
0x275: {  	(v2sf) =	vpush v13, $0xF;
	_ =	sdelay $0xc  }
0x276: {  	v11 =	vadd.s32 v62, v11  }
0x277: {  	v11 =	vadd.s32 $0xFFFFFFFF, v11  }
0x278: {  	v63 =	vld [tilespmem:s2+$0x15530];
	v11 =	vnsel vm1, $0xA0, v11;
	s17 =	spop (v2sf)  }
0x279: {  	p1 =	sgt.f32 s17, $0.0e+00  }
.Ltmp15:
0x27a: {  	_ = 	snop;
	(pc) =	sbr.rel @!p1 .LBB2_23-.Ltmp15, $3  }
0x27b: {  	_ =	sdelay $0x1  }
0x27c: {  	v10 =	vsub.s32 v10, v0;
	[tilespmem:v11+s18+$0x0] =	vst.idx.msk $0xffff, v63  }
0x27d: {  	[tilespmem:v11+s19+$0x0] =	vst.idx.msk $0xffff, v10  }
0x27e: {  	p1 =	sne.s32 s4, $0x1  }
.Ltmp16:
0x27f: {  	_ = 	snop;
	(pc) =	sbr.rel @p1 .LBB2_19-.Ltmp16, $1  }
0x280: {  	_ =	sdelay $0x3  }
0x281: {  	[spmem:s8] =	stream.linear.scatter [tilespmem:s19], [sflag:$0x6], $0x40, $0x38;
	[tilespmem:$0x1E480] =	vst v63  }
0x282: {  	_ =	swait.ge [sflag:s12], $0x40  }
0x283: {  	[sflag:s12] =	ssyncset.done $0x0  }
0x284: {  	[sflag:s12] =	ssyncadd.s32 $0xFFFFFFC0  }
0x285: {  	[smem:s20], [sflag:$0x6] =	stream.linear.gather [spmem:s8], $0x40, $0x38;
	[tilespmem:$0x1E480] =	vst v63  }
0x286: {  	_ =	swait.ge [sflag:s12], $0x40  }
0x287: {  	[sflag:s12] =	ssyncset.done $0x0  }
0x288: {  	[sflag:s12] =	ssyncadd.s32 $0xFFFFFFC0  }
0x289: {  	v10 =	vld [tilespmem:$0x16200];
	_ =	sdelay $0x4  }
0x28a: {  	v11 =	vshll.u32 v10, $0x1  }
0x28b: {  	v10 =	vand.u32 $0x7, v10;
	v11 =	vand.u32 $0xFFFFFFF0, v11  }
0x28c: {  	v10 =	vor.u32 v10, v11  }
0x28d: {  	v11 =	vperm.xlane v10, v5;
	_ =	sdelay $0x1  }
0x28e: {  	v10 =	vperm.xlane v10, v7;
	v11 =	vadd.s32 v6, v11;
	_ =	sdelay $0x1  }
0x28f: {  	v10 =	vadd.s32 v6, v10;
	_ =	sdelay $0x1  }
0x290: {  	s4 =	simm.s32 $0x0  }
0x291: {  	[tilespmem:s21], [sflag:$0x5] =	stream.indirect_vreg.gather [hbm4b:s1+s4], $0x80, v11, vm0, $0xb8;
	[tilespmem:$0x1E480] =	vst v63  }
0x292: {  	_ = 	snop  }
0x293: {  	[tilespmem:s22], [sflag:$0x5] =	stream.indirect_vreg.gather [hbm4b:s1+s4], $0x80, v10, vm0, $0xb8;
	[tilespmem:$0x1E480] =	vst v63  }
0x294: {  	v10 =	vld [tilespmem:$0x16210];
	_ =	sdelay $0x4  }
0x295: {  	v11 =	vshll.u32 v10, $0x1  }
0x296: {  	v10 =	vand.u32 $0x7, v10;
	v11 =	vand.u32 $0xFFFFFFF0, v11  }
0x297: {  	v10 =	vor.u32 v10, v11  }
0x298: {  	v11 =	vperm.xlane v10, v5;
	_ =	sdelay $0x1  }
0x299: {  	v10 =	vperm.xlane v10, v7;
	v11 =	vadd.s32 v6, v11;
	_ =	sdelay $0x1  }
0x29a: {  	v10 =	vadd.s32 v6, v10;
	_ =	sdelay $0x2  }
0x29b: {  	[tilespmem:s23], [sflag:$0x5] =	stream.indirect_vreg.gather [hbm4b:s1+s4], $0x80, v11, vm0, $0xb8;
	[tilespmem:$0x1E480] =	vst v63  }
0x29c: {  	_ = 	snop  }
0x29d: {  	[tilespmem:s24], [sflag:$0x5] =	stream.indirect_vreg.gather [hbm4b:s1+s4], $0x80, v10, vm0, $0xb8;
	[tilespmem:$0x1E480] =	vst v63  }
0x29e: {  	v10 =	vld [tilespmem:$0x16220];
	_ =	sdelay $0x4  }
0x29f: {  	v11 =	vshll.u32 v10, $0x1  }
0x2a0: {  	v10 =	vand.u32 $0x7, v10;
	v11 =	vand.u32 $0xFFFFFFF0, v11  }
0x2a1: {  	v10 =	vor.u32 v10, v11  }
0x2a2: {  	v11 =	vperm.xlane v10, v5;
	_ =	sdelay $0x1  }
0x2a3: {  	v10 =	vperm.xlane v10, v7;
	v11 =	vadd.s32 v6, v11;
	_ =	sdelay $0x1  }
0x2a4: {  	v10 =	vadd.s32 v6, v10;
	_ =	sdelay $0x2  }
0x2a5: {  	[tilespmem:s25], [sflag:$0x5] =	stream.indirect_vreg.gather [hbm4b:s1+s4], $0x80, v11, vm0, $0xb8;
	[tilespmem:$0x1E480] =	vst v63  }
0x2a6: {  	_ = 	snop  }
0x2a7: {  	[tilespmem:s26], [sflag:$0x5] =	stream.indirect_vreg.gather [hbm4b:s1+s4], $0x80, v10, vm0, $0xb8;
	[tilespmem:$0x1E480] =	vst v63  }
0x2a8: {  	v10 =	vld [tilespmem:$0x16230];
	_ =	sdelay $0x4  }
0x2a9: {  	v11 =	vshll.u32 v10, $0x1  }
0x2aa: {  	v10 =	vand.u32 $0x7, v10;
	v11 =	vand.u32 $0xFFFFFFF0, v11  }
0x2ab: {  	v10 =	vor.u32 v10, v11  }
0x2ac: {  	v11 =	vperm.xlane v10, v5;
	_ =	sdelay $0x1  }
0x2ad: {  	v10 =	vperm.xlane v10, v7;
	v11 =	vadd.s32 v6, v11;
	_ =	sdelay $0x1  }
0x2ae: {  	v10 =	vadd.s32 v6, v10;
	_ =	sdelay $0x2  }
0x2af: {  	[tilespmem:s28], [sflag:$0x5] =	stream.indirect_vreg.gather [hbm4b:s1+s4], $0x80, v11, vm0, $0xb8;
	[tilespmem:$0x1E480] =	vst v63  }
0x2b0: {  	_ = 	snop  }
0x2b1: {  	[tilespmem:s29], [sflag:$0x5] =	stream.indirect_vreg.gather [hbm4b:s1+s4], $0x80, v10, vm0, $0xb8;
	[tilespmem:$0x1E480] =	vst v63  }
0x2b2: {  	v10 =	vld [tilespmem:$0x16240]  }
0x2b3: {  	v11 =	vld [tilespmem:$0x16340]  }
0x2b4: {  	v12 =	vld [tilespmem:$0x16250]  }
0x2b5: {  	v13 =	vld [tilespmem:$0x16350]  }
0x2b6: {  	v14 =	vld [tilespmem:$0x16260]  }
0x2b7: {  	v63 =	vld [tilespmem:$0x16370];
	[tilespmem:$0x16200] =	vst v10  }
0x2b8: {  	v10 =	vld [tilespmem:$0x16360];
	[tilespmem:$0x16300] =	vst v11  }
0x2b9: {  	v11 =	vld [tilespmem:$0x16270];
	[tilespmem:$0x16210] =	vst v12  }
0x2ba: {  	[tilespmem:$0x16310] =	vst v13  }
0x2bb: {  	[tilespmem:$0x16220] =	vst v14  }
0x2bc: {  	[tilespmem:$0x16330] =	vst v63  }
0x2bd: {  	[tilespmem:$0x16320] =	vst v10  }
0x2be: {  	[tilespmem:$0x16230] =	vst v11  }
0x2bf: {  	_ =	swait.ge [sflag:s30], $0x4000  }
0x2c0: {  	s2 =	sand.u32 $0x3800, s4;
	s6 =	sand.u32 $0x380, s4;
	[sflag:s30] =	ssyncset.done $0x0  }
0x2c1: {  	s2 =	sor.u32 s6, s2;
	[sflag:s30] =	ssyncadd.s32 $0xFFFFC000  }
0x2c2: {  	s14 =	sld [smem:$0x0];
	v10 =	vld [tilespmem:s2+$0x16400];
	_ =	sdelay $0x2  }
0x2c3: {  	s6 =	sshll.u32 s14, $0xA  }
0x2c4: {  	s14 =	sshra.s32 s6, $0x2  }
0x2c5: {  	s9 =	sadd.s32 $0x16400, s2;
	[tilespmem:s14+$0x0] =	vst.add.f32.msk $0xffff, v10  }
0x2c6: {  	v10 =	vld [tilespmem:s9+$0x10];
	_ =	sdelay $0x3  }
0x2c7: {  	s15 =	sor.u32 $0x10, s14  }
0x2c8: {  	[tilespmem:s15+$0x0] =	vst.add.f32.msk $0xffff, v10  }
0x2c9: {  	v10 =	vld [tilespmem:s9+$0x20];
	_ =	sdelay $0x3  }
0x2ca: {  	s17 =	sor.u32 $0x20, s14  }
0x2cb: {  	[tilespmem:s17+$0x0] =	vst.add.f32.msk $0xffff, v10  }
0x2cc: {  	v10 =	vld [tilespmem:s9+$0x30];
	_ =	sdelay $0x3  }
0x2cd: {  	s6 =	sor.u32 $0x30, s14  }
0x2ce: {  	[tilespmem:s6+$0x0] =	vst.add.f32.msk $0xffff, v10  }
0x2cf: {  	v10 =	vld [tilespmem:s9+$0x40];
	_ =	sdelay $0x3  }
0x2d0: {  	s13 =	sor.u32 $0x40, s14  }
0x2d1: {  	[tilespmem:s13+$0x0] =	vst.add.f32.msk $0xffff, v10  }
0x2d2: {  	v10 =	vld [tilespmem:s9+$0x50];
	_ =	sdelay $0x3  }
0x2d3: {  	s15 =	sor.u32 $0x50, s14  }
0x2d4: {  	[tilespmem:s15+$0x0] =	vst.add.f32.msk $0xffff, v10  }
0x2d5: {  	v10 =	vld [tilespmem:s9+$0x60];
	_ =	sdelay $0x3  }
0x2d6: {  	s17 =	sor.u32 $0x60, s14  }
0x2d7: {  	[tilespmem:s17+$0x0] =	vst.add.f32.msk $0xffff, v10  }
0x2d8: {  	v10 =	vld [tilespmem:s9+$0x70];
	_ =	sdelay $0x3  }
0x2d9: {  	s6 =	sor.u32 $0x70, s14  }
0x2da: {  	[tilespmem:s6+$0x0] =	vst.add.f32.msk $0xffff, v10  }
0x2db: {  	v10 =	vld [tilespmem:s9+$0x400];
	_ =	sdelay $0x3  }
0x2dc: {  	s13 =	sor.u32 $0x80, s14  }
0x2dd: {  	[tilespmem:s13+$0x0] =	vst.add.f32.msk $0xffff, v10  }
0x2de: {  	v10 =	vld [tilespmem:s9+$0x410];
	_ =	sdelay $0x3  }
0x2df: {  	s15 =	sor.u32 $0x90, s14  }
0x2e0: {  	[tilespmem:s15+$0x0] =	vst.add.f32.msk $0xffff, v10  }
0x2e1: {  	v10 =	vld [tilespmem:s9+$0x420];
	_ =	sdelay $0x3  }
0x2e2: {  	s17 =	sor.u32 $0xA0, s14  }
0x2e3: {  	[tilespmem:s17+$0x0] =	vst.add.f32.msk $0xffff, v10  }
0x2e4: {  	v10 =	vld [tilespmem:s9+$0x430];
	_ =	sdelay $0x3  }
0x2e5: {  	s6 =	sor.u32 $0xB0, s14  }
0x2e6: {  	[tilespmem:s6+$0x0] =	vst.add.f32.msk $0xffff, v10  }
0x2e7: {  	v10 =	vld [tilespmem:s9+$0x440];
	_ =	sdelay $0x3  }
0x2e8: {  	s13 =	sor.u32 $0xC0, s14  }
0x2e9: {  	[tilespmem:s13+$0x0] =	vst.add.f32.msk $0xffff, v10  }
0x2ea: {  	v10 =	vld [tilespmem:s9+$0x450];
	_ =	sdelay $0x3  }
0x2eb: {  	s15 =	sor.u32 $0xD0, s14  }
0x2ec: {  	[tilespmem:s15+$0x0] =	vst.add.f32.msk $0xffff, v10  }
0x2ed: {  	v10 =	vld [tilespmem:s9+$0x460];
	_ =	sdelay $0x3  }
0x2ee: {  	s6 =	sor.u32 $0xE0, s14  }
0x2ef: {  	[tilespmem:s6+$0x0] =	vst.add.f32.msk $0xffff, v10  }
0x2f0: {  	v10 =	vld [tilespmem:s9+$0x470];
	_ =	sdelay $0x2  }
0x2f1: {  	s2 =	simm.s32 $0x80;
	s17 =	simm.s32 $0x100;
	s14 =	sor.u32 $0xF0, s14  }
0x2f2: {  	s13 =	simm.s32 $0x200;
	s6 =	sand.u32 $0x3800, s17;
	s9 =	sand.u32 $0x380, s2  }
.LBB2_17:
0x2f3: {  	p1 =	seq.s32 s13, $0x3F00;
	s6 =	sor.u32 s9, s6;
	[tilespmem:s14+$0x0] =	vst.add.f32.msk $0xffff, v10;
	s4 =	sadd.s32 $0x1, s4  }
0x2f4: {  	s9 =	sld [smem:s4+$0x0];
	v10 =	vld [tilespmem:s6+$0x16400];
	_ =	sdelay $0x2  }
0x2f5: {  	s9 =	sshll.u32 s9, $0xA  }
0x2f6: {  	s14 =	sshra.s32 s9, $0x2  }
0x2f7: {  	s6 =	sadd.s32 $0x16400, s6;
	[tilespmem:s14+$0x0] =	vst.add.f32.msk $0xffff, v10  }
0x2f8: {  	v10 =	vld [tilespmem:s6+$0x10];
	_ =	sdelay $0x3  }
0x2f9: {  	s9 =	sor.u32 $0x10, s14  }
0x2fa: {  	[tilespmem:s9+$0x0] =	vst.add.f32.msk $0xffff, v10  }
0x2fb: {  	v10 =	vld [tilespmem:s6+$0x20];
	_ =	sdelay $0x3  }
0x2fc: {  	s9 =	sor.u32 $0x20, s14  }
0x2fd: {  	[tilespmem:s9+$0x0] =	vst.add.f32.msk $0xffff, v10  }
0x2fe: {  	v10 =	vld [tilespmem:s6+$0x30];
	_ =	sdelay $0x3  }
0x2ff: {  	s9 =	sor.u32 $0x30, s14  }
0x300: {  	[tilespmem:s9+$0x0] =	vst.add.f32.msk $0xffff, v10  }
0x301: {  	v10 =	vld [tilespmem:s6+$0x40];
	_ =	sdelay $0x3  }
0x302: {  	s9 =	sor.u32 $0x40, s14  }
0x303: {  	[tilespmem:s9+$0x0] =	vst.add.f32.msk $0xffff, v10  }
0x304: {  	v10 =	vld [tilespmem:s6+$0x50];
	_ =	sdelay $0x3  }
0x305: {  	s9 =	sor.u32 $0x50, s14  }
0x306: {  	[tilespmem:s9+$0x0] =	vst.add.f32.msk $0xffff, v10  }
0x307: {  	v10 =	vld [tilespmem:s6+$0x60];
	_ =	sdelay $0x3  }
0x308: {  	s9 =	sor.u32 $0x60, s14  }
0x309: {  	[tilespmem:s9+$0x0] =	vst.add.f32.msk $0xffff, v10  }
0x30a: {  	v10 =	vld [tilespmem:s6+$0x70];
	_ =	sdelay $0x3  }
0x30b: {  	s9 =	sor.u32 $0x70, s14  }
0x30c: {  	[tilespmem:s9+$0x0] =	vst.add.f32.msk $0xffff, v10  }
0x30d: {  	v10 =	vld [tilespmem:s6+$0x400];
	_ =	sdelay $0x3  }
0x30e: {  	s9 =	sor.u32 $0x80, s14  }
0x30f: {  	[tilespmem:s9+$0x0] =	vst.add.f32.msk $0xffff, v10  }
0x310: {  	v10 =	vld [tilespmem:s6+$0x410];
	_ =	sdelay $0x3  }
0x311: {  	s9 =	sor.u32 $0x90, s14  }
0x312: {  	[tilespmem:s9+$0x0] =	vst.add.f32.msk $0xffff, v10  }
0x313: {  	v10 =	vld [tilespmem:s6+$0x420];
	_ =	sdelay $0x3  }
0x314: {  	s9 =	sor.u32 $0xA0, s14  }
0x315: {  	[tilespmem:s9+$0x0] =	vst.add.f32.msk $0xffff, v10  }
0x316: {  	v10 =	vld [tilespmem:s6+$0x430];
	_ =	sdelay $0x3  }
0x317: {  	s9 =	sor.u32 $0xB0, s14  }
0x318: {  	[tilespmem:s9+$0x0] =	vst.add.f32.msk $0xffff, v10  }
0x319: {  	v10 =	vld [tilespmem:s6+$0x440];
	_ =	sdelay $0x3  }
0x31a: {  	s9 =	sor.u32 $0xC0, s14  }
0x31b: {  	[tilespmem:s9+$0x0] =	vst.add.f32.msk $0xffff, v10  }
0x31c: {  	v10 =	vld [tilespmem:s6+$0x450];
	_ =	sdelay $0x3  }
0x31d: {  	s9 =	sor.u32 $0xD0, s14  }
0x31e: {  	[tilespmem:s9+$0x0] =	vst.add.f32.msk $0xffff, v10  }
0x31f: {  	v10 =	vld [tilespmem:s6+$0x460];
	_ =	sdelay $0x3  }
0x320: {  	s9 =	sor.u32 $0xE0, s14  }
0x321: {  	[tilespmem:s9+$0x0] =	vst.add.f32.msk $0xffff, v10  }
.Ltmp17:
0x322: {  	v10 =	vld [tilespmem:s6+$0x470];
	(pc) =	sbr.rel @!p1 .LBB2_17-.Ltmp17, $3  }
0x323: {  	_ =	sdelay $0x1  }
0x324: {  	s2 =	sadd.s32 $0x80, s2;
	s6 =	sand.u32 $0x3800, s13  }
0x325: {  	s14 =	sor.u32 $0xF0, s14;
	s9 =	sand.u32 $0x380, s2;
	s13 =	sadd.s32 $0x100, s13  }
0x326: {  	s2 =	sor.u32 s9, s6;
	[tilespmem:s14+$0x0] =	vst.add.f32.msk $0xffff, v10;
	s4 =	sadd.s32 $0x1, s4  }
0x327: {  	s4 =	sld [smem:s4+$0x0];
	v10 =	vld [tilespmem:s2+$0x16400];
	_ =	sdelay $0x2  }
0x328: {  	s4 =	sshll.u32 s4, $0xA  }
0x329: {  	s4 =	sshra.s32 s4, $0x2  }
0x32a: {  	s2 =	sadd.s32 $0x16400, s2;
	[tilespmem:s4+$0x0] =	vst.add.f32.msk $0xffff, v10  }
0x32b: {  	v10 =	vld [tilespmem:s2+$0x10];
	_ =	sdelay $0x3  }
0x32c: {  	s9 =	sor.u32 $0x10, s4  }
0x32d: {  	[tilespmem:s9+$0x0] =	vst.add.f32.msk $0xffff, v10  }
0x32e: {  	v10 =	vld [tilespmem:s2+$0x20];
	_ =	sdelay $0x3  }
0x32f: {  	s13 =	sor.u32 $0x20, s4  }
0x330: {  	[tilespmem:s13+$0x0] =	vst.add.f32.msk $0xffff, v10  }
0x331: {  	v10 =	vld [tilespmem:s2+$0x30];
	_ =	sdelay $0x3  }
0x332: {  	s14 =	sor.u32 $0x30, s4  }
0x333: {  	[tilespmem:s14+$0x0] =	vst.add.f32.msk $0xffff, v10  }
0x334: {  	v10 =	vld [tilespmem:s2+$0x40];
	_ =	sdelay $0x3  }
0x335: {  	s15 =	sor.u32 $0x40, s4  }
0x336: {  	[tilespmem:s15+$0x0] =	vst.add.f32.msk $0xffff, v10  }
0x337: {  	v10 =	vld [tilespmem:s2+$0x50];
	_ =	sdelay $0x3  }
0x338: {  	s17 =	sor.u32 $0x50, s4  }
0x339: {  	[tilespmem:s17+$0x0] =	vst.add.f32.msk $0xffff, v10  }
0x33a: {  	v10 =	vld [tilespmem:s2+$0x60];
	_ =	sdelay $0x3  }
0x33b: {  	s9 =	sor.u32 $0x60, s4  }
0x33c: {  	[tilespmem:s9+$0x0] =	vst.add.f32.msk $0xffff, v10  }
0x33d: {  	v10 =	vld [tilespmem:s2+$0x70];
	_ =	sdelay $0x3  }
0x33e: {  	s13 =	sor.u32 $0x70, s4  }
0x33f: {  	[tilespmem:s13+$0x0] =	vst.add.f32.msk $0xffff, v10  }
0x340: {  	v10 =	vld [tilespmem:s2+$0x400];
	_ =	sdelay $0x3  }
0x341: {  	s14 =	sor.u32 $0x80, s4  }
0x342: {  	[tilespmem:s14+$0x0] =	vst.add.f32.msk $0xffff, v10  }
0x343: {  	v10 =	vld [tilespmem:s2+$0x410];
	_ =	sdelay $0x3  }
0x344: {  	s15 =	sor.u32 $0x90, s4  }
0x345: {  	[tilespmem:s15+$0x0] =	vst.add.f32.msk $0xffff, v10  }
0x346: {  	v10 =	vld [tilespmem:s2+$0x420];
	_ =	sdelay $0x3  }
0x347: {  	s17 =	sor.u32 $0xA0, s4  }
0x348: {  	[tilespmem:s17+$0x0] =	vst.add.f32.msk $0xffff, v10  }
0x349: {  	v10 =	vld [tilespmem:s2+$0x430];
	_ =	sdelay $0x3  }
0x34a: {  	s9 =	sor.u32 $0xB0, s4  }
0x34b: {  	[tilespmem:s9+$0x0] =	vst.add.f32.msk $0xffff, v10  }
0x34c: {  	v10 =	vld [tilespmem:s2+$0x440];
	_ =	sdelay $0x3  }
0x34d: {  	s13 =	sor.u32 $0xC0, s4  }
0x34e: {  	[tilespmem:s13+$0x0] =	vst.add.f32.msk $0xffff, v10  }
0x34f: {  	v10 =	vld [tilespmem:s2+$0x450];
	_ =	sdelay $0x3  }
0x350: {  	s14 =	sor.u32 $0xD0, s4  }
0x351: {  	[tilespmem:s14+$0x0] =	vst.add.f32.msk $0xffff, v10  }
0x352: {  	v10 =	vld [tilespmem:s2+$0x460];
	_ =	sdelay $0x3  }
0x353: {  	s15 =	sor.u32 $0xE0, s4  }
0x354: {  	[tilespmem:s15+$0x0] =	vst.add.f32.msk $0xffff, v10  }
0x355: {  	v10 =	vld [tilespmem:s2+$0x470]  }
.Ltmp18:
0x356: {  	_ = 	snop;
	(pc) =	sbr.rel .LBB2_23-.Ltmp18, $3  }
0x357: {  	_ =	sdelay $0x1  }
0x358: {  	s17 =	sor.u32 $0xF0, s4  }
0x359: {  	v9 =	vadd.s32 $0xFFFFFFC0, v9;
	s4 =	simm.s32 $0x2;
	[tilespmem:s17+$0x0] =	vst.add.f32.msk $0xffff, v10  }
.LBB2_19:
0x35a: {  	[spmem:s7] =	stream.linear.scatter [tilespmem:s19], [sflag:$0x6], $0x40, $0x38;
	[tilespmem:$0x1E480] =	vst v63  }
0x35b: {  	_ =	swait.ge [sflag:s12], $0x40  }
0x35c: {  	[sflag:s12] =	ssyncset.done $0x0  }
0x35d: {  	[sflag:s12] =	ssyncadd.s32 $0xFFFFFFC0  }
0x35e: {  	[smem:s3], [sflag:$0x6] =	stream.linear.gather [spmem:s7], $0x40, $0x38;
	[tilespmem:$0x1E480] =	vst v63  }
0x35f: {  	_ =	swait.ge [sflag:s12], $0x40  }
0x360: {  	[sflag:s12] =	ssyncset.done $0x0  }
0x361: {  	[sflag:s12] =	ssyncadd.s32 $0xFFFFFFC0  }
0x362: {  	v10 =	vld [tilespmem:$0x16200];
	_ =	sdelay $0x4  }
0x363: {  	v11 =	vshll.u32 v10, $0x1  }
0x364: {  	v10 =	vand.u32 $0x7, v10;
	v11 =	vand.u32 $0xFFFFFFF0, v11  }
0x365: {  	v10 =	vor.u32 v10, v11  }
0x366: {  	v11 =	vperm.xlane v10, v5;
	_ =	sdelay $0x1  }
0x367: {  	v10 =	vperm.xlane v10, v7;
	v11 =	vadd.s32 v6, v11;
	_ =	sdelay $0x1  }
0x368: {  	v10 =	vadd.s32 v6, v10;
	_ =	sdelay $0x2  }
0x369: {  	[tilespmem:s31], [sflag:$0x4] =	stream.indirect_vreg.gather [hbm4b:s1+s3], $0x80, v11, vm0, $0xb8;
	[tilespmem:$0x1E480] =	vst v63  }
0x36a: {  	_ = 	snop  }
0x36b: {  	[tilespmem:s0], [sflag:$0x4] =	stream.indirect_vreg.gather [hbm4b:s1+s3], $0x80, v10, vm0, $0xb8;
	[tilespmem:$0x1E480] =	vst v63  }
0x36c: {  	v10 =	vld [tilespmem:$0x16210];
	_ =	sdelay $0x4  }
0x36d: {  	v11 =	vshll.u32 v10, $0x1  }
0x36e: {  	v10 =	vand.u32 $0x7, v10;
	v11 =	vand.u32 $0xFFFFFFF0, v11  }
0x36f: {  	v10 =	vor.u32 v10, v11  }
0x370: {  	v11 =	vperm.xlane v10, v5;
	_ =	sdelay $0x1  }
0x371: {  	v10 =	vperm.xlane v10, v7;
	v11 =	vadd.s32 v6, v11;
	_ =	sdelay $0x1  }
0x372: {  	v10 =	vadd.s32 v6, v10;
	_ =	sdelay $0x1  }
0x373: {  	s2 =	simm.s32 $0x17400  }
0x374: {  	[tilespmem:s2], [sflag:$0x4] =	stream.indirect_vreg.gather [hbm4b:s1+s3], $0x80, v11, vm0, $0xb8;
	[tilespmem:$0x1E480] =	vst v63  }
0x375: {  	s13 =	simm.s32 $0x17C00  }
0x376: {  	[tilespmem:s13], [sflag:$0x4] =	stream.indirect_vreg.gather [hbm4b:s1+s3], $0x80, v10, vm0, $0xb8;
	[tilespmem:$0x1E480] =	vst v63  }
0x377: {  	v10 =	vld [tilespmem:$0x16220];
	_ =	sdelay $0x4  }
0x378: {  	v11 =	vshll.u32 v10, $0x1  }
0x379: {  	v10 =	vand.u32 $0x7, v10;
	v11 =	vand.u32 $0xFFFFFFF0, v11  }
0x37a: {  	v10 =	vor.u32 v10, v11  }
0x37b: {  	v11 =	vperm.xlane v10, v5;
	_ =	sdelay $0x1  }
0x37c: {  	v10 =	vperm.xlane v10, v7;
	v11 =	vadd.s32 v6, v11;
	_ =	sdelay $0x1  }
0x37d: {  	v10 =	vadd.s32 v6, v10;
	_ =	sdelay $0x1  }
0x37e: {  	s14 =	simm.s32 $0x18400  }
0x37f: {  	[tilespmem:s14], [sflag:$0x4] =	stream.indirect_vreg.gather [hbm4b:s1+s3], $0x80, v11, vm0, $0xb8;
	[tilespmem:$0x1E480] =	vst v63  }
0x380: {  	s15 =	simm.s32 $0x18C00  }
0x381: {  	[tilespmem:s15], [sflag:$0x4] =	stream.indirect_vreg.gather [hbm4b:s1+s3], $0x80, v10, vm0, $0xb8;
	[tilespmem:$0x1E480] =	vst v63  }
0x382: {  	v10 =	vld [tilespmem:$0x16230];
	_ =	sdelay $0x4  }
0x383: {  	v11 =	vshll.u32 v10, $0x1  }
0x384: {  	v10 =	vand.u32 $0x7, v10;
	v11 =	vand.u32 $0xFFFFFFF0, v11  }
0x385: {  	v10 =	vor.u32 v10, v11  }
0x386: {  	v11 =	vperm.xlane v10, v5;
	_ =	sdelay $0x1  }
0x387: {  	v10 =	vperm.xlane v10, v7;
	v11 =	vadd.s32 v6, v11;
	_ =	sdelay $0x1  }
0x388: {  	v10 =	vadd.s32 v6, v10;
	_ =	sdelay $0x1  }
0x389: {  	s17 =	simm.s32 $0x19400  }
0x38a: {  	[tilespmem:s17], [sflag:$0x4] =	stream.indirect_vreg.gather [hbm4b:s1+s3], $0x80, v11, vm0, $0xb8;
	[tilespmem:$0x1E480] =	vst v63  }
0x38b: {  	_ = 	snop  }
0x38c: {  	[tilespmem:s10], [sflag:$0x4] =	stream.indirect_vreg.gather [hbm4b:s1+s3], $0x80, v10, vm0, $0xb8;
	[tilespmem:$0x1E480] =	vst v63  }
0x38d: {  	v10 =	vld [tilespmem:$0x16240]  }
0x38e: {  	v11 =	vld [tilespmem:$0x16340]  }
0x38f: {  	v12 =	vld [tilespmem:$0x16250]  }
0x390: {  	v13 =	vld [tilespmem:$0x16350]  }
0x391: {  	v14 =	vld [tilespmem:$0x16260]  }
0x392: {  	v63 =	vld [tilespmem:$0x16370];
	[tilespmem:$0x16200] =	vst v10  }
0x393: {  	v10 =	vld [tilespmem:$0x16360];
	[tilespmem:$0x16300] =	vst v11  }
0x394: {  	p1 =	sne.s32 s4, $0x2;
	v11 =	vld [tilespmem:$0x16270];
	[tilespmem:$0x16210] =	vst v12  }
.Ltmp19:
0x395: {  	[tilespmem:$0x16310] =	vst v13;
	(pc) =	sbr.rel @p1 .LBB2_23-.Ltmp19, $4  }
0x396: {  	[tilespmem:$0x16220] =	vst v14  }
0x397: {  	[tilespmem:$0x16330] =	vst v63  }
0x398: {  	[tilespmem:$0x16320] =	vst v10  }
0x399: {  	v9 =	vadd.s32 $0xFFFFFFC0, v9;
	s4 =	simm.s32 $0x1;
	[tilespmem:$0x16230] =	vst v11  }
0x39a: {  	_ =	swait.ge [sflag:s11], $0x4000;
	s2 =	simm.s32 $0x4000;
	s6 =	simm.s32 $0x0  }
0x39b: {  	[sflag:s11] =	ssyncset.done $0x0;
	s2 =	sand.u32 $0x7800, s2;
	s6 =	sand.u32 $0x380, s6  }
0x39c: {  	[sflag:s11] =	ssyncadd.s32 $0xFFFFC000;
	s2 =	sor.u32 s6, s2  }
0x39d: {  	s14 =	sld [smem:$0x40];
	v10 =	vld [tilespmem:s2+$0x16400];
	_ =	sdelay $0x2  }
0x39e: {  	s6 =	sshll.u32 s14, $0xA  }
0x39f: {  	s14 =	sshra.s32 s6, $0x2  }
0x3a0: {  	s9 =	sadd.s32 $0x16400, s2;
	[tilespmem:s14+$0x0] =	vst.add.f32.msk $0xffff, v10  }
0x3a1: {  	v10 =	vld [tilespmem:s9+$0x10];
	_ =	sdelay $0x3  }
0x3a2: {  	s15 =	sor.u32 $0x10, s14  }
0x3a3: {  	[tilespmem:s15+$0x0] =	vst.add.f32.msk $0xffff, v10  }
0x3a4: {  	v10 =	vld [tilespmem:s9+$0x20];
	_ =	sdelay $0x3  }
0x3a5: {  	s17 =	sor.u32 $0x20, s14  }
0x3a6: {  	[tilespmem:s17+$0x0] =	vst.add.f32.msk $0xffff, v10  }
0x3a7: {  	v10 =	vld [tilespmem:s9+$0x30];
	_ =	sdelay $0x3  }
0x3a8: {  	s6 =	sor.u32 $0x30, s14  }
0x3a9: {  	[tilespmem:s6+$0x0] =	vst.add.f32.msk $0xffff, v10  }
0x3aa: {  	v10 =	vld [tilespmem:s9+$0x40];
	_ =	sdelay $0x3  }
0x3ab: {  	s13 =	sor.u32 $0x40, s14  }
0x3ac: {  	[tilespmem:s13+$0x0] =	vst.add.f32.msk $0xffff, v10  }
0x3ad: {  	v10 =	vld [tilespmem:s9+$0x50];
	_ =	sdelay $0x3  }
0x3ae: {  	s15 =	sor.u32 $0x50, s14  }
0x3af: {  	[tilespmem:s15+$0x0] =	vst.add.f32.msk $0xffff, v10  }
0x3b0: {  	v10 =	vld [tilespmem:s9+$0x60];
	_ =	sdelay $0x3  }
0x3b1: {  	s17 =	sor.u32 $0x60, s14  }
0x3b2: {  	[tilespmem:s17+$0x0] =	vst.add.f32.msk $0xffff, v10  }
0x3b3: {  	v10 =	vld [tilespmem:s9+$0x70];
	_ =	sdelay $0x3  }
0x3b4: {  	s6 =	sor.u32 $0x70, s14  }
0x3b5: {  	[tilespmem:s6+$0x0] =	vst.add.f32.msk $0xffff, v10  }
0x3b6: {  	v10 =	vld [tilespmem:s9+$0x400];
	_ =	sdelay $0x3  }
0x3b7: {  	s13 =	sor.u32 $0x80, s14  }
0x3b8: {  	[tilespmem:s13+$0x0] =	vst.add.f32.msk $0xffff, v10  }
0x3b9: {  	v10 =	vld [tilespmem:s9+$0x410];
	_ =	sdelay $0x3  }
0x3ba: {  	s15 =	sor.u32 $0x90, s14  }
0x3bb: {  	[tilespmem:s15+$0x0] =	vst.add.f32.msk $0xffff, v10  }
0x3bc: {  	v10 =	vld [tilespmem:s9+$0x420];
	_ =	sdelay $0x3  }
0x3bd: {  	s17 =	sor.u32 $0xA0, s14  }
0x3be: {  	[tilespmem:s17+$0x0] =	vst.add.f32.msk $0xffff, v10  }
0x3bf: {  	v10 =	vld [tilespmem:s9+$0x430];
	_ =	sdelay $0x3  }
0x3c0: {  	s6 =	sor.u32 $0xB0, s14  }
0x3c1: {  	[tilespmem:s6+$0x0] =	vst.add.f32.msk $0xffff, v10  }
0x3c2: {  	v10 =	vld [tilespmem:s9+$0x440];
	_ =	sdelay $0x3  }
0x3c3: {  	s13 =	sor.u32 $0xC0, s14  }
0x3c4: {  	[tilespmem:s13+$0x0] =	vst.add.f32.msk $0xffff, v10  }
0x3c5: {  	v10 =	vld [tilespmem:s9+$0x450];
	_ =	sdelay $0x3  }
0x3c6: {  	s15 =	sor.u32 $0xD0, s14  }
0x3c7: {  	[tilespmem:s15+$0x0] =	vst.add.f32.msk $0xffff, v10  }
0x3c8: {  	v10 =	vld [tilespmem:s9+$0x460];
	_ =	sdelay $0x3  }
0x3c9: {  	s6 =	sor.u32 $0xE0, s14  }
0x3ca: {  	[tilespmem:s6+$0x0] =	vst.add.f32.msk $0xffff, v10  }
0x3cb: {  	v10 =	vld [tilespmem:s9+$0x470];
	_ =	sdelay $0x1  }
0x3cc: {  	s2 =	simm.s32 $0x80  }
0x3cd: {  	s17 =	simm.s32 $0x4100;
	s14 =	sor.u32 $0xF0, s14;
	s13 =	simm.s32 $0x4200  }
0x3ce: {  	s15 =	simm.s32 $0x40;
	s6 =	sand.u32 $0x7800, s17;
	s9 =	sand.u32 $0x380, s2  }
.LBB2_21:
0x3cf: {  	p1 =	seq.s32 s13, $0x7F00;
	s6 =	sor.u32 s9, s6;
	[tilespmem:s14+$0x0] =	vst.add.f32.msk $0xffff, v10;
	s15 =	sadd.s32 $0x1, s15  }
0x3d0: {  	s9 =	sld [smem:s15+$0x0];
	v10 =	vld [tilespmem:s6+$0x16400];
	_ =	sdelay $0x2  }
0x3d1: {  	s9 =	sshll.u32 s9, $0xA  }
0x3d2: {  	s14 =	sshra.s32 s9, $0x2  }
0x3d3: {  	s6 =	sadd.s32 $0x16400, s6;
	[tilespmem:s14+$0x0] =	vst.add.f32.msk $0xffff, v10  }
0x3d4: {  	v10 =	vld [tilespmem:s6+$0x10];
	_ =	sdelay $0x3  }
0x3d5: {  	s9 =	sor.u32 $0x10, s14  }
0x3d6: {  	[tilespmem:s9+$0x0] =	vst.add.f32.msk $0xffff, v10  }
0x3d7: {  	v10 =	vld [tilespmem:s6+$0x20];
	_ =	sdelay $0x3  }
0x3d8: {  	s9 =	sor.u32 $0x20, s14  }
0x3d9: {  	[tilespmem:s9+$0x0] =	vst.add.f32.msk $0xffff, v10  }
0x3da: {  	v10 =	vld [tilespmem:s6+$0x30];
	_ =	sdelay $0x3  }
0x3db: {  	s9 =	sor.u32 $0x30, s14  }
0x3dc: {  	[tilespmem:s9+$0x0] =	vst.add.f32.msk $0xffff, v10  }
0x3dd: {  	v10 =	vld [tilespmem:s6+$0x40];
	_ =	sdelay $0x3  }
0x3de: {  	s9 =	sor.u32 $0x40, s14  }
0x3df: {  	[tilespmem:s9+$0x0] =	vst.add.f32.msk $0xffff, v10  }
0x3e0: {  	v10 =	vld [tilespmem:s6+$0x50];
	_ =	sdelay $0x3  }
0x3e1: {  	s9 =	sor.u32 $0x50, s14  }
0x3e2: {  	[tilespmem:s9+$0x0] =	vst.add.f32.msk $0xffff, v10  }
0x3e3: {  	v10 =	vld [tilespmem:s6+$0x60];
	_ =	sdelay $0x3  }
0x3e4: {  	s9 =	sor.u32 $0x60, s14  }
0x3e5: {  	[tilespmem:s9+$0x0] =	vst.add.f32.msk $0xffff, v10  }
0x3e6: {  	v10 =	vld [tilespmem:s6+$0x70];
	_ =	sdelay $0x3  }
0x3e7: {  	s9 =	sor.u32 $0x70, s14  }
0x3e8: {  	[tilespmem:s9+$0x0] =	vst.add.f32.msk $0xffff, v10  }
0x3e9: {  	v10 =	vld [tilespmem:s6+$0x400];
	_ =	sdelay $0x3  }
0x3ea: {  	s9 =	sor.u32 $0x80, s14  }
0x3eb: {  	[tilespmem:s9+$0x0] =	vst.add.f32.msk $0xffff, v10  }
0x3ec: {  	v10 =	vld [tilespmem:s6+$0x410];
	_ =	sdelay $0x3  }
0x3ed: {  	s9 =	sor.u32 $0x90, s14  }
0x3ee: {  	[tilespmem:s9+$0x0] =	vst.add.f32.msk $0xffff, v10  }
0x3ef: {  	v10 =	vld [tilespmem:s6+$0x420];
	_ =	sdelay $0x3  }
0x3f0: {  	s9 =	sor.u32 $0xA0, s14  }
0x3f1: {  	[tilespmem:s9+$0x0] =	vst.add.f32.msk $0xffff, v10  }
0x3f2: {  	v10 =	vld [tilespmem:s6+$0x430];
	_ =	sdelay $0x3  }
0x3f3: {  	s9 =	sor.u32 $0xB0, s14  }
0x3f4: {  	[tilespmem:s9+$0x0] =	vst.add.f32.msk $0xffff, v10  }
0x3f5: {  	v10 =	vld [tilespmem:s6+$0x440];
	_ =	sdelay $0x3  }
0x3f6: {  	s9 =	sor.u32 $0xC0, s14  }
0x3f7: {  	[tilespmem:s9+$0x0] =	vst.add.f32.msk $0xffff, v10  }
0x3f8: {  	v10 =	vld [tilespmem:s6+$0x450];
	_ =	sdelay $0x3  }
0x3f9: {  	s9 =	sor.u32 $0xD0, s14  }
0x3fa: {  	[tilespmem:s9+$0x0] =	vst.add.f32.msk $0xffff, v10  }
0x3fb: {  	v10 =	vld [tilespmem:s6+$0x460];
	_ =	sdelay $0x3  }
0x3fc: {  	s9 =	sor.u32 $0xE0, s14  }
0x3fd: {  	[tilespmem:s9+$0x0] =	vst.add.f32.msk $0xffff, v10  }
.Ltmp20:
0x3fe: {  	v10 =	vld [tilespmem:s6+$0x470];
	(pc) =	sbr.rel @!p1 .LBB2_21-.Ltmp20, $3  }
0x3ff: {  	_ =	sdelay $0x1  }
0x400: {  	s2 =	sadd.s32 $0x80, s2;
	s6 =	sand.u32 $0x7800, s13  }
0x401: {  	s14 =	sor.u32 $0xF0, s14;
	s9 =	sand.u32 $0x380, s2;
	s13 =	sadd.s32 $0x100, s13  }
0x402: {  	s2 =	sor.u32 s9, s6;
	[tilespmem:s14+$0x0] =	vst.add.f32.msk $0xffff, v10;
	s13 =	sadd.s32 $0x1, s15  }
0x403: {  	s6 =	sld [smem:s13+$0x0];
	v10 =	vld [tilespmem:s2+$0x16400];
	_ =	sdelay $0x2  }
0x404: {  	s6 =	sshll.u32 s6, $0xA  }
0x405: {  	s6 =	sshra.s32 s6, $0x2  }
0x406: {  	s2 =	sadd.s32 $0x16400, s2;
	[tilespmem:s6+$0x0] =	vst.add.f32.msk $0xffff, v10  }
0x407: {  	v10 =	vld [tilespmem:s2+$0x10];
	_ =	sdelay $0x3  }
0x408: {  	s14 =	sor.u32 $0x10, s6  }
0x409: {  	[tilespmem:s14+$0x0] =	vst.add.f32.msk $0xffff, v10  }
0x40a: {  	v10 =	vld [tilespmem:s2+$0x20];
	_ =	sdelay $0x3  }
0x40b: {  	s15 =	sor.u32 $0x20, s6  }
0x40c: {  	[tilespmem:s15+$0x0] =	vst.add.f32.msk $0xffff, v10  }
0x40d: {  	v10 =	vld [tilespmem:s2+$0x30];
	_ =	sdelay $0x3  }
0x40e: {  	s17 =	sor.u32 $0x30, s6  }
0x40f: {  	[tilespmem:s17+$0x0] =	vst.add.f32.msk $0xffff, v10  }
0x410: {  	v10 =	vld [tilespmem:s2+$0x40];
	_ =	sdelay $0x3  }
0x411: {  	s13 =	sor.u32 $0x40, s6  }
0x412: {  	[tilespmem:s13+$0x0] =	vst.add.f32.msk $0xffff, v10  }
0x413: {  	v10 =	vld [tilespmem:s2+$0x50];
	_ =	sdelay $0x3  }
0x414: {  	s14 =	sor.u32 $0x50, s6  }
0x415: {  	[tilespmem:s14+$0x0] =	vst.add.f32.msk $0xffff, v10  }
0x416: {  	v10 =	vld [tilespmem:s2+$0x60];
	_ =	sdelay $0x3  }
0x417: {  	s15 =	sor.u32 $0x60, s6  }
0x418: {  	[tilespmem:s15+$0x0] =	vst.add.f32.msk $0xffff, v10  }
0x419: {  	v10 =	vld [tilespmem:s2+$0x70];
	_ =	sdelay $0x3  }
0x41a: {  	s17 =	sor.u32 $0x70, s6  }
0x41b: {  	[tilespmem:s17+$0x0] =	vst.add.f32.msk $0xffff, v10  }
0x41c: {  	v10 =	vld [tilespmem:s2+$0x400];
	_ =	sdelay $0x3  }
0x41d: {  	s13 =	sor.u32 $0x80, s6  }
0x41e: {  	[tilespmem:s13+$0x0] =	vst.add.f32.msk $0xffff, v10  }
0x41f: {  	v10 =	vld [tilespmem:s2+$0x410];
	_ =	sdelay $0x3  }
0x420: {  	s14 =	sor.u32 $0x90, s6  }
0x421: {  	[tilespmem:s14+$0x0] =	vst.add.f32.msk $0xffff, v10  }
0x422: {  	v10 =	vld [tilespmem:s2+$0x420];
	_ =	sdelay $0x3  }
0x423: {  	s15 =	sor.u32 $0xA0, s6  }
0x424: {  	[tilespmem:s15+$0x0] =	vst.add.f32.msk $0xffff, v10  }
0x425: {  	v10 =	vld [tilespmem:s2+$0x430];
	_ =	sdelay $0x3  }
0x426: {  	s17 =	sor.u32 $0xB0, s6  }
0x427: {  	[tilespmem:s17+$0x0] =	vst.add.f32.msk $0xffff, v10  }
0x428: {  	v10 =	vld [tilespmem:s2+$0x440];
	_ =	sdelay $0x3  }
0x429: {  	s13 =	sor.u32 $0xC0, s6  }
0x42a: {  	[tilespmem:s13+$0x0] =	vst.add.f32.msk $0xffff, v10  }
0x42b: {  	v10 =	vld [tilespmem:s2+$0x450];
	_ =	sdelay $0x3  }
0x42c: {  	s14 =	sor.u32 $0xD0, s6  }
0x42d: {  	[tilespmem:s14+$0x0] =	vst.add.f32.msk $0xffff, v10  }
0x42e: {  	v10 =	vld [tilespmem:s2+$0x460];
	_ =	sdelay $0x3  }
0x42f: {  	s15 =	sor.u32 $0xE0, s6  }
0x430: {  	[tilespmem:s15+$0x0] =	vst.add.f32.msk $0xffff, v10  }
0x431: {  	v10 =	vld [tilespmem:s2+$0x470]  }
.Ltmp21:
0x432: {  	_ = 	snop;
	(pc) =	sbr.rel .LBB2_23-.Ltmp21, $3  }
0x433: {  	_ =	sdelay $0x1  }
0x434: {  	s17 =	sor.u32 $0xF0, s6  }
0x435: {  	[tilespmem:s17+$0x0] =	vst.add.f32.msk $0xffff, v10  }
.LBB2_25:
0x436: {  	v9 =	vxor.u32 $0x80000000, v9  }
0x437: {  	(xrf0) =	vmax.scan.msk.u32 $0xffff, v9;
	_ =	sdelay $0x5  }
0x438: {  	v9, _, _ =	vpop (xrf0)  }
0x439: {  	(v2sf) =	vpush v9, $0xF;
	_ =	sdelay $0x9  }
0x43a: {  	p1 =	seq.s32 s4, $0x2  }
.Ltmp22:
0x43b: {  	_ = 	snop;
	(pc) =	sbr.rel @p1 .LBB2_30-.Ltmp22, $2  }
0x43c: {  	_ =	sdelay $0x2  }
0x43d: {  	s5 =	spop (v2sf)  }
0x43e: {  	p1 =	sne.s32 s4, $0x1  }
.Ltmp23:
0x43f: {  	_ = 	snop;
	(pc) =	sbr.rel @p1 .LBB2_33-.Ltmp23, $1  }
0x440: {  	_ =	sdelay $0x3  }
0x441: {  	_ =	swait.ge [sflag:s30], $0x4000;
	s4 =	simm.s32 $0x0  }
0x442: {  	[sflag:s30] =	ssyncset.done $0x0;
	s2 =	sand.u32 $0x3800, s4;
	s6 =	sand.u32 $0x380, s4  }
0x443: {  	[sflag:s30] =	ssyncadd.s32 $0xFFFFC000;
	s2 =	sor.u32 s6, s2  }
0x444: {  	s9 =	sld [smem:$0x0];
	v9 =	vld [tilespmem:s2+$0x16400];
	_ =	sdelay $0x2  }
0x445: {  	s6 =	sshll.u32 s9, $0xA  }
0x446: {  	s14 =	sshra.s32 s6, $0x2  }
0x447: {  	s9 =	sadd.s32 $0x16400, s2;
	[tilespmem:s14+$0x0] =	vst.add.f32.msk $0xffff, v9  }
0x448: {  	v9 =	vld [tilespmem:s9+$0x10];
	_ =	sdelay $0x3  }
0x449: {  	s13 =	sor.u32 $0x10, s14  }
0x44a: {  	[tilespmem:s13+$0x0] =	vst.add.f32.msk $0xffff, v9  }
0x44b: {  	v9 =	vld [tilespmem:s9+$0x20];
	_ =	sdelay $0x3  }
0x44c: {  	s15 =	sor.u32 $0x20, s14  }
0x44d: {  	[tilespmem:s15+$0x0] =	vst.add.f32.msk $0xffff, v9  }
0x44e: {  	v9 =	vld [tilespmem:s9+$0x30];
	_ =	sdelay $0x3  }
0x44f: {  	s16 =	sor.u32 $0x30, s14  }
0x450: {  	[tilespmem:s16+$0x0] =	vst.add.f32.msk $0xffff, v9  }
0x451: {  	v9 =	vld [tilespmem:s9+$0x40];
	_ =	sdelay $0x3  }
0x452: {  	s17 =	sor.u32 $0x40, s14  }
0x453: {  	[tilespmem:s17+$0x0] =	vst.add.f32.msk $0xffff, v9  }
0x454: {  	v9 =	vld [tilespmem:s9+$0x50];
	_ =	sdelay $0x3  }
0x455: {  	s6 =	sor.u32 $0x50, s14  }
0x456: {  	[tilespmem:s6+$0x0] =	vst.add.f32.msk $0xffff, v9  }
0x457: {  	v9 =	vld [tilespmem:s9+$0x60];
	_ =	sdelay $0x3  }
0x458: {  	s13 =	sor.u32 $0x60, s14  }
0x459: {  	[tilespmem:s13+$0x0] =	vst.add.f32.msk $0xffff, v9  }
0x45a: {  	v9 =	vld [tilespmem:s9+$0x70];
	_ =	sdelay $0x3  }
0x45b: {  	s15 =	sor.u32 $0x70, s14  }
0x45c: {  	[tilespmem:s15+$0x0] =	vst.add.f32.msk $0xffff, v9  }
0x45d: {  	v9 =	vld [tilespmem:s9+$0x400];
	_ =	sdelay $0x3  }
0x45e: {  	s16 =	sor.u32 $0x80, s14  }
0x45f: {  	[tilespmem:s16+$0x0] =	vst.add.f32.msk $0xffff, v9  }
0x460: {  	v9 =	vld [tilespmem:s9+$0x410];
	_ =	sdelay $0x3  }
0x461: {  	s17 =	sor.u32 $0x90, s14  }
0x462: {  	[tilespmem:s17+$0x0] =	vst.add.f32.msk $0xffff, v9  }
0x463: {  	v9 =	vld [tilespmem:s9+$0x420];
	_ =	sdelay $0x3  }
0x464: {  	s6 =	sor.u32 $0xA0, s14  }
0x465: {  	[tilespmem:s6+$0x0] =	vst.add.f32.msk $0xffff, v9  }
0x466: {  	v9 =	vld [tilespmem:s9+$0x430];
	_ =	sdelay $0x3  }
0x467: {  	s13 =	sor.u32 $0xB0, s14  }
0x468: {  	[tilespmem:s13+$0x0] =	vst.add.f32.msk $0xffff, v9  }
0x469: {  	v9 =	vld [tilespmem:s9+$0x440];
	_ =	sdelay $0x3  }
0x46a: {  	s15 =	sor.u32 $0xC0, s14  }
0x46b: {  	[tilespmem:s15+$0x0] =	vst.add.f32.msk $0xffff, v9  }
0x46c: {  	v9 =	vld [tilespmem:s9+$0x450];
	_ =	sdelay $0x3  }
0x46d: {  	s16 =	sor.u32 $0xD0, s14  }
0x46e: {  	[tilespmem:s16+$0x0] =	vst.add.f32.msk $0xffff, v9  }
0x46f: {  	v9 =	vld [tilespmem:s9+$0x460];
	_ =	sdelay $0x3  }
0x470: {  	s6 =	sor.u32 $0xE0, s14  }
0x471: {  	[tilespmem:s6+$0x0] =	vst.add.f32.msk $0xffff, v9  }
0x472: {  	v9 =	vld [tilespmem:s9+$0x470];
	_ =	sdelay $0x2  }
0x473: {  	s2 =	simm.s32 $0x80;
	s17 =	simm.s32 $0x100;
	s14 =	sor.u32 $0xF0, s14  }
0x474: {  	s13 =	simm.s32 $0x200;
	s6 =	sand.u32 $0x3800, s17;
	s9 =	sand.u32 $0x380, s2  }
.LBB2_28:
0x475: {  	p1 =	seq.s32 s13, $0x3F00;
	s6 =	sor.u32 s9, s6;
	[tilespmem:s14+$0x0] =	vst.add.f32.msk $0xffff, v9;
	s4 =	sadd.s32 $0x1, s4  }
0x476: {  	s9 =	sld [smem:s4+$0x0];
	v9 =	vld [tilespmem:s6+$0x16400];
	_ =	sdelay $0x2  }
0x477: {  	s9 =	sshll.u32 s9, $0xA  }
0x478: {  	s14 =	sshra.s32 s9, $0x2  }
0x479: {  	s6 =	sadd.s32 $0x16400, s6;
	[tilespmem:s14+$0x0] =	vst.add.f32.msk $0xffff, v9  }
0x47a: {  	v9 =	vld [tilespmem:s6+$0x10];
	_ =	sdelay $0x3  }
0x47b: {  	s9 =	sor.u32 $0x10, s14  }
0x47c: {  	[tilespmem:s9+$0x0] =	vst.add.f32.msk $0xffff, v9  }
0x47d: {  	v9 =	vld [tilespmem:s6+$0x20];
	_ =	sdelay $0x3  }
0x47e: {  	s9 =	sor.u32 $0x20, s14  }
0x47f: {  	[tilespmem:s9+$0x0] =	vst.add.f32.msk $0xffff, v9  }
0x480: {  	v9 =	vld [tilespmem:s6+$0x30];
	_ =	sdelay $0x3  }
0x481: {  	s9 =	sor.u32 $0x30, s14  }
0x482: {  	[tilespmem:s9+$0x0] =	vst.add.f32.msk $0xffff, v9  }
0x483: {  	v9 =	vld [tilespmem:s6+$0x40];
	_ =	sdelay $0x3  }
0x484: {  	s9 =	sor.u32 $0x40, s14  }
0x485: {  	[tilespmem:s9+$0x0] =	vst.add.f32.msk $0xffff, v9  }
0x486: {  	v9 =	vld [tilespmem:s6+$0x50];
	_ =	sdelay $0x3  }
0x487: {  	s9 =	sor.u32 $0x50, s14  }
0x488: {  	[tilespmem:s9+$0x0] =	vst.add.f32.msk $0xffff, v9  }
0x489: {  	v9 =	vld [tilespmem:s6+$0x60];
	_ =	sdelay $0x3  }
0x48a: {  	s9 =	sor.u32 $0x60, s14  }
0x48b: {  	[tilespmem:s9+$0x0] =	vst.add.f32.msk $0xffff, v9  }
0x48c: {  	v9 =	vld [tilespmem:s6+$0x70];
	_ =	sdelay $0x3  }
0x48d: {  	s9 =	sor.u32 $0x70, s14  }
0x48e: {  	[tilespmem:s9+$0x0] =	vst.add.f32.msk $0xffff, v9  }
0x48f: {  	v9 =	vld [tilespmem:s6+$0x400];
	_ =	sdelay $0x3  }
0x490: {  	s9 =	sor.u32 $0x80, s14  }
0x491: {  	[tilespmem:s9+$0x0] =	vst.add.f32.msk $0xffff, v9  }
0x492: {  	v9 =	vld [tilespmem:s6+$0x410];
	_ =	sdelay $0x3  }
0x493: {  	s9 =	sor.u32 $0x90, s14  }
0x494: {  	[tilespmem:s9+$0x0] =	vst.add.f32.msk $0xffff, v9  }
0x495: {  	v9 =	vld [tilespmem:s6+$0x420];
	_ =	sdelay $0x3  }
0x496: {  	s9 =	sor.u32 $0xA0, s14  }
0x497: {  	[tilespmem:s9+$0x0] =	vst.add.f32.msk $0xffff, v9  }
0x498: {  	v9 =	vld [tilespmem:s6+$0x430];
	_ =	sdelay $0x3  }
0x499: {  	s9 =	sor.u32 $0xB0, s14  }
0x49a: {  	[tilespmem:s9+$0x0] =	vst.add.f32.msk $0xffff, v9  }
0x49b: {  	v9 =	vld [tilespmem:s6+$0x440];
	_ =	sdelay $0x3  }
0x49c: {  	s9 =	sor.u32 $0xC0, s14  }
0x49d: {  	[tilespmem:s9+$0x0] =	vst.add.f32.msk $0xffff, v9  }
0x49e: {  	v9 =	vld [tilespmem:s6+$0x450];
	_ =	sdelay $0x3  }
0x49f: {  	s9 =	sor.u32 $0xD0, s14  }
0x4a0: {  	[tilespmem:s9+$0x0] =	vst.add.f32.msk $0xffff, v9  }
0x4a1: {  	v9 =	vld [tilespmem:s6+$0x460];
	_ =	sdelay $0x3  }
0x4a2: {  	s9 =	sor.u32 $0xE0, s14  }
0x4a3: {  	[tilespmem:s9+$0x0] =	vst.add.f32.msk $0xffff, v9  }
.Ltmp24:
0x4a4: {  	v9 =	vld [tilespmem:s6+$0x470];
	(pc) =	sbr.rel @!p1 .LBB2_28-.Ltmp24, $3  }
0x4a5: {  	_ =	sdelay $0x1  }
0x4a6: {  	s2 =	sadd.s32 $0x80, s2;
	s6 =	sand.u32 $0x3800, s13  }
0x4a7: {  	s14 =	sor.u32 $0xF0, s14;
	s9 =	sand.u32 $0x380, s2;
	s13 =	sadd.s32 $0x100, s13  }
0x4a8: {  	s2 =	sor.u32 s9, s6;
	[tilespmem:s14+$0x0] =	vst.add.f32.msk $0xffff, v9;
	s4 =	sadd.s32 $0x1, s4  }
0x4a9: {  	s4 =	sld [smem:s4+$0x0];
	v9 =	vld [tilespmem:s2+$0x16400];
	_ =	sdelay $0x2  }
0x4aa: {  	s4 =	sshll.u32 s4, $0xA  }
0x4ab: {  	s4 =	sshra.s32 s4, $0x2  }
0x4ac: {  	s2 =	sadd.s32 $0x16400, s2;
	[tilespmem:s4+$0x0] =	vst.add.f32.msk $0xffff, v9  }
0x4ad: {  	v9 =	vld [tilespmem:s2+$0x10];
	_ =	sdelay $0x3  }
0x4ae: {  	s15 =	sor.u32 $0x10, s4  }
0x4af: {  	[tilespmem:s15+$0x0] =	vst.add.f32.msk $0xffff, v9  }
0x4b0: {  	v9 =	vld [tilespmem:s2+$0x20];
	_ =	sdelay $0x3  }
0x4b1: {  	s16 =	sor.u32 $0x20, s4  }
0x4b2: {  	[tilespmem:s16+$0x0] =	vst.add.f32.msk $0xffff, v9  }
0x4b3: {  	v9 =	vld [tilespmem:s2+$0x30];
	_ =	sdelay $0x3  }
0x4b4: {  	s17 =	sor.u32 $0x30, s4  }
0x4b5: {  	[tilespmem:s17+$0x0] =	vst.add.f32.msk $0xffff, v9  }
0x4b6: {  	v9 =	vld [tilespmem:s2+$0x40];
	_ =	sdelay $0x3  }
0x4b7: {  	s9 =	sor.u32 $0x40, s4  }
0x4b8: {  	[tilespmem:s9+$0x0] =	vst.add.f32.msk $0xffff, v9  }
0x4b9: {  	v9 =	vld [tilespmem:s2+$0x50];
	_ =	sdelay $0x3  }
0x4ba: {  	s13 =	sor.u32 $0x50, s4  }
0x4bb: {  	[tilespmem:s13+$0x0] =	vst.add.f32.msk $0xffff, v9  }
0x4bc: {  	v9 =	vld [tilespmem:s2+$0x60];
	_ =	sdelay $0x3  }
0x4bd: {  	s14 =	sor.u32 $0x60, s4  }
0x4be: {  	[tilespmem:s14+$0x0] =	vst.add.f32.msk $0xffff, v9  }
0x4bf: {  	v9 =	vld [tilespmem:s2+$0x70];
	_ =	sdelay $0x3  }
0x4c0: {  	s15 =	sor.u32 $0x70, s4  }
0x4c1: {  	[tilespmem:s15+$0x0] =	vst.add.f32.msk $0xffff, v9  }
0x4c2: {  	v9 =	vld [tilespmem:s2+$0x400];
	_ =	sdelay $0x3  }
0x4c3: {  	s16 =	sor.u32 $0x80, s4  }
0x4c4: {  	[tilespmem:s16+$0x0] =	vst.add.f32.msk $0xffff, v9  }
0x4c5: {  	v9 =	vld [tilespmem:s2+$0x410];
	_ =	sdelay $0x3  }
0x4c6: {  	s17 =	sor.u32 $0x90, s4  }
0x4c7: {  	[tilespmem:s17+$0x0] =	vst.add.f32.msk $0xffff, v9  }
0x4c8: {  	v9 =	vld [tilespmem:s2+$0x420];
	_ =	sdelay $0x3  }
0x4c9: {  	s9 =	sor.u32 $0xA0, s4  }
0x4ca: {  	[tilespmem:s9+$0x0] =	vst.add.f32.msk $0xffff, v9  }
0x4cb: {  	v9 =	vld [tilespmem:s2+$0x430];
	_ =	sdelay $0x3  }
0x4cc: {  	s13 =	sor.u32 $0xB0, s4  }
0x4cd: {  	[tilespmem:s13+$0x0] =	vst.add.f32.msk $0xffff, v9  }
0x4ce: {  	v9 =	vld [tilespmem:s2+$0x440];
	_ =	sdelay $0x3  }
0x4cf: {  	s14 =	sor.u32 $0xC0, s4  }
0x4d0: {  	[tilespmem:s14+$0x0] =	vst.add.f32.msk $0xffff, v9  }
0x4d1: {  	v9 =	vld [tilespmem:s2+$0x450];
	_ =	sdelay $0x3  }
0x4d2: {  	s15 =	sor.u32 $0xD0, s4  }
0x4d3: {  	[tilespmem:s15+$0x0] =	vst.add.f32.msk $0xffff, v9  }
0x4d4: {  	v9 =	vld [tilespmem:s2+$0x460];
	_ =	sdelay $0x3  }
0x4d5: {  	s16 =	sor.u32 $0xE0, s4  }
0x4d6: {  	[tilespmem:s16+$0x0] =	vst.add.f32.msk $0xffff, v9  }
0x4d7: {  	v9 =	vld [tilespmem:s2+$0x470]  }
.Ltmp25:
0x4d8: {  	_ = 	snop;
	(pc) =	sbr.rel .LBB2_33-.Ltmp25, $3  }
0x4d9: {  	_ =	sdelay $0x1  }
0x4da: {  	s17 =	sor.u32 $0xF0, s4  }
0x4db: {  	[tilespmem:s17+$0x0] =	vst.add.f32.msk $0xffff, v9  }
.LBB2_30:
0x4dc: {  	_ =	swait.ge [sflag:s11], $0x4000;
	s2 =	simm.s32 $0x4000;
	s4 =	simm.s32 $0x0  }
0x4dd: {  	[sflag:s11] =	ssyncset.done $0x0;
	s2 =	sand.u32 $0x7800, s2;
	s4 =	sand.u32 $0x380, s4  }
0x4de: {  	[sflag:s11] =	ssyncadd.s32 $0xFFFFC000;
	s2 =	sor.u32 s4, s2  }
0x4df: {  	s15 =	sld [smem:$0x40];
	v9 =	vld [tilespmem:s2+$0x16400];
	_ =	sdelay $0x2  }
0x4e0: {  	s4 =	sshll.u32 s15, $0xA  }
0x4e1: {  	s14 =	sshra.s32 s4, $0x2  }
0x4e2: {  	s9 =	sadd.s32 $0x16400, s2;
	[tilespmem:s14+$0x0] =	vst.add.f32.msk $0xffff, v9  }
0x4e3: {  	v9 =	vld [tilespmem:s9+$0x10];
	_ =	sdelay $0x3  }
0x4e4: {  	s16 =	sor.u32 $0x10, s14  }
0x4e5: {  	[tilespmem:s16+$0x0] =	vst.add.f32.msk $0xffff, v9  }
0x4e6: {  	v9 =	vld [tilespmem:s9+$0x20];
	_ =	sdelay $0x3  }
0x4e7: {  	s17 =	sor.u32 $0x20, s14  }
0x4e8: {  	[tilespmem:s17+$0x0] =	vst.add.f32.msk $0xffff, v9  }
0x4e9: {  	v9 =	vld [tilespmem:s9+$0x30];
	_ =	sdelay $0x3  }
0x4ea: {  	s4 =	sor.u32 $0x30, s14  }
0x4eb: {  	[tilespmem:s4+$0x0] =	vst.add.f32.msk $0xffff, v9  }
0x4ec: {  	v9 =	vld [tilespmem:s9+$0x40];
	_ =	sdelay $0x3  }
0x4ed: {  	s6 =	sor.u32 $0x40, s14  }
0x4ee: {  	[tilespmem:s6+$0x0] =	vst.add.f32.msk $0xffff, v9  }
0x4ef: {  	v9 =	vld [tilespmem:s9+$0x50];
	_ =	sdelay $0x3  }
0x4f0: {  	s13 =	sor.u32 $0x50, s14  }
0x4f1: {  	[tilespmem:s13+$0x0] =	vst.add.f32.msk $0xffff, v9  }
0x4f2: {  	v9 =	vld [tilespmem:s9+$0x60];
	_ =	sdelay $0x3  }
0x4f3: {  	s15 =	sor.u32 $0x60, s14  }
0x4f4: {  	[tilespmem:s15+$0x0] =	vst.add.f32.msk $0xffff, v9  }
0x4f5: {  	v9 =	vld [tilespmem:s9+$0x70];
	_ =	sdelay $0x3  }
0x4f6: {  	s16 =	sor.u32 $0x70, s14  }
0x4f7: {  	[tilespmem:s16+$0x0] =	vst.add.f32.msk $0xffff, v9  }
0x4f8: {  	v9 =	vld [tilespmem:s9+$0x400];
	_ =	sdelay $0x3  }
0x4f9: {  	s17 =	sor.u32 $0x80, s14  }
0x4fa: {  	[tilespmem:s17+$0x0] =	vst.add.f32.msk $0xffff, v9  }
0x4fb: {  	v9 =	vld [tilespmem:s9+$0x410];
	_ =	sdelay $0x3  }
0x4fc: {  	s4 =	sor.u32 $0x90, s14  }
0x4fd: {  	[tilespmem:s4+$0x0] =	vst.add.f32.msk $0xffff, v9  }
0x4fe: {  	v9 =	vld [tilespmem:s9+$0x420];
	_ =	sdelay $0x3  }
0x4ff: {  	s6 =	sor.u32 $0xA0, s14  }
0x500: {  	[tilespmem:s6+$0x0] =	vst.add.f32.msk $0xffff, v9  }
0x501: {  	v9 =	vld [tilespmem:s9+$0x430];
	_ =	sdelay $0x3  }
0x502: {  	s13 =	sor.u32 $0xB0, s14  }
0x503: {  	[tilespmem:s13+$0x0] =	vst.add.f32.msk $0xffff, v9  }
0x504: {  	v9 =	vld [tilespmem:s9+$0x440];
	_ =	sdelay $0x3  }
0x505: {  	s15 =	sor.u32 $0xC0, s14  }
0x506: {  	[tilespmem:s15+$0x0] =	vst.add.f32.msk $0xffff, v9  }
0x507: {  	v9 =	vld [tilespmem:s9+$0x450];
	_ =	sdelay $0x3  }
0x508: {  	s16 =	sor.u32 $0xD0, s14  }
0x509: {  	[tilespmem:s16+$0x0] =	vst.add.f32.msk $0xffff, v9  }
0x50a: {  	v9 =	vld [tilespmem:s9+$0x460];
	_ =	sdelay $0x3  }
0x50b: {  	s6 =	sor.u32 $0xE0, s14  }
0x50c: {  	[tilespmem:s6+$0x0] =	vst.add.f32.msk $0xffff, v9  }
0x50d: {  	v9 =	vld [tilespmem:s9+$0x470];
	_ =	sdelay $0x1  }
0x50e: {  	s2 =	simm.s32 $0x80  }
0x50f: {  	s17 =	simm.s32 $0x4100;
	s4 =	simm.s32 $0x40;
	s14 =	sor.u32 $0xF0, s14  }
0x510: {  	s13 =	simm.s32 $0x4200;
	s6 =	sand.u32 $0x7800, s17;
	s9 =	sand.u32 $0x380, s2  }
.LBB2_31:
0x511: {  	p1 =	sne.s32 s13, $0x7F00;
	s6 =	sor.u32 s9, s6;
	[tilespmem:s14+$0x0] =	vst.add.f32.msk $0xffff, v9;
	s4 =	sadd.s32 $0x1, s4  }
0x512: {  	s9 =	sld [smem:s4+$0x0];
	v9 =	vld [tilespmem:s6+$0x16400];
	_ =	sdelay $0x2  }
0x513: {  	s9 =	sshll.u32 s9, $0xA  }
0x514: {  	s14 =	sshra.s32 s9, $0x2  }
0x515: {  	s6 =	sadd.s32 $0x16400, s6;
	[tilespmem:s14+$0x0] =	vst.add.f32.msk $0xffff, v9  }
0x516: {  	v9 =	vld [tilespmem:s6+$0x10];
	_ =	sdelay $0x3  }
0x517: {  	s9 =	sor.u32 $0x10, s14  }
0x518: {  	[tilespmem:s9+$0x0] =	vst.add.f32.msk $0xffff, v9  }
0x519: {  	v9 =	vld [tilespmem:s6+$0x20];
	_ =	sdelay $0x3  }
0x51a: {  	s9 =	sor.u32 $0x20, s14  }
0x51b: {  	[tilespmem:s9+$0x0] =	vst.add.f32.msk $0xffff, v9  }
0x51c: {  	v9 =	vld [tilespmem:s6+$0x30];
	_ =	sdelay $0x3  }
0x51d: {  	s9 =	sor.u32 $0x30, s14  }
0x51e: {  	[tilespmem:s9+$0x0] =	vst.add.f32.msk $0xffff, v9  }
0x51f: {  	v9 =	vld [tilespmem:s6+$0x40];
	_ =	sdelay $0x3  }
0x520: {  	s9 =	sor.u32 $0x40, s14  }
0x521: {  	[tilespmem:s9+$0x0] =	vst.add.f32.msk $0xffff, v9  }
0x522: {  	v9 =	vld [tilespmem:s6+$0x50];
	_ =	sdelay $0x3  }
0x523: {  	s9 =	sor.u32 $0x50, s14  }
0x524: {  	[tilespmem:s9+$0x0] =	vst.add.f32.msk $0xffff, v9  }
0x525: {  	v9 =	vld [tilespmem:s6+$0x60];
	_ =	sdelay $0x3  }
0x526: {  	s9 =	sor.u32 $0x60, s14  }
0x527: {  	[tilespmem:s9+$0x0] =	vst.add.f32.msk $0xffff, v9  }
0x528: {  	v9 =	vld [tilespmem:s6+$0x70];
	_ =	sdelay $0x3  }
0x529: {  	s9 =	sor.u32 $0x70, s14  }
0x52a: {  	[tilespmem:s9+$0x0] =	vst.add.f32.msk $0xffff, v9  }
0x52b: {  	v9 =	vld [tilespmem:s6+$0x400];
	_ =	sdelay $0x3  }
0x52c: {  	s9 =	sor.u32 $0x80, s14  }
0x52d: {  	[tilespmem:s9+$0x0] =	vst.add.f32.msk $0xffff, v9  }
0x52e: {  	v9 =	vld [tilespmem:s6+$0x410];
	_ =	sdelay $0x3  }
0x52f: {  	s9 =	sor.u32 $0x90, s14  }
0x530: {  	[tilespmem:s9+$0x0] =	vst.add.f32.msk $0xffff, v9  }
0x531: {  	v9 =	vld [tilespmem:s6+$0x420];
	_ =	sdelay $0x3  }
0x532: {  	s9 =	sor.u32 $0xA0, s14  }
0x533: {  	[tilespmem:s9+$0x0] =	vst.add.f32.msk $0xffff, v9  }
0x534: {  	v9 =	vld [tilespmem:s6+$0x430];
	_ =	sdelay $0x3  }
0x535: {  	s9 =	sor.u32 $0xB0, s14  }
0x536: {  	[tilespmem:s9+$0x0] =	vst.add.f32.msk $0xffff, v9  }
0x537: {  	v9 =	vld [tilespmem:s6+$0x440];
	_ =	sdelay $0x3  }
0x538: {  	s9 =	sor.u32 $0xC0, s14  }
0x539: {  	[tilespmem:s9+$0x0] =	vst.add.f32.msk $0xffff, v9  }
0x53a: {  	v9 =	vld [tilespmem:s6+$0x450];
	_ =	sdelay $0x3  }
0x53b: {  	s9 =	sor.u32 $0xD0, s14  }
0x53c: {  	[tilespmem:s9+$0x0] =	vst.add.f32.msk $0xffff, v9  }
0x53d: {  	v9 =	vld [tilespmem:s6+$0x460];
	_ =	sdelay $0x3  }
0x53e: {  	s9 =	sor.u32 $0xE0, s14  }
0x53f: {  	[tilespmem:s9+$0x0] =	vst.add.f32.msk $0xffff, v9  }
.Ltmp26:
0x540: {  	v9 =	vld [tilespmem:s6+$0x470];
	(pc) =	sbr.rel @p1 .LBB2_31-.Ltmp26, $3  }
0x541: {  	_ =	sdelay $0x1  }
0x542: {  	s2 =	sadd.s32 $0x80, s2;
	s6 =	sand.u32 $0x7800, s13  }
0x543: {  	s14 =	sor.u32 $0xF0, s14;
	s9 =	sand.u32 $0x380, s2;
	s13 =	sadd.s32 $0x100, s13  }
0x544: {  	s2 =	sor.u32 s9, s6;
	[tilespmem:s14+$0x0] =	vst.add.f32.msk $0xffff, v9;
	s4 =	sadd.s32 $0x1, s4  }
0x545: {  	s4 =	sld [smem:s4+$0x0];
	v9 =	vld [tilespmem:s2+$0x16400];
	_ =	sdelay $0x2  }
0x546: {  	s4 =	sshll.u32 s4, $0xA  }
0x547: {  	s4 =	sshra.s32 s4, $0x2  }
0x548: {  	s2 =	sadd.s32 $0x16400, s2;
	[tilespmem:s4+$0x0] =	vst.add.f32.msk $0xffff, v9  }
0x549: {  	v9 =	vld [tilespmem:s2+$0x10];
	_ =	sdelay $0x3  }
0x54a: {  	s15 =	sor.u32 $0x10, s4  }
0x54b: {  	[tilespmem:s15+$0x0] =	vst.add.f32.msk $0xffff, v9  }
0x54c: {  	v9 =	vld [tilespmem:s2+$0x20];
	_ =	sdelay $0x3  }
0x54d: {  	s16 =	sor.u32 $0x20, s4  }
0x54e: {  	[tilespmem:s16+$0x0] =	vst.add.f32.msk $0xffff, v9  }
0x54f: {  	v9 =	vld [tilespmem:s2+$0x30];
	_ =	sdelay $0x3  }
0x550: {  	s17 =	sor.u32 $0x30, s4  }
0x551: {  	[tilespmem:s17+$0x0] =	vst.add.f32.msk $0xffff, v9  }
0x552: {  	v9 =	vld [tilespmem:s2+$0x40];
	_ =	sdelay $0x3  }
0x553: {  	s9 =	sor.u32 $0x40, s4  }
0x554: {  	[tilespmem:s9+$0x0] =	vst.add.f32.msk $0xffff, v9  }
0x555: {  	v9 =	vld [tilespmem:s2+$0x50];
	_ =	sdelay $0x3  }
0x556: {  	s13 =	sor.u32 $0x50, s4  }
0x557: {  	[tilespmem:s13+$0x0] =	vst.add.f32.msk $0xffff, v9  }
0x558: {  	v9 =	vld [tilespmem:s2+$0x60];
	_ =	sdelay $0x3  }
0x559: {  	s14 =	sor.u32 $0x60, s4  }
0x55a: {  	[tilespmem:s14+$0x0] =	vst.add.f32.msk $0xffff, v9  }
0x55b: {  	v9 =	vld [tilespmem:s2+$0x70];
	_ =	sdelay $0x3  }
0x55c: {  	s15 =	sor.u32 $0x70, s4  }
0x55d: {  	[tilespmem:s15+$0x0] =	vst.add.f32.msk $0xffff, v9  }
0x55e: {  	v9 =	vld [tilespmem:s2+$0x400];
	_ =	sdelay $0x3  }
0x55f: {  	s16 =	sor.u32 $0x80, s4  }
0x560: {  	[tilespmem:s16+$0x0] =	vst.add.f32.msk $0xffff, v9  }
0x561: {  	v9 =	vld [tilespmem:s2+$0x410];
	_ =	sdelay $0x3  }
0x562: {  	s17 =	sor.u32 $0x90, s4  }
0x563: {  	[tilespmem:s17+$0x0] =	vst.add.f32.msk $0xffff, v9  }
0x564: {  	v9 =	vld [tilespmem:s2+$0x420];
	_ =	sdelay $0x3  }
0x565: {  	s9 =	sor.u32 $0xA0, s4  }
0x566: {  	[tilespmem:s9+$0x0] =	vst.add.f32.msk $0xffff, v9  }
0x567: {  	v9 =	vld [tilespmem:s2+$0x430];
	_ =	sdelay $0x3  }
0x568: {  	s13 =	sor.u32 $0xB0, s4  }
0x569: {  	[tilespmem:s13+$0x0] =	vst.add.f32.msk $0xffff, v9  }
0x56a: {  	v9 =	vld [tilespmem:s2+$0x440];
	_ =	sdelay $0x3  }
0x56b: {  	s14 =	sor.u32 $0xC0, s4  }
0x56c: {  	[tilespmem:s14+$0x0] =	vst.add.f32.msk $0xffff, v9  }
0x56d: {  	v9 =	vld [tilespmem:s2+$0x450];
	_ =	sdelay $0x3  }
0x56e: {  	s15 =	sor.u32 $0xD0, s4  }
0x56f: {  	[tilespmem:s15+$0x0] =	vst.add.f32.msk $0xffff, v9  }
0x570: {  	v9 =	vld [tilespmem:s2+$0x460];
	_ =	sdelay $0x3  }
0x571: {  	s16 =	sor.u32 $0xE0, s4  }
0x572: {  	[tilespmem:s16+$0x0] =	vst.add.f32.msk $0xffff, v9  }
0x573: {  	v9 =	vld [tilespmem:s2+$0x470];
	_ =	sdelay $0x3  }
0x574: {  	s17 =	sor.u32 $0xF0, s4  }
0x575: {  	[tilespmem:s17+$0x0] =	vst.add.f32.msk $0xffff, v9  }
.LBB2_33:
0x576: {  	s2 =	sadd.s32 $0x8000000F, s5  }
0x577: {  	s4 =	sxor.u32 $0x80000000, s5;
	s16 =	sand.u32 $0xF, s2  }
0x578: {  	s17 =	sshra.s32 s2, $0x1F;
	p1 =	slt.s32 s2, $0x1;
	p2 =	sne.s32 s16, $0x0  }
0x579: {  	v9 =	vadd.s32 s4, v1;
	s4 =	sshrl.u32 s17, $0x1C;
	p1 =	por !p1, !p2  }
0x57a: {  	s2 =	sadd.s32 s4, s2;
	s4 =	simm.s32 $0x1;
	p1 =	por !p1, !p1  }
0x57b: {  	s2 =	sshra.s32 s2, $0x4;
	s4 =	simm.s32 @!p1 $0x0  }
0x57c: {  	s4 =	ssub.s32 s2, s4  }
0x57d: {  	p1 =	slt.s32 s4, $0x1  }
.Ltmp27:
0x57e: {  	_ = 	snop;
	(pc) =	sbr.rel @p1 .LBB2_37-.Ltmp27, $3  }
0x57f: {  	v10 =	vmul.u32 $0x8, v1;
	_ =	sdelay $0x1  }
0x580: {  	[tilespmem:v9+s18+$0x0] =	vst.idx.msk $0xffff, v10  }
0x581: {  	s5 =	simm.s32 $0x0;
	s16 =	simm.s32 $0x0;
	[tilespmem:v9+s19+$0x0] =	vst.idx.msk $0xffff, v8  }
.LBB2_34:
0x582: {  	s2 =	sshll.u32 s16, $0x4  }
0x583: {  	v9 =	vld [tilespmem:s2+$0x16200];
	_ =	sdelay $0x4  }
0x584: {  	v10 =	vshll.u32 v9, $0x1  }
0x585: {  	v9 =	vand.u32 $0x7, v9;
	v10 =	vand.u32 $0xFFFFFFF0, v10  }
0x586: {  	v9 =	vor.u32 v9, v10  }
0x587: {  	v10 =	vperm.xlane v9, v5;
	_ =	sdelay $0x1  }
0x588: {  	v9 =	vperm.xlane v9, v7;
	v10 =	vadd.s32 v6, v10;
	_ =	sdelay $0x1  }
0x589: {  	v9 =	vadd.s32 v6, v9;
	_ =	sdelay $0x2  }
0x58a: {  	[tilespmem:s31], [sflag:$0x1] =	stream.indirect_vreg.gather [hbm4b:s1+s5], $0x80, v10, vm0, $0xb8;
	[tilespmem:$0x1E480] =	vst v63  }
0x58b: {  	s6 =	simm.s32 $0x1  }
0x58c: {  	[tilespmem:s0], [sflag:$0x1] =	stream.indirect_vreg.gather [hbm4b:s1+s5], $0x80, v9, vm0, $0xb8;
	[tilespmem:$0x1E480] =	vst v63  }
0x58d: {  	_ =	swait.ge [sflag:s6], $0x1000  }
0x58e: {  	[sflag:s6] =	ssyncset.done $0x0  }
0x58f: {  	s2 =	sadd.s32 $0x16300, s2;
	[sflag:s6] =	ssyncadd.s32 $0xFFFFF000  }
0x590: {  	[spmem:s7] =	stream.linear.scatter [tilespmem:s2], [sflag:$0x6], $0x10, $0x38;
	[tilespmem:$0x1E480] =	vst v63  }
0x591: {  	_ =	swait.ge [sflag:s12], $0x10  }
0x592: {  	[sflag:s12] =	ssyncset.done $0x0  }
0x593: {  	[sflag:s12] =	ssyncadd.s32 $0xFFFFFFF0  }
0x594: {  	[smem:s5], [sflag:$0x6] =	stream.linear.gather [spmem:s7], $0x10, $0x38;
	[tilespmem:$0x1E480] =	vst v63  }
0x595: {  	_ =	swait.ge [sflag:s12], $0x10  }
0x596: {  	s13 =	sand.u32 $0x800, s5;
	s14 =	sand.u32 $0x380, s5;
	[sflag:s12] =	ssyncset.done $0x0  }
0x597: {  	s2 =	sor.u32 s14, s13;
	[sflag:s12] =	ssyncadd.s32 $0xFFFFFFF0  }
0x598: {  	s15 =	sld [smem:$0x0];
	v9 =	vld [tilespmem:s2+$0x16400];
	_ =	sdelay $0x2  }
0x599: {  	s6 =	sshll.u32 s15, $0xA  }
0x59a: {  	s9 =	sshra.s32 s6, $0x2  }
0x59b: {  	[tilespmem:s9+$0x0] =	vst.add.f32.msk $0xffff, v9  }
0x59c: {  	v9 =	vld [tilespmem:s2+$0x16410];
	_ =	sdelay $0x3  }
0x59d: {  	s6 =	sor.u32 $0x10, s9  }
0x59e: {  	[tilespmem:s6+$0x0] =	vst.add.f32.msk $0xffff, v9  }
0x59f: {  	v9 =	vld [tilespmem:s2+$0x16420];
	_ =	sdelay $0x3  }
0x5a0: {  	s17 =	sor.u32 $0x20, s9  }
0x5a1: {  	[tilespmem:s17+$0x0] =	vst.add.f32.msk $0xffff, v9  }
0x5a2: {  	v9 =	vld [tilespmem:s2+$0x16430];
	_ =	sdelay $0x3  }
0x5a3: {  	s13 =	sor.u32 $0x30, s9  }
0x5a4: {  	[tilespmem:s13+$0x0] =	vst.add.f32.msk $0xffff, v9  }
0x5a5: {  	v9 =	vld [tilespmem:s2+$0x16440];
	_ =	sdelay $0x3  }
0x5a6: {  	s14 =	sor.u32 $0x40, s9  }
0x5a7: {  	[tilespmem:s14+$0x0] =	vst.add.f32.msk $0xffff, v9  }
0x5a8: {  	v9 =	vld [tilespmem:s2+$0x16450];
	_ =	sdelay $0x3  }
0x5a9: {  	s15 =	sor.u32 $0x50, s9  }
0x5aa: {  	[tilespmem:s15+$0x0] =	vst.add.f32.msk $0xffff, v9  }
0x5ab: {  	v9 =	vld [tilespmem:s2+$0x16460];
	_ =	sdelay $0x3  }
0x5ac: {  	s17 =	sor.u32 $0x60, s9  }
0x5ad: {  	[tilespmem:s17+$0x0] =	vst.add.f32.msk $0xffff, v9  }
0x5ae: {  	v9 =	vld [tilespmem:s2+$0x16470];
	_ =	sdelay $0x3  }
0x5af: {  	s13 =	sor.u32 $0x70, s9  }
0x5b0: {  	[tilespmem:s13+$0x0] =	vst.add.f32.msk $0xffff, v9  }
0x5b1: {  	v9 =	vld [tilespmem:s2+$0x16800];
	_ =	sdelay $0x3  }
0x5b2: {  	s14 =	sor.u32 $0x80, s9  }
0x5b3: {  	[tilespmem:s14+$0x0] =	vst.add.f32.msk $0xffff, v9  }
0x5b4: {  	v9 =	vld [tilespmem:s2+$0x16810];
	_ =	sdelay $0x3  }
0x5b5: {  	s15 =	sor.u32 $0x90, s9  }
0x5b6: {  	[tilespmem:s15+$0x0] =	vst.add.f32.msk $0xffff, v9  }
0x5b7: {  	v9 =	vld [tilespmem:s2+$0x16820];
	_ =	sdelay $0x3  }
0x5b8: {  	s17 =	sor.u32 $0xA0, s9  }
0x5b9: {  	[tilespmem:s17+$0x0] =	vst.add.f32.msk $0xffff, v9  }
0x5ba: {  	v9 =	vld [tilespmem:s2+$0x16830];
	_ =	sdelay $0x3  }
0x5bb: {  	s13 =	sor.u32 $0xB0, s9  }
0x5bc: {  	[tilespmem:s13+$0x0] =	vst.add.f32.msk $0xffff, v9  }
0x5bd: {  	v9 =	vld [tilespmem:s2+$0x16840];
	_ =	sdelay $0x3  }
0x5be: {  	s14 =	sor.u32 $0xC0, s9  }
0x5bf: {  	[tilespmem:s14+$0x0] =	vst.add.f32.msk $0xffff, v9  }
0x5c0: {  	v9 =	vld [tilespmem:s2+$0x16850];
	_ =	sdelay $0x3  }
0x5c1: {  	s15 =	sor.u32 $0xD0, s9  }
0x5c2: {  	[tilespmem:s15+$0x0] =	vst.add.f32.msk $0xffff, v9  }
0x5c3: {  	v9 =	vld [tilespmem:s2+$0x16860];
	_ =	sdelay $0x3  }
0x5c4: {  	s13 =	sor.u32 $0xE0, s9  }
0x5c5: {  	[tilespmem:s13+$0x0] =	vst.add.f32.msk $0xffff, v9  }
0x5c6: {  	v9 =	vld [tilespmem:s2+$0x16870];
	_ =	sdelay $0x1  }
0x5c7: {  	s17 =	simm.s32 $0x100  }
0x5c8: {  	s6 =	sand.u32 $0x800, s17;
	s9 =	sor.u32 $0xF0, s9;
	s15 =	simm.s32 $0x80  }
0x5c9: {  	s17 =	sand.u32 $0x380, s15;
	s13 =	simm.s32 $0x200;
	s2 =	simm.s32 $0x0  }
.LBB2_35:
0x5ca: {  	p1 =	sne.s32 s13, $0xF00;
	s17 =	sor.u32 s17, s6;
	[tilespmem:s9+$0x0] =	vst.add.f32.msk $0xffff, v9;
	s2 =	sadd.s32 $0x1, s2  }
0x5cb: {  	s6 =	sld [smem:s2+$0x0];
	v9 =	vld [tilespmem:s17+$0x16400];
	_ =	sdelay $0x2  }
0x5cc: {  	s6 =	sshll.u32 s6, $0xA  }
0x5cd: {  	s14 =	sshra.s32 s6, $0x2  }
0x5ce: {  	[tilespmem:s14+$0x0] =	vst.add.f32.msk $0xffff, v9  }
0x5cf: {  	v9 =	vld [tilespmem:s17+$0x16410];
	_ =	sdelay $0x3  }
0x5d0: {  	s6 =	sor.u32 $0x10, s14  }
0x5d1: {  	[tilespmem:s6+$0x0] =	vst.add.f32.msk $0xffff, v9  }
0x5d2: {  	v9 =	vld [tilespmem:s17+$0x16420];
	_ =	sdelay $0x3  }
0x5d3: {  	s6 =	sor.u32 $0x20, s14  }
0x5d4: {  	[tilespmem:s6+$0x0] =	vst.add.f32.msk $0xffff, v9  }
0x5d5: {  	v9 =	vld [tilespmem:s17+$0x16430];
	_ =	sdelay $0x3  }
0x5d6: {  	s6 =	sor.u32 $0x30, s14  }
0x5d7: {  	[tilespmem:s6+$0x0] =	vst.add.f32.msk $0xffff, v9  }
0x5d8: {  	v9 =	vld [tilespmem:s17+$0x16440];
	_ =	sdelay $0x3  }
0x5d9: {  	s6 =	sor.u32 $0x40, s14  }
0x5da: {  	[tilespmem:s6+$0x0] =	vst.add.f32.msk $0xffff, v9  }
0x5db: {  	v9 =	vld [tilespmem:s17+$0x16450];
	_ =	sdelay $0x3  }
0x5dc: {  	s6 =	sor.u32 $0x50, s14  }
0x5dd: {  	[tilespmem:s6+$0x0] =	vst.add.f32.msk $0xffff, v9  }
0x5de: {  	v9 =	vld [tilespmem:s17+$0x16460];
	_ =	sdelay $0x3  }
0x5df: {  	s6 =	sor.u32 $0x60, s14  }
0x5e0: {  	[tilespmem:s6+$0x0] =	vst.add.f32.msk $0xffff, v9  }
0x5e1: {  	v9 =	vld [tilespmem:s17+$0x16470];
	_ =	sdelay $0x3  }
0x5e2: {  	s6 =	sor.u32 $0x70, s14  }
0x5e3: {  	[tilespmem:s6+$0x0] =	vst.add.f32.msk $0xffff, v9  }
0x5e4: {  	v9 =	vld [tilespmem:s17+$0x16800];
	_ =	sdelay $0x3  }
0x5e5: {  	s6 =	sor.u32 $0x80, s14  }
0x5e6: {  	[tilespmem:s6+$0x0] =	vst.add.f32.msk $0xffff, v9  }
0x5e7: {  	v9 =	vld [tilespmem:s17+$0x16810];
	_ =	sdelay $0x3  }
0x5e8: {  	s6 =	sor.u32 $0x90, s14  }
0x5e9: {  	[tilespmem:s6+$0x0] =	vst.add.f32.msk $0xffff, v9  }
0x5ea: {  	v9 =	vld [tilespmem:s17+$0x16820];
	_ =	sdelay $0x3  }
0x5eb: {  	s6 =	sor.u32 $0xA0, s14  }
0x5ec: {  	[tilespmem:s6+$0x0] =	vst.add.f32.msk $0xffff, v9  }
0x5ed: {  	v9 =	vld [tilespmem:s17+$0x16830];
	_ =	sdelay $0x3  }
0x5ee: {  	s6 =	sor.u32 $0xB0, s14  }
0x5ef: {  	[tilespmem:s6+$0x0] =	vst.add.f32.msk $0xffff, v9  }
0x5f0: {  	v9 =	vld [tilespmem:s17+$0x16840];
	_ =	sdelay $0x3  }
0x5f1: {  	s6 =	sor.u32 $0xC0, s14  }
0x5f2: {  	[tilespmem:s6+$0x0] =	vst.add.f32.msk $0xffff, v9  }
0x5f3: {  	v9 =	vld [tilespmem:s17+$0x16850];
	_ =	sdelay $0x3  }
0x5f4: {  	s6 =	sor.u32 $0xD0, s14  }
0x5f5: {  	[tilespmem:s6+$0x0] =	vst.add.f32.msk $0xffff, v9  }
0x5f6: {  	v9 =	vld [tilespmem:s17+$0x16860];
	_ =	sdelay $0x3  }
0x5f7: {  	s6 =	sor.u32 $0xE0, s14  }
0x5f8: {  	[tilespmem:s6+$0x0] =	vst.add.f32.msk $0xffff, v9  }
.Ltmp28:
0x5f9: {  	v9 =	vld [tilespmem:s17+$0x16870];
	(pc) =	sbr.rel @p1 .LBB2_35-.Ltmp28, $3  }
0x5fa: {  	_ =	sdelay $0x1  }
0x5fb: {  	s15 =	sadd.s32 $0x80, s15;
	s6 =	sand.u32 $0x800, s13  }
0x5fc: {  	s9 =	sor.u32 $0xF0, s14;
	s13 =	sadd.s32 $0x100, s13;
	s17 =	sand.u32 $0x380, s15  }
0x5fd: {  	s6 =	sor.u32 s17, s6;
	[tilespmem:s9+$0x0] =	vst.add.f32.msk $0xffff, v9;
	s2 =	sadd.s32 $0x1, s2  }
0x5fe: {  	s2 =	sld [smem:s2+$0x0];
	v9 =	vld [tilespmem:s6+$0x16400];
	_ =	sdelay $0x2  }
0x5ff: {  	s2 =	sshll.u32 s2, $0xA  }
0x600: {  	s2 =	sshra.s32 s2, $0x2  }
0x601: {  	[tilespmem:s2+$0x0] =	vst.add.f32.msk $0xffff, v9  }
0x602: {  	v9 =	vld [tilespmem:s6+$0x16410];
	_ =	sdelay $0x3  }
0x603: {  	s15 =	sor.u32 $0x10, s2  }
0x604: {  	[tilespmem:s15+$0x0] =	vst.add.f32.msk $0xffff, v9  }
0x605: {  	v9 =	vld [tilespmem:s6+$0x16420];
	_ =	sdelay $0x3  }
0x606: {  	s17 =	sor.u32 $0x20, s2  }
0x607: {  	[tilespmem:s17+$0x0] =	vst.add.f32.msk $0xffff, v9  }
0x608: {  	v9 =	vld [tilespmem:s6+$0x16430];
	_ =	sdelay $0x3  }
0x609: {  	s13 =	sor.u32 $0x30, s2  }
0x60a: {  	[tilespmem:s13+$0x0] =	vst.add.f32.msk $0xffff, v9  }
0x60b: {  	v9 =	vld [tilespmem:s6+$0x16440];
	_ =	sdelay $0x3  }
0x60c: {  	s14 =	sor.u32 $0x40, s2  }
0x60d: {  	[tilespmem:s14+$0x0] =	vst.add.f32.msk $0xffff, v9  }
0x60e: {  	v9 =	vld [tilespmem:s6+$0x16450];
	_ =	sdelay $0x3  }
0x60f: {  	s15 =	sor.u32 $0x50, s2  }
0x610: {  	[tilespmem:s15+$0x0] =	vst.add.f32.msk $0xffff, v9  }
0x611: {  	v9 =	vld [tilespmem:s6+$0x16460];
	_ =	sdelay $0x3  }
0x612: {  	s17 =	sor.u32 $0x60, s2  }
0x613: {  	[tilespmem:s17+$0x0] =	vst.add.f32.msk $0xffff, v9  }
0x614: {  	v9 =	vld [tilespmem:s6+$0x16470];
	_ =	sdelay $0x3  }
0x615: {  	s13 =	sor.u32 $0x70, s2  }
0x616: {  	[tilespmem:s13+$0x0] =	vst.add.f32.msk $0xffff, v9  }
0x617: {  	v9 =	vld [tilespmem:s6+$0x16800];
	_ =	sdelay $0x3  }
0x618: {  	s14 =	sor.u32 $0x80, s2  }
0x619: {  	[tilespmem:s14+$0x0] =	vst.add.f32.msk $0xffff, v9  }
0x61a: {  	v9 =	vld [tilespmem:s6+$0x16810];
	_ =	sdelay $0x3  }
0x61b: {  	s15 =	sor.u32 $0x90, s2  }
0x61c: {  	[tilespmem:s15+$0x0] =	vst.add.f32.msk $0xffff, v9  }
0x61d: {  	v9 =	vld [tilespmem:s6+$0x16820];
	_ =	sdelay $0x3  }
0x61e: {  	s17 =	sor.u32 $0xA0, s2  }
0x61f: {  	[tilespmem:s17+$0x0] =	vst.add.f32.msk $0xffff, v9  }
0x620: {  	v9 =	vld [tilespmem:s6+$0x16830];
	_ =	sdelay $0x3  }
0x621: {  	s13 =	sor.u32 $0xB0, s2  }
0x622: {  	[tilespmem:s13+$0x0] =	vst.add.f32.msk $0xffff, v9  }
0x623: {  	v9 =	vld [tilespmem:s6+$0x16840];
	_ =	sdelay $0x3  }
0x624: {  	s14 =	sor.u32 $0xC0, s2  }
0x625: {  	[tilespmem:s14+$0x0] =	vst.add.f32.msk $0xffff, v9  }
0x626: {  	v9 =	vld [tilespmem:s6+$0x16850];
	_ =	sdelay $0x3  }
0x627: {  	s15 =	sor.u32 $0xD0, s2  }
0x628: {  	[tilespmem:s15+$0x0] =	vst.add.f32.msk $0xffff, v9  }
0x629: {  	v9 =	vld [tilespmem:s6+$0x16860];
	_ =	sdelay $0x3  }
0x62a: {  	s17 =	sor.u32 $0xE0, s2  }
0x62b: {  	s16 =	sadd.s32 $0x1, s16;
	[tilespmem:s17+$0x0] =	vst.add.f32.msk $0xffff, v9  }
0x62c: {  	p1 =	sne.s32 s16, s4;
	v9 =	vld [tilespmem:s6+$0x16870]  }
.Ltmp29:
0x62d: {  	_ = 	snop;
	(pc) =	sbr.rel @p1 .LBB2_34-.Ltmp29, $4  }
.Ltmp30:
0x62e: {  	_ = 	snop;
	(pc) =	sbr.rel @!p1 .LBB2_37-.Ltmp30, $4  }
0x62f: {  	_ = 	snop  }
0x630: {  	s2 =	sor.u32 $0xF0, s2  }
0x631: {  	[tilespmem:s2+$0x0] =	vst.add.f32.msk $0xffff, v9  }
0x632: {  	_ = 	snop  }
.LBB2_38:
0x633: {  	_ =	sfence.sel $0x180000  }
0x634: {  	[bflag:$0x0] =	sbarrier.arrive $0xFFFF  }
0x635: {  	_ =	strace $0x90000047  }
0x636: {  	s0 =	stileid.u32;
	[bflag:$0x2] =	sbarrier.arrive $0xFFFF  }
0x637: {  	p0 =	sne.s32 s0, $0x0;
	s0 =	rddreg [dreg:$0x3]  }
0x638: {  	s0 =	sadd.s32 @!p0 $0x100000, s0  }
0x639: {  	[sflag:s0] =	ssyncadd.tile.s32 @!p0 $0x1;
	_ =	shalt  }
.Lfunc_end2:
_tile_overlayer_lowered:
.L_overlay_start_2:
0x63a: {  	(tag) =	ssettag $0x2  }
0x63b: {  	s0 =	rddreg [dreg:$0x0];
	s2 =	stileid.u32  }
0x63c: {  	s1 =	rddreg [dreg:$0x1];
	p0 =	sne.s32 s2, $0x0  }
0x63d: {  	s3 =	rddreg [dreg:$0x2];
	[bflag:$0x3] =	sbarrier.arrive $0xFFFF;
	s2 =	simm.s32 @!p0 $0x1C06  }
0x63e: {  	[timem:s3], [sflag:s2] =	dma.local @!p0 [hbm:s0], s1  }
0x63f: {  	s0 =	simm.s32 @!p0 $0x6  }
0x640: {  	_ =	swait.ge @!p0 [sflag:s0], s1  }
0x641: {  	s1 =	ssub.s32 @!p0 $0x0, s1;
	[sflag:s0] =	ssyncset.done @!p0 $0x0  }
0x642: {  	[sflag:s0] =	ssyncadd.s32 @!p0 s1  }
0x643: {  	[bflag:$0x3] =	sbarrier.arrive $0xFFFF  }
0x644: {  	_ =	shalt  }

</sc_bundles>
